<compile_context>
chip_gen: v7x
topology: tpu7x:2x2x1
jax: 0.10.2.dev20260603
libtpu: 0.0.44.dev20260713+nightly
codegen_flags: <defaults>
</compile_context>

<pallas_src>
import functools

import jax
import jax.numpy as jnp
from jax import lax
from jax.experimental import pallas as pl
from jax.experimental.pallas import tpu as pltpu
from jax.experimental.pallas import tpu_sc as plsc

N = 10000
E = 320000
D = 128
R = 16
U = 1000
G = 512

N_PAD = 10240
NSC = 2
NTS = 16
NW = NSC * NTS
E_PAD = 327680
EPW = E_PAD // NW
KCH = 128
NCH = EPW // KCH
ROWS_PW = N_PAD // NW
ROWS_PT = N_PAD // NTS
BN = 512
G_PAD = 640

_mesh = plsc.VectorSubcoreMesh(core_axis_name="c", subcore_axis_name="s")


def _zero_vmem_rows(ref, nrows, ncols):
    zv = jnp.zeros((16,), jnp.float32)

    @pl.loop(0, nrows)
    def _(i):
        for j in range(ncols // 16):
            ref[i, pl.ds(j * 16, 16)] = zv


@functools.partial(
    pl.kernel,
    out_type=jax.ShapeDtypeStruct((N_PAD, D), jnp.float32),
    mesh=_mesh,
    scratch_types=[
        pltpu.VMEM((4, ROWS_PW // 4), jnp.int32),
        pltpu.VMEM((ROWS_PW // 4, D), jnp.float32),
        pltpu.SemaphoreType.DMA,
    ],
)
def _embed_kernel(tab_hbm, ut_hbm, h0_hbm, idx_v, rows_v, sem):
    c = lax.axis_index("c")
    s = lax.axis_index("s")
    w = s * NSC + c
    pltpu.sync_copy(ut_hbm.at[w], idx_v)
    qn = ROWS_PW // 4

    @pl.loop(0, 4)
    def _(q):
        pltpu.async_copy(tab_hbm.at[idx_v.at[q]], rows_v, sem).wait()
        pltpu.sync_copy(rows_v, h0_hbm.at[pl.ds(w * ROWS_PW + q * qn, qn)])


IBLK = 8
NBLK = NCH // IBLK


@functools.partial(
    pl.kernel,
    out_type=jax.ShapeDtypeStruct((NSC, N_PAD, D), jnp.float32),
    mesh=_mesh,
    scratch_types=[
        pltpu.VMEM((2, IBLK, KCH), jnp.int32),
        pltpu.VMEM((2, IBLK, KCH), jnp.int32),
        pltpu.VMEM((2 * KCH, D), jnp.float32),
        pltpu.VMEM_SHARED((N_PAD, D), jnp.float32),
        pltpu.SemaphoreType.DMA,
        pltpu.SemaphoreType.DMA,
        pltpu.SemaphoreType.DMA,
        pltpu.SemaphoreType.DMA,
    ],
)
def _edge_kernel(hx_hbm, cidx_hbm, dst_hbm, out_hbm,
                 cidx_v, dst_v, rows_v, agg_sh, sem0, sem1, semi0, semi1):
    c = lax.axis_index("c")
    s = lax.axis_index("s")
    w = s * NSC + c

    _zero_vmem_rows(rows_v, 2 * KCH, D)
    for q in range(2):
        pltpu.sync_copy(rows_v, agg_sh.at[pl.ds(s * ROWS_PT + q * 256, 256)])
    pltpu.sync_copy(rows_v.at[pl.ds(0, 128)],
                    agg_sh.at[pl.ds(s * ROWS_PT + 512, 128)])

    pltpu.sync_copy(cidx_hbm.at[w, 0], cidx_v.at[0])
    pltpu.sync_copy(dst_hbm.at[w, 0], dst_v.at[0])
    plsc.subcore_barrier()

    def _block(sl):
        @pl.loop(0, IBLK, step=2)
        def _(j):
            d0 = pltpu.async_copy(hx_hbm.at[cidx_v.at[sl, j]],
                                  rows_v.at[pl.ds(0, KCH)], sem0)
            d1 = pltpu.async_copy(hx_hbm.at[cidx_v.at[sl, j + 1]],
                                  rows_v.at[pl.ds(KCH, KCH)], sem1)
            d0.wait()
            pltpu.sync_copy(rows_v.at[pl.ds(0, KCH)],
                            agg_sh.at[dst_v.at[sl, j]], add=True)
            d1.wait()
            pltpu.sync_copy(rows_v.at[pl.ds(KCH, KCH)],
                            agg_sh.at[dst_v.at[sl, j + 1]], add=True)

    @pl.loop(0, NBLK - 1)
    def _(bi):
        sl = lax.rem(bi, 2)
        nsl = 1 - sl
        di0 = pltpu.async_copy(cidx_hbm.at[w, bi + 1], cidx_v.at[nsl], semi0)
        di1 = pltpu.async_copy(dst_hbm.at[w, bi + 1], dst_v.at[nsl], semi1)
        _block(sl)
        di0.wait()
        di1.wait()

    _block((NBLK - 1) % 2)

    plsc.subcore_barrier()
    for q in range(4):
        off = s * ROWS_PT + q * (ROWS_PT // 4)
        pltpu.sync_copy(agg_sh.at[pl.ds(off, ROWS_PT // 4)],
                        out_hbm.at[c, pl.ds(off, ROWS_PT // 4)])


@functools.partial(
    pl.kernel,
    out_type=jax.ShapeDtypeStruct((G, D), jnp.float32),
    mesh=_mesh,
    scratch_types=[
        pltpu.VMEM((5, KCH), jnp.int32),
        pltpu.VMEM((KCH, D), jnp.float32),
        pltpu.VMEM((G_PAD // NTS, D), jnp.float32),
        pltpu.VMEM_SHARED((G_PAD, D), jnp.float32),
        pltpu.SemaphoreType.DMA,
    ],
)
def _readout_kernel(h3_hbm, n2g_hbm, out_hbm, idx_v, rows_v, zero_v, gtab_sh, sem):
    c = lax.axis_index("c")
    s = lax.axis_index("s")
    zrows = G_PAD // NTS

    @pl.when(c == 0)
    def _():
        _zero_vmem_rows(zero_v, zrows, D)
        pltpu.sync_copy(zero_v, gtab_sh.at[pl.ds(s * zrows, zrows)])
        pltpu.sync_copy(n2g_hbm.at[s], idx_v)
        plsc.subcore_barrier()

        @pl.loop(0, 5)
        def _(q):
            pltpu.async_copy(
                h3_hbm.at[pl.ds(s * ROWS_PT + q * KCH, KCH)], rows_v, sem
            ).wait()
            pltpu.sync_copy(rows_v, gtab_sh.at[idx_v.at[q]], add=True)

        plsc.subcore_barrier()
        gpt = G // NTS
        pltpu.sync_copy(gtab_sh.at[pl.ds(s * gpt, gpt)],
                        out_hbm.at[pl.ds(s * gpt, gpt)])


def _expand_body(h_ref, rel_ref, out_ref):
    out_ref[...] = rel_ref[...][:, None, :] * h_ref[...][None, :, :]


def _expand(h, rel):
    return pl.pallas_call(
        _expand_body,
        grid=(N_PAD // BN,),
        in_specs=[
            pl.BlockSpec((BN, D), lambda i: (i, 0)),
            pl.BlockSpec((R, D), lambda i: (0, 0)),
        ],
        out_specs=pl.BlockSpec((R, BN, D), lambda i: (0, i, 0)),
        out_shape=jax.ShapeDtypeStruct((R, N_PAD, D), jnp.float32),
    )(h, rel)


def _combine_body(has_next, *refs):
    if has_next:
        parts_ref, degs_ref, h_ref, loop_ref, W_ref, b_ref, rel_ref, ho_ref, hx_ref = refs
    else:
        parts_ref, degs_ref, h_ref, loop_ref, W_ref, b_ref, ho_ref = refs
    deg = degs_ref[...] + 1.0
    agg = parts_ref[0] + parts_ref[1] + h_ref[...] * loop_ref[...]
    upd = agg / deg
    out = jnp.dot(upd, W_ref[...], preferred_element_type=jnp.float32)
    out = jnp.maximum(out + b_ref[...], 0.0)
    ho_ref[...] = out
    if has_next:
        hx_ref[...] = rel_ref[...][:, None, :] * out[None, :, :]


def _combine(parts, degs, h, loop_emb, W, b, rel_next):
    has_next = rel_next is not None
    in_specs = [
        pl.BlockSpec((NSC, BN, D), lambda i: (0, i, 0)),
        pl.BlockSpec((BN, D), lambda i: (i, 0)),
        pl.BlockSpec((BN, D), lambda i: (i, 0)),
        pl.BlockSpec((1, D), lambda i: (0, 0)),
        pl.BlockSpec((D, D), lambda i: (0, 0)),
        pl.BlockSpec((1, D), lambda i: (0, 0)),
    ]
    out_specs = [pl.BlockSpec((BN, D), lambda i: (i, 0))]
    out_shape = [jax.ShapeDtypeStruct((N_PAD, D), jnp.float32)]
    args = [parts, degs, h, loop_emb, W, b.reshape(1, D)]
    if has_next:
        in_specs.append(pl.BlockSpec((R, D), lambda i: (0, 0)))
        out_specs.append(pl.BlockSpec((R, BN, D), lambda i: (0, i, 0)))
        out_shape.append(jax.ShapeDtypeStruct((R, N_PAD, D), jnp.float32))
        args.append(rel_next)
    res = pl.pallas_call(
        functools.partial(_combine_body, has_next),
        grid=(N_PAD // BN,),
        in_specs=in_specs,
        out_specs=out_specs,
        out_shape=out_shape,
    )(*args)
    return res if has_next else (res[0], None)


def kernel(unit_type, edge_index, edge_relation, node2graph, input, embed_table,
           rel_emb_0, loop_emb_0, W_0, b_0,
           rel_emb_1, loop_emb_1, W_1, b_1,
           rel_emb_2, loop_emb_2, W_2, b_2):
    src = edge_index[0].astype(jnp.int32)
    dst = edge_index[1].astype(jnp.int32)
    rel = edge_relation.astype(jnp.int32)
    ut_pad = jnp.pad(unit_type.astype(jnp.int32), (0, N_PAD - N))
    epad = E_PAD - E
    cidx = jnp.pad(rel * N_PAD + src, (0, epad))
    dst_pad = jnp.concatenate(
        [dst, N + jnp.arange(epad, dtype=jnp.int32) % (N_PAD - N)])
    cidx_r = cidx.reshape(NW, NBLK, IBLK, KCH)
    dst_r = dst_pad.reshape(NW, NBLK, IBLK, KCH)
    dst_deg = dst_pad.reshape(NW, NCH, KCH)
    n2g_r = jnp.pad(node2graph.astype(jnp.int32), (0, N_PAD - N),
                    constant_values=G).reshape(NTS, 5, KCH)

    h0 = _embed_kernel(embed_table, ut_pad.reshape(NW, 4, ROWS_PW // 4))
    degs = jnp.broadcast_to(
        jnp.zeros((N_PAD,), jnp.float32).at[dst].add(1.0)[:, None], (N_PAD, D))

    hx = _expand(h0, rel_emb_0)
    parts = _edge_kernel(hx.reshape(R * N_PAD, D), cidx_r, dst_r)
    h1, hx1 = _combine(parts, degs, h0, loop_emb_0, W_0, b_0, rel_emb_1)

    parts = _edge_kernel(hx1.reshape(R * N_PAD, D), cidx_r, dst_r)
    h2, hx2 = _combine(parts, degs, h1, loop_emb_1, W_1, b_1, rel_emb_2)

    parts = _edge_kernel(hx2.reshape(R * N_PAD, D), cidx_r, dst_r)
    h3, _ = _combine(parts, degs, h2, loop_emb_2, W_2, b_2, None)

    graph_feature = _readout_kernel(h3, n2g_r)
    node_feature = h3[:N]
    return graph_feature, node_feature

# --- scband reference (transcript-rebuilt; emitter-appended) ---
"""Pipeline reference for scband-glycan-comp-gcn-50216757625292 (READ-ONLY COPY).

The authoritative reference and input builder live on the scoring server;
editing this copy changes nothing except your own understanding.
"""

import jax, jax.numpy as jnp
import numpy as np

N = 10000
E = 320000
D = 128
R = 16
U = 1000
G = 512


def setup_inputs(seed: int = 0) -> dict:
    key = jax.random.key(seed)
    ks = jax.random.split(key, 20)
    inp = {}
    inp["unit_type"] = jax.random.randint(ks[0], (N,), 0, U, dtype=jnp.int64) if jax.config.jax_enable_x64 else jax.random.randint(ks[0], (N,), 0, U)
    inp["edge_index"] = jax.random.randint(ks[1], (2, E), 0, N)
    inp["edge_relation"] = jax.random.randint(ks[2], (E,), 0, R)
    inp["node2graph"] = jnp.sort(jax.random.randint(ks[3], (N,), 0, G))
    inp["input"] = jax.random.normal(ks[4], (N, D), dtype=jnp.float32)
    # learned parameters
    inp["embed_table"] = jax.random.normal(ks[5], (U, D), dtype=jnp.float32) * 0.02
    for i in range(3):
        inp[f"rel_emb_{i}"] = jax.random.normal(ks[6 + i], (R, D), dtype=jnp.float32) * 0.02
        inp[f"loop_emb_{i}"] = jax.random.normal(ks[9 + i], (1, D), dtype=jnp.float32) * 0.02
        inp[f"W_{i}"] = jax.random.normal(ks[12 + i], (D, D), dtype=jnp.float32) * (1.0 / np.sqrt(D))
        inp[f"b_{i}"] = jnp.zeros((D,), dtype=jnp.float32)
    return inp


def _compgcn_layer(x, src, dst, rel_idx, rel_emb, loop_emb, W, b):
    # composition='multiply': message = h_src * e_rel
    rel = jnp.take(rel_emb, rel_idx, axis=0)
    msg = jnp.take(x, src, axis=0) * rel
    # scatter-add edge messages, plus self-loop composition with loop relation
    agg = jnp.zeros_like(x).at[dst].add(msg) + x * loop_emb[0]
    # degree normalization (mean over incoming edges + self loop)
    deg = jnp.zeros((x.shape[0],), dtype=x.dtype).at[dst].add(1.0) + 1.0
    upd = agg / deg[:, None]
    out = upd @ W + b
    return jax.nn.relu(out)


def reference(unit_type, edge_index, edge_relation, node2graph, input, embed_table,
              rel_emb_0, loop_emb_0, W_0, b_0,
              rel_emb_1, loop_emb_1, W_1, b_1,
              rel_emb_2, loop_emb_2, W_2, b_2):
    # NOTE: original forward ignores `input`; node features come from embedding_init(graph.unit_type)
    src, dst = edge_index[0], edge_index[1]
    h = jnp.take(embed_table, unit_type, axis=0)
    for (re, le, W, b) in ((rel_emb_0, loop_emb_0, W_0, b_0),
                           (rel_emb_1, loop_emb_1, W_1, b_1),
                           (rel_emb_2, loop_emb_2, W_2, b_2)):
        h = _compgcn_layer(h, src, dst, edge_relation, re, le, W, b)
    node_feature = h  # concat_hidden=False -> last hidden
    graph_feature = jax.ops.segment_sum(node_feature, node2graph, num_segments=G)  # SumReadout
    return graph_feature, node_feature

if __name__ == "__main__":
    import jax
    _d = setup_inputs()
    print(jax.jit(kernel)(*tuple(_d.values())))

</pallas_src>

<mosaic_0001>
#map = affine_map<(d0, d1) -> (0, 0)>
#map1 = affine_map<(d0, d1) -> (0, 0, 0, 0)>
#map2 = affine_map<(d0, d1) -> (0, 0, 0)>
module attributes {stable_mosaic.version = 14 : i64} {
  func.func @_edge_kernel(%arg0: i32, %arg1: i32, %arg2: memref<163840x128xf32, #tpu.memory_space<hbm>>, %arg3: memref<32x10x8x128xi32, #tpu.memory_space<hbm>>, %arg4: memref<32x10x8x128xi32, #tpu.memory_space<hbm>>, %arg5: memref<2x10240x128xf32, #tpu.memory_space<hbm>>, %arg6: memref<2x8x128xi32, #tpu.memory_space<vmem>>, %arg7: memref<2x8x128xi32, #tpu.memory_space<vmem>>, %arg8: memref<256x128xf32, #tpu.memory_space<vmem>>, %arg9: memref<10240x128xf32, #tpu.memory_space<vmem_shared>>, %arg10: memref<!tpu.dma_semaphore, #tpu.memory_space<semaphore_mem>>, %arg11: memref<!tpu.dma_semaphore, #tpu.memory_space<semaphore_mem>>, %arg12: memref<!tpu.dma_semaphore, #tpu.memory_space<semaphore_mem>>, %arg13: memref<!tpu.dma_semaphore, #tpu.memory_space<semaphore_mem>>) attributes {dimension_semantics = [#tpu.dimension_semantics<core_parallel>, #tpu.dimension_semantics<subcore_parallel>], iteration_bounds = array<i64: 2, 16>, scalar_prefetch = 0 : i64, scratch_operands = 8 : i64, tpu.core_type = #tpu.core_type<sc_vector_subcore>, window_params = [{transform_indices = #map}, {transform_indices = #map1}, {transform_indices = #map1}, {transform_indices = #map2}]} {
    %mul3A = arith.constant 2 : i32
    %mul3A_0 = arith.muli %arg1, %mul3A : i32
    %add3A = arith.addi %mul3A_0, %arg0 : i32
    %broadcast_in_dim3A = arith.constant 0.000000e+00 : f32
    %broadcast_in_dim3A_1 = vector.broadcast %broadcast_in_dim3A : f32 to vector<16xf32>
    %scan3A = arith.constant 0 : i32
    %scan3A_2 = arith.constant 256 : i32
    %scan3A_3 = arith.addi %scan3A, %scan3A_2 : i32
    %scan3A_4 = arith.constant 1 : i32
    scf.for %scan3A_48 = %scan3A to %scan3A_3 step %scan3A_4  : i32 {
      %mul3A_49 = arith.constant 1 : i32
      %mul3A_50 = arith.muli %scan3A_48, %mul3A_49 : i32
      %add3A_51 = arith.constant 0 : i32
      %add3A_52 = arith.addi %add3A_51, %mul3A_50 : i32
      %swap3A = arith.index_cast %add3A_52 : i32 to index
      %swap3A_53 = arith.constant 0 : index
      %swap3A_54 = tpu.vector_load %arg8[%swap3A, %swap3A_53] {strides = array<i32>} : memref<256x128xf32, #tpu.memory_space<vmem>>, vector<1x16xf32>,
      %swap3A_55 = vector.shape_cast %swap3A_54 : vector<1x16xf32> to vector<16xf32>
      %swap3A_56 = vector.shape_cast %broadcast_in_dim3A_1 : vector<16xf32> to vector<1x16xf32>
      tpu.vector_store %arg8[%swap3A, %swap3A_53], %swap3A_56 {strides = array<i32>} : memref<256x128xf32, #tpu.memory_space<vmem>>, vector<1x16xf32>,
      %swap3A_57 = arith.index_cast %add3A_52 : i32 to index
      %swap3A_58 = arith.constant 16 : index
      %swap3A_59 = tpu.vector_load %arg8[%swap3A_57, %swap3A_58] {strides = array<i32>} : memref<256x128xf32, #tpu.memory_space<vmem>>, vector<1x16xf32>,
      %swap3A_60 = vector.shape_cast %swap3A_59 : vector<1x16xf32> to vector<16xf32>
      %swap3A_61 = vector.shape_cast %broadcast_in_dim3A_1 : vector<16xf32> to vector<1x16xf32>
      tpu.vector_store %arg8[%swap3A_57, %swap3A_58], %swap3A_61 {strides = array<i32>} : memref<256x128xf32, #tpu.memory_space<vmem>>, vector<1x16xf32>,
      %swap3A_62 = arith.index_cast %add3A_52 : i32 to index
      %swap3A_63 = arith.constant 32 : index
      %swap3A_64 = tpu.vector_load %arg8[%swap3A_62, %swap3A_63] {strides = array<i32>} : memref<256x128xf32, #tpu.memory_space<vmem>>, vector<1x16xf32>,
      %swap3A_65 = vector.shape_cast %swap3A_64 : vector<1x16xf32> to vector<16xf32>
      %swap3A_66 = vector.shape_cast %broadcast_in_dim3A_1 : vector<16xf32> to vector<1x16xf32>
      tpu.vector_store %arg8[%swap3A_62, %swap3A_63], %swap3A_66 {strides = array<i32>} : memref<256x128xf32, #tpu.memory_space<vmem>>, vector<1x16xf32>,
      %swap3A_67 = arith.index_cast %add3A_52 : i32 to index
      %swap3A_68 = arith.constant 48 : index
      %swap3A_69 = tpu.vector_load %arg8[%swap3A_67, %swap3A_68] {strides = array<i32>} : memref<256x128xf32, #tpu.memory_space<vmem>>, vector<1x16xf32>,
      %swap3A_70 = vector.shape_cast %swap3A_69 : vector<1x16xf32> to vector<16xf32>
      %swap3A_71 = vector.shape_cast %broadcast_in_dim3A_1 : vector<16xf32> to vector<1x16xf32>
      tpu.vector_store %arg8[%swap3A_67, %swap3A_68], %swap3A_71 {strides = array<i32>} : memref<256x128xf32, #tpu.memory_space<vmem>>, vector<1x16xf32>,
      %swap3A_72 = arith.index_cast %add3A_52 : i32 to index
      %swap3A_73 = arith.constant 64 : index
      %swap3A_74 = tpu.vector_load %arg8[%swap3A_72, %swap3A_73] {strides = array<i32>} : memref<256x128xf32, #tpu.memory_space<vmem>>, vector<1x16xf32>,
      %swap3A_75 = vector.shape_cast %swap3A_74 : vector<1x16xf32> to vector<16xf32>
      %swap3A_76 = vector.shape_cast %broadcast_in_dim3A_1 : vector<16xf32> to vector<1x16xf32>
      tpu.vector_store %arg8[%swap3A_72, %swap3A_73], %swap3A_76 {strides = array<i32>} : memref<256x128xf32, #tpu.memory_space<vmem>>, vector<1x16xf32>,
      %swap3A_77 = arith.index_cast %add3A_52 : i32 to index
      %swap3A_78 = arith.constant 80 : index
      %swap3A_79 = tpu.vector_load %arg8[%swap3A_77, %swap3A_78] {strides = array<i32>} : memref<256x128xf32, #tpu.memory_space<vmem>>, vector<1x16xf32>,
      %swap3A_80 = vector.shape_cast %swap3A_79 : vector<1x16xf32> to vector<16xf32>
      %swap3A_81 = vector.shape_cast %broadcast_in_dim3A_1 : vector<16xf32> to vector<1x16xf32>
      tpu.vector_store %arg8[%swap3A_77, %swap3A_78], %swap3A_81 {strides = array<i32>} : memref<256x128xf32, #tpu.memory_space<vmem>>, vector<1x16xf32>,
      %swap3A_82 = arith.index_cast %add3A_52 : i32 to index
      %swap3A_83 = arith.constant 96 : index
      %swap3A_84 = tpu.vector_load %arg8[%swap3A_82, %swap3A_83] {strides = array<i32>} : memref<256x128xf32, #tpu.memory_space<vmem>>, vector<1x16xf32>,
      %swap3A_85 = vector.shape_cast %swap3A_84 : vector<1x16xf32> to vector<16xf32>
      %swap3A_86 = vector.shape_cast %broadcast_in_dim3A_1 : vector<16xf32> to vector<1x16xf32>
      tpu.vector_store %arg8[%swap3A_82, %swap3A_83], %swap3A_86 {strides = array<i32>} : memref<256x128xf32, #tpu.memory_space<vmem>>, vector<1x16xf32>,
      %swap3A_87 = arith.index_cast %add3A_52 : i32 to index
      %swap3A_88 = arith.constant 112 : index
      %swap3A_89 = tpu.vector_load %arg8[%swap3A_87, %swap3A_88] {strides = array<i32>} : memref<256x128xf32, #tpu.memory_space<vmem>>, vector<1x16xf32>,
      %swap3A_90 = vector.shape_cast %swap3A_89 : vector<1x16xf32> to vector<16xf32>
      %swap3A_91 = vector.shape_cast %broadcast_in_dim3A_1 : vector<16xf32> to vector<1x16xf32>
      tpu.vector_store %arg8[%swap3A_87, %swap3A_88], %swap3A_91 {strides = array<i32>} : memref<256x128xf32, #tpu.memory_space<vmem>>, vector<1x16xf32>,
    }
    %scan3A_5 = arith.constant 256 : i32
    %mul3A_6 = arith.constant 640 : i32
    %mul3A_7 = arith.muli %arg1, %mul3A_6 : i32
    %add3A_8 = arith.constant 0 : i32
    %add3A_9 = arith.addi %mul3A_7, %add3A_8 : i32
    "tpu.region"() ({
      %run_scoped3A_48 = tpu.sem_alloc : memref<!tpu.dma_semaphore, #tpu.memory_space<semaphore_mem>>
      %dma_start3A = arith.constant 0 : i32
      %dma_start3A_49 = tpu.memref_slice %arg9[%add3A_9, %dma_start3A] : memref<10240x128xf32, #tpu.memory_space<vmem_shared>> -> memref<256x128xf32, #tpu.memory_space<vmem_shared>>
      %dma_start3A_50 = arith.constant 0 : i32
      %dma_start3A_51 = tpu.memref_slice %arg9[%add3A_9, %dma_start3A_50] : memref<10240x128xf32, #tpu.memory_space<vmem_shared>> -> memref<256x128xf32, #tpu.memory_space<vmem_shared>>
      tpu.enqueue_dma source(%arg8 : memref<256x128xf32, #tpu.memory_space<vmem>>) target(%dma_start3A_51 : memref<256x128xf32, #tpu.memory_space<vmem_shared>>) target_semaphore(%run_scoped3A_48 : memref<!tpu.dma_semaphore, #tpu.memory_space<semaphore_mem>>)
      %dma_wait3A = arith.constant 0 : i32
      %dma_wait3A_52 = tpu.memref_slice %arg9[%add3A_9, %dma_wait3A] : memref<10240x128xf32, #tpu.memory_space<vmem_shared>> -> memref<256x128xf32, #tpu.memory_space<vmem_shared>>
      %dma_wait3A_53 = arith.constant 0 : i32
      %dma_wait3A_54 = tpu.memref_slice %arg9[%add3A_9, %dma_wait3A_53] : memref<10240x128xf32, #tpu.memory_space<vmem_shared>> -> memref<256x128xf32, #tpu.memory_space<vmem_shared>>
      tpu.wait_dma2 semaphore(%run_scoped3A_48 : memref<!tpu.dma_semaphore, #tpu.memory_space<semaphore_mem>>) src(%arg8 : memref<256x128xf32, #tpu.memory_space<vmem>>) dst(%dma_wait3A_54 : memref<256x128xf32, #tpu.memory_space<vmem_shared>>)
      tpu.yield
    }) : () -> ()
    %mul3A_10 = arith.constant 640 : i32
    %mul3A_11 = arith.muli %arg1, %mul3A_10 : i32
    %add3A_12 = arith.constant 256 : i32
    %add3A_13 = arith.addi %mul3A_11, %add3A_12 : i32
    "tpu.region"() ({
      %run_scoped3A_48 = tpu.sem_alloc : memref<!tpu.dma_semaphore, #tpu.memory_space<semaphore_mem>>
      %dma_start3A = arith.constant 0 : i32
      %dma_start3A_49 = tpu.memref_slice %arg9[%add3A_13, %dma_start3A] : memref<10240x128xf32, #tpu.memory_space<vmem_shared>> -> memref<256x128xf32, #tpu.memory_space<vmem_shared>>
      %dma_start3A_50 = arith.constant 0 : i32
      %dma_start3A_51 = tpu.memref_slice %arg9[%add3A_13, %dma_start3A_50] : memref<10240x128xf32, #tpu.memory_space<vmem_shared>> -> memref<256x128xf32, #tpu.memory_space<vmem_shared>>
      tpu.enqueue_dma source(%arg8 : memref<256x128xf32, #tpu.memory_space<vmem>>) target(%dma_start3A_51 : memref<256x128xf32, #tpu.memory_space<vmem_shared>>) target_semaphore(%run_scoped3A_48 : memref<!tpu.dma_semaphore, #tpu.memory_space<semaphore_mem>>)
      %dma_wait3A = arith.constant 0 : i32
      %dma_wait3A_52 = tpu.memref_slice %arg9[%add3A_13, %dma_wait3A] : memref<10240x128xf32, #tpu.memory_space<vmem_shared>> -> memref<256x128xf32, #tpu.memory_space<vmem_shared>>
      %dma_wait3A_53 = arith.constant 0 : i32
      %dma_wait3A_54 = tpu.memref_slice %arg9[%add3A_13, %dma_wait3A_53] : memref<10240x128xf32, #tpu.memory_space<vmem_shared>> -> memref<256x128xf32, #tpu.memory_space<vmem_shared>>
      tpu.wait_dma2 semaphore(%run_scoped3A_48 : memref<!tpu.dma_semaphore, #tpu.memory_space<semaphore_mem>>) src(%arg8 : memref<256x128xf32, #tpu.memory_space<vmem>>) dst(%dma_wait3A_54 : memref<256x128xf32, #tpu.memory_space<vmem_shared>>)
      tpu.yield
    }) : () -> ()
    %mul3A_14 = arith.constant 640 : i32
    %mul3A_15 = arith.muli %arg1, %mul3A_14 : i32
    %add3A_16 = arith.constant 512 : i32
    %add3A_17 = arith.addi %mul3A_15, %add3A_16 : i32
    "tpu.region"() ({
      %run_scoped3A_48 = tpu.sem_alloc : memref<!tpu.dma_semaphore, #tpu.memory_space<semaphore_mem>>
      %dma_start3A = arith.constant 0 : i32
      %dma_start3A_49 = arith.constant 0 : i32
      %dma_start3A_50 = tpu.memref_slice %arg8[%dma_start3A, %dma_start3A_49] : memref<256x128xf32, #tpu.memory_space<vmem>> -> memref<128x128xf32, #tpu.memory_space<vmem>>
      %dma_start3A_51 = arith.constant 0 : i32
      %dma_start3A_52 = tpu.memref_slice %arg9[%add3A_17, %dma_start3A_51] : memref<10240x128xf32, #tpu.memory_space<vmem_shared>> -> memref<128x128xf32, #tpu.memory_space<vmem_shared>>
      %dma_start3A_53 = arith.constant 0 : i32
      %dma_start3A_54 = tpu.memref_slice %arg9[%add3A_17, %dma_start3A_53] : memref<10240x128xf32, #tpu.memory_space<vmem_shared>> -> memref<128x128xf32, #tpu.memory_space<vmem_shared>>
      %dma_start3A_55 = arith.constant 0 : i32
      %dma_start3A_56 = arith.constant 0 : i32
      %dma_start3A_57 = tpu.memref_slice %arg8[%dma_start3A_55, %dma_start3A_56] : memref<256x128xf32, #tpu.memory_space<vmem>> -> memref<128x128xf32, #tpu.memory_space<vmem>>
      tpu.enqueue_dma source(%dma_start3A_57 : memref<128x128xf32, #tpu.memory_space<vmem>>) target(%dma_start3A_54 : memref<128x128xf32, #tpu.memory_space<vmem_shared>>) target_semaphore(%run_scoped3A_48 : memref<!tpu.dma_semaphore, #tpu.memory_space<semaphore_mem>>)
      %dma_wait3A = arith.constant 0 : i32
      %dma_wait3A_58 = arith.constant 0 : i32
      %dma_wait3A_59 = tpu.memref_slice %arg8[%dma_wait3A, %dma_wait3A_58] : memref<256x128xf32, #tpu.memory_space<vmem>> -> memref<128x128xf32, #tpu.memory_space<vmem>>
      %dma_wait3A_60 = arith.constant 0 : i32
      %dma_wait3A_61 = tpu.memref_slice %arg9[%add3A_17, %dma_wait3A_60] : memref<10240x128xf32, #tpu.memory_space<vmem_shared>> -> memref<128x128xf32, #tpu.memory_space<vmem_shared>>
      %dma_wait3A_62 = arith.constant 0 : i32
      %dma_wait3A_63 = tpu.memref_slice %arg9[%add3A_17, %dma_wait3A_62] : memref<10240x128xf32, #tpu.memory_space<vmem_shared>> -> memref<128x128xf32, #tpu.memory_space<vmem_shared>>
      %dma_wait3A_64 = arith.constant 0 : i32
      %dma_wait3A_65 = arith.constant 0 : i32
      %dma_wait3A_66 = tpu.memref_slice %arg8[%dma_wait3A_64, %dma_wait3A_65] : memref<256x128xf32, #tpu.memory_space<vmem>> -> memref<128x128xf32, #tpu.memory_space<vmem>>
      tpu.wait_dma2 semaphore(%run_scoped3A_48 : memref<!tpu.dma_semaphore, #tpu.memory_space<semaphore_mem>>) src(%dma_wait3A_66 : memref<128x128xf32, #tpu.memory_space<vmem>>) dst(%dma_wait3A_63 : memref<128x128xf32, #tpu.memory_space<vmem_shared>>)
      tpu.yield
    }) : () -> ()
    %run_scoped3A = arith.constant 0 : i32
    %run_scoped3A_18 = arith.constant 0 : i32
    "tpu.region"() ({
      %run_scoped3A_48 = tpu.sem_alloc : memref<!tpu.dma_semaphore, #tpu.memory_space<semaphore_mem>>
      %dma_start3A = arith.constant 0 : i32
      %dma_start3A_49 = arith.constant 0 : i32
      %dma_start3A_50 = tpu.memref_slice %arg6[%run_scoped3A_18, %dma_start3A, %dma_start3A_49] : memref<2x8x128xi32, #tpu.memory_space<vmem>> -> memref<1x8x128xi32, #tpu.memory_space<vmem>>
      %dma_start3A_51 = tpu.memref_squeeze %dma_start3A_50 : memref<1x8x128xi32, #tpu.memory_space<vmem>> -> memref<8x128xi32, #tpu.memory_space<vmem>>
      %dma_start3A_52 = arith.constant 0 : i32
      %dma_start3A_53 = arith.constant 0 : i32
      %dma_start3A_54 = tpu.memref_slice %arg3[%add3A, %run_scoped3A, %dma_start3A_52, %dma_start3A_53] : memref<32x10x8x128xi32, #tpu.memory_space<hbm>> -> memref<1x1x8x128xi32, #tpu.memory_space<hbm>>
      %dma_start3A_55 = tpu.memref_squeeze %dma_start3A_54 : memref<1x1x8x128xi32, #tpu.memory_space<hbm>> -> memref<8x128xi32, #tpu.memory_space<hbm>>
      %dma_start3A_56 = arith.constant 0 : i32
      %dma_start3A_57 = arith.constant 0 : i32
      %dma_start3A_58 = tpu.memref_slice %arg6[%run_scoped3A_18, %dma_start3A_56, %dma_start3A_57] : memref<2x8x128xi32, #tpu.memory_space<vmem>> -> memref<1x8x128xi32, #tpu.memory_space<vmem>>
      %dma_start3A_59 = tpu.memref_squeeze %dma_start3A_58 : memref<1x8x128xi32, #tpu.memory_space<vmem>> -> memref<8x128xi32, #tpu.memory_space<vmem>>
      %dma_start3A_60 = arith.constant 0 : i32
      %dma_start3A_61 = arith.constant 0 : i32
      %dma_start3A_62 = tpu.memref_slice %arg3[%add3A, %run_scoped3A, %dma_start3A_60, %dma_start3A_61] : memref<32x10x8x128xi32, #tpu.memory_space<hbm>> -> memref<1x1x8x128xi32, #tpu.memory_space<hbm>>
      %dma_start3A_63 = tpu.memref_squeeze %dma_start3A_62 : memref<1x1x8x128xi32, #tpu.memory_space<hbm>> -> memref<8x128xi32, #tpu.memory_space<hbm>>
      tpu.enqueue_dma source(%dma_start3A_63 : memref<8x128xi32, #tpu.memory_space<hbm>>) target(%dma_start3A_59 : memref<8x128xi32, #tpu.memory_space<vmem>>) target_semaphore(%run_scoped3A_48 : memref<!tpu.dma_semaphore, #tpu.memory_space<semaphore_mem>>)
      %dma_wait3A = arith.constant 0 : i32
      %dma_wait3A_64 = arith.constant 0 : i32
      %dma_wait3A_65 = tpu.memref_slice %arg6[%run_scoped3A_18, %dma_wait3A, %dma_wait3A_64] : memref<2x8x128xi32, #tpu.memory_space<vmem>> -> memref<1x8x128xi32, #tpu.memory_space<vmem>>
      %dma_wait3A_66 = tpu.memref_squeeze %dma_wait3A_65 : memref<1x8x128xi32, #tpu.memory_space<vmem>> -> memref<8x128xi32, #tpu.memory_space<vmem>>
      %dma_wait3A_67 = arith.constant 0 : i32
      %dma_wait3A_68 = arith.constant 0 : i32
      %dma_wait3A_69 = tpu.memref_slice %arg3[%add3A, %run_scoped3A, %dma_wait3A_67, %dma_wait3A_68] : memref<32x10x8x128xi32, #tpu.memory_space<hbm>> -> memref<1x1x8x128xi32, #tpu.memory_space<hbm>>
      %dma_wait3A_70 = tpu.memref_squeeze %dma_wait3A_69 : memref<1x1x8x128xi32, #tpu.memory_space<hbm>> -> memref<8x128xi32, #tpu.memory_space<hbm>>
      %dma_wait3A_71 = arith.constant 0 : i32
      %dma_wait3A_72 = arith.constant 0 : i32
      %dma_wait3A_73 = tpu.memref_slice %arg6[%run_scoped3A_18, %dma_wait3A_71, %dma_wait3A_72] : memref<2x8x128xi32, #tpu.memory_space<vmem>> -> memref<1x8x128xi32, #tpu.memory_space<vmem>>
      %dma_wait3A_74 = tpu.memref_squeeze %dma_wait3A_73 : memref<1x8x128xi32, #tpu.memory_space<vmem>> -> memref<8x128xi32, #tpu.memory_space<vmem>>
      %dma_wait3A_75 = arith.constant 0 : i32
      %dma_wait3A_76 = arith.constant 0 : i32
      %dma_wait3A_77 = tpu.memref_slice %arg3[%add3A, %run_scoped3A, %dma_wait3A_75, %dma_wait3A_76] : memref<32x10x8x128xi32, #tpu.memory_space<hbm>> -> memref<1x1x8x128xi32, #tpu.memory_space<hbm>>
      %dma_wait3A_78 = tpu.memref_squeeze %dma_wait3A_77 : memref<1x1x8x128xi32, #tpu.memory_space<hbm>> -> memref<8x128xi32, #tpu.memory_space<hbm>>
      tpu.wait_dma2 semaphore(%run_scoped3A_48 : memref<!tpu.dma_semaphore, #tpu.memory_space<semaphore_mem>>) src(%dma_wait3A_78 : memref<8x128xi32, #tpu.memory_space<hbm>>) dst(%dma_wait3A_74 : memref<8x128xi32, #tpu.memory_space<vmem>>)
      tpu.yield
    }) : () -> ()
    %run_scoped3A_19 = arith.constant 0 : i32
    %run_scoped3A_20 = arith.constant 0 : i32
    "tpu.region"() ({
      %run_scoped3A_48 = tpu.sem_alloc : memref<!tpu.dma_semaphore, #tpu.memory_space<semaphore_mem>>
      %dma_start3A = arith.constant 0 : i32
      %dma_start3A_49 = arith.constant 0 : i32
      %dma_start3A_50 = tpu.memref_slice %arg7[%run_scoped3A_20, %dma_start3A, %dma_start3A_49] : memref<2x8x128xi32, #tpu.memory_space<vmem>> -> memref<1x8x128xi32, #tpu.memory_space<vmem>>
      %dma_start3A_51 = tpu.memref_squeeze %dma_start3A_50 : memref<1x8x128xi32, #tpu.memory_space<vmem>> -> memref<8x128xi32, #tpu.memory_space<vmem>>
      %dma_start3A_52 = arith.constant 0 : i32
      %dma_start3A_53 = arith.constant 0 : i32
      %dma_start3A_54 = tpu.memref_slice %arg4[%add3A, %run_scoped3A_19, %dma_start3A_52, %dma_start3A_53] : memref<32x10x8x128xi32, #tpu.memory_space<hbm>> -> memref<1x1x8x128xi32, #tpu.memory_space<hbm>>
      %dma_start3A_55 = tpu.memref_squeeze %dma_start3A_54 : memref<1x1x8x128xi32, #tpu.memory_space<hbm>> -> memref<8x128xi32, #tpu.memory_space<hbm>>
      %dma_start3A_56 = arith.constant 0 : i32
      %dma_start3A_57 = arith.constant 0 : i32
      %dma_start3A_58 = tpu.memref_slice %arg7[%run_scoped3A_20, %dma_start3A_56, %dma_start3A_57] : memref<2x8x128xi32, #tpu.memory_space<vmem>> -> memref<1x8x128xi32, #tpu.memory_space<vmem>>
      %dma_start3A_59 = tpu.memref_squeeze %dma_start3A_58 : memref<1x8x128xi32, #tpu.memory_space<vmem>> -> memref<8x128xi32, #tpu.memory_space<vmem>>
      %dma_start3A_60 = arith.constant 0 : i32
      %dma_start3A_61 = arith.constant 0 : i32
      %dma_start3A_62 = tpu.memref_slice %arg4[%add3A, %run_scoped3A_19, %dma_start3A_60, %dma_start3A_61] : memref<32x10x8x128xi32, #tpu.memory_space<hbm>> -> memref<1x1x8x128xi32, #tpu.memory_space<hbm>>
      %dma_start3A_63 = tpu.memref_squeeze %dma_start3A_62 : memref<1x1x8x128xi32, #tpu.memory_space<hbm>> -> memref<8x128xi32, #tpu.memory_space<hbm>>
      tpu.enqueue_dma source(%dma_start3A_63 : memref<8x128xi32, #tpu.memory_space<hbm>>) target(%dma_start3A_59 : memref<8x128xi32, #tpu.memory_space<vmem>>) target_semaphore(%run_scoped3A_48 : memref<!tpu.dma_semaphore, #tpu.memory_space<semaphore_mem>>)
      %dma_wait3A = arith.constant 0 : i32
      %dma_wait3A_64 = arith.constant 0 : i32
      %dma_wait3A_65 = tpu.memref_slice %arg7[%run_scoped3A_20, %dma_wait3A, %dma_wait3A_64] : memref<2x8x128xi32, #tpu.memory_space<vmem>> -> memref<1x8x128xi32, #tpu.memory_space<vmem>>
      %dma_wait3A_66 = tpu.memref_squeeze %dma_wait3A_65 : memref<1x8x128xi32, #tpu.memory_space<vmem>> -> memref<8x128xi32, #tpu.memory_space<vmem>>
      %dma_wait3A_67 = arith.constant 0 : i32
      %dma_wait3A_68 = arith.constant 0 : i32
      %dma_wait3A_69 = tpu.memref_slice %arg4[%add3A, %run_scoped3A_19, %dma_wait3A_67, %dma_wait3A_68] : memref<32x10x8x128xi32, #tpu.memory_space<hbm>> -> memref<1x1x8x128xi32, #tpu.memory_space<hbm>>
      %dma_wait3A_70 = tpu.memref_squeeze %dma_wait3A_69 : memref<1x1x8x128xi32, #tpu.memory_space<hbm>> -> memref<8x128xi32, #tpu.memory_space<hbm>>
      %dma_wait3A_71 = arith.constant 0 : i32
      %dma_wait3A_72 = arith.constant 0 : i32
      %dma_wait3A_73 = tpu.memref_slice %arg7[%run_scoped3A_20, %dma_wait3A_71, %dma_wait3A_72] : memref<2x8x128xi32, #tpu.memory_space<vmem>> -> memref<1x8x128xi32, #tpu.memory_space<vmem>>
      %dma_wait3A_74 = tpu.memref_squeeze %dma_wait3A_73 : memref<1x8x128xi32, #tpu.memory_space<vmem>> -> memref<8x128xi32, #tpu.memory_space<vmem>>
      %dma_wait3A_75 = arith.constant 0 : i32
      %dma_wait3A_76 = arith.constant 0 : i32
      %dma_wait3A_77 = tpu.memref_slice %arg4[%add3A, %run_scoped3A_19, %dma_wait3A_75, %dma_wait3A_76] : memref<32x10x8x128xi32, #tpu.memory_space<hbm>> -> memref<1x1x8x128xi32, #tpu.memory_space<hbm>>
      %dma_wait3A_78 = tpu.memref_squeeze %dma_wait3A_77 : memref<1x1x8x128xi32, #tpu.memory_space<hbm>> -> memref<8x128xi32, #tpu.memory_space<hbm>>
      tpu.wait_dma2 semaphore(%run_scoped3A_48 : memref<!tpu.dma_semaphore, #tpu.memory_space<semaphore_mem>>) src(%dma_wait3A_78 : memref<8x128xi32, #tpu.memory_space<hbm>>) dst(%dma_wait3A_74 : memref<8x128xi32, #tpu.memory_space<vmem>>)
      tpu.yield
    }) : () -> ()
    %barrier3A = arith.constant 0 : index
    tpu.barrier barrier_id(%barrier3A)
    %scan3A_21 = arith.constant 0 : i32
    %scan3A_22 = arith.constant 9 : i32
    %scan3A_23 = arith.addi %scan3A_21, %scan3A_22 : i32
    %scan3A_24 = arith.constant 1 : i32
    scf.for %scan3A_48 = %scan3A_21 to %scan3A_23 step %scan3A_24  : i32 {
      %mul3A_49 = arith.constant 1 : i32
      %mul3A_50 = arith.muli %scan3A_48, %mul3A_49 : i32
      %add3A_51 = arith.constant 0 : i32
      %add3A_52 = arith.addi %add3A_51, %mul3A_50 : i32
      %rem3A = arith.constant 2 : i32
      %rem3A_53 = arith.remsi %add3A_52, %rem3A : i32
      %sub3A = arith.constant 1 : i32
      %sub3A_54 = arith.subi %sub3A, %rem3A_53 : i32
      %add3A_55 = arith.constant 1 : i32
      %add3A_56 = arith.addi %add3A_52, %add3A_55 : i32
      %dma_start3A = arith.constant 0 : i32
      %dma_start3A_57 = arith.constant 0 : i32
      %dma_start3A_58 = tpu.memref_slice %arg6[%sub3A_54, %dma_start3A, %dma_start3A_57] : memref<2x8x128xi32, #tpu.memory_space<vmem>> -> memref<1x8x128xi32, #tpu.memory_space<vmem>>
      %dma_start3A_59 = tpu.memref_squeeze %dma_start3A_58 : memref<1x8x128xi32, #tpu.memory_space<vmem>> -> memref<8x128xi32, #tpu.memory_space<vmem>>
      %dma_start3A_60 = arith.constant 0 : i32
      %dma_start3A_61 = arith.constant 0 : i32
      %dma_start3A_62 = tpu.memref_slice %arg3[%add3A, %add3A_56, %dma_start3A_60, %dma_start3A_61] : memref<32x10x8x128xi32, #tpu.memory_space<hbm>> -> memref<1x1x8x128xi32, #tpu.memory_space<hbm>>
      %dma_start3A_63 = tpu.memref_squeeze %dma_start3A_62 : memref<1x1x8x128xi32, #tpu.memory_space<hbm>> -> memref<8x128xi32, #tpu.memory_space<hbm>>
      %dma_start3A_64 = arith.constant 0 : i32
      %dma_start3A_65 = arith.constant 0 : i32
      %dma_start3A_66 = tpu.memref_slice %arg6[%sub3A_54, %dma_start3A_64, %dma_start3A_65] : memref<2x8x128xi32, #tpu.memory_space<vmem>> -> memref<1x8x128xi32, #tpu.memory_space<vmem>>
      %dma_start3A_67 = tpu.memref_squeeze %dma_start3A_66 : memref<1x8x128xi32, #tpu.memory_space<vmem>> -> memref<8x128xi32, #tpu.memory_space<vmem>>
      %dma_start3A_68 = arith.constant 0 : i32
      %dma_start3A_69 = arith.constant 0 : i32
      %dma_start3A_70 = tpu.memref_slice %arg3[%add3A, %add3A_56, %dma_start3A_68, %dma_start3A_69] : memref<32x10x8x128xi32, #tpu.memory_space<hbm>> -> memref<1x1x8x128xi32, #tpu.memory_space<hbm>>
      %dma_start3A_71 = tpu.memref_squeeze %dma_start3A_70 : memref<1x1x8x128xi32, #tpu.memory_space<hbm>> -> memref<8x128xi32, #tpu.memory_space<hbm>>
      tpu.enqueue_dma source(%dma_start3A_71 : memref<8x128xi32, #tpu.memory_space<hbm>>) target(%dma_start3A_67 : memref<8x128xi32, #tpu.memory_space<vmem>>) target_semaphore(%arg12 : memref<!tpu.dma_semaphore, #tpu.memory_space<semaphore_mem>>)
      %add3A_72 = arith.constant 1 : i32
      %add3A_73 = arith.addi %add3A_52, %add3A_72 : i32
      %dma_start3A_74 = arith.constant 0 : i32
      %dma_start3A_75 = arith.constant 0 : i32
      %dma_start3A_76 = tpu.memref_slice %arg7[%sub3A_54, %dma_start3A_74, %dma_start3A_75] : memref<2x8x128xi32, #tpu.memory_space<vmem>> -> memref<1x8x128xi32, #tpu.memory_space<vmem>>
      %dma_start3A_77 = tpu.memref_squeeze %dma_start3A_76 : memref<1x8x128xi32, #tpu.memory_space<vmem>> -> memref<8x128xi32, #tpu.memory_space<vmem>>
      %dma_start3A_78 = arith.constant 0 : i32
      %dma_start3A_79 = arith.constant 0 : i32
      %dma_start3A_80 = tpu.memref_slice %arg4[%add3A, %add3A_73, %dma_start3A_78, %dma_start3A_79] : memref<32x10x8x128xi32, #tpu.memory_space<hbm>> -> memref<1x1x8x128xi32, #tpu.memory_space<hbm>>
      %dma_start3A_81 = tpu.memref_squeeze %dma_start3A_80 : memref<1x1x8x128xi32, #tpu.memory_space<hbm>> -> memref<8x128xi32, #tpu.memory_space<hbm>>
      %dma_start3A_82 = arith.constant 0 : i32
      %dma_start3A_83 = arith.constant 0 : i32
      %dma_start3A_84 = tpu.memref_slice %arg7[%sub3A_54, %dma_start3A_82, %dma_start3A_83] : memref<2x8x128xi32, #tpu.memory_space<vmem>> -> memref<1x8x128xi32, #tpu.memory_space<vmem>>
      %dma_start3A_85 = tpu.memref_squeeze %dma_start3A_84 : memref<1x8x128xi32, #tpu.memory_space<vmem>> -> memref<8x128xi32, #tpu.memory_space<vmem>>
      %dma_start3A_86 = arith.constant 0 : i32
      %dma_start3A_87 = arith.constant 0 : i32
      %dma_start3A_88 = tpu.memref_slice %arg4[%add3A, %add3A_73, %dma_start3A_86, %dma_start3A_87] : memref<32x10x8x128xi32, #tpu.memory_space<hbm>> -> memref<1x1x8x128xi32, #tpu.memory_space<hbm>>
      %dma_start3A_89 = tpu.memref_squeeze %dma_start3A_88 : memref<1x1x8x128xi32, #tpu.memory_space<hbm>> -> memref<8x128xi32, #tpu.memory_space<hbm>>
      tpu.enqueue_dma source(%dma_start3A_89 : memref<8x128xi32, #tpu.memory_space<hbm>>) target(%dma_start3A_85 : memref<8x128xi32, #tpu.memory_space<vmem>>) target_semaphore(%arg13 : memref<!tpu.dma_semaphore, #tpu.memory_space<semaphore_mem>>)
      %scan3A_90 = arith.constant 0 : i32
      %scan3A_91 = arith.constant 4 : i32
      %scan3A_92 = arith.addi %scan3A_90, %scan3A_91 : i32
      %scan3A_93 = arith.constant 1 : i32
      scf.for %scan3A_126 = %scan3A_90 to %scan3A_92 step %scan3A_93  : i32 {
        %mul3A_127 = arith.constant 2 : i32
        %mul3A_128 = arith.muli %scan3A_126, %mul3A_127 : i32
        %add3A_129 = arith.constant 0 : i32
        %add3A_130 = arith.addi %add3A_129, %mul3A_128 : i32
        %dma_start3A_131 = arith.constant 0 : i32
        %dma_start3A_132 = arith.constant 0 : i32
        %dma_start3A_133 = tpu.memref_slice %arg8[%dma_start3A_131, %dma_start3A_132] : memref<256x128xf32, #tpu.memory_space<vmem>> -> memref<128x128xf32, #tpu.memory_space<vmem>>
        %dma_start3A_134 = arith.constant 0 : i32
        %dma_start3A_135 = tpu.memref_slice %arg6[%rem3A_53, %add3A_130, %dma_start3A_134] : memref<2x8x128xi32, #tpu.memory_space<vmem>> -> memref<1x1x128xi32, #tpu.memory_space<vmem>>
        %dma_start3A_136 = tpu.memref_squeeze %dma_start3A_135 : memref<1x1x128xi32, #tpu.memory_space<vmem>> -> memref<128xi32, #tpu.memory_space<vmem>>
        %dma_start3A_137 = arith.constant 0 : i32
        %dma_start3A_138 = arith.constant 0 : i32
        %dma_start3A_139 = tpu.memref_slice %arg2[%dma_start3A_137, %dma_start3A_138] : memref<163840x128xf32, #tpu.memory_space<hbm>> -> memref<163840x128xf32, #tpu.memory_space<hbm>>
        tpu.enqueue_indirect_dma source(%dma_start3A_139 : memref<163840x128xf32, #tpu.memory_space<hbm>>) target(%dma_start3A_133 : memref<128x128xf32, #tpu.memory_space<vmem>>) offsets(%dma_start3A_136 : memref<128xi32, #tpu.memory_space<vmem>>) semaphore(%arg10 : memref<!tpu.dma_semaphore, #tpu.memory_space<semaphore_mem>>)
        %add3A_140 = arith.constant 1 : i32
        %add3A_141 = arith.addi %add3A_130, %add3A_140 : i32
        %dma_start3A_142 = arith.constant 128 : i32
        %dma_start3A_143 = arith.constant 0 : i32
        %dma_start3A_144 = tpu.memref_slice %arg8[%dma_start3A_142, %dma_start3A_143] : memref<256x128xf32, #tpu.memory_space<vmem>> -> memref<128x128xf32, #tpu.memory_space<vmem>>
        %dma_start3A_145 = arith.constant 0 : i32
        %dma_start3A_146 = tpu.memref_slice %arg6[%rem3A_53, %add3A_141, %dma_start3A_145] : memref<2x8x128xi32, #tpu.memory_space<vmem>> -> memref<1x1x128xi32, #tpu.memory_space<vmem>>
        %dma_start3A_147 = tpu.memref_squeeze %dma_start3A_146 : memref<1x1x128xi32, #tpu.memory_space<vmem>> -> memref<128xi32, #tpu.memory_space<vmem>>
        %dma_start3A_148 = arith.constant 0 : i32
        %dma_start3A_149 = arith.constant 0 : i32
        %dma_start3A_150 = tpu.memref_slice %arg2[%dma_start3A_148, %dma_start3A_149] : memref<163840x128xf32, #tpu.memory_space<hbm>> -> memref<163840x128xf32, #tpu.memory_space<hbm>>
        tpu.enqueue_indirect_dma source(%dma_start3A_150 : memref<163840x128xf32, #tpu.memory_space<hbm>>) target(%dma_start3A_144 : memref<128x128xf32, #tpu.memory_space<vmem>>) offsets(%dma_start3A_147 : memref<128xi32, #tpu.memory_space<vmem>>) semaphore(%arg11 : memref<!tpu.dma_semaphore, #tpu.memory_space<semaphore_mem>>)
        %dma_wait3A_151 = arith.constant 0 : i32
        %dma_wait3A_152 = arith.constant 0 : i32
        %dma_wait3A_153 = tpu.memref_slice %arg8[%dma_wait3A_151, %dma_wait3A_152] : memref<256x128xf32, #tpu.memory_space<vmem>> -> memref<128x128xf32, #tpu.memory_space<vmem>>
        %dma_wait3A_154 = arith.constant 0 : i32
        %dma_wait3A_155 = tpu.memref_slice %arg6[%rem3A_53, %add3A_130, %dma_wait3A_154] : memref<2x8x128xi32, #tpu.memory_space<vmem>> -> memref<1x1x128xi32, #tpu.memory_space<vmem>>
        %dma_wait3A_156 = tpu.memref_squeeze %dma_wait3A_155 : memref<1x1x128xi32, #tpu.memory_space<vmem>> -> memref<128xi32, #tpu.memory_space<vmem>>
        %dma_wait3A_157 = arith.constant 0 : i32
        %dma_wait3A_158 = arith.constant 0 : i32
        %dma_wait3A_159 = tpu.memref_slice %arg2[%dma_wait3A_157, %dma_wait3A_158] : memref<163840x128xf32, #tpu.memory_space<hbm>> -> memref<163840x128xf32, #tpu.memory_space<hbm>>
        tpu.wait_indirect_dma semaphore(%arg10 : memref<!tpu.dma_semaphore, #tpu.memory_space<semaphore_mem>>) src(%dma_wait3A_159 : memref<163840x128xf32, #tpu.memory_space<hbm>>) dst(%dma_wait3A_153 : memref<128x128xf32, #tpu.memory_space<vmem>>)
        "tpu.region"() ({
          %run_scoped3A_171 = tpu.sem_alloc : memref<!tpu.dma_semaphore, #tpu.memory_space<semaphore_mem>>
          %dma_start3A_172 = arith.constant 0 : i32
          %dma_start3A_173 = arith.constant 0 : i32
          %dma_start3A_174 = tpu.memref_slice %arg8[%dma_start3A_172, %dma_start3A_173] : memref<256x128xf32, #tpu.memory_space<vmem>> -> memref<128x128xf32, #tpu.memory_space<vmem>>
          %dma_start3A_175 = arith.constant 0 : i32
          %dma_start3A_176 = tpu.memref_slice %arg7[%rem3A_53, %add3A_130, %dma_start3A_175] : memref<2x8x128xi32, #tpu.memory_space<vmem>> -> memref<1x1x128xi32, #tpu.memory_space<vmem>>
          %dma_start3A_177 = tpu.memref_squeeze %dma_start3A_176 : memref<1x1x128xi32, #tpu.memory_space<vmem>> -> memref<128xi32, #tpu.memory_space<vmem>>
          %dma_start3A_178 = arith.constant 0 : i32
          %dma_start3A_179 = arith.constant 0 : i32
          %dma_start3A_180 = tpu.memref_slice %arg9[%dma_start3A_178, %dma_start3A_179] : memref<10240x128xf32, #tpu.memory_space<vmem_shared>> -> memref<10240x128xf32, #tpu.memory_space<vmem_shared>>
          tpu.enqueue_indirect_dma source(%dma_start3A_174 : memref<128x128xf32, #tpu.memory_space<vmem>>) target(%dma_start3A_180 : memref<10240x128xf32, #tpu.memory_space<vmem_shared>>) offsets(%dma_start3A_177 : memref<128xi32, #tpu.memory_space<vmem>>) semaphore(%run_scoped3A_171 : memref<!tpu.dma_semaphore, #tpu.memory_space<semaphore_mem>>) {add = true}
          %dma_wait3A_181 = arith.constant 0 : i32
          %dma_wait3A_182 = arith.constant 0 : i32
          %dma_wait3A_183 = tpu.memref_slice %arg8[%dma_wait3A_181, %dma_wait3A_182] : memref<256x128xf32, #tpu.memory_space<vmem>> -> memref<128x128xf32, #tpu.memory_space<vmem>>
          %dma_wait3A_184 = arith.constant 0 : i32
          %dma_wait3A_185 = tpu.memref_slice %arg7[%rem3A_53, %add3A_130, %dma_wait3A_184] : memref<2x8x128xi32, #tpu.memory_space<vmem>> -> memref<1x1x128xi32, #tpu.memory_space<vmem>>
          %dma_wait3A_186 = tpu.memref_squeeze %dma_wait3A_185 : memref<1x1x128xi32, #tpu.memory_space<vmem>> -> memref<128xi32, #tpu.memory_space<vmem>>
          %dma_wait3A_187 = arith.constant 0 : i32
          %dma_wait3A_188 = arith.constant 0 : i32
          %dma_wait3A_189 = tpu.memref_slice %arg9[%dma_wait3A_187, %dma_wait3A_188] : memref<10240x128xf32, #tpu.memory_space<vmem_shared>> -> memref<10240x128xf32, #tpu.memory_space<vmem_shared>>
          tpu.wait_indirect_dma semaphore(%run_scoped3A_171 : memref<!tpu.dma_semaphore, #tpu.memory_space<semaphore_mem>>) src(%dma_wait3A_183 : memref<128x128xf32, #tpu.memory_space<vmem>>) dst(%dma_wait3A_189 : memref<10240x128xf32, #tpu.memory_space<vmem_shared>>)
          tpu.yield
        }) : () -> ()
        %dma_wait3A_160 = arith.constant 128 : i32
        %dma_wait3A_161 = arith.constant 0 : i32
        %dma_wait3A_162 = tpu.memref_slice %arg8[%dma_wait3A_160, %dma_wait3A_161] : memref<256x128xf32, #tpu.memory_space<vmem>> -> memref<128x128xf32, #tpu.memory_space<vmem>>
        %dma_wait3A_163 = arith.constant 0 : i32
        %dma_wait3A_164 = tpu.memref_slice %arg6[%rem3A_53, %add3A_141, %dma_wait3A_163] : memref<2x8x128xi32, #tpu.memory_space<vmem>> -> memref<1x1x128xi32, #tpu.memory_space<vmem>>
        %dma_wait3A_165 = tpu.memref_squeeze %dma_wait3A_164 : memref<1x1x128xi32, #tpu.memory_space<vmem>> -> memref<128xi32, #tpu.memory_space<vmem>>
        %dma_wait3A_166 = arith.constant 0 : i32
        %dma_wait3A_167 = arith.constant 0 : i32
        %dma_wait3A_168 = tpu.memref_slice %arg2[%dma_wait3A_166, %dma_wait3A_167] : memref<163840x128xf32, #tpu.memory_space<hbm>> -> memref<163840x128xf32, #tpu.memory_space<hbm>>
        tpu.wait_indirect_dma semaphore(%arg11 : memref<!tpu.dma_semaphore, #tpu.memory_space<semaphore_mem>>) src(%dma_wait3A_168 : memref<163840x128xf32, #tpu.memory_space<hbm>>) dst(%dma_wait3A_162 : memref<128x128xf32, #tpu.memory_space<vmem>>)
        %add3A_169 = arith.constant 1 : i32
        %add3A_170 = arith.addi %add3A_130, %add3A_169 : i32
        "tpu.region"() ({
          %run_scoped3A_171 = tpu.sem_alloc : memref<!tpu.dma_semaphore, #tpu.memory_space<semaphore_mem>>
          %dma_start3A_172 = arith.constant 128 : i32
          %dma_start3A_173 = arith.constant 0 : i32
          %dma_start3A_174 = tpu.memref_slice %arg8[%dma_start3A_172, %dma_start3A_173] : memref<256x128xf32, #tpu.memory_space<vmem>> -> memref<128x128xf32, #tpu.memory_space<vmem>>
          %dma_start3A_175 = arith.constant 0 : i32
          %dma_start3A_176 = tpu.memref_slice %arg7[%rem3A_53, %add3A_170, %dma_start3A_175] : memref<2x8x128xi32, #tpu.memory_space<vmem>> -> memref<1x1x128xi32, #tpu.memory_space<vmem>>
          %dma_start3A_177 = tpu.memref_squeeze %dma_start3A_176 : memref<1x1x128xi32, #tpu.memory_space<vmem>> -> memref<128xi32, #tpu.memory_space<vmem>>
          %dma_start3A_178 = arith.constant 0 : i32
          %dma_start3A_179 = arith.constant 0 : i32
          %dma_start3A_180 = tpu.memref_slice %arg9[%dma_start3A_178, %dma_start3A_179] : memref<10240x128xf32, #tpu.memory_space<vmem_shared>> -> memref<10240x128xf32, #tpu.memory_space<vmem_shared>>
          tpu.enqueue_indirect_dma source(%dma_start3A_174 : memref<128x128xf32, #tpu.memory_space<vmem>>) target(%dma_start3A_180 : memref<10240x128xf32, #tpu.memory_space<vmem_shared>>) offsets(%dma_start3A_177 : memref<128xi32, #tpu.memory_space<vmem>>) semaphore(%run_scoped3A_171 : memref<!tpu.dma_semaphore, #tpu.memory_space<semaphore_mem>>) {add = true}
          %dma_wait3A_181 = arith.constant 128 : i32
          %dma_wait3A_182 = arith.constant 0 : i32
          %dma_wait3A_183 = tpu.memref_slice %arg8[%dma_wait3A_181, %dma_wait3A_182] : memref<256x128xf32, #tpu.memory_space<vmem>> -> memref<128x128xf32, #tpu.memory_space<vmem>>
          %dma_wait3A_184 = arith.constant 0 : i32
          %dma_wait3A_185 = tpu.memref_slice %arg7[%rem3A_53, %add3A_170, %dma_wait3A_184] : memref<2x8x128xi32, #tpu.memory_space<vmem>> -> memref<1x1x128xi32, #tpu.memory_space<vmem>>
          %dma_wait3A_186 = tpu.memref_squeeze %dma_wait3A_185 : memref<1x1x128xi32, #tpu.memory_space<vmem>> -> memref<128xi32, #tpu.memory_space<vmem>>
          %dma_wait3A_187 = arith.constant 0 : i32
          %dma_wait3A_188 = arith.constant 0 : i32
          %dma_wait3A_189 = tpu.memref_slice %arg9[%dma_wait3A_187, %dma_wait3A_188] : memref<10240x128xf32, #tpu.memory_space<vmem_shared>> -> memref<10240x128xf32, #tpu.memory_space<vmem_shared>>
          tpu.wait_indirect_dma semaphore(%run_scoped3A_171 : memref<!tpu.dma_semaphore, #tpu.memory_space<semaphore_mem>>) src(%dma_wait3A_183 : memref<128x128xf32, #tpu.memory_space<vmem>>) dst(%dma_wait3A_189 : memref<10240x128xf32, #tpu.memory_space<vmem_shared>>)
          tpu.yield
        }) : () -> ()
      }
      %scan3A_94 = arith.constant 4 : i32
      %dma_wait3A = arith.constant 0 : i32
      %dma_wait3A_95 = arith.constant 0 : i32
      %dma_wait3A_96 = tpu.memref_slice %arg6[%sub3A_54, %dma_wait3A, %dma_wait3A_95] : memref<2x8x128xi32, #tpu.memory_space<vmem>> -> memref<1x8x128xi32, #tpu.memory_space<vmem>>
      %dma_wait3A_97 = tpu.memref_squeeze %dma_wait3A_96 : memref<1x8x128xi32, #tpu.memory_space<vmem>> -> memref<8x128xi32, #tpu.memory_space<vmem>>
      %dma_wait3A_98 = arith.constant 0 : i32
      %dma_wait3A_99 = arith.constant 0 : i32
      %dma_wait3A_100 = tpu.memref_slice %arg3[%add3A, %add3A_56, %dma_wait3A_98, %dma_wait3A_99] : memref<32x10x8x128xi32, #tpu.memory_space<hbm>> -> memref<1x1x8x128xi32, #tpu.memory_space<hbm>>
      %dma_wait3A_101 = tpu.memref_squeeze %dma_wait3A_100 : memref<1x1x8x128xi32, #tpu.memory_space<hbm>> -> memref<8x128xi32, #tpu.memory_space<hbm>>
      %dma_wait3A_102 = arith.constant 0 : i32
      %dma_wait3A_103 = arith.constant 0 : i32
      %dma_wait3A_104 = tpu.memref_slice %arg6[%sub3A_54, %dma_wait3A_102, %dma_wait3A_103] : memref<2x8x128xi32, #tpu.memory_space<vmem>> -> memref<1x8x128xi32, #tpu.memory_space<vmem>>
      %dma_wait3A_105 = tpu.memref_squeeze %dma_wait3A_104 : memref<1x8x128xi32, #tpu.memory_space<vmem>> -> memref<8x128xi32, #tpu.memory_space<vmem>>
      %dma_wait3A_106 = arith.constant 0 : i32
      %dma_wait3A_107 = arith.constant 0 : i32
      %dma_wait3A_108 = tpu.memref_slice %arg3[%add3A, %add3A_56, %dma_wait3A_106, %dma_wait3A_107] : memref<32x10x8x128xi32, #tpu.memory_space<hbm>> -> memref<1x1x8x128xi32, #tpu.memory_space<hbm>>
      %dma_wait3A_109 = tpu.memref_squeeze %dma_wait3A_108 : memref<1x1x8x128xi32, #tpu.memory_space<hbm>> -> memref<8x128xi32, #tpu.memory_space<hbm>>
      tpu.wait_dma2 semaphore(%arg12 : memref<!tpu.dma_semaphore, #tpu.memory_space<semaphore_mem>>) src(%dma_wait3A_109 : memref<8x128xi32, #tpu.memory_space<hbm>>) dst(%dma_wait3A_105 : memref<8x128xi32, #tpu.memory_space<vmem>>)
      %dma_wait3A_110 = arith.constant 0 : i32
      %dma_wait3A_111 = arith.constant 0 : i32
      %dma_wait3A_112 = tpu.memref_slice %arg7[%sub3A_54, %dma_wait3A_110, %dma_wait3A_111] : memref<2x8x128xi32, #tpu.memory_space<vmem>> -> memref<1x8x128xi32, #tpu.memory_space<vmem>>
      %dma_wait3A_113 = tpu.memref_squeeze %dma_wait3A_112 : memref<1x8x128xi32, #tpu.memory_space<vmem>> -> memref<8x128xi32, #tpu.memory_space<vmem>>
      %dma_wait3A_114 = arith.constant 0 : i32
      %dma_wait3A_115 = arith.constant 0 : i32
      %dma_wait3A_116 = tpu.memref_slice %arg4[%add3A, %add3A_73, %dma_wait3A_114, %dma_wait3A_115] : memref<32x10x8x128xi32, #tpu.memory_space<hbm>> -> memref<1x1x8x128xi32, #tpu.memory_space<hbm>>
      %dma_wait3A_117 = tpu.memref_squeeze %dma_wait3A_116 : memref<1x1x8x128xi32, #tpu.memory_space<hbm>> -> memref<8x128xi32, #tpu.memory_space<hbm>>
      %dma_wait3A_118 = arith.constant 0 : i32
      %dma_wait3A_119 = arith.constant 0 : i32
      %dma_wait3A_120 = tpu.memref_slice %arg7[%sub3A_54, %dma_wait3A_118, %dma_wait3A_119] : memref<2x8x128xi32, #tpu.memory_space<vmem>> -> memref<1x8x128xi32, #tpu.memory_space<vmem>>
      %dma_wait3A_121 = tpu.memref_squeeze %dma_wait3A_120 : memref<1x8x128xi32, #tpu.memory_space<vmem>> -> memref<8x128xi32, #tpu.memory_space<vmem>>
      %dma_wait3A_122 = arith.constant 0 : i32
      %dma_wait3A_123 = arith.constant 0 : i32
      %dma_wait3A_124 = tpu.memref_slice %arg4[%add3A, %add3A_73, %dma_wait3A_122, %dma_wait3A_123] : memref<32x10x8x128xi32, #tpu.memory_space<hbm>> -> memref<1x1x8x128xi32, #tpu.memory_space<hbm>>
      %dma_wait3A_125 = tpu.memref_squeeze %dma_wait3A_124 : memref<1x1x8x128xi32, #tpu.memory_space<hbm>> -> memref<8x128xi32, #tpu.memory_space<hbm>>
      tpu.wait_dma2 semaphore(%arg13 : memref<!tpu.dma_semaphore, #tpu.memory_space<semaphore_mem>>) src(%dma_wait3A_125 : memref<8x128xi32, #tpu.memory_space<hbm>>) dst(%dma_wait3A_121 : memref<8x128xi32, #tpu.memory_space<vmem>>)
    }
    %scan3A_25 = arith.constant 9 : i32
    %scan3A_26 = arith.constant 0 : i32
    %scan3A_27 = arith.constant 4 : i32
    %scan3A_28 = arith.addi %scan3A_26, %scan3A_27 : i32
    %scan3A_29 = arith.constant 1 : i32
    scf.for %scan3A_48 = %scan3A_26 to %scan3A_28 step %scan3A_29  : i32 {
      %mul3A_49 = arith.constant 2 : i32
      %mul3A_50 = arith.muli %scan3A_48, %mul3A_49 : i32
      %add3A_51 = arith.constant 0 : i32
      %add3A_52 = arith.addi %add3A_51, %mul3A_50 : i32
      %dma_start3A = arith.constant 1 : i32
      %dma_start3A_53 = arith.constant 0 : i32
      %dma_start3A_54 = arith.constant 0 : i32
      %dma_start3A_55 = tpu.memref_slice %arg8[%dma_start3A_53, %dma_start3A_54] : memref<256x128xf32, #tpu.memory_space<vmem>> -> memref<128x128xf32, #tpu.memory_space<vmem>>
      %dma_start3A_56 = arith.constant 0 : i32
      %dma_start3A_57 = tpu.memref_slice %arg6[%dma_start3A, %add3A_52, %dma_start3A_56] : memref<2x8x128xi32, #tpu.memory_space<vmem>> -> memref<1x1x128xi32, #tpu.memory_space<vmem>>
      %dma_start3A_58 = tpu.memref_squeeze %dma_start3A_57 : memref<1x1x128xi32, #tpu.memory_space<vmem>> -> memref<128xi32, #tpu.memory_space<vmem>>
      %dma_start3A_59 = arith.constant 0 : i32
      %dma_start3A_60 = arith.constant 0 : i32
      %dma_start3A_61 = tpu.memref_slice %arg2[%dma_start3A_59, %dma_start3A_60] : memref<163840x128xf32, #tpu.memory_space<hbm>> -> memref<163840x128xf32, #tpu.memory_space<hbm>>
      tpu.enqueue_indirect_dma source(%dma_start3A_61 : memref<163840x128xf32, #tpu.memory_space<hbm>>) target(%dma_start3A_55 : memref<128x128xf32, #tpu.memory_space<vmem>>) offsets(%dma_start3A_58 : memref<128xi32, #tpu.memory_space<vmem>>) semaphore(%arg10 : memref<!tpu.dma_semaphore, #tpu.memory_space<semaphore_mem>>)
      %add3A_62 = arith.constant 1 : i32
      %add3A_63 = arith.addi %add3A_52, %add3A_62 : i32
      %dma_start3A_64 = arith.constant 1 : i32
      %dma_start3A_65 = arith.constant 128 : i32
      %dma_start3A_66 = arith.constant 0 : i32
      %dma_start3A_67 = tpu.memref_slice %arg8[%dma_start3A_65, %dma_start3A_66] : memref<256x128xf32, #tpu.memory_space<vmem>> -> memref<128x128xf32, #tpu.memory_space<vmem>>
      %dma_start3A_68 = arith.constant 0 : i32
      %dma_start3A_69 = tpu.memref_slice %arg6[%dma_start3A_64, %add3A_63, %dma_start3A_68] : memref<2x8x128xi32, #tpu.memory_space<vmem>> -> memref<1x1x128xi32, #tpu.memory_space<vmem>>
      %dma_start3A_70 = tpu.memref_squeeze %dma_start3A_69 : memref<1x1x128xi32, #tpu.memory_space<vmem>> -> memref<128xi32, #tpu.memory_space<vmem>>
      %dma_start3A_71 = arith.constant 0 : i32
      %dma_start3A_72 = arith.constant 0 : i32
      %dma_start3A_73 = tpu.memref_slice %arg2[%dma_start3A_71, %dma_start3A_72] : memref<163840x128xf32, #tpu.memory_space<hbm>> -> memref<163840x128xf32, #tpu.memory_space<hbm>>
      tpu.enqueue_indirect_dma source(%dma_start3A_73 : memref<163840x128xf32, #tpu.memory_space<hbm>>) target(%dma_start3A_67 : memref<128x128xf32, #tpu.memory_space<vmem>>) offsets(%dma_start3A_70 : memref<128xi32, #tpu.memory_space<vmem>>) semaphore(%arg11 : memref<!tpu.dma_semaphore, #tpu.memory_space<semaphore_mem>>)
      %dma_wait3A = arith.constant 1 : i32
      %dma_wait3A_74 = arith.constant 0 : i32
      %dma_wait3A_75 = arith.constant 0 : i32
      %dma_wait3A_76 = tpu.memref_slice %arg8[%dma_wait3A_74, %dma_wait3A_75] : memref<256x128xf32, #tpu.memory_space<vmem>> -> memref<128x128xf32, #tpu.memory_space<vmem>>
      %dma_wait3A_77 = arith.constant 0 : i32
      %dma_wait3A_78 = tpu.memref_slice %arg6[%dma_wait3A, %add3A_52, %dma_wait3A_77] : memref<2x8x128xi32, #tpu.memory_space<vmem>> -> memref<1x1x128xi32, #tpu.memory_space<vmem>>
      %dma_wait3A_79 = tpu.memref_squeeze %dma_wait3A_78 : memref<1x1x128xi32, #tpu.memory_space<vmem>> -> memref<128xi32, #tpu.memory_space<vmem>>
      %dma_wait3A_80 = arith.constant 0 : i32
      %dma_wait3A_81 = arith.constant 0 : i32
      %dma_wait3A_82 = tpu.memref_slice %arg2[%dma_wait3A_80, %dma_wait3A_81] : memref<163840x128xf32, #tpu.memory_space<hbm>> -> memref<163840x128xf32, #tpu.memory_space<hbm>>
      tpu.wait_indirect_dma semaphore(%arg10 : memref<!tpu.dma_semaphore, #tpu.memory_space<semaphore_mem>>) src(%dma_wait3A_82 : memref<163840x128xf32, #tpu.memory_space<hbm>>) dst(%dma_wait3A_76 : memref<128x128xf32, #tpu.memory_space<vmem>>)
      %run_scoped3A_83 = arith.constant 1 : i32
      "tpu.region"() ({
        %run_scoped3A_97 = tpu.sem_alloc : memref<!tpu.dma_semaphore, #tpu.memory_space<semaphore_mem>>
        %dma_start3A_98 = arith.constant 0 : i32
        %dma_start3A_99 = arith.constant 0 : i32
        %dma_start3A_100 = tpu.memref_slice %arg8[%dma_start3A_98, %dma_start3A_99] : memref<256x128xf32, #tpu.memory_space<vmem>> -> memref<128x128xf32, #tpu.memory_space<vmem>>
        %dma_start3A_101 = arith.constant 0 : i32
        %dma_start3A_102 = tpu.memref_slice %arg7[%run_scoped3A_83, %add3A_52, %dma_start3A_101] : memref<2x8x128xi32, #tpu.memory_space<vmem>> -> memref<1x1x128xi32, #tpu.memory_space<vmem>>
        %dma_start3A_103 = tpu.memref_squeeze %dma_start3A_102 : memref<1x1x128xi32, #tpu.memory_space<vmem>> -> memref<128xi32, #tpu.memory_space<vmem>>
        %dma_start3A_104 = arith.constant 0 : i32
        %dma_start3A_105 = arith.constant 0 : i32
        %dma_start3A_106 = tpu.memref_slice %arg9[%dma_start3A_104, %dma_start3A_105] : memref<10240x128xf32, #tpu.memory_space<vmem_shared>> -> memref<10240x128xf32, #tpu.memory_space<vmem_shared>>
        tpu.enqueue_indirect_dma source(%dma_start3A_100 : memref<128x128xf32, #tpu.memory_space<vmem>>) target(%dma_start3A_106 : memref<10240x128xf32, #tpu.memory_space<vmem_shared>>) offsets(%dma_start3A_103 : memref<128xi32, #tpu.memory_space<vmem>>) semaphore(%run_scoped3A_97 : memref<!tpu.dma_semaphore, #tpu.memory_space<semaphore_mem>>) {add = true}
        %dma_wait3A_107 = arith.constant 0 : i32
        %dma_wait3A_108 = arith.constant 0 : i32
        %dma_wait3A_109 = tpu.memref_slice %arg8[%dma_wait3A_107, %dma_wait3A_108] : memref<256x128xf32, #tpu.memory_space<vmem>> -> memref<128x128xf32, #tpu.memory_space<vmem>>
        %dma_wait3A_110 = arith.constant 0 : i32
        %dma_wait3A_111 = tpu.memref_slice %arg7[%run_scoped3A_83, %add3A_52, %dma_wait3A_110] : memref<2x8x128xi32, #tpu.memory_space<vmem>> -> memref<1x1x128xi32, #tpu.memory_space<vmem>>
        %dma_wait3A_112 = tpu.memref_squeeze %dma_wait3A_111 : memref<1x1x128xi32, #tpu.memory_space<vmem>> -> memref<128xi32, #tpu.memory_space<vmem>>
        %dma_wait3A_113 = arith.constant 0 : i32
        %dma_wait3A_114 = arith.constant 0 : i32
        %dma_wait3A_115 = tpu.memref_slice %arg9[%dma_wait3A_113, %dma_wait3A_114] : memref<10240x128xf32, #tpu.memory_space<vmem_shared>> -> memref<10240x128xf32, #tpu.memory_space<vmem_shared>>
        tpu.wait_indirect_dma semaphore(%run_scoped3A_97 : memref<!tpu.dma_semaphore, #tpu.memory_space<semaphore_mem>>) src(%dma_wait3A_109 : memref<128x128xf32, #tpu.memory_space<vmem>>) dst(%dma_wait3A_115 : memref<10240x128xf32, #tpu.memory_space<vmem_shared>>)
        tpu.yield
      }) : () -> ()
      %dma_wait3A_84 = arith.constant 1 : i32
      %dma_wait3A_85 = arith.constant 128 : i32
      %dma_wait3A_86 = arith.constant 0 : i32
      %dma_wait3A_87 = tpu.memref_slice %arg8[%dma_wait3A_85, %dma_wait3A_86] : memref<256x128xf32, #tpu.memory_space<vmem>> -> memref<128x128xf32, #tpu.memory_space<vmem>>
      %dma_wait3A_88 = arith.constant 0 : i32
      %dma_wait3A_89 = tpu.memref_slice %arg6[%dma_wait3A_84, %add3A_63, %dma_wait3A_88] : memref<2x8x128xi32, #tpu.memory_space<vmem>> -> memref<1x1x128xi32, #tpu.memory_space<vmem>>
      %dma_wait3A_90 = tpu.memref_squeeze %dma_wait3A_89 : memref<1x1x128xi32, #tpu.memory_space<vmem>> -> memref<128xi32, #tpu.memory_space<vmem>>
      %dma_wait3A_91 = arith.constant 0 : i32
      %dma_wait3A_92 = arith.constant 0 : i32
      %dma_wait3A_93 = tpu.memref_slice %arg2[%dma_wait3A_91, %dma_wait3A_92] : memref<163840x128xf32, #tpu.memory_space<hbm>> -> memref<163840x128xf32, #tpu.memory_space<hbm>>
      tpu.wait_indirect_dma semaphore(%arg11 : memref<!tpu.dma_semaphore, #tpu.memory_space<semaphore_mem>>) src(%dma_wait3A_93 : memref<163840x128xf32, #tpu.memory_space<hbm>>) dst(%dma_wait3A_87 : memref<128x128xf32, #tpu.memory_space<vmem>>)
      %add3A_94 = arith.constant 1 : i32
      %add3A_95 = arith.addi %add3A_52, %add3A_94 : i32
      %run_scoped3A_96 = arith.constant 1 : i32
      "tpu.region"() ({
        %run_scoped3A_97 = tpu.sem_alloc : memref<!tpu.dma_semaphore, #tpu.memory_space<semaphore_mem>>
        %dma_start3A_98 = arith.constant 128 : i32
        %dma_start3A_99 = arith.constant 0 : i32
        %dma_start3A_100 = tpu.memref_slice %arg8[%dma_start3A_98, %dma_start3A_99] : memref<256x128xf32, #tpu.memory_space<vmem>> -> memref<128x128xf32, #tpu.memory_space<vmem>>
        %dma_start3A_101 = arith.constant 0 : i32
        %dma_start3A_102 = tpu.memref_slice %arg7[%run_scoped3A_96, %add3A_95, %dma_start3A_101] : memref<2x8x128xi32, #tpu.memory_space<vmem>> -> memref<1x1x128xi32, #tpu.memory_space<vmem>>
        %dma_start3A_103 = tpu.memref_squeeze %dma_start3A_102 : memref<1x1x128xi32, #tpu.memory_space<vmem>> -> memref<128xi32, #tpu.memory_space<vmem>>
        %dma_start3A_104 = arith.constant 0 : i32
        %dma_start3A_105 = arith.constant 0 : i32
        %dma_start3A_106 = tpu.memref_slice %arg9[%dma_start3A_104, %dma_start3A_105] : memref<10240x128xf32, #tpu.memory_space<vmem_shared>> -> memref<10240x128xf32, #tpu.memory_space<vmem_shared>>
        tpu.enqueue_indirect_dma source(%dma_start3A_100 : memref<128x128xf32, #tpu.memory_space<vmem>>) target(%dma_start3A_106 : memref<10240x128xf32, #tpu.memory_space<vmem_shared>>) offsets(%dma_start3A_103 : memref<128xi32, #tpu.memory_space<vmem>>) semaphore(%run_scoped3A_97 : memref<!tpu.dma_semaphore, #tpu.memory_space<semaphore_mem>>) {add = true}
        %dma_wait3A_107 = arith.constant 128 : i32
        %dma_wait3A_108 = arith.constant 0 : i32
        %dma_wait3A_109 = tpu.memref_slice %arg8[%dma_wait3A_107, %dma_wait3A_108] : memref<256x128xf32, #tpu.memory_space<vmem>> -> memref<128x128xf32, #tpu.memory_space<vmem>>
        %dma_wait3A_110 = arith.constant 0 : i32
        %dma_wait3A_111 = tpu.memref_slice %arg7[%run_scoped3A_96, %add3A_95, %dma_wait3A_110] : memref<2x8x128xi32, #tpu.memory_space<vmem>> -> memref<1x1x128xi32, #tpu.memory_space<vmem>>
        %dma_wait3A_112 = tpu.memref_squeeze %dma_wait3A_111 : memref<1x1x128xi32, #tpu.memory_space<vmem>> -> memref<128xi32, #tpu.memory_space<vmem>>
        %dma_wait3A_113 = arith.constant 0 : i32
        %dma_wait3A_114 = arith.constant 0 : i32
        %dma_wait3A_115 = tpu.memref_slice %arg9[%dma_wait3A_113, %dma_wait3A_114] : memref<10240x128xf32, #tpu.memory_space<vmem_shared>> -> memref<10240x128xf32, #tpu.memory_space<vmem_shared>>
        tpu.wait_indirect_dma semaphore(%run_scoped3A_97 : memref<!tpu.dma_semaphore, #tpu.memory_space<semaphore_mem>>) src(%dma_wait3A_109 : memref<128x128xf32, #tpu.memory_space<vmem>>) dst(%dma_wait3A_115 : memref<10240x128xf32, #tpu.memory_space<vmem_shared>>)
        tpu.yield
      }) : () -> ()
    }
    %scan3A_30 = arith.constant 4 : i32
    %barrier3A_31 = arith.constant 0 : index
    tpu.barrier barrier_id(%barrier3A_31)
    %mul3A_32 = arith.constant 640 : i32
    %mul3A_33 = arith.muli %arg1, %mul3A_32 : i32
    %add3A_34 = arith.constant 0 : i32
    %add3A_35 = arith.addi %mul3A_33, %add3A_34 : i32
    "tpu.region"() ({
      %run_scoped3A_48 = tpu.sem_alloc : memref<!tpu.dma_semaphore, #tpu.memory_space<semaphore_mem>>
      %dma_start3A = arith.constant 0 : i32
      %dma_start3A_49 = tpu.memref_slice %arg5[%arg0, %add3A_35, %dma_start3A] : memref<2x10240x128xf32, #tpu.memory_space<hbm>> -> memref<1x160x128xf32, #tpu.memory_space<hbm>>
      %dma_start3A_50 = tpu.memref_squeeze %dma_start3A_49 : memref<1x160x128xf32, #tpu.memory_space<hbm>> -> memref<160x128xf32, #tpu.memory_space<hbm>>
      %dma_start3A_51 = arith.constant 0 : i32
      %dma_start3A_52 = tpu.memref_slice %arg9[%add3A_35, %dma_start3A_51] : memref<10240x128xf32, #tpu.memory_space<vmem_shared>> -> memref<160x128xf32, #tpu.memory_space<vmem_shared>>
      tpu.enqueue_dma source(%dma_start3A_52 : memref<160x128xf32, #tpu.memory_space<vmem_shared>>) target(%dma_start3A_50 : memref<160x128xf32, #tpu.memory_space<hbm>>) target_semaphore(%run_scoped3A_48 : memref<!tpu.dma_semaphore, #tpu.memory_space<semaphore_mem>>)
      %dma_wait3A = arith.constant 0 : i32
      %dma_wait3A_53 = tpu.memref_slice %arg5[%arg0, %add3A_35, %dma_wait3A] : memref<2x10240x128xf32, #tpu.memory_space<hbm>> -> memref<1x160x128xf32, #tpu.memory_space<hbm>>
      %dma_wait3A_54 = tpu.memref_squeeze %dma_wait3A_53 : memref<1x160x128xf32, #tpu.memory_space<hbm>> -> memref<160x128xf32, #tpu.memory_space<hbm>>
      %dma_wait3A_55 = arith.constant 0 : i32
      %dma_wait3A_56 = tpu.memref_slice %arg9[%add3A_35, %dma_wait3A_55] : memref<10240x128xf32, #tpu.memory_space<vmem_shared>> -> memref<160x128xf32, #tpu.memory_space<vmem_shared>>
      tpu.wait_dma2 semaphore(%run_scoped3A_48 : memref<!tpu.dma_semaphore, #tpu.memory_space<semaphore_mem>>) src(%dma_wait3A_56 : memref<160x128xf32, #tpu.memory_space<vmem_shared>>) dst(%dma_wait3A_54 : memref<160x128xf32, #tpu.memory_space<hbm>>)
      tpu.yield
    }) : () -> ()
    %mul3A_36 = arith.constant 640 : i32
    %mul3A_37 = arith.muli %arg1, %mul3A_36 : i32
    %add3A_38 = arith.constant 160 : i32
    %add3A_39 = arith.addi %mul3A_37, %add3A_38 : i32
    "tpu.region"() ({
      %run_scoped3A_48 = tpu.sem_alloc : memref<!tpu.dma_semaphore, #tpu.memory_space<semaphore_mem>>
      %dma_start3A = arith.constant 0 : i32
      %dma_start3A_49 = tpu.memref_slice %arg5[%arg0, %add3A_39, %dma_start3A] : memref<2x10240x128xf32, #tpu.memory_space<hbm>> -> memref<1x160x128xf32, #tpu.memory_space<hbm>>
      %dma_start3A_50 = tpu.memref_squeeze %dma_start3A_49 : memref<1x160x128xf32, #tpu.memory_space<hbm>> -> memref<160x128xf32, #tpu.memory_space<hbm>>
      %dma_start3A_51 = arith.constant 0 : i32
      %dma_start3A_52 = tpu.memref_slice %arg9[%add3A_39, %dma_start3A_51] : memref<10240x128xf32, #tpu.memory_space<vmem_shared>> -> memref<160x128xf32, #tpu.memory_space<vmem_shared>>
      tpu.enqueue_dma source(%dma_start3A_52 : memref<160x128xf32, #tpu.memory_space<vmem_shared>>) target(%dma_start3A_50 : memref<160x128xf32, #tpu.memory_space<hbm>>) target_semaphore(%run_scoped3A_48 : memref<!tpu.dma_semaphore, #tpu.memory_space<semaphore_mem>>)
      %dma_wait3A = arith.constant 0 : i32
      %dma_wait3A_53 = tpu.memref_slice %arg5[%arg0, %add3A_39, %dma_wait3A] : memref<2x10240x128xf32, #tpu.memory_space<hbm>> -> memref<1x160x128xf32, #tpu.memory_space<hbm>>
      %dma_wait3A_54 = tpu.memref_squeeze %dma_wait3A_53 : memref<1x160x128xf32, #tpu.memory_space<hbm>> -> memref<160x128xf32, #tpu.memory_space<hbm>>
      %dma_wait3A_55 = arith.constant 0 : i32
      %dma_wait3A_56 = tpu.memref_slice %arg9[%add3A_39, %dma_wait3A_55] : memref<10240x128xf32, #tpu.memory_space<vmem_shared>> -> memref<160x128xf32, #tpu.memory_space<vmem_shared>>
      tpu.wait_dma2 semaphore(%run_scoped3A_48 : memref<!tpu.dma_semaphore, #tpu.memory_space<semaphore_mem>>) src(%dma_wait3A_56 : memref<160x128xf32, #tpu.memory_space<vmem_shared>>) dst(%dma_wait3A_54 : memref<160x128xf32, #tpu.memory_space<hbm>>)
      tpu.yield
    }) : () -> ()
    %mul3A_40 = arith.constant 640 : i32
    %mul3A_41 = arith.muli %arg1, %mul3A_40 : i32
    %add3A_42 = arith.constant 320 : i32
    %add3A_43 = arith.addi %mul3A_41, %add3A_42 : i32
    "tpu.region"() ({
      %run_scoped3A_48 = tpu.sem_alloc : memref<!tpu.dma_semaphore, #tpu.memory_space<semaphore_mem>>
      %dma_start3A = arith.constant 0 : i32
      %dma_start3A_49 = tpu.memref_slice %arg5[%arg0, %add3A_43, %dma_start3A] : memref<2x10240x128xf32, #tpu.memory_space<hbm>> -> memref<1x160x128xf32, #tpu.memory_space<hbm>>
      %dma_start3A_50 = tpu.memref_squeeze %dma_start3A_49 : memref<1x160x128xf32, #tpu.memory_space<hbm>> -> memref<160x128xf32, #tpu.memory_space<hbm>>
      %dma_start3A_51 = arith.constant 0 : i32
      %dma_start3A_52 = tpu.memref_slice %arg9[%add3A_43, %dma_start3A_51] : memref<10240x128xf32, #tpu.memory_space<vmem_shared>> -> memref<160x128xf32, #tpu.memory_space<vmem_shared>>
      tpu.enqueue_dma source(%dma_start3A_52 : memref<160x128xf32, #tpu.memory_space<vmem_shared>>) target(%dma_start3A_50 : memref<160x128xf32, #tpu.memory_space<hbm>>) target_semaphore(%run_scoped3A_48 : memref<!tpu.dma_semaphore, #tpu.memory_space<semaphore_mem>>)
      %dma_wait3A = arith.constant 0 : i32
      %dma_wait3A_53 = tpu.memref_slice %arg5[%arg0, %add3A_43, %dma_wait3A] : memref<2x10240x128xf32, #tpu.memory_space<hbm>> -> memref<1x160x128xf32, #tpu.memory_space<hbm>>
      %dma_wait3A_54 = tpu.memref_squeeze %dma_wait3A_53 : memref<1x160x128xf32, #tpu.memory_space<hbm>> -> memref<160x128xf32, #tpu.memory_space<hbm>>
      %dma_wait3A_55 = arith.constant 0 : i32
      %dma_wait3A_56 = tpu.memref_slice %arg9[%add3A_43, %dma_wait3A_55] : memref<10240x128xf32, #tpu.memory_space<vmem_shared>> -> memref<160x128xf32, #tpu.memory_space<vmem_shared>>
      tpu.wait_dma2 semaphore(%run_scoped3A_48 : memref<!tpu.dma_semaphore, #tpu.memory_space<semaphore_mem>>) src(%dma_wait3A_56 : memref<160x128xf32, #tpu.memory_space<vmem_shared>>) dst(%dma_wait3A_54 : memref<160x128xf32, #tpu.memory_space<hbm>>)
      tpu.yield
    }) : () -> ()
    %mul3A_44 = arith.constant 640 : i32
    %mul3A_45 = arith.muli %arg1, %mul3A_44 : i32
    %add3A_46 = arith.constant 480 : i32
    %add3A_47 = arith.addi %mul3A_45, %add3A_46 : i32
    "tpu.region"() ({
      %run_scoped3A_48 = tpu.sem_alloc : memref<!tpu.dma_semaphore, #tpu.memory_space<semaphore_mem>>
      %dma_start3A = arith.constant 0 : i32
      %dma_start3A_49 = tpu.memref_slice %arg5[%arg0, %add3A_47, %dma_start3A] : memref<2x10240x128xf32, #tpu.memory_space<hbm>> -> memref<1x160x128xf32, #tpu.memory_space<hbm>>
      %dma_start3A_50 = tpu.memref_squeeze %dma_start3A_49 : memref<1x160x128xf32, #tpu.memory_space<hbm>> -> memref<160x128xf32, #tpu.memory_space<hbm>>
      %dma_start3A_51 = arith.constant 0 : i32
      %dma_start3A_52 = tpu.memref_slice %arg9[%add3A_47, %dma_start3A_51] : memref<10240x128xf32, #tpu.memory_space<vmem_shared>> -> memref<160x128xf32, #tpu.memory_space<vmem_shared>>
      tpu.enqueue_dma source(%dma_start3A_52 : memref<160x128xf32, #tpu.memory_space<vmem_shared>>) target(%dma_start3A_50 : memref<160x128xf32, #tpu.memory_space<hbm>>) target_semaphore(%run_scoped3A_48 : memref<!tpu.dma_semaphore, #tpu.memory_space<semaphore_mem>>)
      %dma_wait3A = arith.constant 0 : i32
      %dma_wait3A_53 = tpu.memref_slice %arg5[%arg0, %add3A_47, %dma_wait3A] : memref<2x10240x128xf32, #tpu.memory_space<hbm>> -> memref<1x160x128xf32, #tpu.memory_space<hbm>>
      %dma_wait3A_54 = tpu.memref_squeeze %dma_wait3A_53 : memref<1x160x128xf32, #tpu.memory_space<hbm>> -> memref<160x128xf32, #tpu.memory_space<hbm>>
      %dma_wait3A_55 = arith.constant 0 : i32
      %dma_wait3A_56 = tpu.memref_slice %arg9[%add3A_47, %dma_wait3A_55] : memref<10240x128xf32, #tpu.memory_space<vmem_shared>> -> memref<160x128xf32, #tpu.memory_space<vmem_shared>>
      tpu.wait_dma2 semaphore(%run_scoped3A_48 : memref<!tpu.dma_semaphore, #tpu.memory_space<semaphore_mem>>) src(%dma_wait3A_56 : memref<160x128xf32, #tpu.memory_space<vmem_shared>>) dst(%dma_wait3A_54 : memref<160x128xf32, #tpu.memory_space<hbm>>)
      tpu.yield
    }) : () -> ()
    return
  }
}

#map = affine_map<(d0, d1) -> (0, 0)>
#map1 = affine_map<(d0, d1) -> (0, 0, 0)>
module attributes {stable_mosaic.version = 14 : i64} {
  func.func @_embed_kernel(%arg0: i32, %arg1: i32, %arg2: memref<1000x128xf32, #tpu.memory_space<hbm>>, %arg3: memref<32x4x80xi32, #tpu.memory_space<hbm>>, %arg4: memref<10240x128xf32, #tpu.memory_space<hbm>>, %arg5: memref<4x80xi32, #tpu.memory_space<vmem>>, %arg6: memref<80x128xf32, #tpu.memory_space<vmem>>, %arg7: memref<!tpu.dma_semaphore, #tpu.memory_space<semaphore_mem>>) attributes {dimension_semantics = [#tpu.dimension_semantics<core_parallel>, #tpu.dimension_semantics<subcore_parallel>], iteration_bounds = array<i64: 2, 16>, scalar_prefetch = 0 : i64, scratch_operands = 3 : i64, tpu.core_type = #tpu.core_type<sc_vector_subcore>, window_params = [{transform_indices = #map}, {transform_indices = #map1}, {transform_indices = #map}]} {
    %mul3A = arith.constant 2 : i32
    %mul3A_0 = arith.muli %arg1, %mul3A : i32
    %add3A = arith.addi %mul3A_0, %arg0 : i32
    "tpu.region"() ({
      %run_scoped3A = tpu.sem_alloc : memref<!tpu.dma_semaphore, #tpu.memory_space<semaphore_mem>>
      %dma_start3A = arith.constant 0 : i32
      %dma_start3A_5 = arith.constant 0 : i32
      %dma_start3A_6 = tpu.memref_slice %arg3[%add3A, %dma_start3A, %dma_start3A_5] : memref<32x4x80xi32, #tpu.memory_space<hbm>> -> memref<1x4x80xi32, #tpu.memory_space<hbm>>
      %dma_start3A_7 = tpu.memref_squeeze %dma_start3A_6 : memref<1x4x80xi32, #tpu.memory_space<hbm>> -> memref<4x80xi32, #tpu.memory_space<hbm>>
      %dma_start3A_8 = arith.constant 0 : i32
      %dma_start3A_9 = arith.constant 0 : i32
      %dma_start3A_10 = tpu.memref_slice %arg3[%add3A, %dma_start3A_8, %dma_start3A_9] : memref<32x4x80xi32, #tpu.memory_space<hbm>> -> memref<1x4x80xi32, #tpu.memory_space<hbm>>
      %dma_start3A_11 = tpu.memref_squeeze %dma_start3A_10 : memref<1x4x80xi32, #tpu.memory_space<hbm>> -> memref<4x80xi32, #tpu.memory_space<hbm>>
      tpu.enqueue_dma source(%dma_start3A_11 : memref<4x80xi32, #tpu.memory_space<hbm>>) target(%arg5 : memref<4x80xi32, #tpu.memory_space<vmem>>) target_semaphore(%run_scoped3A : memref<!tpu.dma_semaphore, #tpu.memory_space<semaphore_mem>>)
      %dma_wait3A = arith.constant 0 : i32
      %dma_wait3A_12 = arith.constant 0 : i32
      %dma_wait3A_13 = tpu.memref_slice %arg3[%add3A, %dma_wait3A, %dma_wait3A_12] : memref<32x4x80xi32, #tpu.memory_space<hbm>> -> memref<1x4x80xi32, #tpu.memory_space<hbm>>
      %dma_wait3A_14 = tpu.memref_squeeze %dma_wait3A_13 : memref<1x4x80xi32, #tpu.memory_space<hbm>> -> memref<4x80xi32, #tpu.memory_space<hbm>>
      %dma_wait3A_15 = arith.constant 0 : i32
      %dma_wait3A_16 = arith.constant 0 : i32
      %dma_wait3A_17 = tpu.memref_slice %arg3[%add3A, %dma_wait3A_15, %dma_wait3A_16] : memref<32x4x80xi32, #tpu.memory_space<hbm>> -> memref<1x4x80xi32, #tpu.memory_space<hbm>>
      %dma_wait3A_18 = tpu.memref_squeeze %dma_wait3A_17 : memref<1x4x80xi32, #tpu.memory_space<hbm>> -> memref<4x80xi32, #tpu.memory_space<hbm>>
      tpu.wait_dma2 semaphore(%run_scoped3A : memref<!tpu.dma_semaphore, #tpu.memory_space<semaphore_mem>>) src(%dma_wait3A_18 : memref<4x80xi32, #tpu.memory_space<hbm>>) dst(%arg5 : memref<4x80xi32, #tpu.memory_space<vmem>>)
      tpu.yield
    }) : () -> ()
    %scan3A = arith.constant 0 : i32
    %scan3A_1 = arith.constant 4 : i32
    %scan3A_2 = arith.addi %scan3A, %scan3A_1 : i32
    %scan3A_3 = arith.constant 1 : i32
    scf.for %scan3A_5 = %scan3A to %scan3A_2 step %scan3A_3  : i32 {
      %mul3A_6 = arith.constant 1 : i32
      %mul3A_7 = arith.muli %scan3A_5, %mul3A_6 : i32
      %add3A_8 = arith.constant 0 : i32
      %add3A_9 = arith.addi %add3A_8, %mul3A_7 : i32
      %dma_start3A = arith.constant 0 : i32
      %dma_start3A_10 = tpu.memref_slice %arg5[%add3A_9, %dma_start3A] : memref<4x80xi32, #tpu.memory_space<vmem>> -> memref<1x80xi32, #tpu.memory_space<vmem>>
      %dma_start3A_11 = tpu.memref_squeeze %dma_start3A_10 : memref<1x80xi32, #tpu.memory_space<vmem>> -> memref<80xi32, #tpu.memory_space<vmem>>
      %dma_start3A_12 = arith.constant 0 : i32
      %dma_start3A_13 = arith.constant 0 : i32
      %dma_start3A_14 = tpu.memref_slice %arg2[%dma_start3A_12, %dma_start3A_13] : memref<1000x128xf32, #tpu.memory_space<hbm>> -> memref<1000x128xf32, #tpu.memory_space<hbm>>
      tpu.enqueue_indirect_dma source(%dma_start3A_14 : memref<1000x128xf32, #tpu.memory_space<hbm>>) target(%arg6 : memref<80x128xf32, #tpu.memory_space<vmem>>) offsets(%dma_start3A_11 : memref<80xi32, #tpu.memory_space<vmem>>) semaphore(%arg7 : memref<!tpu.dma_semaphore, #tpu.memory_space<semaphore_mem>>)
      %dma_wait3A = arith.constant 0 : i32
      %dma_wait3A_15 = tpu.memref_slice %arg5[%add3A_9, %dma_wait3A] : memref<4x80xi32, #tpu.memory_space<vmem>> -> memref<1x80xi32, #tpu.memory_space<vmem>>
      %dma_wait3A_16 = tpu.memref_squeeze %dma_wait3A_15 : memref<1x80xi32, #tpu.memory_space<vmem>> -> memref<80xi32, #tpu.memory_space<vmem>>
      %dma_wait3A_17 = arith.constant 0 : i32
      %dma_wait3A_18 = arith.constant 0 : i32
      %dma_wait3A_19 = tpu.memref_slice %arg2[%dma_wait3A_17, %dma_wait3A_18] : memref<1000x128xf32, #tpu.memory_space<hbm>> -> memref<1000x128xf32, #tpu.memory_space<hbm>>
      tpu.wait_indirect_dma semaphore(%arg7 : memref<!tpu.dma_semaphore, #tpu.memory_space<semaphore_mem>>) src(%dma_wait3A_19 : memref<1000x128xf32, #tpu.memory_space<hbm>>) dst(%arg6 : memref<80x128xf32, #tpu.memory_space<vmem>>)
      %mul3A_20 = arith.constant 320 : i32
      %mul3A_21 = arith.muli %add3A, %mul3A_20 : i32
      %mul3A_22 = arith.constant 80 : i32
      %mul3A_23 = arith.muli %add3A_9, %mul3A_22 : i32
      %add3A_24 = arith.addi %mul3A_21, %mul3A_23 : i32
      "tpu.region"() ({
        %run_scoped3A = tpu.sem_alloc : memref<!tpu.dma_semaphore, #tpu.memory_space<semaphore_mem>>
        %dma_start3A_25 = arith.constant 0 : i32
        %dma_start3A_26 = tpu.memref_slice %arg4[%add3A_24, %dma_start3A_25] : memref<10240x128xf32, #tpu.memory_space<hbm>> -> memref<80x128xf32, #tpu.memory_space<hbm>>
        %dma_start3A_27 = arith.constant 0 : i32
        %dma_start3A_28 = tpu.memref_slice %arg4[%add3A_24, %dma_start3A_27] : memref<10240x128xf32, #tpu.memory_space<hbm>> -> memref<80x128xf32, #tpu.memory_space<hbm>>
        tpu.enqueue_dma source(%arg6 : memref<80x128xf32, #tpu.memory_space<vmem>>) target(%dma_start3A_28 : memref<80x128xf32, #tpu.memory_space<hbm>>) target_semaphore(%run_scoped3A : memref<!tpu.dma_semaphore, #tpu.memory_space<semaphore_mem>>)
        %dma_wait3A_29 = arith.constant 0 : i32
        %dma_wait3A_30 = tpu.memref_slice %arg4[%add3A_24, %dma_wait3A_29] : memref<10240x128xf32, #tpu.memory_space<hbm>> -> memref<80x128xf32, #tpu.memory_space<hbm>>
        %dma_wait3A_31 = arith.constant 0 : i32
        %dma_wait3A_32 = tpu.memref_slice %arg4[%add3A_24, %dma_wait3A_31] : memref<10240x128xf32, #tpu.memory_space<hbm>> -> memref<80x128xf32, #tpu.memory_space<hbm>>
        tpu.wait_dma2 semaphore(%run_scoped3A : memref<!tpu.dma_semaphore, #tpu.memory_space<semaphore_mem>>) src(%arg6 : memref<80x128xf32, #tpu.memory_space<vmem>>) dst(%dma_wait3A_32 : memref<80x128xf32, #tpu.memory_space<hbm>>)
        tpu.yield
      }) : () -> ()
    }
    %scan3A_4 = arith.constant 4 : i32
    return
  }
}

#map = affine_map<(d0, d1) -> (0, 0)>
#map1 = affine_map<(d0, d1) -> (0, 0, 0, 0)>
#map2 = affine_map<(d0, d1) -> (0, 0, 0)>
module attributes {stable_mosaic.version = 14 : i64} {
  func.func @_edge_kernel(%arg0: i32, %arg1: i32, %arg2: memref<163840x128xf32, #tpu.memory_space<hbm>>, %arg3: memref<32x10x8x128xi32, #tpu.memory_space<hbm>>, %arg4: memref<32x10x8x128xi32, #tpu.memory_space<hbm>>, %arg5: memref<2x10240x128xf32, #tpu.memory_space<hbm>>, %arg6: memref<2x8x128xi32, #tpu.memory_space<vmem>>, %arg7: memref<2x8x128xi32, #tpu.memory_space<vmem>>, %arg8: memref<256x128xf32, #tpu.memory_space<vmem>>, %arg9: memref<10240x128xf32, #tpu.memory_space<vmem_shared>>, %arg10: memref<!tpu.dma_semaphore, #tpu.memory_space<semaphore_mem>>, %arg11: memref<!tpu.dma_semaphore, #tpu.memory_space<semaphore_mem>>, %arg12: memref<!tpu.dma_semaphore, #tpu.memory_space<semaphore_mem>>, %arg13: memref<!tpu.dma_semaphore, #tpu.memory_space<semaphore_mem>>) attributes {dimension_semantics = [#tpu.dimension_semantics<core_parallel>, #tpu.dimension_semantics<subcore_parallel>], iteration_bounds = array<i64: 2, 16>, scalar_prefetch = 0 : i64, scratch_operands = 8 : i64, tpu.core_type = #tpu.core_type<sc_vector_subcore>, window_params = [{transform_indices = #map}, {transform_indices = #map1}, {transform_indices = #map1}, {transform_indices = #map2}]} {
    %mul3A = arith.constant 2 : i32
    %mul3A_0 = arith.muli %arg1, %mul3A : i32
    %add3A = arith.addi %mul3A_0, %arg0 : i32
    %broadcast_in_dim3A = arith.constant 0.000000e+00 : f32
    %broadcast_in_dim3A_1 = vector.broadcast %broadcast_in_dim3A : f32 to vector<16xf32>
    %scan3A = arith.constant 0 : i32
    %scan3A_2 = arith.constant 256 : i32
    %scan3A_3 = arith.addi %scan3A, %scan3A_2 : i32
    %scan3A_4 = arith.constant 1 : i32
    scf.for %scan3A_48 = %scan3A to %scan3A_3 step %scan3A_4  : i32 {
      %mul3A_49 = arith.constant 1 : i32
      %mul3A_50 = arith.muli %scan3A_48, %mul3A_49 : i32
      %add3A_51 = arith.constant 0 : i32
      %add3A_52 = arith.addi %add3A_51, %mul3A_50 : i32
      %swap3A = arith.index_cast %add3A_52 : i32 to index
      %swap3A_53 = arith.constant 0 : index
      %swap3A_54 = tpu.vector_load %arg8[%swap3A, %swap3A_53] {strides = array<i32>} : memref<256x128xf32, #tpu.memory_space<vmem>>, vector<1x16xf32>,
      %swap3A_55 = vector.shape_cast %swap3A_54 : vector<1x16xf32> to vector<16xf32>
      %swap3A_56 = vector.shape_cast %broadcast_in_dim3A_1 : vector<16xf32> to vector<1x16xf32>
      tpu.vector_store %arg8[%swap3A, %swap3A_53], %swap3A_56 {strides = array<i32>} : memref<256x128xf32, #tpu.memory_space<vmem>>, vector<1x16xf32>,
      %swap3A_57 = arith.index_cast %add3A_52 : i32 to index
      %swap3A_58 = arith.constant 16 : index
      %swap3A_59 = tpu.vector_load %arg8[%swap3A_57, %swap3A_58] {strides = array<i32>} : memref<256x128xf32, #tpu.memory_space<vmem>>, vector<1x16xf32>,
      %swap3A_60 = vector.shape_cast %swap3A_59 : vector<1x16xf32> to vector<16xf32>
      %swap3A_61 = vector.shape_cast %broadcast_in_dim3A_1 : vector<16xf32> to vector<1x16xf32>
      tpu.vector_store %arg8[%swap3A_57, %swap3A_58], %swap3A_61 {strides = array<i32>} : memref<256x128xf32, #tpu.memory_space<vmem>>, vector<1x16xf32>,
      %swap3A_62 = arith.index_cast %add3A_52 : i32 to index
      %swap3A_63 = arith.constant 32 : index
      %swap3A_64 = tpu.vector_load %arg8[%swap3A_62, %swap3A_63] {strides = array<i32>} : memref<256x128xf32, #tpu.memory_space<vmem>>, vector<1x16xf32>,
      %swap3A_65 = vector.shape_cast %swap3A_64 : vector<1x16xf32> to vector<16xf32>
      %swap3A_66 = vector.shape_cast %broadcast_in_dim3A_1 : vector<16xf32> to vector<1x16xf32>
      tpu.vector_store %arg8[%swap3A_62, %swap3A_63], %swap3A_66 {strides = array<i32>} : memref<256x128xf32, #tpu.memory_space<vmem>>, vector<1x16xf32>,
      %swap3A_67 = arith.index_cast %add3A_52 : i32 to index
      %swap3A_68 = arith.constant 48 : index
      %swap3A_69 = tpu.vector_load %arg8[%swap3A_67, %swap3A_68] {strides = array<i32>} : memref<256x128xf32, #tpu.memory_space<vmem>>, vector<1x16xf32>,
      %swap3A_70 = vector.shape_cast %swap3A_69 : vector<1x16xf32> to vector<16xf32>
      %swap3A_71 = vector.shape_cast %broadcast_in_dim3A_1 : vector<16xf32> to vector<1x16xf32>
      tpu.vector_store %arg8[%swap3A_67, %swap3A_68], %swap3A_71 {strides = array<i32>} : memref<256x128xf32, #tpu.memory_space<vmem>>, vector<1x16xf32>,
      %swap3A_72 = arith.index_cast %add3A_52 : i32 to index
      %swap3A_73 = arith.constant 64 : index
      %swap3A_74 = tpu.vector_load %arg8[%swap3A_72, %swap3A_73] {strides = array<i32>} : memref<256x128xf32, #tpu.memory_space<vmem>>, vector<1x16xf32>,
      %swap3A_75 = vector.shape_cast %swap3A_74 : vector<1x16xf32> to vector<16xf32>
      %swap3A_76 = vector.shape_cast %broadcast_in_dim3A_1 : vector<16xf32> to vector<1x16xf32>
      tpu.vector_store %arg8[%swap3A_72, %swap3A_73], %swap3A_76 {strides = array<i32>} : memref<256x128xf32, #tpu.memory_space<vmem>>, vector<1x16xf32>,
      %swap3A_77 = arith.index_cast %add3A_52 : i32 to index
      %swap3A_78 = arith.constant 80 : index
      %swap3A_79 = tpu.vector_load %arg8[%swap3A_77, %swap3A_78] {strides = array<i32>} : memref<256x128xf32, #tpu.memory_space<vmem>>, vector<1x16xf32>,
      %swap3A_80 = vector.shape_cast %swap3A_79 : vector<1x16xf32> to vector<16xf32>
      %swap3A_81 = vector.shape_cast %broadcast_in_dim3A_1 : vector<16xf32> to vector<1x16xf32>
      tpu.vector_store %arg8[%swap3A_77, %swap3A_78], %swap3A_81 {strides = array<i32>} : memref<256x128xf32, #tpu.memory_space<vmem>>, vector<1x16xf32>,
      %swap3A_82 = arith.index_cast %add3A_52 : i32 to index
      %swap3A_83 = arith.constant 96 : index
      %swap3A_84 = tpu.vector_load %arg8[%swap3A_82, %swap3A_83] {strides = array<i32>} : memref<256x128xf32, #tpu.memory_space<vmem>>, vector<1x16xf32>,
      %swap3A_85 = vector.shape_cast %swap3A_84 : vector<1x16xf32> to vector<16xf32>
      %swap3A_86 = vector.shape_cast %broadcast_in_dim3A_1 : vector<16xf32> to vector<1x16xf32>
      tpu.vector_store %arg8[%swap3A_82, %swap3A_83], %swap3A_86 {strides = array<i32>} : memref<256x128xf32, #tpu.memory_space<vmem>>, vector<1x16xf32>,
      %swap3A_87 = arith.index_cast %add3A_52 : i32 to index
      %swap3A_88 = arith.constant 112 : index
      %swap3A_89 = tpu.vector_load %arg8[%swap3A_87, %swap3A_88] {strides = array<i32>} : memref<256x128xf32, #tpu.memory_space<vmem>>, vector<1x16xf32>,
      %swap3A_90 = vector.shape_cast %swap3A_89 : vector<1x16xf32> to vector<16xf32>
      %swap3A_91 = vector.shape_cast %broadcast_in_dim3A_1 : vector<16xf32> to vector<1x16xf32>
      tpu.vector_store %arg8[%swap3A_87, %swap3A_88], %swap3A_91 {strides = array<i32>} : memref<256x128xf32, #tpu.memory_space<vmem>>, vector<1x16xf32>,
    }
    %scan3A_5 = arith.constant 256 : i32
    %mul3A_6 = arith.constant 640 : i32
    %mul3A_7 = arith.muli %arg1, %mul3A_6 : i32
    %add3A_8 = arith.constant 0 : i32
    %add3A_9 = arith.addi %mul3A_7, %add3A_8 : i32
    "tpu.region"() ({
      %run_scoped3A_48 = tpu.sem_alloc : memref<!tpu.dma_semaphore, #tpu.memory_space<semaphore_mem>>
      %dma_start3A = arith.constant 0 : i32
      %dma_start3A_49 = tpu.memref_slice %arg9[%add3A_9, %dma_start3A] : memref<10240x128xf32, #tpu.memory_space<vmem_shared>> -> memref<256x128xf32, #tpu.memory_space<vmem_shared>>
      %dma_start3A_50 = arith.constant 0 : i32
      %dma_start3A_51 = tpu.memref_slice %arg9[%add3A_9, %dma_start3A_50] : memref<10240x128xf32, #tpu.memory_space<vmem_shared>> -> memref<256x128xf32, #tpu.memory_space<vmem_shared>>
      tpu.enqueue_dma source(%arg8 : memref<256x128xf32, #tpu.memory_space<vmem>>) target(%dma_start3A_51 : memref<256x128xf32, #tpu.memory_space<vmem_shared>>) target_semaphore(%run_scoped3A_48 : memref<!tpu.dma_semaphore, #tpu.memory_space<semaphore_mem>>)
      %dma_wait3A = arith.constant 0 : i32
      %dma_wait3A_52 = tpu.memref_slice %arg9[%add3A_9, %dma_wait3A] : memref<10240x128xf32, #tpu.memory_space<vmem_shared>> -> memref<256x128xf32, #tpu.memory_space<vmem_shared>>
      %dma_wait3A_53 = arith.constant 0 : i32
      %dma_wait3A_54 = tpu.memref_slice %arg9[%add3A_9, %dma_wait3A_53] : memref<10240x128xf32, #tpu.memory_space<vmem_shared>> -> memref<256x128xf32, #tpu.memory_space<vmem_shared>>
      tpu.wait_dma2 semaphore(%run_scoped3A_48 : memref<!tpu.dma_semaphore, #tpu.memory_space<semaphore_mem>>) src(%arg8 : memref<256x128xf32, #tpu.memory_space<vmem>>) dst(%dma_wait3A_54 : memref<256x128xf32, #tpu.memory_space<vmem_shared>>)
      tpu.yield
    }) : () -> ()
    %mul3A_10 = arith.constant 640 : i32
    %mul3A_11 = arith.muli %arg1, %mul3A_10 : i32
    %add3A_12 = arith.constant 256 : i32
    %add3A_13 = arith.addi %mul3A_11, %add3A_12 : i32
    "tpu.region"() ({
      %run_scoped3A_48 = tpu.sem_alloc : memref<!tpu.dma_semaphore, #tpu.memory_space<semaphore_mem>>
      %dma_start3A = arith.constant 0 : i32
      %dma_start3A_49 = tpu.memref_slice %arg9[%add3A_13, %dma_start3A] : memref<10240x128xf32, #tpu.memory_space<vmem_shared>> -> memref<256x128xf32, #tpu.memory_space<vmem_shared>>
      %dma_start3A_50 = arith.constant 0 : i32
      %dma_start3A_51 = tpu.memref_slice %arg9[%add3A_13, %dma_start3A_50] : memref<10240x128xf32, #tpu.memory_space<vmem_shared>> -> memref<256x128xf32, #tpu.memory_space<vmem_shared>>
      tpu.enqueue_dma source(%arg8 : memref<256x128xf32, #tpu.memory_space<vmem>>) target(%dma_start3A_51 : memref<256x128xf32, #tpu.memory_space<vmem_shared>>) target_semaphore(%run_scoped3A_48 : memref<!tpu.dma_semaphore, #tpu.memory_space<semaphore_mem>>)
      %dma_wait3A = arith.constant 0 : i32
      %dma_wait3A_52 = tpu.memref_slice %arg9[%add3A_13, %dma_wait3A] : memref<10240x128xf32, #tpu.memory_space<vmem_shared>> -> memref<256x128xf32, #tpu.memory_space<vmem_shared>>
      %dma_wait3A_53 = arith.constant 0 : i32
      %dma_wait3A_54 = tpu.memref_slice %arg9[%add3A_13, %dma_wait3A_53] : memref<10240x128xf32, #tpu.memory_space<vmem_shared>> -> memref<256x128xf32, #tpu.memory_space<vmem_shared>>
      tpu.wait_dma2 semaphore(%run_scoped3A_48 : memref<!tpu.dma_semaphore, #tpu.memory_space<semaphore_mem>>) src(%arg8 : memref<256x128xf32, #tpu.memory_space<vmem>>) dst(%dma_wait3A_54 : memref<256x128xf32, #tpu.memory_space<vmem_shared>>)
      tpu.yield
    }) : () -> ()
    %mul3A_14 = arith.constant 640 : i32
    %mul3A_15 = arith.muli %arg1, %mul3A_14 : i32
    %add3A_16 = arith.constant 512 : i32
    %add3A_17 = arith.addi %mul3A_15, %add3A_16 : i32
    "tpu.region"() ({
      %run_scoped3A_48 = tpu.sem_alloc : memref<!tpu.dma_semaphore, #tpu.memory_space<semaphore_mem>>
      %dma_start3A = arith.constant 0 : i32
      %dma_start3A_49 = arith.constant 0 : i32
      %dma_start3A_50 = tpu.memref_slice %arg8[%dma_start3A, %dma_start3A_49] : memref<256x128xf32, #tpu.memory_space<vmem>> -> memref<128x128xf32, #tpu.memory_space<vmem>>
      %dma_start3A_51 = arith.constant 0 : i32
      %dma_start3A_52 = tpu.memref_slice %arg9[%add3A_17, %dma_start3A_51] : memref<10240x128xf32, #tpu.memory_space<vmem_shared>> -> memref<128x128xf32, #tpu.memory_space<vmem_shared>>
      %dma_start3A_53 = arith.constant 0 : i32
      %dma_start3A_54 = tpu.memref_slice %arg9[%add3A_17, %dma_start3A_53] : memref<10240x128xf32, #tpu.memory_space<vmem_shared>> -> memref<128x128xf32, #tpu.memory_space<vmem_shared>>
      %dma_start3A_55 = arith.constant 0 : i32
      %dma_start3A_56 = arith.constant 0 : i32
      %dma_start3A_57 = tpu.memref_slice %arg8[%dma_start3A_55, %dma_start3A_56] : memref<256x128xf32, #tpu.memory_space<vmem>> -> memref<128x128xf32, #tpu.memory_space<vmem>>
      tpu.enqueue_dma source(%dma_start3A_57 : memref<128x128xf32, #tpu.memory_space<vmem>>) target(%dma_start3A_54 : memref<128x128xf32, #tpu.memory_space<vmem_shared>>) target_semaphore(%run_scoped3A_48 : memref<!tpu.dma_semaphore, #tpu.memory_space<semaphore_mem>>)
      %dma_wait3A = arith.constant 0 : i32
      %dma_wait3A_58 = arith.constant 0 : i32
      %dma_wait3A_59 = tpu.memref_slice %arg8[%dma_wait3A, %dma_wait3A_58] : memref<256x128xf32, #tpu.memory_space<vmem>> -> memref<128x128xf32, #tpu.memory_space<vmem>>
      %dma_wait3A_60 = arith.constant 0 : i32
      %dma_wait3A_61 = tpu.memref_slice %arg9[%add3A_17, %dma_wait3A_60] : memref<10240x128xf32, #tpu.memory_space<vmem_shared>> -> memref<128x128xf32, #tpu.memory_space<vmem_shared>>
      %dma_wait3A_62 = arith.constant 0 : i32
      %dma_wait3A_63 = tpu.memref_slice %arg9[%add3A_17, %dma_wait3A_62] : memref<10240x128xf32, #tpu.memory_space<vmem_shared>> -> memref<128x128xf32, #tpu.memory_space<vmem_shared>>
      %dma_wait3A_64 = arith.constant 0 : i32
      %dma_wait3A_65 = arith.constant 0 : i32
      %dma_wait3A_66 = tpu.memref_slice %arg8[%dma_wait3A_64, %dma_wait3A_65] : memref<256x128xf32, #tpu.memory_space<vmem>> -> memref<128x128xf32, #tpu.memory_space<vmem>>
      tpu.wait_dma2 semaphore(%run_scoped3A_48 : memref<!tpu.dma_semaphore, #tpu.memory_space<semaphore_mem>>) src(%dma_wait3A_66 : memref<128x128xf32, #tpu.memory_space<vmem>>) dst(%dma_wait3A_63 : memref<128x128xf32, #tpu.memory_space<vmem_shared>>)
      tpu.yield
    }) : () -> ()
    %run_scoped3A = arith.constant 0 : i32
    %run_scoped3A_18 = arith.constant 0 : i32
    "tpu.region"() ({
      %run_scoped3A_48 = tpu.sem_alloc : memref<!tpu.dma_semaphore, #tpu.memory_space<semaphore_mem>>
      %dma_start3A = arith.constant 0 : i32
      %dma_start3A_49 = arith.constant 0 : i32
      %dma_start3A_50 = tpu.memref_slice %arg6[%run_scoped3A_18, %dma_start3A, %dma_start3A_49] : memref<2x8x128xi32, #tpu.memory_space<vmem>> -> memref<1x8x128xi32, #tpu.memory_space<vmem>>
      %dma_start3A_51 = tpu.memref_squeeze %dma_start3A_50 : memref<1x8x128xi32, #tpu.memory_space<vmem>> -> memref<8x128xi32, #tpu.memory_space<vmem>>
      %dma_start3A_52 = arith.constant 0 : i32
      %dma_start3A_53 = arith.constant 0 : i32
      %dma_start3A_54 = tpu.memref_slice %arg3[%add3A, %run_scoped3A, %dma_start3A_52, %dma_start3A_53] : memref<32x10x8x128xi32, #tpu.memory_space<hbm>> -> memref<1x1x8x128xi32, #tpu.memory_space<hbm>>
      %dma_start3A_55 = tpu.memref_squeeze %dma_start3A_54 : memref<1x1x8x128xi32, #tpu.memory_space<hbm>> -> memref<8x128xi32, #tpu.memory_space<hbm>>
      %dma_start3A_56 = arith.constant 0 : i32
      %dma_start3A_57 = arith.constant 0 : i32
      %dma_start3A_58 = tpu.memref_slice %arg6[%run_scoped3A_18, %dma_start3A_56, %dma_start3A_57] : memref<2x8x128xi32, #tpu.memory_space<vmem>> -> memref<1x8x128xi32, #tpu.memory_space<vmem>>
      %dma_start3A_59 = tpu.memref_squeeze %dma_start3A_58 : memref<1x8x128xi32, #tpu.memory_space<vmem>> -> memref<8x128xi32, #tpu.memory_space<vmem>>
      %dma_start3A_60 = arith.constant 0 : i32
      %dma_start3A_61 = arith.constant 0 : i32
      %dma_start3A_62 = tpu.memref_slice %arg3[%add3A, %run_scoped3A, %dma_start3A_60, %dma_start3A_61] : memref<32x10x8x128xi32, #tpu.memory_space<hbm>> -> memref<1x1x8x128xi32, #tpu.memory_space<hbm>>
      %dma_start3A_63 = tpu.memref_squeeze %dma_start3A_62 : memref<1x1x8x128xi32, #tpu.memory_space<hbm>> -> memref<8x128xi32, #tpu.memory_space<hbm>>
      tpu.enqueue_dma source(%dma_start3A_63 : memref<8x128xi32, #tpu.memory_space<hbm>>) target(%dma_start3A_59 : memref<8x128xi32, #tpu.memory_space<vmem>>) target_semaphore(%run_scoped3A_48 : memref<!tpu.dma_semaphore, #tpu.memory_space<semaphore_mem>>)
      %dma_wait3A = arith.constant 0 : i32
      %dma_wait3A_64 = arith.constant 0 : i32
      %dma_wait3A_65 = tpu.memref_slice %arg6[%run_scoped3A_18, %dma_wait3A, %dma_wait3A_64] : memref<2x8x128xi32, #tpu.memory_space<vmem>> -> memref<1x8x128xi32, #tpu.memory_space<vmem>>
      %dma_wait3A_66 = tpu.memref_squeeze %dma_wait3A_65 : memref<1x8x128xi32, #tpu.memory_space<vmem>> -> memref<8x128xi32, #tpu.memory_space<vmem>>
      %dma_wait3A_67 = arith.constant 0 : i32
      %dma_wait3A_68 = arith.constant 0 : i32
      %dma_wait3A_69 = tpu.memref_slice %arg3[%add3A, %run_scoped3A, %dma_wait3A_67, %dma_wait3A_68] : memref<32x10x8x128xi32, #tpu.memory_space<hbm>> -> memref<1x1x8x128xi32, #tpu.memory_space<hbm>>
      %dma_wait3A_70 = tpu.memref_squeeze %dma_wait3A_69 : memref<1x1x8x128xi32, #tpu.memory_space<hbm>> -> memref<8x128xi32, #tpu.memory_space<hbm>>
      %dma_wait3A_71 = arith.constant 0 : i32
      %dma_wait3A_72 = arith.constant 0 : i32
      %dma_wait3A_73 = tpu.memref_slice %arg6[%run_scoped3A_18, %dma_wait3A_71, %dma_wait3A_72] : memref<2x8x128xi32, #tpu.memory_space<vmem>> -> memref<1x8x128xi32, #tpu.memory_space<vmem>>
      %dma_wait3A_74 = tpu.memref_squeeze %dma_wait3A_73 : memref<1x8x128xi32, #tpu.memory_space<vmem>> -> memref<8x128xi32, #tpu.memory_space<vmem>>
      %dma_wait3A_75 = arith.constant 0 : i32
      %dma_wait3A_76 = arith.constant 0 : i32
      %dma_wait3A_77 = tpu.memref_slice %arg3[%add3A, %run_scoped3A, %dma_wait3A_75, %dma_wait3A_76] : memref<32x10x8x128xi32, #tpu.memory_space<hbm>> -> memref<1x1x8x128xi32, #tpu.memory_space<hbm>>
      %dma_wait3A_78 = tpu.memref_squeeze %dma_wait3A_77 : memref<1x1x8x128xi32, #tpu.memory_space<hbm>> -> memref<8x128xi32, #tpu.memory_space<hbm>>
      tpu.wait_dma2 semaphore(%run_scoped3A_48 : memref<!tpu.dma_semaphore, #tpu.memory_space<semaphore_mem>>) src(%dma_wait3A_78 : memref<8x128xi32, #tpu.memory_space<hbm>>) dst(%dma_wait3A_74 : memref<8x128xi32, #tpu.memory_space<vmem>>)
      tpu.yield
    }) : () -> ()
    %run_scoped3A_19 = arith.constant 0 : i32
    %run_scoped3A_20 = arith.constant 0 : i32
    "tpu.region"() ({
      %run_scoped3A_48 = tpu.sem_alloc : memref<!tpu.dma_semaphore, #tpu.memory_space<semaphore_mem>>
      %dma_start3A = arith.constant 0 : i32
      %dma_start3A_49 = arith.constant 0 : i32
      %dma_start3A_50 = tpu.memref_slice %arg7[%run_scoped3A_20, %dma_start3A, %dma_start3A_49] : memref<2x8x128xi32, #tpu.memory_space<vmem>> -> memref<1x8x128xi32, #tpu.memory_space<vmem>>
      %dma_start3A_51 = tpu.memref_squeeze %dma_start3A_50 : memref<1x8x128xi32, #tpu.memory_space<vmem>> -> memref<8x128xi32, #tpu.memory_space<vmem>>
      %dma_start3A_52 = arith.constant 0 : i32
      %dma_start3A_53 = arith.constant 0 : i32
      %dma_start3A_54 = tpu.memref_slice %arg4[%add3A, %run_scoped3A_19, %dma_start3A_52, %dma_start3A_53] : memref<32x10x8x128xi32, #tpu.memory_space<hbm>> -> memref<1x1x8x128xi32, #tpu.memory_space<hbm>>
      %dma_start3A_55 = tpu.memref_squeeze %dma_start3A_54 : memref<1x1x8x128xi32, #tpu.memory_space<hbm>> -> memref<8x128xi32, #tpu.memory_space<hbm>>
      %dma_start3A_56 = arith.constant 0 : i32
      %dma_start3A_57 = arith.constant 0 : i32
      %dma_start3A_58 = tpu.memref_slice %arg7[%run_scoped3A_20, %dma_start3A_56, %dma_start3A_57] : memref<2x8x128xi32, #tpu.memory_space<vmem>> -> memref<1x8x128xi32, #tpu.memory_space<vmem>>
      %dma_start3A_59 = tpu.memref_squeeze %dma_start3A_58 : memref<1x8x128xi32, #tpu.memory_space<vmem>> -> memref<8x128xi32, #tpu.memory_space<vmem>>
      %dma_start3A_60 = arith.constant 0 : i32
      %dma_start3A_61 = arith.constant 0 : i32
      %dma_start3A_62 = tpu.memref_slice %arg4[%add3A, %run_scoped3A_19, %dma_start3A_60, %dma_start3A_61] : memref<32x10x8x128xi32, #tpu.memory_space<hbm>> -> memref<1x1x8x128xi32, #tpu.memory_space<hbm>>
      %dma_start3A_63 = tpu.memref_squeeze %dma_start3A_62 : memref<1x1x8x128xi32, #tpu.memory_space<hbm>> -> memref<8x128xi32, #tpu.memory_space<hbm>>
      tpu.enqueue_dma source(%dma_start3A_63 : memref<8x128xi32, #tpu.memory_space<hbm>>) target(%dma_start3A_59 : memref<8x128xi32, #tpu.memory_space<vmem>>) target_semaphore(%run_scoped3A_48 : memref<!tpu.dma_semaphore, #tpu.memory_space<semaphore_mem>>)
      %dma_wait3A = arith.constant 0 : i32
      %dma_wait3A_64 = arith.constant 0 : i32
      %dma_wait3A_65 = tpu.memref_slice %arg7[%run_scoped3A_20, %dma_wait3A, %dma_wait3A_64] : memref<2x8x128xi32, #tpu.memory_space<vmem>> -> memref<1x8x128xi32, #tpu.memory_space<vmem>>
      %dma_wait3A_66 = tpu.memref_squeeze %dma_wait3A_65 : memref<1x8x128xi32, #tpu.memory_space<vmem>> -> memref<8x128xi32, #tpu.memory_space<vmem>>
      %dma_wait3A_67 = arith.constant 0 : i32
      %dma_wait3A_68 = arith.constant 0 : i32
      %dma_wait3A_69 = tpu.memref_slice %arg4[%add3A, %run_scoped3A_19, %dma_wait3A_67, %dma_wait3A_68] : memref<32x10x8x128xi32, #tpu.memory_space<hbm>> -> memref<1x1x8x128xi32, #tpu.memory_space<hbm>>
      %dma_wait3A_70 = tpu.memref_squeeze %dma_wait3A_69 : memref<1x1x8x128xi32, #tpu.memory_space<hbm>> -> memref<8x128xi32, #tpu.memory_space<hbm>>
      %dma_wait3A_71 = arith.constant 0 : i32
      %dma_wait3A_72 = arith.constant 0 : i32
      %dma_wait3A_73 = tpu.memref_slice %arg7[%run_scoped3A_20, %dma_wait3A_71, %dma_wait3A_72] : memref<2x8x128xi32, #tpu.memory_space<vmem>> -> memref<1x8x128xi32, #tpu.memory_space<vmem>>
      %dma_wait3A_74 = tpu.memref_squeeze %dma_wait3A_73 : memref<1x8x128xi32, #tpu.memory_space<vmem>> -> memref<8x128xi32, #tpu.memory_space<vmem>>
      %dma_wait3A_75 = arith.constant 0 : i32
      %dma_wait3A_76 = arith.constant 0 : i32
      %dma_wait3A_77 = tpu.memref_slice %arg4[%add3A, %run_scoped3A_19, %dma_wait3A_75, %dma_wait3A_76] : memref<32x10x8x128xi32, #tpu.memory_space<hbm>> -> memref<1x1x8x128xi32, #tpu.memory_space<hbm>>
      %dma_wait3A_78 = tpu.memref_squeeze %dma_wait3A_77 : memref<1x1x8x128xi32, #tpu.memory_space<hbm>> -> memref<8x128xi32, #tpu.memory_space<hbm>>
      tpu.wait_dma2 semaphore(%run_scoped3A_48 : memref<!tpu.dma_semaphore, #tpu.memory_space<semaphore_mem>>) src(%dma_wait3A_78 : memref<8x128xi32, #tpu.memory_space<hbm>>) dst(%dma_wait3A_74 : memref<8x128xi32, #tpu.memory_space<vmem>>)
      tpu.yield
    }) : () -> ()
    %barrier3A = arith.constant 0 : index
    tpu.barrier barrier_id(%barrier3A)
    %scan3A_21 = arith.constant 0 : i32
    %scan3A_22 = arith.constant 9 : i32
    %scan3A_23 = arith.addi %scan3A_21, %scan3A_22 : i32
    %scan3A_24 = arith.constant 1 : i32
    scf.for %scan3A_48 = %scan3A_21 to %scan3A_23 step %scan3A_24  : i32 {
      %mul3A_49 = arith.constant 1 : i32
      %mul3A_50 = arith.muli %scan3A_48, %mul3A_49 : i32
      %add3A_51 = arith.constant 0 : i32
      %add3A_52 = arith.addi %add3A_51, %mul3A_50 : i32
      %rem3A = arith.constant 2 : i32
      %rem3A_53 = arith.remsi %add3A_52, %rem3A : i32
      %sub3A = arith.constant 1 : i32
      %sub3A_54 = arith.subi %sub3A, %rem3A_53 : i32
      %add3A_55 = arith.constant 1 : i32
      %add3A_56 = arith.addi %add3A_52, %add3A_55 : i32
      %dma_start3A = arith.constant 0 : i32
      %dma_start3A_57 = arith.constant 0 : i32
      %dma_start3A_58 = tpu.memref_slice %arg6[%sub3A_54, %dma_start3A, %dma_start3A_57] : memref<2x8x128xi32, #tpu.memory_space<vmem>> -> memref<1x8x128xi32, #tpu.memory_space<vmem>>
      %dma_start3A_59 = tpu.memref_squeeze %dma_start3A_58 : memref<1x8x128xi32, #tpu.memory_space<vmem>> -> memref<8x128xi32, #tpu.memory_space<vmem>>
      %dma_start3A_60 = arith.constant 0 : i32
      %dma_start3A_61 = arith.constant 0 : i32
      %dma_start3A_62 = tpu.memref_slice %arg3[%add3A, %add3A_56, %dma_start3A_60, %dma_start3A_61] : memref<32x10x8x128xi32, #tpu.memory_space<hbm>> -> memref<1x1x8x128xi32, #tpu.memory_space<hbm>>
      %dma_start3A_63 = tpu.memref_squeeze %dma_start3A_62 : memref<1x1x8x128xi32, #tpu.memory_space<hbm>> -> memref<8x128xi32, #tpu.memory_space<hbm>>
      %dma_start3A_64 = arith.constant 0 : i32
      %dma_start3A_65 = arith.constant 0 : i32
      %dma_start3A_66 = tpu.memref_slice %arg6[%sub3A_54, %dma_start3A_64, %dma_start3A_65] : memref<2x8x128xi32, #tpu.memory_space<vmem>> -> memref<1x8x128xi32, #tpu.memory_space<vmem>>
      %dma_start3A_67 = tpu.memref_squeeze %dma_start3A_66 : memref<1x8x128xi32, #tpu.memory_space<vmem>> -> memref<8x128xi32, #tpu.memory_space<vmem>>
      %dma_start3A_68 = arith.constant 0 : i32
      %dma_start3A_69 = arith.constant 0 : i32
      %dma_start3A_70 = tpu.memref_slice %arg3[%add3A, %add3A_56, %dma_start3A_68, %dma_start3A_69] : memref<32x10x8x128xi32, #tpu.memory_space<hbm>> -> memref<1x1x8x128xi32, #tpu.memory_space<hbm>>
      %dma_start3A_71 = tpu.memref_squeeze %dma_start3A_70 : memref<1x1x8x128xi32, #tpu.memory_space<hbm>> -> memref<8x128xi32, #tpu.memory_space<hbm>>
      tpu.enqueue_dma source(%dma_start3A_71 : memref<8x128xi32, #tpu.memory_space<hbm>>) target(%dma_start3A_67 : memref<8x128xi32, #tpu.memory_space<vmem>>) target_semaphore(%arg12 : memref<!tpu.dma_semaphore, #tpu.memory_space<semaphore_mem>>)
      %add3A_72 = arith.constant 1 : i32
      %add3A_73 = arith.addi %add3A_52, %add3A_72 : i32
      %dma_start3A_74 = arith.constant 0 : i32
      %dma_start3A_75 = arith.constant 0 : i32
      %dma_start3A_76 = tpu.memref_slice %arg7[%sub3A_54, %dma_start3A_74, %dma_start3A_75] : memref<2x8x128xi32, #tpu.memory_space<vmem>> -> memref<1x8x128xi32, #tpu.memory_space<vmem>>
      %dma_start3A_77 = tpu.memref_squeeze %dma_start3A_76 : memref<1x8x128xi32, #tpu.memory_space<vmem>> -> memref<8x128xi32, #tpu.memory_space<vmem>>
      %dma_start3A_78 = arith.constant 0 : i32
      %dma_start3A_79 = arith.constant 0 : i32
      %dma_start3A_80 = tpu.memref_slice %arg4[%add3A, %add3A_73, %dma_start3A_78, %dma_start3A_79] : memref<32x10x8x128xi32, #tpu.memory_space<hbm>> -> memref<1x1x8x128xi32, #tpu.memory_space<hbm>>
      %dma_start3A_81 = tpu.memref_squeeze %dma_start3A_80 : memref<1x1x8x128xi32, #tpu.memory_space<hbm>> -> memref<8x128xi32, #tpu.memory_space<hbm>>
      %dma_start3A_82 = arith.constant 0 : i32
      %dma_start3A_83 = arith.constant 0 : i32
      %dma_start3A_84 = tpu.memref_slice %arg7[%sub3A_54, %dma_start3A_82, %dma_start3A_83] : memref<2x8x128xi32, #tpu.memory_space<vmem>> -> memref<1x8x128xi32, #tpu.memory_space<vmem>>
      %dma_start3A_85 = tpu.memref_squeeze %dma_start3A_84 : memref<1x8x128xi32, #tpu.memory_space<vmem>> -> memref<8x128xi32, #tpu.memory_space<vmem>>
      %dma_start3A_86 = arith.constant 0 : i32
      %dma_start3A_87 = arith.constant 0 : i32
      %dma_start3A_88 = tpu.memref_slice %arg4[%add3A, %add3A_73, %dma_start3A_86, %dma_start3A_87] : memref<32x10x8x128xi32, #tpu.memory_space<hbm>> -> memref<1x1x8x128xi32, #tpu.memory_space<hbm>>
      %dma_start3A_89 = tpu.memref_squeeze %dma_start3A_88 : memref<1x1x8x128xi32, #tpu.memory_space<hbm>> -> memref<8x128xi32, #tpu.memory_space<hbm>>
      tpu.enqueue_dma source(%dma_start3A_89 : memref<8x128xi32, #tpu.memory_space<hbm>>) target(%dma_start3A_85 : memref<8x128xi32, #tpu.memory_space<vmem>>) target_semaphore(%arg13 : memref<!tpu.dma_semaphore, #tpu.memory_space<semaphore_mem>>)
      %scan3A_90 = arith.constant 0 : i32
      %scan3A_91 = arith.constant 4 : i32
      %scan3A_92 = arith.addi %scan3A_90, %scan3A_91 : i32
      %scan3A_93 = arith.constant 1 : i32
      scf.for %scan3A_126 = %scan3A_90 to %scan3A_92 step %scan3A_93  : i32 {
        %mul3A_127 = arith.constant 2 : i32
        %mul3A_128 = arith.muli %scan3A_126, %mul3A_127 : i32
        %add3A_129 = arith.constant 0 : i32
        %add3A_130 = arith.addi %add3A_129, %mul3A_128 : i32
        %dma_start3A_131 = arith.constant 0 : i32
        %dma_start3A_132 = arith.constant 0 : i32
        %dma_start3A_133 = tpu.memref_slice %arg8[%dma_start3A_131, %dma_start3A_132] : memref<256x128xf32, #tpu.memory_space<vmem>> -> memref<128x128xf32, #tpu.memory_space<vmem>>
        %dma_start3A_134 = arith.constant 0 : i32
        %dma_start3A_135 = tpu.memref_slice %arg6[%rem3A_53, %add3A_130, %dma_start3A_134] : memref<2x8x128xi32, #tpu.memory_space<vmem>> -> memref<1x1x128xi32, #tpu.memory_space<vmem>>
        %dma_start3A_136 = tpu.memref_squeeze %dma_start3A_135 : memref<1x1x128xi32, #tpu.memory_space<vmem>> -> memref<128xi32, #tpu.memory_space<vmem>>
        %dma_start3A_137 = arith.constant 0 : i32
        %dma_start3A_138 = arith.constant 0 : i32
        %dma_start3A_139 = tpu.memref_slice %arg2[%dma_start3A_137, %dma_start3A_138] : memref<163840x128xf32, #tpu.memory_space<hbm>> -> memref<163840x128xf32, #tpu.memory_space<hbm>>
        tpu.enqueue_indirect_dma source(%dma_start3A_139 : memref<163840x128xf32, #tpu.memory_space<hbm>>) target(%dma_start3A_133 : memref<128x128xf32, #tpu.memory_space<vmem>>) offsets(%dma_start3A_136 : memref<128xi32, #tpu.memory_space<vmem>>) semaphore(%arg10 : memref<!tpu.dma_semaphore, #tpu.memory_space<semaphore_mem>>)
        %add3A_140 = arith.constant 1 : i32
        %add3A_141 = arith.addi %add3A_130, %add3A_140 : i32
        %dma_start3A_142 = arith.constant 128 : i32
        %dma_start3A_143 = arith.constant 0 : i32
        %dma_start3A_144 = tpu.memref_slice %arg8[%dma_start3A_142, %dma_start3A_143] : memref<256x128xf32, #tpu.memory_space<vmem>> -> memref<128x128xf32, #tpu.memory_space<vmem>>
        %dma_start3A_145 = arith.constant 0 : i32
        %dma_start3A_146 = tpu.memref_slice %arg6[%rem3A_53, %add3A_141, %dma_start3A_145] : memref<2x8x128xi32, #tpu.memory_space<vmem>> -> memref<1x1x128xi32, #tpu.memory_space<vmem>>
        %dma_start3A_147 = tpu.memref_squeeze %dma_start3A_146 : memref<1x1x128xi32, #tpu.memory_space<vmem>> -> memref<128xi32, #tpu.memory_space<vmem>>
        %dma_start3A_148 = arith.constant 0 : i32
        %dma_start3A_149 = arith.constant 0 : i32
        %dma_start3A_150 = tpu.memref_slice %arg2[%dma_start3A_148, %dma_start3A_149] : memref<163840x128xf32, #tpu.memory_space<hbm>> -> memref<163840x128xf32, #tpu.memory_space<hbm>>
        tpu.enqueue_indirect_dma source(%dma_start3A_150 : memref<163840x128xf32, #tpu.memory_space<hbm>>) target(%dma_start3A_144 : memref<128x128xf32, #tpu.memory_space<vmem>>) offsets(%dma_start3A_147 : memref<128xi32, #tpu.memory_space<vmem>>) semaphore(%arg11 : memref<!tpu.dma_semaphore, #tpu.memory_space<semaphore_mem>>)
        %dma_wait3A_151 = arith.constant 0 : i32
        %dma_wait3A_152 = arith.constant 0 : i32
        %dma_wait3A_153 = tpu.memref_slice %arg8[%dma_wait3A_151, %dma_wait3A_152] : memref<256x128xf32, #tpu.memory_space<vmem>> -> memref<128x128xf32, #tpu.memory_space<vmem>>
        %dma_wait3A_154 = arith.constant 0 : i32
        %dma_wait3A_155 = tpu.memref_slice %arg6[%rem3A_53, %add3A_130, %dma_wait3A_154] : memref<2x8x128xi32, #tpu.memory_space<vmem>> -> memref<1x1x128xi32, #tpu.memory_space<vmem>>
        %dma_wait3A_156 = tpu.memref_squeeze %dma_wait3A_155 : memref<1x1x128xi32, #tpu.memory_space<vmem>> -> memref<128xi32, #tpu.memory_space<vmem>>
        %dma_wait3A_157 = arith.constant 0 : i32
        %dma_wait3A_158 = arith.constant 0 : i32
        %dma_wait3A_159 = tpu.memref_slice %arg2[%dma_wait3A_157, %dma_wait3A_158] : memref<163840x128xf32, #tpu.memory_space<hbm>> -> memref<163840x128xf32, #tpu.memory_space<hbm>>
        tpu.wait_indirect_dma semaphore(%arg10 : memref<!tpu.dma_semaphore, #tpu.memory_space<semaphore_mem>>) src(%dma_wait3A_159 : memref<163840x128xf32, #tpu.memory_space<hbm>>) dst(%dma_wait3A_153 : memref<128x128xf32, #tpu.memory_space<vmem>>)
        "tpu.region"() ({
          %run_scoped3A_171 = tpu.sem_alloc : memref<!tpu.dma_semaphore, #tpu.memory_space<semaphore_mem>>
          %dma_start3A_172 = arith.constant 0 : i32
          %dma_start3A_173 = arith.constant 0 : i32
          %dma_start3A_174 = tpu.memref_slice %arg8[%dma_start3A_172, %dma_start3A_173] : memref<256x128xf32, #tpu.memory_space<vmem>> -> memref<128x128xf32, #tpu.memory_space<vmem>>
          %dma_start3A_175 = arith.constant 0 : i32
          %dma_start3A_176 = tpu.memref_slice %arg7[%rem3A_53, %add3A_130, %dma_start3A_175] : memref<2x8x128xi32, #tpu.memory_space<vmem>> -> memref<1x1x128xi32, #tpu.memory_space<vmem>>
          %dma_start3A_177 = tpu.memref_squeeze %dma_start3A_176 : memref<1x1x128xi32, #tpu.memory_space<vmem>> -> memref<128xi32, #tpu.memory_space<vmem>>
          %dma_start3A_178 = arith.constant 0 : i32
          %dma_start3A_179 = arith.constant 0 : i32
          %dma_start3A_180 = tpu.memref_slice %arg9[%dma_start3A_178, %dma_start3A_179] : memref<10240x128xf32, #tpu.memory_space<vmem_shared>> -> memref<10240x128xf32, #tpu.memory_space<vmem_shared>>
          tpu.enqueue_indirect_dma source(%dma_start3A_174 : memref<128x128xf32, #tpu.memory_space<vmem>>) target(%dma_start3A_180 : memref<10240x128xf32, #tpu.memory_space<vmem_shared>>) offsets(%dma_start3A_177 : memref<128xi32, #tpu.memory_space<vmem>>) semaphore(%run_scoped3A_171 : memref<!tpu.dma_semaphore, #tpu.memory_space<semaphore_mem>>) {add = true}
          %dma_wait3A_181 = arith.constant 0 : i32
          %dma_wait3A_182 = arith.constant 0 : i32
          %dma_wait3A_183 = tpu.memref_slice %arg8[%dma_wait3A_181, %dma_wait3A_182] : memref<256x128xf32, #tpu.memory_space<vmem>> -> memref<128x128xf32, #tpu.memory_space<vmem>>
          %dma_wait3A_184 = arith.constant 0 : i32
          %dma_wait3A_185 = tpu.memref_slice %arg7[%rem3A_53, %add3A_130, %dma_wait3A_184] : memref<2x8x128xi32, #tpu.memory_space<vmem>> -> memref<1x1x128xi32, #tpu.memory_space<vmem>>
          %dma_wait3A_186 = tpu.memref_squeeze %dma_wait3A_185 : memref<1x1x128xi32, #tpu.memory_space<vmem>> -> memref<128xi32, #tpu.memory_space<vmem>>
          %dma_wait3A_187 = arith.constant 0 : i32
          %dma_wait3A_188 = arith.constant 0 : i32
          %dma_wait3A_189 = tpu.memref_slice %arg9[%dma_wait3A_187, %dma_wait3A_188] : memref<10240x128xf32, #tpu.memory_space<vmem_shared>> -> memref<10240x128xf32, #tpu.memory_space<vmem_shared>>
          tpu.wait_indirect_dma semaphore(%run_scoped3A_171 : memref<!tpu.dma_semaphore, #tpu.memory_space<semaphore_mem>>) src(%dma_wait3A_183 : memref<128x128xf32, #tpu.memory_space<vmem>>) dst(%dma_wait3A_189 : memref<10240x128xf32, #tpu.memory_space<vmem_shared>>)
          tpu.yield
        }) : () -> ()
        %dma_wait3A_160 = arith.constant 128 : i32
        %dma_wait3A_161 = arith.constant 0 : i32
        %dma_wait3A_162 = tpu.memref_slice %arg8[%dma_wait3A_160, %dma_wait3A_161] : memref<256x128xf32, #tpu.memory_space<vmem>> -> memref<128x128xf32, #tpu.memory_space<vmem>>
        %dma_wait3A_163 = arith.constant 0 : i32
        %dma_wait3A_164 = tpu.memref_slice %arg6[%rem3A_53, %add3A_141, %dma_wait3A_163] : memref<2x8x128xi32, #tpu.memory_space<vmem>> -> memref<1x1x128xi32, #tpu.memory_space<vmem>>
        %dma_wait3A_165 = tpu.memref_squeeze %dma_wait3A_164 : memref<1x1x128xi32, #tpu.memory_space<vmem>> -> memref<128xi32, #tpu.memory_space<vmem>>
        %dma_wait3A_166 = arith.constant 0 : i32
        %dma_wait3A_167 = arith.constant 0 : i32
        %dma_wait3A_168 = tpu.memref_slice %arg2[%dma_wait3A_166, %dma_wait3A_167] : memref<163840x128xf32, #tpu.memory_space<hbm>> -> memref<163840x128xf32, #tpu.memory_space<hbm>>
        tpu.wait_indirect_dma semaphore(%arg11 : memref<!tpu.dma_semaphore, #tpu.memory_space<semaphore_mem>>) src(%dma_wait3A_168 : memref<163840x128xf32, #tpu.memory_space<hbm>>) dst(%dma_wait3A_162 : memref<128x128xf32, #tpu.memory_space<vmem>>)
        %add3A_169 = arith.constant 1 : i32
        %add3A_170 = arith.addi %add3A_130, %add3A_169 : i32
        "tpu.region"() ({
          %run_scoped3A_171 = tpu.sem_alloc : memref<!tpu.dma_semaphore, #tpu.memory_space<semaphore_mem>>
          %dma_start3A_172 = arith.constant 128 : i32
          %dma_start3A_173 = arith.constant 0 : i32
          %dma_start3A_174 = tpu.memref_slice %arg8[%dma_start3A_172, %dma_start3A_173] : memref<256x128xf32, #tpu.memory_space<vmem>> -> memref<128x128xf32, #tpu.memory_space<vmem>>
          %dma_start3A_175 = arith.constant 0 : i32
          %dma_start3A_176 = tpu.memref_slice %arg7[%rem3A_53, %add3A_170, %dma_start3A_175] : memref<2x8x128xi32, #tpu.memory_space<vmem>> -> memref<1x1x128xi32, #tpu.memory_space<vmem>>
          %dma_start3A_177 = tpu.memref_squeeze %dma_start3A_176 : memref<1x1x128xi32, #tpu.memory_space<vmem>> -> memref<128xi32, #tpu.memory_space<vmem>>
          %dma_start3A_178 = arith.constant 0 : i32
          %dma_start3A_179 = arith.constant 0 : i32
          %dma_start3A_180 = tpu.memref_slice %arg9[%dma_start3A_178, %dma_start3A_179] : memref<10240x128xf32, #tpu.memory_space<vmem_shared>> -> memref<10240x128xf32, #tpu.memory_space<vmem_shared>>
          tpu.enqueue_indirect_dma source(%dma_start3A_174 : memref<128x128xf32, #tpu.memory_space<vmem>>) target(%dma_start3A_180 : memref<10240x128xf32, #tpu.memory_space<vmem_shared>>) offsets(%dma_start3A_177 : memref<128xi32, #tpu.memory_space<vmem>>) semaphore(%run_scoped3A_171 : memref<!tpu.dma_semaphore, #tpu.memory_space<semaphore_mem>>) {add = true}
          %dma_wait3A_181 = arith.constant 128 : i32
          %dma_wait3A_182 = arith.constant 0 : i32
          %dma_wait3A_183 = tpu.memref_slice %arg8[%dma_wait3A_181, %dma_wait3A_182] : memref<256x128xf32, #tpu.memory_space<vmem>> -> memref<128x128xf32, #tpu.memory_space<vmem>>
          %dma_wait3A_184 = arith.constant 0 : i32
          %dma_wait3A_185 = tpu.memref_slice %arg7[%rem3A_53, %add3A_170, %dma_wait3A_184] : memref<2x8x128xi32, #tpu.memory_space<vmem>> -> memref<1x1x128xi32, #tpu.memory_space<vmem>>
          %dma_wait3A_186 = tpu.memref_squeeze %dma_wait3A_185 : memref<1x1x128xi32, #tpu.memory_space<vmem>> -> memref<128xi32, #tpu.memory_space<vmem>>
          %dma_wait3A_187 = arith.constant 0 : i32
          %dma_wait3A_188 = arith.constant 0 : i32
          %dma_wait3A_189 = tpu.memref_slice %arg9[%dma_wait3A_187, %dma_wait3A_188] : memref<10240x128xf32, #tpu.memory_space<vmem_shared>> -> memref<10240x128xf32, #tpu.memory_space<vmem_shared>>
          tpu.wait_indirect_dma semaphore(%run_scoped3A_171 : memref<!tpu.dma_semaphore, #tpu.memory_space<semaphore_mem>>) src(%dma_wait3A_183 : memref<128x128xf32, #tpu.memory_space<vmem>>) dst(%dma_wait3A_189 : memref<10240x128xf32, #tpu.memory_space<vmem_shared>>)
          tpu.yield
        }) : () -> ()
      }
      %scan3A_94 = arith.constant 4 : i32
      %dma_wait3A = arith.constant 0 : i32
      %dma_wait3A_95 = arith.constant 0 : i32
      %dma_wait3A_96 = tpu.memref_slice %arg6[%sub3A_54, %dma_wait3A, %dma_wait3A_95] : memref<2x8x128xi32, #tpu.memory_space<vmem>> -> memref<1x8x128xi32, #tpu.memory_space<vmem>>
      %dma_wait3A_97 = tpu.memref_squeeze %dma_wait3A_96 : memref<1x8x128xi32, #tpu.memory_space<vmem>> -> memref<8x128xi32, #tpu.memory_space<vmem>>
      %dma_wait3A_98 = arith.constant 0 : i32
      %dma_wait3A_99 = arith.constant 0 : i32
      %dma_wait3A_100 = tpu.memref_slice %arg3[%add3A, %add3A_56, %dma_wait3A_98, %dma_wait3A_99] : memref<32x10x8x128xi32, #tpu.memory_space<hbm>> -> memref<1x1x8x128xi32, #tpu.memory_space<hbm>>
      %dma_wait3A_101 = tpu.memref_squeeze %dma_wait3A_100 : memref<1x1x8x128xi32, #tpu.memory_space<hbm>> -> memref<8x128xi32, #tpu.memory_space<hbm>>
      %dma_wait3A_102 = arith.constant 0 : i32
      %dma_wait3A_103 = arith.constant 0 : i32
      %dma_wait3A_104 = tpu.memref_slice %arg6[%sub3A_54, %dma_wait3A_102, %dma_wait3A_103] : memref<2x8x128xi32, #tpu.memory_space<vmem>> -> memref<1x8x128xi32, #tpu.memory_space<vmem>>
      %dma_wait3A_105 = tpu.memref_squeeze %dma_wait3A_104 : memref<1x8x128xi32, #tpu.memory_space<vmem>> -> memref<8x128xi32, #tpu.memory_space<vmem>>
      %dma_wait3A_106 = arith.constant 0 : i32
      %dma_wait3A_107 = arith.constant 0 : i32
      %dma_wait3A_108 = tpu.memref_slice %arg3[%add3A, %add3A_56, %dma_wait3A_106, %dma_wait3A_107] : memref<32x10x8x128xi32, #tpu.memory_space<hbm>> -> memref<1x1x8x128xi32, #tpu.memory_space<hbm>>
      %dma_wait3A_109 = tpu.memref_squeeze %dma_wait3A_108 : memref<1x1x8x128xi32, #tpu.memory_space<hbm>> -> memref<8x128xi32, #tpu.memory_space<hbm>>
      tpu.wait_dma2 semaphore(%arg12 : memref<!tpu.dma_semaphore, #tpu.memory_space<semaphore_mem>>) src(%dma_wait3A_109 : memref<8x128xi32, #tpu.memory_space<hbm>>) dst(%dma_wait3A_105 : memref<8x128xi32, #tpu.memory_space<vmem>>)
      %dma_wait3A_110 = arith.constant 0 : i32
      %dma_wait3A_111 = arith.constant 0 : i32
      %dma_wait3A_112 = tpu.memref_slice %arg7[%sub3A_54, %dma_wait3A_110, %dma_wait3A_111] : memref<2x8x128xi32, #tpu.memory_space<vmem>> -> memref<1x8x128xi32, #tpu.memory_space<vmem>>
      %dma_wait3A_113 = tpu.memref_squeeze %dma_wait3A_112 : memref<1x8x128xi32, #tpu.memory_space<vmem>> -> memref<8x128xi32, #tpu.memory_space<vmem>>
      %dma_wait3A_114 = arith.constant 0 : i32
      %dma_wait3A_115 = arith.constant 0 : i32
      %dma_wait3A_116 = tpu.memref_slice %arg4[%add3A, %add3A_73, %dma_wait3A_114, %dma_wait3A_115] : memref<32x10x8x128xi32, #tpu.memory_space<hbm>> -> memref<1x1x8x128xi32, #tpu.memory_space<hbm>>
      %dma_wait3A_117 = tpu.memref_squeeze %dma_wait3A_116 : memref<1x1x8x128xi32, #tpu.memory_space<hbm>> -> memref<8x128xi32, #tpu.memory_space<hbm>>
      %dma_wait3A_118 = arith.constant 0 : i32
      %dma_wait3A_119 = arith.constant 0 : i32
      %dma_wait3A_120 = tpu.memref_slice %arg7[%sub3A_54, %dma_wait3A_118, %dma_wait3A_119] : memref<2x8x128xi32, #tpu.memory_space<vmem>> -> memref<1x8x128xi32, #tpu.memory_space<vmem>>
      %dma_wait3A_121 = tpu.memref_squeeze %dma_wait3A_120 : memref<1x8x128xi32, #tpu.memory_space<vmem>> -> memref<8x128xi32, #tpu.memory_space<vmem>>
      %dma_wait3A_122 = arith.constant 0 : i32
      %dma_wait3A_123 = arith.constant 0 : i32
      %dma_wait3A_124 = tpu.memref_slice %arg4[%add3A, %add3A_73, %dma_wait3A_122, %dma_wait3A_123] : memref<32x10x8x128xi32, #tpu.memory_space<hbm>> -> memref<1x1x8x128xi32, #tpu.memory_space<hbm>>
      %dma_wait3A_125 = tpu.memref_squeeze %dma_wait3A_124 : memref<1x1x8x128xi32, #tpu.memory_space<hbm>> -> memref<8x128xi32, #tpu.memory_space<hbm>>
      tpu.wait_dma2 semaphore(%arg13 : memref<!tpu.dma_semaphore, #tpu.memory_space<semaphore_mem>>) src(%dma_wait3A_125 : memref<8x128xi32, #tpu.memory_space<hbm>>) dst(%dma_wait3A_121 : memref<8x128xi32, #tpu.memory_space<vmem>>)
    }
    %scan3A_25 = arith.constant 9 : i32
    %scan3A_26 = arith.constant 0 : i32
    %scan3A_27 = arith.constant 4 : i32
    %scan3A_28 = arith.addi %scan3A_26, %scan3A_27 : i32
    %scan3A_29 = arith.constant 1 : i32
    scf.for %scan3A_48 = %scan3A_26 to %scan3A_28 step %scan3A_29  : i32 {
      %mul3A_49 = arith.constant 2 : i32
      %mul3A_50 = arith.muli %scan3A_48, %mul3A_49 : i32
      %add3A_51 = arith.constant 0 : i32
      %add3A_52 = arith.addi %add3A_51, %mul3A_50 : i32
      %dma_start3A = arith.constant 1 : i32
      %dma_start3A_53 = arith.constant 0 : i32
      %dma_start3A_54 = arith.constant 0 : i32
      %dma_start3A_55 = tpu.memref_slice %arg8[%dma_start3A_53, %dma_start3A_54] : memref<256x128xf32, #tpu.memory_space<vmem>> -> memref<128x128xf32, #tpu.memory_space<vmem>>
      %dma_start3A_56 = arith.constant 0 : i32
      %dma_start3A_57 = tpu.memref_slice %arg6[%dma_start3A, %add3A_52, %dma_start3A_56] : memref<2x8x128xi32, #tpu.memory_space<vmem>> -> memref<1x1x128xi32, #tpu.memory_space<vmem>>
      %dma_start3A_58 = tpu.memref_squeeze %dma_start3A_57 : memref<1x1x128xi32, #tpu.memory_space<vmem>> -> memref<128xi32, #tpu.memory_space<vmem>>
      %dma_start3A_59 = arith.constant 0 : i32
      %dma_start3A_60 = arith.constant 0 : i32
      %dma_start3A_61 = tpu.memref_slice %arg2[%dma_start3A_59, %dma_start3A_60] : memref<163840x128xf32, #tpu.memory_space<hbm>> -> memref<163840x128xf32, #tpu.memory_space<hbm>>
      tpu.enqueue_indirect_dma source(%dma_start3A_61 : memref<163840x128xf32, #tpu.memory_space<hbm>>) target(%dma_start3A_55 : memref<128x128xf32, #tpu.memory_space<vmem>>) offsets(%dma_start3A_58 : memref<128xi32, #tpu.memory_space<vmem>>) semaphore(%arg10 : memref<!tpu.dma_semaphore, #tpu.memory_space<semaphore_mem>>)
      %add3A_62 = arith.constant 1 : i32
      %add3A_63 = arith.addi %add3A_52, %add3A_62 : i32
      %dma_start3A_64 = arith.constant 1 : i32
      %dma_start3A_65 = arith.constant 128 : i32
      %dma_start3A_66 = arith.constant 0 : i32
      %dma_start3A_67 = tpu.memref_slice %arg8[%dma_start3A_65, %dma_start3A_66] : memref<256x128xf32, #tpu.memory_space<vmem>> -> memref<128x128xf32, #tpu.memory_space<vmem>>
      %dma_start3A_68 = arith.constant 0 : i32
      %dma_start3A_69 = tpu.memref_slice %arg6[%dma_start3A_64, %add3A_63, %dma_start3A_68] : memref<2x8x128xi32, #tpu.memory_space<vmem>> -> memref<1x1x128xi32, #tpu.memory_space<vmem>>
      %dma_start3A_70 = tpu.memref_squeeze %dma_start3A_69 : memref<1x1x128xi32, #tpu.memory_space<vmem>> -> memref<128xi32, #tpu.memory_space<vmem>>
      %dma_start3A_71 = arith.constant 0 : i32
      %dma_start3A_72 = arith.constant 0 : i32
      %dma_start3A_73 = tpu.memref_slice %arg2[%dma_start3A_71, %dma_start3A_72] : memref<163840x128xf32, #tpu.memory_space<hbm>> -> memref<163840x128xf32, #tpu.memory_space<hbm>>
      tpu.enqueue_indirect_dma source(%dma_start3A_73 : memref<163840x128xf32, #tpu.memory_space<hbm>>) target(%dma_start3A_67 : memref<128x128xf32, #tpu.memory_space<vmem>>) offsets(%dma_start3A_70 : memref<128xi32, #tpu.memory_space<vmem>>) semaphore(%arg11 : memref<!tpu.dma_semaphore, #tpu.memory_space<semaphore_mem>>)
      %dma_wait3A = arith.constant 1 : i32
      %dma_wait3A_74 = arith.constant 0 : i32
      %dma_wait3A_75 = arith.constant 0 : i32
      %dma_wait3A_76 = tpu.memref_slice %arg8[%dma_wait3A_74, %dma_wait3A_75] : memref<256x128xf32, #tpu.memory_space<vmem>> -> memref<128x128xf32, #tpu.memory_space<vmem>>
      %dma_wait3A_77 = arith.constant 0 : i32
      %dma_wait3A_78 = tpu.memref_slice %arg6[%dma_wait3A, %add3A_52, %dma_wait3A_77] : memref<2x8x128xi32, #tpu.memory_space<vmem>> -> memref<1x1x128xi32, #tpu.memory_space<vmem>>
      %dma_wait3A_79 = tpu.memref_squeeze %dma_wait3A_78 : memref<1x1x128xi32, #tpu.memory_space<vmem>> -> memref<128xi32, #tpu.memory_space<vmem>>
      %dma_wait3A_80 = arith.constant 0 : i32
      %dma_wait3A_81 = arith.constant 0 : i32
      %dma_wait3A_82 = tpu.memref_slice %arg2[%dma_wait3A_80, %dma_wait3A_81] : memref<163840x128xf32, #tpu.memory_space<hbm>> -> memref<163840x128xf32, #tpu.memory_space<hbm>>
      tpu.wait_indirect_dma semaphore(%arg10 : memref<!tpu.dma_semaphore, #tpu.memory_space<semaphore_mem>>) src(%dma_wait3A_82 : memref<163840x128xf32, #tpu.memory_space<hbm>>) dst(%dma_wait3A_76 : memref<128x128xf32, #tpu.memory_space<vmem>>)
      %run_scoped3A_83 = arith.constant 1 : i32
      "tpu.region"() ({
        %run_scoped3A_97 = tpu.sem_alloc : memref<!tpu.dma_semaphore, #tpu.memory_space<semaphore_mem>>
        %dma_start3A_98 = arith.constant 0 : i32
        %dma_start3A_99 = arith.constant 0 : i32
        %dma_start3A_100 = tpu.memref_slice %arg8[%dma_start3A_98, %dma_start3A_99] : memref<256x128xf32, #tpu.memory_space<vmem>> -> memref<128x128xf32, #tpu.memory_space<vmem>>
        %dma_start3A_101 = arith.constant 0 : i32
        %dma_start3A_102 = tpu.memref_slice %arg7[%run_scoped3A_83, %add3A_52, %dma_start3A_101] : memref<2x8x128xi32, #tpu.memory_space<vmem>> -> memref<1x1x128xi32, #tpu.memory_space<vmem>>
        %dma_start3A_103 = tpu.memref_squeeze %dma_start3A_102 : memref<1x1x128xi32, #tpu.memory_space<vmem>> -> memref<128xi32, #tpu.memory_space<vmem>>
        %dma_start3A_104 = arith.constant 0 : i32
        %dma_start3A_105 = arith.constant 0 : i32
        %dma_start3A_106 = tpu.memref_slice %arg9[%dma_start3A_104, %dma_start3A_105] : memref<10240x128xf32, #tpu.memory_space<vmem_shared>> -> memref<10240x128xf32, #tpu.memory_space<vmem_shared>>
        tpu.enqueue_indirect_dma source(%dma_start3A_100 : memref<128x128xf32, #tpu.memory_space<vmem>>) target(%dma_start3A_106 : memref<10240x128xf32, #tpu.memory_space<vmem_shared>>) offsets(%dma_start3A_103 : memref<128xi32, #tpu.memory_space<vmem>>) semaphore(%run_scoped3A_97 : memref<!tpu.dma_semaphore, #tpu.memory_space<semaphore_mem>>) {add = true}
        %dma_wait3A_107 = arith.constant 0 : i32
        %dma_wait3A_108 = arith.constant 0 : i32
        %dma_wait3A_109 = tpu.memref_slice %arg8[%dma_wait3A_107, %dma_wait3A_108] : memref<256x128xf32, #tpu.memory_space<vmem>> -> memref<128x128xf32, #tpu.memory_space<vmem>>
        %dma_wait3A_110 = arith.constant 0 : i32
        %dma_wait3A_111 = tpu.memref_slice %arg7[%run_scoped3A_83, %add3A_52, %dma_wait3A_110] : memref<2x8x128xi32, #tpu.memory_space<vmem>> -> memref<1x1x128xi32, #tpu.memory_space<vmem>>
        %dma_wait3A_112 = tpu.memref_squeeze %dma_wait3A_111 : memref<1x1x128xi32, #tpu.memory_space<vmem>> -> memref<128xi32, #tpu.memory_space<vmem>>
        %dma_wait3A_113 = arith.constant 0 : i32
        %dma_wait3A_114 = arith.constant 0 : i32
        %dma_wait3A_115 = tpu.memref_slice %arg9[%dma_wait3A_113, %dma_wait3A_114] : memref<10240x128xf32, #tpu.memory_space<vmem_shared>> -> memref<10240x128xf32, #tpu.memory_space<vmem_shared>>
        tpu.wait_indirect_dma semaphore(%run_scoped3A_97 : memref<!tpu.dma_semaphore, #tpu.memory_space<semaphore_mem>>) src(%dma_wait3A_109 : memref<128x128xf32, #tpu.memory_space<vmem>>) dst(%dma_wait3A_115 : memref<10240x128xf32, #tpu.memory_space<vmem_shared>>)
        tpu.yield
      }) : () -> ()
      %dma_wait3A_84 = arith.constant 1 : i32
      %dma_wait3A_85 = arith.constant 128 : i32
      %dma_wait3A_86 = arith.constant 0 : i32
      %dma_wait3A_87 = tpu.memref_slice %arg8[%dma_wait3A_85, %dma_wait3A_86] : memref<256x128xf32, #tpu.memory_space<vmem>> -> memref<128x128xf32, #tpu.memory_space<vmem>>
      %dma_wait3A_88 = arith.constant 0 : i32
      %dma_wait3A_89 = tpu.memref_slice %arg6[%dma_wait3A_84, %add3A_63, %dma_wait3A_88] : memref<2x8x128xi32, #tpu.memory_space<vmem>> -> memref<1x1x128xi32, #tpu.memory_space<vmem>>
      %dma_wait3A_90 = tpu.memref_squeeze %dma_wait3A_89 : memref<1x1x128xi32, #tpu.memory_space<vmem>> -> memref<128xi32, #tpu.memory_space<vmem>>
      %dma_wait3A_91 = arith.constant 0 : i32
      %dma_wait3A_92 = arith.constant 0 : i32
      %dma_wait3A_93 = tpu.memref_slice %arg2[%dma_wait3A_91, %dma_wait3A_92] : memref<163840x128xf32, #tpu.memory_space<hbm>> -> memref<163840x128xf32, #tpu.memory_space<hbm>>
      tpu.wait_indirect_dma semaphore(%arg11 : memref<!tpu.dma_semaphore, #tpu.memory_space<semaphore_mem>>) src(%dma_wait3A_93 : memref<163840x128xf32, #tpu.memory_space<hbm>>) dst(%dma_wait3A_87 : memref<128x128xf32, #tpu.memory_space<vmem>>)
      %add3A_94 = arith.constant 1 : i32
      %add3A_95 = arith.addi %add3A_52, %add3A_94 : i32
      %run_scoped3A_96 = arith.constant 1 : i32
      "tpu.region"() ({
        %run_scoped3A_97 = tpu.sem_alloc : memref<!tpu.dma_semaphore, #tpu.memory_space<semaphore_mem>>
        %dma_start3A_98 = arith.constant 128 : i32
        %dma_start3A_99 = arith.constant 0 : i32
        %dma_start3A_100 = tpu.memref_slice %arg8[%dma_start3A_98, %dma_start3A_99] : memref<256x128xf32, #tpu.memory_space<vmem>> -> memref<128x128xf32, #tpu.memory_space<vmem>>
        %dma_start3A_101 = arith.constant 0 : i32
        %dma_start3A_102 = tpu.memref_slice %arg7[%run_scoped3A_96, %add3A_95, %dma_start3A_101] : memref<2x8x128xi32, #tpu.memory_space<vmem>> -> memref<1x1x128xi32, #tpu.memory_space<vmem>>
        %dma_start3A_103 = tpu.memref_squeeze %dma_start3A_102 : memref<1x1x128xi32, #tpu.memory_space<vmem>> -> memref<128xi32, #tpu.memory_space<vmem>>
        %dma_start3A_104 = arith.constant 0 : i32
        %dma_start3A_105 = arith.constant 0 : i32
        %dma_start3A_106 = tpu.memref_slice %arg9[%dma_start3A_104, %dma_start3A_105] : memref<10240x128xf32, #tpu.memory_space<vmem_shared>> -> memref<10240x128xf32, #tpu.memory_space<vmem_shared>>
        tpu.enqueue_indirect_dma source(%dma_start3A_100 : memref<128x128xf32, #tpu.memory_space<vmem>>) target(%dma_start3A_106 : memref<10240x128xf32, #tpu.memory_space<vmem_shared>>) offsets(%dma_start3A_103 : memref<128xi32, #tpu.memory_space<vmem>>) semaphore(%run_scoped3A_97 : memref<!tpu.dma_semaphore, #tpu.memory_space<semaphore_mem>>) {add = true}
        %dma_wait3A_107 = arith.constant 128 : i32
        %dma_wait3A_108 = arith.constant 0 : i32
        %dma_wait3A_109 = tpu.memref_slice %arg8[%dma_wait3A_107, %dma_wait3A_108] : memref<256x128xf32, #tpu.memory_space<vmem>> -> memref<128x128xf32, #tpu.memory_space<vmem>>
        %dma_wait3A_110 = arith.constant 0 : i32
        %dma_wait3A_111 = tpu.memref_slice %arg7[%run_scoped3A_96, %add3A_95, %dma_wait3A_110] : memref<2x8x128xi32, #tpu.memory_space<vmem>> -> memref<1x1x128xi32, #tpu.memory_space<vmem>>
        %dma_wait3A_112 = tpu.memref_squeeze %dma_wait3A_111 : memref<1x1x128xi32, #tpu.memory_space<vmem>> -> memref<128xi32, #tpu.memory_space<vmem>>
        %dma_wait3A_113 = arith.constant 0 : i32
        %dma_wait3A_114 = arith.constant 0 : i32
        %dma_wait3A_115 = tpu.memref_slice %arg9[%dma_wait3A_113, %dma_wait3A_114] : memref<10240x128xf32, #tpu.memory_space<vmem_shared>> -> memref<10240x128xf32, #tpu.memory_space<vmem_shared>>
        tpu.wait_indirect_dma semaphore(%run_scoped3A_97 : memref<!tpu.dma_semaphore, #tpu.memory_space<semaphore_mem>>) src(%dma_wait3A_109 : memref<128x128xf32, #tpu.memory_space<vmem>>) dst(%dma_wait3A_115 : memref<10240x128xf32, #tpu.memory_space<vmem_shared>>)
        tpu.yield
      }) : () -> ()
    }
    %scan3A_30 = arith.constant 4 : i32
    %barrier3A_31 = arith.constant 0 : index
    tpu.barrier barrier_id(%barrier3A_31)
    %mul3A_32 = arith.constant 640 : i32
    %mul3A_33 = arith.muli %arg1, %mul3A_32 : i32
    %add3A_34 = arith.constant 0 : i32
    %add3A_35 = arith.addi %mul3A_33, %add3A_34 : i32
    "tpu.region"() ({
      %run_scoped3A_48 = tpu.sem_alloc : memref<!tpu.dma_semaphore, #tpu.memory_space<semaphore_mem>>
      %dma_start3A = arith.constant 0 : i32
      %dma_start3A_49 = tpu.memref_slice %arg5[%arg0, %add3A_35, %dma_start3A] : memref<2x10240x128xf32, #tpu.memory_space<hbm>> -> memref<1x160x128xf32, #tpu.memory_space<hbm>>
      %dma_start3A_50 = tpu.memref_squeeze %dma_start3A_49 : memref<1x160x128xf32, #tpu.memory_space<hbm>> -> memref<160x128xf32, #tpu.memory_space<hbm>>
      %dma_start3A_51 = arith.constant 0 : i32
      %dma_start3A_52 = tpu.memref_slice %arg9[%add3A_35, %dma_start3A_51] : memref<10240x128xf32, #tpu.memory_space<vmem_shared>> -> memref<160x128xf32, #tpu.memory_space<vmem_shared>>
      tpu.enqueue_dma source(%dma_start3A_52 : memref<160x128xf32, #tpu.memory_space<vmem_shared>>) target(%dma_start3A_50 : memref<160x128xf32, #tpu.memory_space<hbm>>) target_semaphore(%run_scoped3A_48 : memref<!tpu.dma_semaphore, #tpu.memory_space<semaphore_mem>>)
      %dma_wait3A = arith.constant 0 : i32
      %dma_wait3A_53 = tpu.memref_slice %arg5[%arg0, %add3A_35, %dma_wait3A] : memref<2x10240x128xf32, #tpu.memory_space<hbm>> -> memref<1x160x128xf32, #tpu.memory_space<hbm>>
      %dma_wait3A_54 = tpu.memref_squeeze %dma_wait3A_53 : memref<1x160x128xf32, #tpu.memory_space<hbm>> -> memref<160x128xf32, #tpu.memory_space<hbm>>
      %dma_wait3A_55 = arith.constant 0 : i32
      %dma_wait3A_56 = tpu.memref_slice %arg9[%add3A_35, %dma_wait3A_55] : memref<10240x128xf32, #tpu.memory_space<vmem_shared>> -> memref<160x128xf32, #tpu.memory_space<vmem_shared>>
      tpu.wait_dma2 semaphore(%run_scoped3A_48 : memref<!tpu.dma_semaphore, #tpu.memory_space<semaphore_mem>>) src(%dma_wait3A_56 : memref<160x128xf32, #tpu.memory_space<vmem_shared>>) dst(%dma_wait3A_54 : memref<160x128xf32, #tpu.memory_space<hbm>>)
      tpu.yield
    }) : () -> ()
    %mul3A_36 = arith.constant 640 : i32
    %mul3A_37 = arith.muli %arg1, %mul3A_36 : i32
    %add3A_38 = arith.constant 160 : i32
    %add3A_39 = arith.addi %mul3A_37, %add3A_38 : i32
    "tpu.region"() ({
      %run_scoped3A_48 = tpu.sem_alloc : memref<!tpu.dma_semaphore, #tpu.memory_space<semaphore_mem>>
      %dma_start3A = arith.constant 0 : i32
      %dma_start3A_49 = tpu.memref_slice %arg5[%arg0, %add3A_39, %dma_start3A] : memref<2x10240x128xf32, #tpu.memory_space<hbm>> -> memref<1x160x128xf32, #tpu.memory_space<hbm>>
      %dma_start3A_50 = tpu.memref_squeeze %dma_start3A_49 : memref<1x160x128xf32, #tpu.memory_space<hbm>> -> memref<160x128xf32, #tpu.memory_space<hbm>>
      %dma_start3A_51 = arith.constant 0 : i32
      %dma_start3A_52 = tpu.memref_slice %arg9[%add3A_39, %dma_start3A_51] : memref<10240x128xf32, #tpu.memory_space<vmem_shared>> -> memref<160x128xf32, #tpu.memory_space<vmem_shared>>
      tpu.enqueue_dma source(%dma_start3A_52 : memref<160x128xf32, #tpu.memory_space<vmem_shared>>) target(%dma_start3A_50 : memref<160x128xf32, #tpu.memory_space<hbm>>) target_semaphore(%run_scoped3A_48 : memref<!tpu.dma_semaphore, #tpu.memory_space<semaphore_mem>>)
      %dma_wait3A = arith.constant 0 : i32
      %dma_wait3A_53 = tpu.memref_slice %arg5[%arg0, %add3A_39, %dma_wait3A] : memref<2x10240x128xf32, #tpu.memory_space<hbm>> -> memref<1x160x128xf32, #tpu.memory_space<hbm>>
      %dma_wait3A_54 = tpu.memref_squeeze %dma_wait3A_53 : memref<1x160x128xf32, #tpu.memory_space<hbm>> -> memref<160x128xf32, #tpu.memory_space<hbm>>
      %dma_wait3A_55 = arith.constant 0 : i32
      %dma_wait3A_56 = tpu.memref_slice %arg9[%add3A_39, %dma_wait3A_55] : memref<10240x128xf32, #tpu.memory_space<vmem_shared>> -> memref<160x128xf32, #tpu.memory_space<vmem_shared>>
      tpu.wait_dma2 semaphore(%run_scoped3A_48 : memref<!tpu.dma_semaphore, #tpu.memory_space<semaphore_mem>>) src(%dma_wait3A_56 : memref<160x128xf32, #tpu.memory_space<vmem_shared>>) dst(%dma_wait3A_54 : memref<160x128xf32, #tpu.memory_space<hbm>>)
      tpu.yield
    }) : () -> ()
    %mul3A_40 = arith.constant 640 : i32
    %mul3A_41 = arith.muli %arg1, %mul3A_40 : i32
    %add3A_42 = arith.constant 320 : i32
    %add3A_43 = arith.addi %mul3A_41, %add3A_42 : i32
    "tpu.region"() ({
      %run_scoped3A_48 = tpu.sem_alloc : memref<!tpu.dma_semaphore, #tpu.memory_space<semaphore_mem>>
      %dma_start3A = arith.constant 0 : i32
      %dma_start3A_49 = tpu.memref_slice %arg5[%arg0, %add3A_43, %dma_start3A] : memref<2x10240x128xf32, #tpu.memory_space<hbm>> -> memref<1x160x128xf32, #tpu.memory_space<hbm>>
      %dma_start3A_50 = tpu.memref_squeeze %dma_start3A_49 : memref<1x160x128xf32, #tpu.memory_space<hbm>> -> memref<160x128xf32, #tpu.memory_space<hbm>>
      %dma_start3A_51 = arith.constant 0 : i32
      %dma_start3A_52 = tpu.memref_slice %arg9[%add3A_43, %dma_start3A_51] : memref<10240x128xf32, #tpu.memory_space<vmem_shared>> -> memref<160x128xf32, #tpu.memory_space<vmem_shared>>
      tpu.enqueue_dma source(%dma_start3A_52 : memref<160x128xf32, #tpu.memory_space<vmem_shared>>) target(%dma_start3A_50 : memref<160x128xf32, #tpu.memory_space<hbm>>) target_semaphore(%run_scoped3A_48 : memref<!tpu.dma_semaphore, #tpu.memory_space<semaphore_mem>>)
      %dma_wait3A = arith.constant 0 : i32
      %dma_wait3A_53 = tpu.memref_slice %arg5[%arg0, %add3A_43, %dma_wait3A] : memref<2x10240x128xf32, #tpu.memory_space<hbm>> -> memref<1x160x128xf32, #tpu.memory_space<hbm>>
      %dma_wait3A_54 = tpu.memref_squeeze %dma_wait3A_53 : memref<1x160x128xf32, #tpu.memory_space<hbm>> -> memref<160x128xf32, #tpu.memory_space<hbm>>
      %dma_wait3A_55 = arith.constant 0 : i32
      %dma_wait3A_56 = tpu.memref_slice %arg9[%add3A_43, %dma_wait3A_55] : memref<10240x128xf32, #tpu.memory_space<vmem_shared>> -> memref<160x128xf32, #tpu.memory_space<vmem_shared>>
      tpu.wait_dma2 semaphore(%run_scoped3A_48 : memref<!tpu.dma_semaphore, #tpu.memory_space<semaphore_mem>>) src(%dma_wait3A_56 : memref<160x128xf32, #tpu.memory_space<vmem_shared>>) dst(%dma_wait3A_54 : memref<160x128xf32, #tpu.memory_space<hbm>>)
      tpu.yield
    }) : () -> ()
    %mul3A_44 = arith.constant 640 : i32
    %mul3A_45 = arith.muli %arg1, %mul3A_44 : i32
    %add3A_46 = arith.constant 480 : i32
    %add3A_47 = arith.addi %mul3A_45, %add3A_46 : i32
    "tpu.region"() ({
      %run_scoped3A_48 = tpu.sem_alloc : memref<!tpu.dma_semaphore, #tpu.memory_space<semaphore_mem>>
      %dma_start3A = arith.constant 0 : i32
      %dma_start3A_49 = tpu.memref_slice %arg5[%arg0, %add3A_47, %dma_start3A] : memref<2x10240x128xf32, #tpu.memory_space<hbm>> -> memref<1x160x128xf32, #tpu.memory_space<hbm>>
      %dma_start3A_50 = tpu.memref_squeeze %dma_start3A_49 : memref<1x160x128xf32, #tpu.memory_space<hbm>> -> memref<160x128xf32, #tpu.memory_space<hbm>>
      %dma_start3A_51 = arith.constant 0 : i32
      %dma_start3A_52 = tpu.memref_slice %arg9[%add3A_47, %dma_start3A_51] : memref<10240x128xf32, #tpu.memory_space<vmem_shared>> -> memref<160x128xf32, #tpu.memory_space<vmem_shared>>
      tpu.enqueue_dma source(%dma_start3A_52 : memref<160x128xf32, #tpu.memory_space<vmem_shared>>) target(%dma_start3A_50 : memref<160x128xf32, #tpu.memory_space<hbm>>) target_semaphore(%run_scoped3A_48 : memref<!tpu.dma_semaphore, #tpu.memory_space<semaphore_mem>>)
      %dma_wait3A = arith.constant 0 : i32
      %dma_wait3A_53 = tpu.memref_slice %arg5[%arg0, %add3A_47, %dma_wait3A] : memref<2x10240x128xf32, #tpu.memory_space<hbm>> -> memref<1x160x128xf32, #tpu.memory_space<hbm>>
      %dma_wait3A_54 = tpu.memref_squeeze %dma_wait3A_53 : memref<1x160x128xf32, #tpu.memory_space<hbm>> -> memref<160x128xf32, #tpu.memory_space<hbm>>
      %dma_wait3A_55 = arith.constant 0 : i32
      %dma_wait3A_56 = tpu.memref_slice %arg9[%add3A_47, %dma_wait3A_55] : memref<10240x128xf32, #tpu.memory_space<vmem_shared>> -> memref<160x128xf32, #tpu.memory_space<vmem_shared>>
      tpu.wait_dma2 semaphore(%run_scoped3A_48 : memref<!tpu.dma_semaphore, #tpu.memory_space<semaphore_mem>>) src(%dma_wait3A_56 : memref<160x128xf32, #tpu.memory_space<vmem_shared>>) dst(%dma_wait3A_54 : memref<160x128xf32, #tpu.memory_space<hbm>>)
      tpu.yield
    }) : () -> ()
    return
  }
}

#map = affine_map<(d0, d1) -> (0, 0)>
#map1 = affine_map<(d0, d1) -> (0, 0, 0, 0)>
#map2 = affine_map<(d0, d1) -> (0, 0, 0)>
module attributes {stable_mosaic.version = 14 : i64} {
  func.func @_edge_kernel(%arg0: i32, %arg1: i32, %arg2: memref<163840x128xf32, #tpu.memory_space<hbm>>, %arg3: memref<32x10x8x128xi32, #tpu.memory_space<hbm>>, %arg4: memref<32x10x8x128xi32, #tpu.memory_space<hbm>>, %arg5: memref<2x10240x128xf32, #tpu.memory_space<hbm>>, %arg6: memref<2x8x128xi32, #tpu.memory_space<vmem>>, %arg7: memref<2x8x128xi32, #tpu.memory_space<vmem>>, %arg8: memref<256x128xf32, #tpu.memory_space<vmem>>, %arg9: memref<10240x128xf32, #tpu.memory_space<vmem_shared>>, %arg10: memref<!tpu.dma_semaphore, #tpu.memory_space<semaphore_mem>>, %arg11: memref<!tpu.dma_semaphore, #tpu.memory_space<semaphore_mem>>, %arg12: memref<!tpu.dma_semaphore, #tpu.memory_space<semaphore_mem>>, %arg13: memref<!tpu.dma_semaphore, #tpu.memory_space<semaphore_mem>>) attributes {dimension_semantics = [#tpu.dimension_semantics<core_parallel>, #tpu.dimension_semantics<subcore_parallel>], iteration_bounds = array<i64: 2, 16>, scalar_prefetch = 0 : i64, scratch_operands = 8 : i64, tpu.core_type = #tpu.core_type<sc_vector_subcore>, window_params = [{transform_indices = #map}, {transform_indices = #map1}, {transform_indices = #map1}, {transform_indices = #map2}]} {
    %mul3A = arith.constant 2 : i32
    %mul3A_0 = arith.muli %arg1, %mul3A : i32
    %add3A = arith.addi %mul3A_0, %arg0 : i32
    %broadcast_in_dim3A = arith.constant 0.000000e+00 : f32
    %broadcast_in_dim3A_1 = vector.broadcast %broadcast_in_dim3A : f32 to vector<16xf32>
    %scan3A = arith.constant 0 : i32
    %scan3A_2 = arith.constant 256 : i32
    %scan3A_3 = arith.addi %scan3A, %scan3A_2 : i32
    %scan3A_4 = arith.constant 1 : i32
    scf.for %scan3A_48 = %scan3A to %scan3A_3 step %scan3A_4  : i32 {
      %mul3A_49 = arith.constant 1 : i32
      %mul3A_50 = arith.muli %scan3A_48, %mul3A_49 : i32
      %add3A_51 = arith.constant 0 : i32
      %add3A_52 = arith.addi %add3A_51, %mul3A_50 : i32
      %swap3A = arith.index_cast %add3A_52 : i32 to index
      %swap3A_53 = arith.constant 0 : index
      %swap3A_54 = tpu.vector_load %arg8[%swap3A, %swap3A_53] {strides = array<i32>} : memref<256x128xf32, #tpu.memory_space<vmem>>, vector<1x16xf32>,
      %swap3A_55 = vector.shape_cast %swap3A_54 : vector<1x16xf32> to vector<16xf32>
      %swap3A_56 = vector.shape_cast %broadcast_in_dim3A_1 : vector<16xf32> to vector<1x16xf32>
      tpu.vector_store %arg8[%swap3A, %swap3A_53], %swap3A_56 {strides = array<i32>} : memref<256x128xf32, #tpu.memory_space<vmem>>, vector<1x16xf32>,
      %swap3A_57 = arith.index_cast %add3A_52 : i32 to index
      %swap3A_58 = arith.constant 16 : index
      %swap3A_59 = tpu.vector_load %arg8[%swap3A_57, %swap3A_58] {strides = array<i32>} : memref<256x128xf32, #tpu.memory_space<vmem>>, vector<1x16xf32>,
      %swap3A_60 = vector.shape_cast %swap3A_59 : vector<1x16xf32> to vector<16xf32>
      %swap3A_61 = vector.shape_cast %broadcast_in_dim3A_1 : vector<16xf32> to vector<1x16xf32>
      tpu.vector_store %arg8[%swap3A_57, %swap3A_58], %swap3A_61 {strides = array<i32>} : memref<256x128xf32, #tpu.memory_space<vmem>>, vector<1x16xf32>,
      %swap3A_62 = arith.index_cast %add3A_52 : i32 to index
      %swap3A_63 = arith.constant 32 : index
      %swap3A_64 = tpu.vector_load %arg8[%swap3A_62, %swap3A_63] {strides = array<i32>} : memref<256x128xf32, #tpu.memory_space<vmem>>, vector<1x16xf32>,
      %swap3A_65 = vector.shape_cast %swap3A_64 : vector<1x16xf32> to vector<16xf32>
      %swap3A_66 = vector.shape_cast %broadcast_in_dim3A_1 : vector<16xf32> to vector<1x16xf32>
      tpu.vector_store %arg8[%swap3A_62, %swap3A_63], %swap3A_66 {strides = array<i32>} : memref<256x128xf32, #tpu.memory_space<vmem>>, vector<1x16xf32>,
      %swap3A_67 = arith.index_cast %add3A_52 : i32 to index
      %swap3A_68 = arith.constant 48 : index
      %swap3A_69 = tpu.vector_load %arg8[%swap3A_67, %swap3A_68] {strides = array<i32>} : memref<256x128xf32, #tpu.memory_space<vmem>>, vector<1x16xf32>,
      %swap3A_70 = vector.shape_cast %swap3A_69 : vector<1x16xf32> to vector<16xf32>
      %swap3A_71 = vector.shape_cast %broadcast_in_dim3A_1 : vector<16xf32> to vector<1x16xf32>
      tpu.vector_store %arg8[%swap3A_67, %swap3A_68], %swap3A_71 {strides = array<i32>} : memref<256x128xf32, #tpu.memory_space<vmem>>, vector<1x16xf32>,
      %swap3A_72 = arith.index_cast %add3A_52 : i32 to index
      %swap3A_73 = arith.constant 64 : index
      %swap3A_74 = tpu.vector_load %arg8[%swap3A_72, %swap3A_73] {strides = array<i32>} : memref<256x128xf32, #tpu.memory_space<vmem>>, vector<1x16xf32>,
      %swap3A_75 = vector.shape_cast %swap3A_74 : vector<1x16xf32> to vector<16xf32>
      %swap3A_76 = vector.shape_cast %broadcast_in_dim3A_1 : vector<16xf32> to vector<1x16xf32>
      tpu.vector_store %arg8[%swap3A_72, %swap3A_73], %swap3A_76 {strides = array<i32>} : memref<256x128xf32, #tpu.memory_space<vmem>>, vector<1x16xf32>,
      %swap3A_77 = arith.index_cast %add3A_52 : i32 to index
      %swap3A_78 = arith.constant 80 : index
      %swap3A_79 = tpu.vector_load %arg8[%swap3A_77, %swap3A_78] {strides = array<i32>} : memref<256x128xf32, #tpu.memory_space<vmem>>, vector<1x16xf32>,
      %swap3A_80 = vector.shape_cast %swap3A_79 : vector<1x16xf32> to vector<16xf32>
      %swap3A_81 = vector.shape_cast %broadcast_in_dim3A_1 : vector<16xf32> to vector<1x16xf32>
      tpu.vector_store %arg8[%swap3A_77, %swap3A_78], %swap3A_81 {strides = array<i32>} : memref<256x128xf32, #tpu.memory_space<vmem>>, vector<1x16xf32>,
      %swap3A_82 = arith.index_cast %add3A_52 : i32 to index
      %swap3A_83 = arith.constant 96 : index
      %swap3A_84 = tpu.vector_load %arg8[%swap3A_82, %swap3A_83] {strides = array<i32>} : memref<256x128xf32, #tpu.memory_space<vmem>>, vector<1x16xf32>,
      %swap3A_85 = vector.shape_cast %swap3A_84 : vector<1x16xf32> to vector<16xf32>
      %swap3A_86 = vector.shape_cast %broadcast_in_dim3A_1 : vector<16xf32> to vector<1x16xf32>
      tpu.vector_store %arg8[%swap3A_82, %swap3A_83], %swap3A_86 {strides = array<i32>} : memref<256x128xf32, #tpu.memory_space<vmem>>, vector<1x16xf32>,
      %swap3A_87 = arith.index_cast %add3A_52 : i32 to index
      %swap3A_88 = arith.constant 112 : index
      %swap3A_89 = tpu.vector_load %arg8[%swap3A_87, %swap3A_88] {strides = array<i32>} : memref<256x128xf32, #tpu.memory_space<vmem>>, vector<1x16xf32>,
      %swap3A_90 = vector.shape_cast %swap3A_89 : vector<1x16xf32> to vector<16xf32>
      %swap3A_91 = vector.shape_cast %broadcast_in_dim3A_1 : vector<16xf32> to vector<1x16xf32>
      tpu.vector_store %arg8[%swap3A_87, %swap3A_88], %swap3A_91 {strides = array<i32>} : memref<256x128xf32, #tpu.memory_space<vmem>>, vector<1x16xf32>,
    }
    %scan3A_5 = arith.constant 256 : i32
    %mul3A_6 = arith.constant 640 : i32
    %mul3A_7 = arith.muli %arg1, %mul3A_6 : i32
    %add3A_8 = arith.constant 0 : i32
    %add3A_9 = arith.addi %mul3A_7, %add3A_8 : i32
    "tpu.region"() ({
      %run_scoped3A_48 = tpu.sem_alloc : memref<!tpu.dma_semaphore, #tpu.memory_space<semaphore_mem>>
      %dma_start3A = arith.constant 0 : i32
      %dma_start3A_49 = tpu.memref_slice %arg9[%add3A_9, %dma_start3A] : memref<10240x128xf32, #tpu.memory_space<vmem_shared>> -> memref<256x128xf32, #tpu.memory_space<vmem_shared>>
      %dma_start3A_50 = arith.constant 0 : i32
      %dma_start3A_51 = tpu.memref_slice %arg9[%add3A_9, %dma_start3A_50] : memref<10240x128xf32, #tpu.memory_space<vmem_shared>> -> memref<256x128xf32, #tpu.memory_space<vmem_shared>>
      tpu.enqueue_dma source(%arg8 : memref<256x128xf32, #tpu.memory_space<vmem>>) target(%dma_start3A_51 : memref<256x128xf32, #tpu.memory_space<vmem_shared>>) target_semaphore(%run_scoped3A_48 : memref<!tpu.dma_semaphore, #tpu.memory_space<semaphore_mem>>)
      %dma_wait3A = arith.constant 0 : i32
      %dma_wait3A_52 = tpu.memref_slice %arg9[%add3A_9, %dma_wait3A] : memref<10240x128xf32, #tpu.memory_space<vmem_shared>> -> memref<256x128xf32, #tpu.memory_space<vmem_shared>>
      %dma_wait3A_53 = arith.constant 0 : i32
      %dma_wait3A_54 = tpu.memref_slice %arg9[%add3A_9, %dma_wait3A_53] : memref<10240x128xf32, #tpu.memory_space<vmem_shared>> -> memref<256x128xf32, #tpu.memory_space<vmem_shared>>
      tpu.wait_dma2 semaphore(%run_scoped3A_48 : memref<!tpu.dma_semaphore, #tpu.memory_space<semaphore_mem>>) src(%arg8 : memref<256x128xf32, #tpu.memory_space<vmem>>) dst(%dma_wait3A_54 : memref<256x128xf32, #tpu.memory_space<vmem_shared>>)
      tpu.yield
    }) : () -> ()
    %mul3A_10 = arith.constant 640 : i32
    %mul3A_11 = arith.muli %arg1, %mul3A_10 : i32
    %add3A_12 = arith.constant 256 : i32
    %add3A_13 = arith.addi %mul3A_11, %add3A_12 : i32
    "tpu.region"() ({
      %run_scoped3A_48 = tpu.sem_alloc : memref<!tpu.dma_semaphore, #tpu.memory_space<semaphore_mem>>
      %dma_start3A = arith.constant 0 : i32
      %dma_start3A_49 = tpu.memref_slice %arg9[%add3A_13, %dma_start3A] : memref<10240x128xf32, #tpu.memory_space<vmem_shared>> -> memref<256x128xf32, #tpu.memory_space<vmem_shared>>
      %dma_start3A_50 = arith.constant 0 : i32
      %dma_start3A_51 = tpu.memref_slice %arg9[%add3A_13, %dma_start3A_50] : memref<10240x128xf32, #tpu.memory_space<vmem_shared>> -> memref<256x128xf32, #tpu.memory_space<vmem_shared>>
      tpu.enqueue_dma source(%arg8 : memref<256x128xf32, #tpu.memory_space<vmem>>) target(%dma_start3A_51 : memref<256x128xf32, #tpu.memory_space<vmem_shared>>) target_semaphore(%run_scoped3A_48 : memref<!tpu.dma_semaphore, #tpu.memory_space<semaphore_mem>>)
      %dma_wait3A = arith.constant 0 : i32
      %dma_wait3A_52 = tpu.memref_slice %arg9[%add3A_13, %dma_wait3A] : memref<10240x128xf32, #tpu.memory_space<vmem_shared>> -> memref<256x128xf32, #tpu.memory_space<vmem_shared>>
      %dma_wait3A_53 = arith.constant 0 : i32
      %dma_wait3A_54 = tpu.memref_slice %arg9[%add3A_13, %dma_wait3A_53] : memref<10240x128xf32, #tpu.memory_space<vmem_shared>> -> memref<256x128xf32, #tpu.memory_space<vmem_shared>>
      tpu.wait_dma2 semaphore(%run_scoped3A_48 : memref<!tpu.dma_semaphore, #tpu.memory_space<semaphore_mem>>) src(%arg8 : memref<256x128xf32, #tpu.memory_space<vmem>>) dst(%dma_wait3A_54 : memref<256x128xf32, #tpu.memory_space<vmem_shared>>)
      tpu.yield
    }) : () -> ()
    %mul3A_14 = arith.constant 640 : i32
    %mul3A_15 = arith.muli %arg1, %mul3A_14 : i32
    %add3A_16 = arith.constant 512 : i32
    %add3A_17 = arith.addi %mul3A_15, %add3A_16 : i32
    "tpu.region"() ({
      %run_scoped3A_48 = tpu.sem_alloc : memref<!tpu.dma_semaphore, #tpu.memory_space<semaphore_mem>>
      %dma_start3A = arith.constant 0 : i32
      %dma_start3A_49 = arith.constant 0 : i32
      %dma_start3A_50 = tpu.memref_slice %arg8[%dma_start3A, %dma_start3A_49] : memref<256x128xf32, #tpu.memory_space<vmem>> -> memref<128x128xf32, #tpu.memory_space<vmem>>
      %dma_start3A_51 = arith.constant 0 : i32
      %dma_start3A_52 = tpu.memref_slice %arg9[%add3A_17, %dma_start3A_51] : memref<10240x128xf32, #tpu.memory_space<vmem_shared>> -> memref<128x128xf32, #tpu.memory_space<vmem_shared>>
      %dma_start3A_53 = arith.constant 0 : i32
      %dma_start3A_54 = tpu.memref_slice %arg9[%add3A_17, %dma_start3A_53] : memref<10240x128xf32, #tpu.memory_space<vmem_shared>> -> memref<128x128xf32, #tpu.memory_space<vmem_shared>>
      %dma_start3A_55 = arith.constant 0 : i32
      %dma_start3A_56 = arith.constant 0 : i32
      %dma_start3A_57 = tpu.memref_slice %arg8[%dma_start3A_55, %dma_start3A_56] : memref<256x128xf32, #tpu.memory_space<vmem>> -> memref<128x128xf32, #tpu.memory_space<vmem>>
      tpu.enqueue_dma source(%dma_start3A_57 : memref<128x128xf32, #tpu.memory_space<vmem>>) target(%dma_start3A_54 : memref<128x128xf32, #tpu.memory_space<vmem_shared>>) target_semaphore(%run_scoped3A_48 : memref<!tpu.dma_semaphore, #tpu.memory_space<semaphore_mem>>)
      %dma_wait3A = arith.constant 0 : i32
      %dma_wait3A_58 = arith.constant 0 : i32
      %dma_wait3A_59 = tpu.memref_slice %arg8[%dma_wait3A, %dma_wait3A_58] : memref<256x128xf32, #tpu.memory_space<vmem>> -> memref<128x128xf32, #tpu.memory_space<vmem>>
      %dma_wait3A_60 = arith.constant 0 : i32
      %dma_wait3A_61 = tpu.memref_slice %arg9[%add3A_17, %dma_wait3A_60] : memref<10240x128xf32, #tpu.memory_space<vmem_shared>> -> memref<128x128xf32, #tpu.memory_space<vmem_shared>>
      %dma_wait3A_62 = arith.constant 0 : i32
      %dma_wait3A_63 = tpu.memref_slice %arg9[%add3A_17, %dma_wait3A_62] : memref<10240x128xf32, #tpu.memory_space<vmem_shared>> -> memref<128x128xf32, #tpu.memory_space<vmem_shared>>
      %dma_wait3A_64 = arith.constant 0 : i32
      %dma_wait3A_65 = arith.constant 0 : i32
      %dma_wait3A_66 = tpu.memref_slice %arg8[%dma_wait3A_64, %dma_wait3A_65] : memref<256x128xf32, #tpu.memory_space<vmem>> -> memref<128x128xf32, #tpu.memory_space<vmem>>
      tpu.wait_dma2 semaphore(%run_scoped3A_48 : memref<!tpu.dma_semaphore, #tpu.memory_space<semaphore_mem>>) src(%dma_wait3A_66 : memref<128x128xf32, #tpu.memory_space<vmem>>) dst(%dma_wait3A_63 : memref<128x128xf32, #tpu.memory_space<vmem_shared>>)
      tpu.yield
    }) : () -> ()
    %run_scoped3A = arith.constant 0 : i32
    %run_scoped3A_18 = arith.constant 0 : i32
    "tpu.region"() ({
      %run_scoped3A_48 = tpu.sem_alloc : memref<!tpu.dma_semaphore, #tpu.memory_space<semaphore_mem>>
      %dma_start3A = arith.constant 0 : i32
      %dma_start3A_49 = arith.constant 0 : i32
      %dma_start3A_50 = tpu.memref_slice %arg6[%run_scoped3A_18, %dma_start3A, %dma_start3A_49] : memref<2x8x128xi32, #tpu.memory_space<vmem>> -> memref<1x8x128xi32, #tpu.memory_space<vmem>>
      %dma_start3A_51 = tpu.memref_squeeze %dma_start3A_50 : memref<1x8x128xi32, #tpu.memory_space<vmem>> -> memref<8x128xi32, #tpu.memory_space<vmem>>
      %dma_start3A_52 = arith.constant 0 : i32
      %dma_start3A_53 = arith.constant 0 : i32
      %dma_start3A_54 = tpu.memref_slice %arg3[%add3A, %run_scoped3A, %dma_start3A_52, %dma_start3A_53] : memref<32x10x8x128xi32, #tpu.memory_space<hbm>> -> memref<1x1x8x128xi32, #tpu.memory_space<hbm>>
      %dma_start3A_55 = tpu.memref_squeeze %dma_start3A_54 : memref<1x1x8x128xi32, #tpu.memory_space<hbm>> -> memref<8x128xi32, #tpu.memory_space<hbm>>
      %dma_start3A_56 = arith.constant 0 : i32
      %dma_start3A_57 = arith.constant 0 : i32
      %dma_start3A_58 = tpu.memref_slice %arg6[%run_scoped3A_18, %dma_start3A_56, %dma_start3A_57] : memref<2x8x128xi32, #tpu.memory_space<vmem>> -> memref<1x8x128xi32, #tpu.memory_space<vmem>>
      %dma_start3A_59 = tpu.memref_squeeze %dma_start3A_58 : memref<1x8x128xi32, #tpu.memory_space<vmem>> -> memref<8x128xi32, #tpu.memory_space<vmem>>
      %dma_start3A_60 = arith.constant 0 : i32
      %dma_start3A_61 = arith.constant 0 : i32
      %dma_start3A_62 = tpu.memref_slice %arg3[%add3A, %run_scoped3A, %dma_start3A_60, %dma_start3A_61] : memref<32x10x8x128xi32, #tpu.memory_space<hbm>> -> memref<1x1x8x128xi32, #tpu.memory_space<hbm>>
      %dma_start3A_63 = tpu.memref_squeeze %dma_start3A_62 : memref<1x1x8x128xi32, #tpu.memory_space<hbm>> -> memref<8x128xi32, #tpu.memory_space<hbm>>
      tpu.enqueue_dma source(%dma_start3A_63 : memref<8x128xi32, #tpu.memory_space<hbm>>) target(%dma_start3A_59 : memref<8x128xi32, #tpu.memory_space<vmem>>) target_semaphore(%run_scoped3A_48 : memref<!tpu.dma_semaphore, #tpu.memory_space<semaphore_mem>>)
      %dma_wait3A = arith.constant 0 : i32
      %dma_wait3A_64 = arith.constant 0 : i32
      %dma_wait3A_65 = tpu.memref_slice %arg6[%run_scoped3A_18, %dma_wait3A, %dma_wait3A_64] : memref<2x8x128xi32, #tpu.memory_space<vmem>> -> memref<1x8x128xi32, #tpu.memory_space<vmem>>
      %dma_wait3A_66 = tpu.memref_squeeze %dma_wait3A_65 : memref<1x8x128xi32, #tpu.memory_space<vmem>> -> memref<8x128xi32, #tpu.memory_space<vmem>>
      %dma_wait3A_67 = arith.constant 0 : i32
      %dma_wait3A_68 = arith.constant 0 : i32
      %dma_wait3A_69 = tpu.memref_slice %arg3[%add3A, %run_scoped3A, %dma_wait3A_67, %dma_wait3A_68] : memref<32x10x8x128xi32, #tpu.memory_space<hbm>> -> memref<1x1x8x128xi32, #tpu.memory_space<hbm>>
      %dma_wait3A_70 = tpu.memref_squeeze %dma_wait3A_69 : memref<1x1x8x128xi32, #tpu.memory_space<hbm>> -> memref<8x128xi32, #tpu.memory_space<hbm>>
      %dma_wait3A_71 = arith.constant 0 : i32
      %dma_wait3A_72 = arith.constant 0 : i32
      %dma_wait3A_73 = tpu.memref_slice %arg6[%run_scoped3A_18, %dma_wait3A_71, %dma_wait3A_72] : memref<2x8x128xi32, #tpu.memory_space<vmem>> -> memref<1x8x128xi32, #tpu.memory_space<vmem>>
      %dma_wait3A_74 = tpu.memref_squeeze %dma_wait3A_73 : memref<1x8x128xi32, #tpu.memory_space<vmem>> -> memref<8x128xi32, #tpu.memory_space<vmem>>
      %dma_wait3A_75 = arith.constant 0 : i32
      %dma_wait3A_76 = arith.constant 0 : i32
      %dma_wait3A_77 = tpu.memref_slice %arg3[%add3A, %run_scoped3A, %dma_wait3A_75, %dma_wait3A_76] : memref<32x10x8x128xi32, #tpu.memory_space<hbm>> -> memref<1x1x8x128xi32, #tpu.memory_space<hbm>>
      %dma_wait3A_78 = tpu.memref_squeeze %dma_wait3A_77 : memref<1x1x8x128xi32, #tpu.memory_space<hbm>> -> memref<8x128xi32, #tpu.memory_space<hbm>>
      tpu.wait_dma2 semaphore(%run_scoped3A_48 : memref<!tpu.dma_semaphore, #tpu.memory_space<semaphore_mem>>) src(%dma_wait3A_78 : memref<8x128xi32, #tpu.memory_space<hbm>>) dst(%dma_wait3A_74 : memref<8x128xi32, #tpu.memory_space<vmem>>)
      tpu.yield
    }) : () -> ()
    %run_scoped3A_19 = arith.constant 0 : i32
    %run_scoped3A_20 = arith.constant 0 : i32
    "tpu.region"() ({
      %run_scoped3A_48 = tpu.sem_alloc : memref<!tpu.dma_semaphore, #tpu.memory_space<semaphore_mem>>
      %dma_start3A = arith.constant 0 : i32
      %dma_start3A_49 = arith.constant 0 : i32
      %dma_start3A_50 = tpu.memref_slice %arg7[%run_scoped3A_20, %dma_start3A, %dma_start3A_49] : memref<2x8x128xi32, #tpu.memory_space<vmem>> -> memref<1x8x128xi32, #tpu.memory_space<vmem>>
      %dma_start3A_51 = tpu.memref_squeeze %dma_start3A_50 : memref<1x8x128xi32, #tpu.memory_space<vmem>> -> memref<8x128xi32, #tpu.memory_space<vmem>>
      %dma_start3A_52 = arith.constant 0 : i32
      %dma_start3A_53 = arith.constant 0 : i32
      %dma_start3A_54 = tpu.memref_slice %arg4[%add3A, %run_scoped3A_19, %dma_start3A_52, %dma_start3A_53] : memref<32x10x8x128xi32, #tpu.memory_space<hbm>> -> memref<1x1x8x128xi32, #tpu.memory_space<hbm>>
      %dma_start3A_55 = tpu.memref_squeeze %dma_start3A_54 : memref<1x1x8x128xi32, #tpu.memory_space<hbm>> -> memref<8x128xi32, #tpu.memory_space<hbm>>
      %dma_start3A_56 = arith.constant 0 : i32
      %dma_start3A_57 = arith.constant 0 : i32
      %dma_start3A_58 = tpu.memref_slice %arg7[%run_scoped3A_20, %dma_start3A_56, %dma_start3A_57] : memref<2x8x128xi32, #tpu.memory_space<vmem>> -> memref<1x8x128xi32, #tpu.memory_space<vmem>>
      %dma_start3A_59 = tpu.memref_squeeze %dma_start3A_58 : memref<1x8x128xi32, #tpu.memory_space<vmem>> -> memref<8x128xi32, #tpu.memory_space<vmem>>
      %dma_start3A_60 = arith.constant 0 : i32
      %dma_start3A_61 = arith.constant 0 : i32
      %dma_start3A_62 = tpu.memref_slice %arg4[%add3A, %run_scoped3A_19, %dma_start3A_60, %dma_start3A_61] : memref<32x10x8x128xi32, #tpu.memory_space<hbm>> -> memref<1x1x8x128xi32, #tpu.memory_space<hbm>>
      %dma_start3A_63 = tpu.memref_squeeze %dma_start3A_62 : memref<1x1x8x128xi32, #tpu.memory_space<hbm>> -> memref<8x128xi32, #tpu.memory_space<hbm>>
      tpu.enqueue_dma source(%dma_start3A_63 : memref<8x128xi32, #tpu.memory_space<hbm>>) target(%dma_start3A_59 : memref<8x128xi32, #tpu.memory_space<vmem>>) target_semaphore(%run_scoped3A_48 : memref<!tpu.dma_semaphore, #tpu.memory_space<semaphore_mem>>)
      %dma_wait3A = arith.constant 0 : i32
      %dma_wait3A_64 = arith.constant 0 : i32
      %dma_wait3A_65 = tpu.memref_slice %arg7[%run_scoped3A_20, %dma_wait3A, %dma_wait3A_64] : memref<2x8x128xi32, #tpu.memory_space<vmem>> -> memref<1x8x128xi32, #tpu.memory_space<vmem>>
      %dma_wait3A_66 = tpu.memref_squeeze %dma_wait3A_65 : memref<1x8x128xi32, #tpu.memory_space<vmem>> -> memref<8x128xi32, #tpu.memory_space<vmem>>
      %dma_wait3A_67 = arith.constant 0 : i32
      %dma_wait3A_68 = arith.constant 0 : i32
      %dma_wait3A_69 = tpu.memref_slice %arg4[%add3A, %run_scoped3A_19, %dma_wait3A_67, %dma_wait3A_68] : memref<32x10x8x128xi32, #tpu.memory_space<hbm>> -> memref<1x1x8x128xi32, #tpu.memory_space<hbm>>
      %dma_wait3A_70 = tpu.memref_squeeze %dma_wait3A_69 : memref<1x1x8x128xi32, #tpu.memory_space<hbm>> -> memref<8x128xi32, #tpu.memory_space<hbm>>
      %dma_wait3A_71 = arith.constant 0 : i32
      %dma_wait3A_72 = arith.constant 0 : i32
      %dma_wait3A_73 = tpu.memref_slice %arg7[%run_scoped3A_20, %dma_wait3A_71, %dma_wait3A_72] : memref<2x8x128xi32, #tpu.memory_space<vmem>> -> memref<1x8x128xi32, #tpu.memory_space<vmem>>
      %dma_wait3A_74 = tpu.memref_squeeze %dma_wait3A_73 : memref<1x8x128xi32, #tpu.memory_space<vmem>> -> memref<8x128xi32, #tpu.memory_space<vmem>>
      %dma_wait3A_75 = arith.constant 0 : i32
      %dma_wait3A_76 = arith.constant 0 : i32
      %dma_wait3A_77 = tpu.memref_slice %arg4[%add3A, %run_scoped3A_19, %dma_wait3A_75, %dma_wait3A_76] : memref<32x10x8x128xi32, #tpu.memory_space<hbm>> -> memref<1x1x8x128xi32, #tpu.memory_space<hbm>>
      %dma_wait3A_78 = tpu.memref_squeeze %dma_wait3A_77 : memref<1x1x8x128xi32, #tpu.memory_space<hbm>> -> memref<8x128xi32, #tpu.memory_space<hbm>>
      tpu.wait_dma2 semaphore(%run_scoped3A_48 : memref<!tpu.dma_semaphore, #tpu.memory_space<semaphore_mem>>) src(%dma_wait3A_78 : memref<8x128xi32, #tpu.memory_space<hbm>>) dst(%dma_wait3A_74 : memref<8x128xi32, #tpu.memory_space<vmem>>)
      tpu.yield
    }) : () -> ()
    %barrier3A = arith.constant 0 : index
    tpu.barrier barrier_id(%barrier3A)
    %scan3A_21 = arith.constant 0 : i32
    %scan3A_22 = arith.constant 9 : i32
    %scan3A_23 = arith.addi %scan3A_21, %scan3A_22 : i32
    %scan3A_24 = arith.constant 1 : i32
    scf.for %scan3A_48 = %scan3A_21 to %scan3A_23 step %scan3A_24  : i32 {
      %mul3A_49 = arith.constant 1 : i32
      %mul3A_50 = arith.muli %scan3A_48, %mul3A_49 : i32
      %add3A_51 = arith.constant 0 : i32
      %add3A_52 = arith.addi %add3A_51, %mul3A_50 : i32
      %rem3A = arith.constant 2 : i32
      %rem3A_53 = arith.remsi %add3A_52, %rem3A : i32
      %sub3A = arith.constant 1 : i32
      %sub3A_54 = arith.subi %sub3A, %rem3A_53 : i32
      %add3A_55 = arith.constant 1 : i32
      %add3A_56 = arith.addi %add3A_52, %add3A_55 : i32
      %dma_start3A = arith.constant 0 : i32
      %dma_start3A_57 = arith.constant 0 : i32
      %dma_start3A_58 = tpu.memref_slice %arg6[%sub3A_54, %dma_start3A, %dma_start3A_57] : memref<2x8x128xi32, #tpu.memory_space<vmem>> -> memref<1x8x128xi32, #tpu.memory_space<vmem>>
      %dma_start3A_59 = tpu.memref_squeeze %dma_start3A_58 : memref<1x8x128xi32, #tpu.memory_space<vmem>> -> memref<8x128xi32, #tpu.memory_space<vmem>>
      %dma_start3A_60 = arith.constant 0 : i32
      %dma_start3A_61 = arith.constant 0 : i32
      %dma_start3A_62 = tpu.memref_slice %arg3[%add3A, %add3A_56, %dma_start3A_60, %dma_start3A_61] : memref<32x10x8x128xi32, #tpu.memory_space<hbm>> -> memref<1x1x8x128xi32, #tpu.memory_space<hbm>>
      %dma_start3A_63 = tpu.memref_squeeze %dma_start3A_62 : memref<1x1x8x128xi32, #tpu.memory_space<hbm>> -> memref<8x128xi32, #tpu.memory_space<hbm>>
      %dma_start3A_64 = arith.constant 0 : i32
      %dma_start3A_65 = arith.constant 0 : i32
      %dma_start3A_66 = tpu.memref_slice %arg6[%sub3A_54, %dma_start3A_64, %dma_start3A_65] : memref<2x8x128xi32, #tpu.memory_space<vmem>> -> memref<1x8x128xi32, #tpu.memory_space<vmem>>
      %dma_start3A_67 = tpu.memref_squeeze %dma_start3A_66 : memref<1x8x128xi32, #tpu.memory_space<vmem>> -> memref<8x128xi32, #tpu.memory_space<vmem>>
      %dma_start3A_68 = arith.constant 0 : i32
      %dma_start3A_69 = arith.constant 0 : i32
      %dma_start3A_70 = tpu.memref_slice %arg3[%add3A, %add3A_56, %dma_start3A_68, %dma_start3A_69] : memref<32x10x8x128xi32, #tpu.memory_space<hbm>> -> memref<1x1x8x128xi32, #tpu.memory_space<hbm>>
      %dma_start3A_71 = tpu.memref_squeeze %dma_start3A_70 : memref<1x1x8x128xi32, #tpu.memory_space<hbm>> -> memref<8x128xi32, #tpu.memory_space<hbm>>
      tpu.enqueue_dma source(%dma_start3A_71 : memref<8x128xi32, #tpu.memory_space<hbm>>) target(%dma_start3A_67 : memref<8x128xi32, #tpu.memory_space<vmem>>) target_semaphore(%arg12 : memref<!tpu.dma_semaphore, #tpu.memory_space<semaphore_mem>>)
      %add3A_72 = arith.constant 1 : i32
      %add3A_73 = arith.addi %add3A_52, %add3A_72 : i32
      %dma_start3A_74 = arith.constant 0 : i32
      %dma_start3A_75 = arith.constant 0 : i32
      %dma_start3A_76 = tpu.memref_slice %arg7[%sub3A_54, %dma_start3A_74, %dma_start3A_75] : memref<2x8x128xi32, #tpu.memory_space<vmem>> -> memref<1x8x128xi32, #tpu.memory_space<vmem>>
      %dma_start3A_77 = tpu.memref_squeeze %dma_start3A_76 : memref<1x8x128xi32, #tpu.memory_space<vmem>> -> memref<8x128xi32, #tpu.memory_space<vmem>>
      %dma_start3A_78 = arith.constant 0 : i32
      %dma_start3A_79 = arith.constant 0 : i32
      %dma_start3A_80 = tpu.memref_slice %arg4[%add3A, %add3A_73, %dma_start3A_78, %dma_start3A_79] : memref<32x10x8x128xi32, #tpu.memory_space<hbm>> -> memref<1x1x8x128xi32, #tpu.memory_space<hbm>>
      %dma_start3A_81 = tpu.memref_squeeze %dma_start3A_80 : memref<1x1x8x128xi32, #tpu.memory_space<hbm>> -> memref<8x128xi32, #tpu.memory_space<hbm>>
      %dma_start3A_82 = arith.constant 0 : i32
      %dma_start3A_83 = arith.constant 0 : i32
      %dma_start3A_84 = tpu.memref_slice %arg7[%sub3A_54, %dma_start3A_82, %dma_start3A_83] : memref<2x8x128xi32, #tpu.memory_space<vmem>> -> memref<1x8x128xi32, #tpu.memory_space<vmem>>
      %dma_start3A_85 = tpu.memref_squeeze %dma_start3A_84 : memref<1x8x128xi32, #tpu.memory_space<vmem>> -> memref<8x128xi32, #tpu.memory_space<vmem>>
      %dma_start3A_86 = arith.constant 0 : i32
      %dma_start3A_87 = arith.constant 0 : i32
      %dma_start3A_88 = tpu.memref_slice %arg4[%add3A, %add3A_73, %dma_start3A_86, %dma_start3A_87] : memref<32x10x8x128xi32, #tpu.memory_space<hbm>> -> memref<1x1x8x128xi32, #tpu.memory_space<hbm>>
      %dma_start3A_89 = tpu.memref_squeeze %dma_start3A_88 : memref<1x1x8x128xi32, #tpu.memory_space<hbm>> -> memref<8x128xi32, #tpu.memory_space<hbm>>
      tpu.enqueue_dma source(%dma_start3A_89 : memref<8x128xi32, #tpu.memory_space<hbm>>) target(%dma_start3A_85 : memref<8x128xi32, #tpu.memory_space<vmem>>) target_semaphore(%arg13 : memref<!tpu.dma_semaphore, #tpu.memory_space<semaphore_mem>>)
      %scan3A_90 = arith.constant 0 : i32
      %scan3A_91 = arith.constant 4 : i32
      %scan3A_92 = arith.addi %scan3A_90, %scan3A_91 : i32
      %scan3A_93 = arith.constant 1 : i32
      scf.for %scan3A_126 = %scan3A_90 to %scan3A_92 step %scan3A_93  : i32 {
        %mul3A_127 = arith.constant 2 : i32
        %mul3A_128 = arith.muli %scan3A_126, %mul3A_127 : i32
        %add3A_129 = arith.constant 0 : i32
        %add3A_130 = arith.addi %add3A_129, %mul3A_128 : i32
        %dma_start3A_131 = arith.constant 0 : i32
        %dma_start3A_132 = arith.constant 0 : i32
        %dma_start3A_133 = tpu.memref_slice %arg8[%dma_start3A_131, %dma_start3A_132] : memref<256x128xf32, #tpu.memory_space<vmem>> -> memref<128x128xf32, #tpu.memory_space<vmem>>
        %dma_start3A_134 = arith.constant 0 : i32
        %dma_start3A_135 = tpu.memref_slice %arg6[%rem3A_53, %add3A_130, %dma_start3A_134] : memref<2x8x128xi32, #tpu.memory_space<vmem>> -> memref<1x1x128xi32, #tpu.memory_space<vmem>>
        %dma_start3A_136 = tpu.memref_squeeze %dma_start3A_135 : memref<1x1x128xi32, #tpu.memory_space<vmem>> -> memref<128xi32, #tpu.memory_space<vmem>>
        %dma_start3A_137 = arith.constant 0 : i32
        %dma_start3A_138 = arith.constant 0 : i32
        %dma_start3A_139 = tpu.memref_slice %arg2[%dma_start3A_137, %dma_start3A_138] : memref<163840x128xf32, #tpu.memory_space<hbm>> -> memref<163840x128xf32, #tpu.memory_space<hbm>>
        tpu.enqueue_indirect_dma source(%dma_start3A_139 : memref<163840x128xf32, #tpu.memory_space<hbm>>) target(%dma_start3A_133 : memref<128x128xf32, #tpu.memory_space<vmem>>) offsets(%dma_start3A_136 : memref<128xi32, #tpu.memory_space<vmem>>) semaphore(%arg10 : memref<!tpu.dma_semaphore, #tpu.memory_space<semaphore_mem>>)
        %add3A_140 = arith.constant 1 : i32
        %add3A_141 = arith.addi %add3A_130, %add3A_140 : i32
        %dma_start3A_142 = arith.constant 128 : i32
        %dma_start3A_143 = arith.constant 0 : i32
        %dma_start3A_144 = tpu.memref_slice %arg8[%dma_start3A_142, %dma_start3A_143] : memref<256x128xf32, #tpu.memory_space<vmem>> -> memref<128x128xf32, #tpu.memory_space<vmem>>
        %dma_start3A_145 = arith.constant 0 : i32
        %dma_start3A_146 = tpu.memref_slice %arg6[%rem3A_53, %add3A_141, %dma_start3A_145] : memref<2x8x128xi32, #tpu.memory_space<vmem>> -> memref<1x1x128xi32, #tpu.memory_space<vmem>>
        %dma_start3A_147 = tpu.memref_squeeze %dma_start3A_146 : memref<1x1x128xi32, #tpu.memory_space<vmem>> -> memref<128xi32, #tpu.memory_space<vmem>>
        %dma_start3A_148 = arith.constant 0 : i32
        %dma_start3A_149 = arith.constant 0 : i32
        %dma_start3A_150 = tpu.memref_slice %arg2[%dma_start3A_148, %dma_start3A_149] : memref<163840x128xf32, #tpu.memory_space<hbm>> -> memref<163840x128xf32, #tpu.memory_space<hbm>>
        tpu.enqueue_indirect_dma source(%dma_start3A_150 : memref<163840x128xf32, #tpu.memory_space<hbm>>) target(%dma_start3A_144 : memref<128x128xf32, #tpu.memory_space<vmem>>) offsets(%dma_start3A_147 : memref<128xi32, #tpu.memory_space<vmem>>) semaphore(%arg11 : memref<!tpu.dma_semaphore, #tpu.memory_space<semaphore_mem>>)
        %dma_wait3A_151 = arith.constant 0 : i32
        %dma_wait3A_152 = arith.constant 0 : i32
        %dma_wait3A_153 = tpu.memref_slice %arg8[%dma_wait3A_151, %dma_wait3A_152] : memref<256x128xf32, #tpu.memory_space<vmem>> -> memref<128x128xf32, #tpu.memory_space<vmem>>
        %dma_wait3A_154 = arith.constant 0 : i32
        %dma_wait3A_155 = tpu.memref_slice %arg6[%rem3A_53, %add3A_130, %dma_wait3A_154] : memref<2x8x128xi32, #tpu.memory_space<vmem>> -> memref<1x1x128xi32, #tpu.memory_space<vmem>>
        %dma_wait3A_156 = tpu.memref_squeeze %dma_wait3A_155 : memref<1x1x128xi32, #tpu.memory_space<vmem>> -> memref<128xi32, #tpu.memory_space<vmem>>
        %dma_wait3A_157 = arith.constant 0 : i32
        %dma_wait3A_158 = arith.constant 0 : i32
        %dma_wait3A_159 = tpu.memref_slice %arg2[%dma_wait3A_157, %dma_wait3A_158] : memref<163840x128xf32, #tpu.memory_space<hbm>> -> memref<163840x128xf32, #tpu.memory_space<hbm>>
        tpu.wait_indirect_dma semaphore(%arg10 : memref<!tpu.dma_semaphore, #tpu.memory_space<semaphore_mem>>) src(%dma_wait3A_159 : memref<163840x128xf32, #tpu.memory_space<hbm>>) dst(%dma_wait3A_153 : memref<128x128xf32, #tpu.memory_space<vmem>>)
        "tpu.region"() ({
          %run_scoped3A_171 = tpu.sem_alloc : memref<!tpu.dma_semaphore, #tpu.memory_space<semaphore_mem>>
          %dma_start3A_172 = arith.constant 0 : i32
          %dma_start3A_173 = arith.constant 0 : i32
          %dma_start3A_174 = tpu.memref_slice %arg8[%dma_start3A_172, %dma_start3A_173] : memref<256x128xf32, #tpu.memory_space<vmem>> -> memref<128x128xf32, #tpu.memory_space<vmem>>
          %dma_start3A_175 = arith.constant 0 : i32
          %dma_start3A_176 = tpu.memref_slice %arg7[%rem3A_53, %add3A_130, %dma_start3A_175] : memref<2x8x128xi32, #tpu.memory_space<vmem>> -> memref<1x1x128xi32, #tpu.memory_space<vmem>>
          %dma_start3A_177 = tpu.memref_squeeze %dma_start3A_176 : memref<1x1x128xi32, #tpu.memory_space<vmem>> -> memref<128xi32, #tpu.memory_space<vmem>>
          %dma_start3A_178 = arith.constant 0 : i32
          %dma_start3A_179 = arith.constant 0 : i32
          %dma_start3A_180 = tpu.memref_slice %arg9[%dma_start3A_178, %dma_start3A_179] : memref<10240x128xf32, #tpu.memory_space<vmem_shared>> -> memref<10240x128xf32, #tpu.memory_space<vmem_shared>>
          tpu.enqueue_indirect_dma source(%dma_start3A_174 : memref<128x128xf32, #tpu.memory_space<vmem>>) target(%dma_start3A_180 : memref<10240x128xf32, #tpu.memory_space<vmem_shared>>) offsets(%dma_start3A_177 : memref<128xi32, #tpu.memory_space<vmem>>) semaphore(%run_scoped3A_171 : memref<!tpu.dma_semaphore, #tpu.memory_space<semaphore_mem>>) {add = true}
          %dma_wait3A_181 = arith.constant 0 : i32
          %dma_wait3A_182 = arith.constant 0 : i32
          %dma_wait3A_183 = tpu.memref_slice %arg8[%dma_wait3A_181, %dma_wait3A_182] : memref<256x128xf32, #tpu.memory_space<vmem>> -> memref<128x128xf32, #tpu.memory_space<vmem>>
          %dma_wait3A_184 = arith.constant 0 : i32
          %dma_wait3A_185 = tpu.memref_slice %arg7[%rem3A_53, %add3A_130, %dma_wait3A_184] : memref<2x8x128xi32, #tpu.memory_space<vmem>> -> memref<1x1x128xi32, #tpu.memory_space<vmem>>
          %dma_wait3A_186 = tpu.memref_squeeze %dma_wait3A_185 : memref<1x1x128xi32, #tpu.memory_space<vmem>> -> memref<128xi32, #tpu.memory_space<vmem>>
          %dma_wait3A_187 = arith.constant 0 : i32
          %dma_wait3A_188 = arith.constant 0 : i32
          %dma_wait3A_189 = tpu.memref_slice %arg9[%dma_wait3A_187, %dma_wait3A_188] : memref<10240x128xf32, #tpu.memory_space<vmem_shared>> -> memref<10240x128xf32, #tpu.memory_space<vmem_shared>>
          tpu.wait_indirect_dma semaphore(%run_scoped3A_171 : memref<!tpu.dma_semaphore, #tpu.memory_space<semaphore_mem>>) src(%dma_wait3A_183 : memref<128x128xf32, #tpu.memory_space<vmem>>) dst(%dma_wait3A_189 : memref<10240x128xf32, #tpu.memory_space<vmem_shared>>)
          tpu.yield
        }) : () -> ()
        %dma_wait3A_160 = arith.constant 128 : i32
        %dma_wait3A_161 = arith.constant 0 : i32
        %dma_wait3A_162 = tpu.memref_slice %arg8[%dma_wait3A_160, %dma_wait3A_161] : memref<256x128xf32, #tpu.memory_space<vmem>> -> memref<128x128xf32, #tpu.memory_space<vmem>>
        %dma_wait3A_163 = arith.constant 0 : i32
        %dma_wait3A_164 = tpu.memref_slice %arg6[%rem3A_53, %add3A_141, %dma_wait3A_163] : memref<2x8x128xi32, #tpu.memory_space<vmem>> -> memref<1x1x128xi32, #tpu.memory_space<vmem>>
        %dma_wait3A_165 = tpu.memref_squeeze %dma_wait3A_164 : memref<1x1x128xi32, #tpu.memory_space<vmem>> -> memref<128xi32, #tpu.memory_space<vmem>>
        %dma_wait3A_166 = arith.constant 0 : i32
        %dma_wait3A_167 = arith.constant 0 : i32
        %dma_wait3A_168 = tpu.memref_slice %arg2[%dma_wait3A_166, %dma_wait3A_167] : memref<163840x128xf32, #tpu.memory_space<hbm>> -> memref<163840x128xf32, #tpu.memory_space<hbm>>
        tpu.wait_indirect_dma semaphore(%arg11 : memref<!tpu.dma_semaphore, #tpu.memory_space<semaphore_mem>>) src(%dma_wait3A_168 : memref<163840x128xf32, #tpu.memory_space<hbm>>) dst(%dma_wait3A_162 : memref<128x128xf32, #tpu.memory_space<vmem>>)
        %add3A_169 = arith.constant 1 : i32
        %add3A_170 = arith.addi %add3A_130, %add3A_169 : i32
        "tpu.region"() ({
          %run_scoped3A_171 = tpu.sem_alloc : memref<!tpu.dma_semaphore, #tpu.memory_space<semaphore_mem>>
          %dma_start3A_172 = arith.constant 128 : i32
          %dma_start3A_173 = arith.constant 0 : i32
          %dma_start3A_174 = tpu.memref_slice %arg8[%dma_start3A_172, %dma_start3A_173] : memref<256x128xf32, #tpu.memory_space<vmem>> -> memref<128x128xf32, #tpu.memory_space<vmem>>
          %dma_start3A_175 = arith.constant 0 : i32
          %dma_start3A_176 = tpu.memref_slice %arg7[%rem3A_53, %add3A_170, %dma_start3A_175] : memref<2x8x128xi32, #tpu.memory_space<vmem>> -> memref<1x1x128xi32, #tpu.memory_space<vmem>>
          %dma_start3A_177 = tpu.memref_squeeze %dma_start3A_176 : memref<1x1x128xi32, #tpu.memory_space<vmem>> -> memref<128xi32, #tpu.memory_space<vmem>>
          %dma_start3A_178 = arith.constant 0 : i32
          %dma_start3A_179 = arith.constant 0 : i32
          %dma_start3A_180 = tpu.memref_slice %arg9[%dma_start3A_178, %dma_start3A_179] : memref<10240x128xf32, #tpu.memory_space<vmem_shared>> -> memref<10240x128xf32, #tpu.memory_space<vmem_shared>>
          tpu.enqueue_indirect_dma source(%dma_start3A_174 : memref<128x128xf32, #tpu.memory_space<vmem>>) target(%dma_start3A_180 : memref<10240x128xf32, #tpu.memory_space<vmem_shared>>) offsets(%dma_start3A_177 : memref<128xi32, #tpu.memory_space<vmem>>) semaphore(%run_scoped3A_171 : memref<!tpu.dma_semaphore, #tpu.memory_space<semaphore_mem>>) {add = true}
          %dma_wait3A_181 = arith.constant 128 : i32
          %dma_wait3A_182 = arith.constant 0 : i32
          %dma_wait3A_183 = tpu.memref_slice %arg8[%dma_wait3A_181, %dma_wait3A_182] : memref<256x128xf32, #tpu.memory_space<vmem>> -> memref<128x128xf32, #tpu.memory_space<vmem>>
          %dma_wait3A_184 = arith.constant 0 : i32
          %dma_wait3A_185 = tpu.memref_slice %arg7[%rem3A_53, %add3A_170, %dma_wait3A_184] : memref<2x8x128xi32, #tpu.memory_space<vmem>> -> memref<1x1x128xi32, #tpu.memory_space<vmem>>
          %dma_wait3A_186 = tpu.memref_squeeze %dma_wait3A_185 : memref<1x1x128xi32, #tpu.memory_space<vmem>> -> memref<128xi32, #tpu.memory_space<vmem>>
          %dma_wait3A_187 = arith.constant 0 : i32
          %dma_wait3A_188 = arith.constant 0 : i32
          %dma_wait3A_189 = tpu.memref_slice %arg9[%dma_wait3A_187, %dma_wait3A_188] : memref<10240x128xf32, #tpu.memory_space<vmem_shared>> -> memref<10240x128xf32, #tpu.memory_space<vmem_shared>>
          tpu.wait_indirect_dma semaphore(%run_scoped3A_171 : memref<!tpu.dma_semaphore, #tpu.memory_space<semaphore_mem>>) src(%dma_wait3A_183 : memref<128x128xf32, #tpu.memory_space<vmem>>) dst(%dma_wait3A_189 : memref<10240x128xf32, #tpu.memory_space<vmem_shared>>)
          tpu.yield
        }) : () -> ()
      }
      %scan3A_94 = arith.constant 4 : i32
      %dma_wait3A = arith.constant 0 : i32
      %dma_wait3A_95 = arith.constant 0 : i32
      %dma_wait3A_96 = tpu.memref_slice %arg6[%sub3A_54, %dma_wait3A, %dma_wait3A_95] : memref<2x8x128xi32, #tpu.memory_space<vmem>> -> memref<1x8x128xi32, #tpu.memory_space<vmem>>
      %dma_wait3A_97 = tpu.memref_squeeze %dma_wait3A_96 : memref<1x8x128xi32, #tpu.memory_space<vmem>> -> memref<8x128xi32, #tpu.memory_space<vmem>>
      %dma_wait3A_98 = arith.constant 0 : i32
      %dma_wait3A_99 = arith.constant 0 : i32
      %dma_wait3A_100 = tpu.memref_slice %arg3[%add3A, %add3A_56, %dma_wait3A_98, %dma_wait3A_99] : memref<32x10x8x128xi32, #tpu.memory_space<hbm>> -> memref<1x1x8x128xi32, #tpu.memory_space<hbm>>
      %dma_wait3A_101 = tpu.memref_squeeze %dma_wait3A_100 : memref<1x1x8x128xi32, #tpu.memory_space<hbm>> -> memref<8x128xi32, #tpu.memory_space<hbm>>
      %dma_wait3A_102 = arith.constant 0 : i32
      %dma_wait3A_103 = arith.constant 0 : i32
      %dma_wait3A_104 = tpu.memref_slice %arg6[%sub3A_54, %dma_wait3A_102, %dma_wait3A_103] : memref<2x8x128xi32, #tpu.memory_space<vmem>> -> memref<1x8x128xi32, #tpu.memory_space<vmem>>
      %dma_wait3A_105 = tpu.memref_squeeze %dma_wait3A_104 : memref<1x8x128xi32, #tpu.memory_space<vmem>> -> memref<8x128xi32, #tpu.memory_space<vmem>>
      %dma_wait3A_106 = arith.constant 0 : i32
      %dma_wait3A_107 = arith.constant 0 : i32
      %dma_wait3A_108 = tpu.memref_slice %arg3[%add3A, %add3A_56, %dma_wait3A_106, %dma_wait3A_107] : memref<32x10x8x128xi32, #tpu.memory_space<hbm>> -> memref<1x1x8x128xi32, #tpu.memory_space<hbm>>
      %dma_wait3A_109 = tpu.memref_squeeze %dma_wait3A_108 : memref<1x1x8x128xi32, #tpu.memory_space<hbm>> -> memref<8x128xi32, #tpu.memory_space<hbm>>
      tpu.wait_dma2 semaphore(%arg12 : memref<!tpu.dma_semaphore, #tpu.memory_space<semaphore_mem>>) src(%dma_wait3A_109 : memref<8x128xi32, #tpu.memory_space<hbm>>) dst(%dma_wait3A_105 : memref<8x128xi32, #tpu.memory_space<vmem>>)
      %dma_wait3A_110 = arith.constant 0 : i32
      %dma_wait3A_111 = arith.constant 0 : i32
      %dma_wait3A_112 = tpu.memref_slice %arg7[%sub3A_54, %dma_wait3A_110, %dma_wait3A_111] : memref<2x8x128xi32, #tpu.memory_space<vmem>> -> memref<1x8x128xi32, #tpu.memory_space<vmem>>
      %dma_wait3A_113 = tpu.memref_squeeze %dma_wait3A_112 : memref<1x8x128xi32, #tpu.memory_space<vmem>> -> memref<8x128xi32, #tpu.memory_space<vmem>>
      %dma_wait3A_114 = arith.constant 0 : i32
      %dma_wait3A_115 = arith.constant 0 : i32
      %dma_wait3A_116 = tpu.memref_slice %arg4[%add3A, %add3A_73, %dma_wait3A_114, %dma_wait3A_115] : memref<32x10x8x128xi32, #tpu.memory_space<hbm>> -> memref<1x1x8x128xi32, #tpu.memory_space<hbm>>
      %dma_wait3A_117 = tpu.memref_squeeze %dma_wait3A_116 : memref<1x1x8x128xi32, #tpu.memory_space<hbm>> -> memref<8x128xi32, #tpu.memory_space<hbm>>
      %dma_wait3A_118 = arith.constant 0 : i32
      %dma_wait3A_119 = arith.constant 0 : i32
      %dma_wait3A_120 = tpu.memref_slice %arg7[%sub3A_54, %dma_wait3A_118, %dma_wait3A_119] : memref<2x8x128xi32, #tpu.memory_space<vmem>> -> memref<1x8x128xi32, #tpu.memory_space<vmem>>
      %dma_wait3A_121 = tpu.memref_squeeze %dma_wait3A_120 : memref<1x8x128xi32, #tpu.memory_space<vmem>> -> memref<8x128xi32, #tpu.memory_space<vmem>>
      %dma_wait3A_122 = arith.constant 0 : i32
      %dma_wait3A_123 = arith.constant 0 : i32
      %dma_wait3A_124 = tpu.memref_slice %arg4[%add3A, %add3A_73, %dma_wait3A_122, %dma_wait3A_123] : memref<32x10x8x128xi32, #tpu.memory_space<hbm>> -> memref<1x1x8x128xi32, #tpu.memory_space<hbm>>
      %dma_wait3A_125 = tpu.memref_squeeze %dma_wait3A_124 : memref<1x1x8x128xi32, #tpu.memory_space<hbm>> -> memref<8x128xi32, #tpu.memory_space<hbm>>
      tpu.wait_dma2 semaphore(%arg13 : memref<!tpu.dma_semaphore, #tpu.memory_space<semaphore_mem>>) src(%dma_wait3A_125 : memref<8x128xi32, #tpu.memory_space<hbm>>) dst(%dma_wait3A_121 : memref<8x128xi32, #tpu.memory_space<vmem>>)
    }
    %scan3A_25 = arith.constant 9 : i32
    %scan3A_26 = arith.constant 0 : i32
    %scan3A_27 = arith.constant 4 : i32
    %scan3A_28 = arith.addi %scan3A_26, %scan3A_27 : i32
    %scan3A_29 = arith.constant 1 : i32
    scf.for %scan3A_48 = %scan3A_26 to %scan3A_28 step %scan3A_29  : i32 {
      %mul3A_49 = arith.constant 2 : i32
      %mul3A_50 = arith.muli %scan3A_48, %mul3A_49 : i32
      %add3A_51 = arith.constant 0 : i32
      %add3A_52 = arith.addi %add3A_51, %mul3A_50 : i32
      %dma_start3A = arith.constant 1 : i32
      %dma_start3A_53 = arith.constant 0 : i32
      %dma_start3A_54 = arith.constant 0 : i32
      %dma_start3A_55 = tpu.memref_slice %arg8[%dma_start3A_53, %dma_start3A_54] : memref<256x128xf32, #tpu.memory_space<vmem>> -> memref<128x128xf32, #tpu.memory_space<vmem>>
      %dma_start3A_56 = arith.constant 0 : i32
      %dma_start3A_57 = tpu.memref_slice %arg6[%dma_start3A, %add3A_52, %dma_start3A_56] : memref<2x8x128xi32, #tpu.memory_space<vmem>> -> memref<1x1x128xi32, #tpu.memory_space<vmem>>
      %dma_start3A_58 = tpu.memref_squeeze %dma_start3A_57 : memref<1x1x128xi32, #tpu.memory_space<vmem>> -> memref<128xi32, #tpu.memory_space<vmem>>
      %dma_start3A_59 = arith.constant 0 : i32
      %dma_start3A_60 = arith.constant 0 : i32
      %dma_start3A_61 = tpu.memref_slice %arg2[%dma_start3A_59, %dma_start3A_60] : memref<163840x128xf32, #tpu.memory_space<hbm>> -> memref<163840x128xf32, #tpu.memory_space<hbm>>
      tpu.enqueue_indirect_dma source(%dma_start3A_61 : memref<163840x128xf32, #tpu.memory_space<hbm>>) target(%dma_start3A_55 : memref<128x128xf32, #tpu.memory_space<vmem>>) offsets(%dma_start3A_58 : memref<128xi32, #tpu.memory_space<vmem>>) semaphore(%arg10 : memref<!tpu.dma_semaphore, #tpu.memory_space<semaphore_mem>>)
      %add3A_62 = arith.constant 1 : i32
      %add3A_63 = arith.addi %add3A_52, %add3A_62 : i32
      %dma_start3A_64 = arith.constant 1 : i32
      %dma_start3A_65 = arith.constant 128 : i32
      %dma_start3A_66 = arith.constant 0 : i32
      %dma_start3A_67 = tpu.memref_slice %arg8[%dma_start3A_65, %dma_start3A_66] : memref<256x128xf32, #tpu.memory_space<vmem>> -> memref<128x128xf32, #tpu.memory_space<vmem>>
      %dma_start3A_68 = arith.constant 0 : i32
      %dma_start3A_69 = tpu.memref_slice %arg6[%dma_start3A_64, %add3A_63, %dma_start3A_68] : memref<2x8x128xi32, #tpu.memory_space<vmem>> -> memref<1x1x128xi32, #tpu.memory_space<vmem>>
      %dma_start3A_70 = tpu.memref_squeeze %dma_start3A_69 : memref<1x1x128xi32, #tpu.memory_space<vmem>> -> memref<128xi32, #tpu.memory_space<vmem>>
      %dma_start3A_71 = arith.constant 0 : i32
      %dma_start3A_72 = arith.constant 0 : i32
      %dma_start3A_73 = tpu.memref_slice %arg2[%dma_start3A_71, %dma_start3A_72] : memref<163840x128xf32, #tpu.memory_space<hbm>> -> memref<163840x128xf32, #tpu.memory_space<hbm>>
      tpu.enqueue_indirect_dma source(%dma_start3A_73 : memref<163840x128xf32, #tpu.memory_space<hbm>>) target(%dma_start3A_67 : memref<128x128xf32, #tpu.memory_space<vmem>>) offsets(%dma_start3A_70 : memref<128xi32, #tpu.memory_space<vmem>>) semaphore(%arg11 : memref<!tpu.dma_semaphore, #tpu.memory_space<semaphore_mem>>)
      %dma_wait3A = arith.constant 1 : i32
      %dma_wait3A_74 = arith.constant 0 : i32
      %dma_wait3A_75 = arith.constant 0 : i32
      %dma_wait3A_76 = tpu.memref_slice %arg8[%dma_wait3A_74, %dma_wait3A_75] : memref<256x128xf32, #tpu.memory_space<vmem>> -> memref<128x128xf32, #tpu.memory_space<vmem>>
      %dma_wait3A_77 = arith.constant 0 : i32
      %dma_wait3A_78 = tpu.memref_slice %arg6[%dma_wait3A, %add3A_52, %dma_wait3A_77] : memref<2x8x128xi32, #tpu.memory_space<vmem>> -> memref<1x1x128xi32, #tpu.memory_space<vmem>>
      %dma_wait3A_79 = tpu.memref_squeeze %dma_wait3A_78 : memref<1x1x128xi32, #tpu.memory_space<vmem>> -> memref<128xi32, #tpu.memory_space<vmem>>
      %dma_wait3A_80 = arith.constant 0 : i32
      %dma_wait3A_81 = arith.constant 0 : i32
      %dma_wait3A_82 = tpu.memref_slice %arg2[%dma_wait3A_80, %dma_wait3A_81] : memref<163840x128xf32, #tpu.memory_space<hbm>> -> memref<163840x128xf32, #tpu.memory_space<hbm>>
      tpu.wait_indirect_dma semaphore(%arg10 : memref<!tpu.dma_semaphore, #tpu.memory_space<semaphore_mem>>) src(%dma_wait3A_82 : memref<163840x128xf32, #tpu.memory_space<hbm>>) dst(%dma_wait3A_76 : memref<128x128xf32, #tpu.memory_space<vmem>>)
      %run_scoped3A_83 = arith.constant 1 : i32
      "tpu.region"() ({
        %run_scoped3A_97 = tpu.sem_alloc : memref<!tpu.dma_semaphore, #tpu.memory_space<semaphore_mem>>
        %dma_start3A_98 = arith.constant 0 : i32
        %dma_start3A_99 = arith.constant 0 : i32
        %dma_start3A_100 = tpu.memref_slice %arg8[%dma_start3A_98, %dma_start3A_99] : memref<256x128xf32, #tpu.memory_space<vmem>> -> memref<128x128xf32, #tpu.memory_space<vmem>>
        %dma_start3A_101 = arith.constant 0 : i32
        %dma_start3A_102 = tpu.memref_slice %arg7[%run_scoped3A_83, %add3A_52, %dma_start3A_101] : memref<2x8x128xi32, #tpu.memory_space<vmem>> -> memref<1x1x128xi32, #tpu.memory_space<vmem>>
        %dma_start3A_103 = tpu.memref_squeeze %dma_start3A_102 : memref<1x1x128xi32, #tpu.memory_space<vmem>> -> memref<128xi32, #tpu.memory_space<vmem>>
        %dma_start3A_104 = arith.constant 0 : i32
        %dma_start3A_105 = arith.constant 0 : i32
        %dma_start3A_106 = tpu.memref_slice %arg9[%dma_start3A_104, %dma_start3A_105] : memref<10240x128xf32, #tpu.memory_space<vmem_shared>> -> memref<10240x128xf32, #tpu.memory_space<vmem_shared>>
        tpu.enqueue_indirect_dma source(%dma_start3A_100 : memref<128x128xf32, #tpu.memory_space<vmem>>) target(%dma_start3A_106 : memref<10240x128xf32, #tpu.memory_space<vmem_shared>>) offsets(%dma_start3A_103 : memref<128xi32, #tpu.memory_space<vmem>>) semaphore(%run_scoped3A_97 : memref<!tpu.dma_semaphore, #tpu.memory_space<semaphore_mem>>) {add = true}
        %dma_wait3A_107 = arith.constant 0 : i32
        %dma_wait3A_108 = arith.constant 0 : i32
        %dma_wait3A_109 = tpu.memref_slice %arg8[%dma_wait3A_107, %dma_wait3A_108] : memref<256x128xf32, #tpu.memory_space<vmem>> -> memref<128x128xf32, #tpu.memory_space<vmem>>
        %dma_wait3A_110 = arith.constant 0 : i32
        %dma_wait3A_111 = tpu.memref_slice %arg7[%run_scoped3A_83, %add3A_52, %dma_wait3A_110] : memref<2x8x128xi32, #tpu.memory_space<vmem>> -> memref<1x1x128xi32, #tpu.memory_space<vmem>>
        %dma_wait3A_112 = tpu.memref_squeeze %dma_wait3A_111 : memref<1x1x128xi32, #tpu.memory_space<vmem>> -> memref<128xi32, #tpu.memory_space<vmem>>
        %dma_wait3A_113 = arith.constant 0 : i32
        %dma_wait3A_114 = arith.constant 0 : i32
        %dma_wait3A_115 = tpu.memref_slice %arg9[%dma_wait3A_113, %dma_wait3A_114] : memref<10240x128xf32, #tpu.memory_space<vmem_shared>> -> memref<10240x128xf32, #tpu.memory_space<vmem_shared>>
        tpu.wait_indirect_dma semaphore(%run_scoped3A_97 : memref<!tpu.dma_semaphore, #tpu.memory_space<semaphore_mem>>) src(%dma_wait3A_109 : memref<128x128xf32, #tpu.memory_space<vmem>>) dst(%dma_wait3A_115 : memref<10240x128xf32, #tpu.memory_space<vmem_shared>>)
        tpu.yield
      }) : () -> ()
      %dma_wait3A_84 = arith.constant 1 : i32
      %dma_wait3A_85 = arith.constant 128 : i32
      %dma_wait3A_86 = arith.constant 0 : i32
      %dma_wait3A_87 = tpu.memref_slice %arg8[%dma_wait3A_85, %dma_wait3A_86] : memref<256x128xf32, #tpu.memory_space<vmem>> -> memref<128x128xf32, #tpu.memory_space<vmem>>
      %dma_wait3A_88 = arith.constant 0 : i32
      %dma_wait3A_89 = tpu.memref_slice %arg6[%dma_wait3A_84, %add3A_63, %dma_wait3A_88] : memref<2x8x128xi32, #tpu.memory_space<vmem>> -> memref<1x1x128xi32, #tpu.memory_space<vmem>>
      %dma_wait3A_90 = tpu.memref_squeeze %dma_wait3A_89 : memref<1x1x128xi32, #tpu.memory_space<vmem>> -> memref<128xi32, #tpu.memory_space<vmem>>
      %dma_wait3A_91 = arith.constant 0 : i32
      %dma_wait3A_92 = arith.constant 0 : i32
      %dma_wait3A_93 = tpu.memref_slice %arg2[%dma_wait3A_91, %dma_wait3A_92] : memref<163840x128xf32, #tpu.memory_space<hbm>> -> memref<163840x128xf32, #tpu.memory_space<hbm>>
      tpu.wait_indirect_dma semaphore(%arg11 : memref<!tpu.dma_semaphore, #tpu.memory_space<semaphore_mem>>) src(%dma_wait3A_93 : memref<163840x128xf32, #tpu.memory_space<hbm>>) dst(%dma_wait3A_87 : memref<128x128xf32, #tpu.memory_space<vmem>>)
      %add3A_94 = arith.constant 1 : i32
      %add3A_95 = arith.addi %add3A_52, %add3A_94 : i32
      %run_scoped3A_96 = arith.constant 1 : i32
      "tpu.region"() ({
        %run_scoped3A_97 = tpu.sem_alloc : memref<!tpu.dma_semaphore, #tpu.memory_space<semaphore_mem>>
        %dma_start3A_98 = arith.constant 128 : i32
        %dma_start3A_99 = arith.constant 0 : i32
        %dma_start3A_100 = tpu.memref_slice %arg8[%dma_start3A_98, %dma_start3A_99] : memref<256x128xf32, #tpu.memory_space<vmem>> -> memref<128x128xf32, #tpu.memory_space<vmem>>
        %dma_start3A_101 = arith.constant 0 : i32
        %dma_start3A_102 = tpu.memref_slice %arg7[%run_scoped3A_96, %add3A_95, %dma_start3A_101] : memref<2x8x128xi32, #tpu.memory_space<vmem>> -> memref<1x1x128xi32, #tpu.memory_space<vmem>>
        %dma_start3A_103 = tpu.memref_squeeze %dma_start3A_102 : memref<1x1x128xi32, #tpu.memory_space<vmem>> -> memref<128xi32, #tpu.memory_space<vmem>>
        %dma_start3A_104 = arith.constant 0 : i32
        %dma_start3A_105 = arith.constant 0 : i32
        %dma_start3A_106 = tpu.memref_slice %arg9[%dma_start3A_104, %dma_start3A_105] : memref<10240x128xf32, #tpu.memory_space<vmem_shared>> -> memref<10240x128xf32, #tpu.memory_space<vmem_shared>>
        tpu.enqueue_indirect_dma source(%dma_start3A_100 : memref<128x128xf32, #tpu.memory_space<vmem>>) target(%dma_start3A_106 : memref<10240x128xf32, #tpu.memory_space<vmem_shared>>) offsets(%dma_start3A_103 : memref<128xi32, #tpu.memory_space<vmem>>) semaphore(%run_scoped3A_97 : memref<!tpu.dma_semaphore, #tpu.memory_space<semaphore_mem>>) {add = true}
        %dma_wait3A_107 = arith.constant 128 : i32
        %dma_wait3A_108 = arith.constant 0 : i32
        %dma_wait3A_109 = tpu.memref_slice %arg8[%dma_wait3A_107, %dma_wait3A_108] : memref<256x128xf32, #tpu.memory_space<vmem>> -> memref<128x128xf32, #tpu.memory_space<vmem>>
        %dma_wait3A_110 = arith.constant 0 : i32
        %dma_wait3A_111 = tpu.memref_slice %arg7[%run_scoped3A_96, %add3A_95, %dma_wait3A_110] : memref<2x8x128xi32, #tpu.memory_space<vmem>> -> memref<1x1x128xi32, #tpu.memory_space<vmem>>
        %dma_wait3A_112 = tpu.memref_squeeze %dma_wait3A_111 : memref<1x1x128xi32, #tpu.memory_space<vmem>> -> memref<128xi32, #tpu.memory_space<vmem>>
        %dma_wait3A_113 = arith.constant 0 : i32
        %dma_wait3A_114 = arith.constant 0 : i32
        %dma_wait3A_115 = tpu.memref_slice %arg9[%dma_wait3A_113, %dma_wait3A_114] : memref<10240x128xf32, #tpu.memory_space<vmem_shared>> -> memref<10240x128xf32, #tpu.memory_space<vmem_shared>>
        tpu.wait_indirect_dma semaphore(%run_scoped3A_97 : memref<!tpu.dma_semaphore, #tpu.memory_space<semaphore_mem>>) src(%dma_wait3A_109 : memref<128x128xf32, #tpu.memory_space<vmem>>) dst(%dma_wait3A_115 : memref<10240x128xf32, #tpu.memory_space<vmem_shared>>)
        tpu.yield
      }) : () -> ()
    }
    %scan3A_30 = arith.constant 4 : i32
    %barrier3A_31 = arith.constant 0 : index
    tpu.barrier barrier_id(%barrier3A_31)
    %mul3A_32 = arith.constant 640 : i32
    %mul3A_33 = arith.muli %arg1, %mul3A_32 : i32
    %add3A_34 = arith.constant 0 : i32
    %add3A_35 = arith.addi %mul3A_33, %add3A_34 : i32
    "tpu.region"() ({
      %run_scoped3A_48 = tpu.sem_alloc : memref<!tpu.dma_semaphore, #tpu.memory_space<semaphore_mem>>
      %dma_start3A = arith.constant 0 : i32
      %dma_start3A_49 = tpu.memref_slice %arg5[%arg0, %add3A_35, %dma_start3A] : memref<2x10240x128xf32, #tpu.memory_space<hbm>> -> memref<1x160x128xf32, #tpu.memory_space<hbm>>
      %dma_start3A_50 = tpu.memref_squeeze %dma_start3A_49 : memref<1x160x128xf32, #tpu.memory_space<hbm>> -> memref<160x128xf32, #tpu.memory_space<hbm>>
      %dma_start3A_51 = arith.constant 0 : i32
      %dma_start3A_52 = tpu.memref_slice %arg9[%add3A_35, %dma_start3A_51] : memref<10240x128xf32, #tpu.memory_space<vmem_shared>> -> memref<160x128xf32, #tpu.memory_space<vmem_shared>>
      tpu.enqueue_dma source(%dma_start3A_52 : memref<160x128xf32, #tpu.memory_space<vmem_shared>>) target(%dma_start3A_50 : memref<160x128xf32, #tpu.memory_space<hbm>>) target_semaphore(%run_scoped3A_48 : memref<!tpu.dma_semaphore, #tpu.memory_space<semaphore_mem>>)
      %dma_wait3A = arith.constant 0 : i32
      %dma_wait3A_53 = tpu.memref_slice %arg5[%arg0, %add3A_35, %dma_wait3A] : memref<2x10240x128xf32, #tpu.memory_space<hbm>> -> memref<1x160x128xf32, #tpu.memory_space<hbm>>
      %dma_wait3A_54 = tpu.memref_squeeze %dma_wait3A_53 : memref<1x160x128xf32, #tpu.memory_space<hbm>> -> memref<160x128xf32, #tpu.memory_space<hbm>>
      %dma_wait3A_55 = arith.constant 0 : i32
      %dma_wait3A_56 = tpu.memref_slice %arg9[%add3A_35, %dma_wait3A_55] : memref<10240x128xf32, #tpu.memory_space<vmem_shared>> -> memref<160x128xf32, #tpu.memory_space<vmem_shared>>
      tpu.wait_dma2 semaphore(%run_scoped3A_48 : memref<!tpu.dma_semaphore, #tpu.memory_space<semaphore_mem>>) src(%dma_wait3A_56 : memref<160x128xf32, #tpu.memory_space<vmem_shared>>) dst(%dma_wait3A_54 : memref<160x128xf32, #tpu.memory_space<hbm>>)
      tpu.yield
    }) : () -> ()
    %mul3A_36 = arith.constant 640 : i32
    %mul3A_37 = arith.muli %arg1, %mul3A_36 : i32
    %add3A_38 = arith.constant 160 : i32
    %add3A_39 = arith.addi %mul3A_37, %add3A_38 : i32
    "tpu.region"() ({
      %run_scoped3A_48 = tpu.sem_alloc : memref<!tpu.dma_semaphore, #tpu.memory_space<semaphore_mem>>
      %dma_start3A = arith.constant 0 : i32
      %dma_start3A_49 = tpu.memref_slice %arg5[%arg0, %add3A_39, %dma_start3A] : memref<2x10240x128xf32, #tpu.memory_space<hbm>> -> memref<1x160x128xf32, #tpu.memory_space<hbm>>
      %dma_start3A_50 = tpu.memref_squeeze %dma_start3A_49 : memref<1x160x128xf32, #tpu.memory_space<hbm>> -> memref<160x128xf32, #tpu.memory_space<hbm>>
      %dma_start3A_51 = arith.constant 0 : i32
      %dma_start3A_52 = tpu.memref_slice %arg9[%add3A_39, %dma_start3A_51] : memref<10240x128xf32, #tpu.memory_space<vmem_shared>> -> memref<160x128xf32, #tpu.memory_space<vmem_shared>>
      tpu.enqueue_dma source(%dma_start3A_52 : memref<160x128xf32, #tpu.memory_space<vmem_shared>>) target(%dma_start3A_50 : memref<160x128xf32, #tpu.memory_space<hbm>>) target_semaphore(%run_scoped3A_48 : memref<!tpu.dma_semaphore, #tpu.memory_space<semaphore_mem>>)
      %dma_wait3A = arith.constant 0 : i32
      %dma_wait3A_53 = tpu.memref_slice %arg5[%arg0, %add3A_39, %dma_wait3A] : memref<2x10240x128xf32, #tpu.memory_space<hbm>> -> memref<1x160x128xf32, #tpu.memory_space<hbm>>
      %dma_wait3A_54 = tpu.memref_squeeze %dma_wait3A_53 : memref<1x160x128xf32, #tpu.memory_space<hbm>> -> memref<160x128xf32, #tpu.memory_space<hbm>>
      %dma_wait3A_55 = arith.constant 0 : i32
      %dma_wait3A_56 = tpu.memref_slice %arg9[%add3A_39, %dma_wait3A_55] : memref<10240x128xf32, #tpu.memory_space<vmem_shared>> -> memref<160x128xf32, #tpu.memory_space<vmem_shared>>
      tpu.wait_dma2 semaphore(%run_scoped3A_48 : memref<!tpu.dma_semaphore, #tpu.memory_space<semaphore_mem>>) src(%dma_wait3A_56 : memref<160x128xf32, #tpu.memory_space<vmem_shared>>) dst(%dma_wait3A_54 : memref<160x128xf32, #tpu.memory_space<hbm>>)
      tpu.yield
    }) : () -> ()
    %mul3A_40 = arith.constant 640 : i32
    %mul3A_41 = arith.muli %arg1, %mul3A_40 : i32
    %add3A_42 = arith.constant 320 : i32
    %add3A_43 = arith.addi %mul3A_41, %add3A_42 : i32
    "tpu.region"() ({
      %run_scoped3A_48 = tpu.sem_alloc : memref<!tpu.dma_semaphore, #tpu.memory_space<semaphore_mem>>
      %dma_start3A = arith.constant 0 : i32
      %dma_start3A_49 = tpu.memref_slice %arg5[%arg0, %add3A_43, %dma_start3A] : memref<2x10240x128xf32, #tpu.memory_space<hbm>> -> memref<1x160x128xf32, #tpu.memory_space<hbm>>
      %dma_start3A_50 = tpu.memref_squeeze %dma_start3A_49 : memref<1x160x128xf32, #tpu.memory_space<hbm>> -> memref<160x128xf32, #tpu.memory_space<hbm>>
      %dma_start3A_51 = arith.constant 0 : i32
      %dma_start3A_52 = tpu.memref_slice %arg9[%add3A_43, %dma_start3A_51] : memref<10240x128xf32, #tpu.memory_space<vmem_shared>> -> memref<160x128xf32, #tpu.memory_space<vmem_shared>>
      tpu.enqueue_dma source(%dma_start3A_52 : memref<160x128xf32, #tpu.memory_space<vmem_shared>>) target(%dma_start3A_50 : memref<160x128xf32, #tpu.memory_space<hbm>>) target_semaphore(%run_scoped3A_48 : memref<!tpu.dma_semaphore, #tpu.memory_space<semaphore_mem>>)
      %dma_wait3A = arith.constant 0 : i32
      %dma_wait3A_53 = tpu.memref_slice %arg5[%arg0, %add3A_43, %dma_wait3A] : memref<2x10240x128xf32, #tpu.memory_space<hbm>> -> memref<1x160x128xf32, #tpu.memory_space<hbm>>
      %dma_wait3A_54 = tpu.memref_squeeze %dma_wait3A_53 : memref<1x160x128xf32, #tpu.memory_space<hbm>> -> memref<160x128xf32, #tpu.memory_space<hbm>>
      %dma_wait3A_55 = arith.constant 0 : i32
      %dma_wait3A_56 = tpu.memref_slice %arg9[%add3A_43, %dma_wait3A_55] : memref<10240x128xf32, #tpu.memory_space<vmem_shared>> -> memref<160x128xf32, #tpu.memory_space<vmem_shared>>
      tpu.wait_dma2 semaphore(%run_scoped3A_48 : memref<!tpu.dma_semaphore, #tpu.memory_space<semaphore_mem>>) src(%dma_wait3A_56 : memref<160x128xf32, #tpu.memory_space<vmem_shared>>) dst(%dma_wait3A_54 : memref<160x128xf32, #tpu.memory_space<hbm>>)
      tpu.yield
    }) : () -> ()
    %mul3A_44 = arith.constant 640 : i32
    %mul3A_45 = arith.muli %arg1, %mul3A_44 : i32
    %add3A_46 = arith.constant 480 : i32
    %add3A_47 = arith.addi %mul3A_45, %add3A_46 : i32
    "tpu.region"() ({
      %run_scoped3A_48 = tpu.sem_alloc : memref<!tpu.dma_semaphore, #tpu.memory_space<semaphore_mem>>
      %dma_start3A = arith.constant 0 : i32
      %dma_start3A_49 = tpu.memref_slice %arg5[%arg0, %add3A_47, %dma_start3A] : memref<2x10240x128xf32, #tpu.memory_space<hbm>> -> memref<1x160x128xf32, #tpu.memory_space<hbm>>
      %dma_start3A_50 = tpu.memref_squeeze %dma_start3A_49 : memref<1x160x128xf32, #tpu.memory_space<hbm>> -> memref<160x128xf32, #tpu.memory_space<hbm>>
      %dma_start3A_51 = arith.constant 0 : i32
      %dma_start3A_52 = tpu.memref_slice %arg9[%add3A_47, %dma_start3A_51] : memref<10240x128xf32, #tpu.memory_space<vmem_shared>> -> memref<160x128xf32, #tpu.memory_space<vmem_shared>>
      tpu.enqueue_dma source(%dma_start3A_52 : memref<160x128xf32, #tpu.memory_space<vmem_shared>>) target(%dma_start3A_50 : memref<160x128xf32, #tpu.memory_space<hbm>>) target_semaphore(%run_scoped3A_48 : memref<!tpu.dma_semaphore, #tpu.memory_space<semaphore_mem>>)
      %dma_wait3A = arith.constant 0 : i32
      %dma_wait3A_53 = tpu.memref_slice %arg5[%arg0, %add3A_47, %dma_wait3A] : memref<2x10240x128xf32, #tpu.memory_space<hbm>> -> memref<1x160x128xf32, #tpu.memory_space<hbm>>
      %dma_wait3A_54 = tpu.memref_squeeze %dma_wait3A_53 : memref<1x160x128xf32, #tpu.memory_space<hbm>> -> memref<160x128xf32, #tpu.memory_space<hbm>>
      %dma_wait3A_55 = arith.constant 0 : i32
      %dma_wait3A_56 = tpu.memref_slice %arg9[%add3A_47, %dma_wait3A_55] : memref<10240x128xf32, #tpu.memory_space<vmem_shared>> -> memref<160x128xf32, #tpu.memory_space<vmem_shared>>
      tpu.wait_dma2 semaphore(%run_scoped3A_48 : memref<!tpu.dma_semaphore, #tpu.memory_space<semaphore_mem>>) src(%dma_wait3A_56 : memref<160x128xf32, #tpu.memory_space<vmem_shared>>) dst(%dma_wait3A_54 : memref<160x128xf32, #tpu.memory_space<hbm>>)
      tpu.yield
    }) : () -> ()
    return
  }
}

#map = affine_map<(d0, d1) -> (0, 0)>
#map1 = affine_map<(d0, d1) -> (0, 0, 0)>
module attributes {stable_mosaic.version = 14 : i64} {
  func.func @_readout_kernel(%arg0: i32, %arg1: i32, %arg2: memref<10240x128xf32, #tpu.memory_space<hbm>>, %arg3: memref<16x5x128xi32, #tpu.memory_space<hbm>>, %arg4: memref<512x128xf32, #tpu.memory_space<hbm>>, %arg5: memref<5x128xi32, #tpu.memory_space<vmem>>, %arg6: memref<128x128xf32, #tpu.memory_space<vmem>>, %arg7: memref<40x128xf32, #tpu.memory_space<vmem>>, %arg8: memref<640x128xf32, #tpu.memory_space<vmem_shared>>, %arg9: memref<!tpu.dma_semaphore, #tpu.memory_space<semaphore_mem>>) attributes {dimension_semantics = [#tpu.dimension_semantics<core_parallel>, #tpu.dimension_semantics<subcore_parallel>], iteration_bounds = array<i64: 2, 16>, scalar_prefetch = 0 : i64, scratch_operands = 5 : i64, tpu.core_type = #tpu.core_type<sc_vector_subcore>, window_params = [{transform_indices = #map}, {transform_indices = #map1}, {transform_indices = #map}]} {
    %eq3A = arith.constant 0 : i32
    %eq3A_0 = arith.cmpi eq, %arg0, %eq3A : i32
    %convert_element_type3A = arith.extui %eq3A_0 : i1 to i32
    %cond3A = arith.constant 0 : i32
    %cond3A_1 = arith.cmpi ne, %convert_element_type3A, %cond3A : i32
    scf.if %cond3A_1 {
      %broadcast_in_dim3A = arith.constant 0.000000e+00 : f32
      %broadcast_in_dim3A_2 = vector.broadcast %broadcast_in_dim3A : f32 to vector<16xf32>
      %scan3A = arith.constant 0 : i32
      %scan3A_3 = arith.constant 40 : i32
      %scan3A_4 = arith.addi %scan3A, %scan3A_3 : i32
      %scan3A_5 = arith.constant 1 : i32
      scf.for %scan3A_18 = %scan3A to %scan3A_4 step %scan3A_5  : i32 {
        %mul3A_19 = arith.constant 1 : i32
        %mul3A_20 = arith.muli %scan3A_18, %mul3A_19 : i32
        %add3A = arith.constant 0 : i32
        %add3A_21 = arith.addi %add3A, %mul3A_20 : i32
        %swap3A = arith.index_cast %add3A_21 : i32 to index
        %swap3A_22 = arith.constant 0 : index
        %swap3A_23 = tpu.vector_load %arg7[%swap3A, %swap3A_22] {strides = array<i32>} : memref<40x128xf32, #tpu.memory_space<vmem>>, vector<1x16xf32>,
        %swap3A_24 = vector.shape_cast %swap3A_23 : vector<1x16xf32> to vector<16xf32>
        %swap3A_25 = vector.shape_cast %broadcast_in_dim3A_2 : vector<16xf32> to vector<1x16xf32>
        tpu.vector_store %arg7[%swap3A, %swap3A_22], %swap3A_25 {strides = array<i32>} : memref<40x128xf32, #tpu.memory_space<vmem>>, vector<1x16xf32>,
        %swap3A_26 = arith.index_cast %add3A_21 : i32 to index
        %swap3A_27 = arith.constant 16 : index
        %swap3A_28 = tpu.vector_load %arg7[%swap3A_26, %swap3A_27] {strides = array<i32>} : memref<40x128xf32, #tpu.memory_space<vmem>>, vector<1x16xf32>,
        %swap3A_29 = vector.shape_cast %swap3A_28 : vector<1x16xf32> to vector<16xf32>
        %swap3A_30 = vector.shape_cast %broadcast_in_dim3A_2 : vector<16xf32> to vector<1x16xf32>
        tpu.vector_store %arg7[%swap3A_26, %swap3A_27], %swap3A_30 {strides = array<i32>} : memref<40x128xf32, #tpu.memory_space<vmem>>, vector<1x16xf32>,
        %swap3A_31 = arith.index_cast %add3A_21 : i32 to index
        %swap3A_32 = arith.constant 32 : index
        %swap3A_33 = tpu.vector_load %arg7[%swap3A_31, %swap3A_32] {strides = array<i32>} : memref<40x128xf32, #tpu.memory_space<vmem>>, vector<1x16xf32>,
        %swap3A_34 = vector.shape_cast %swap3A_33 : vector<1x16xf32> to vector<16xf32>
        %swap3A_35 = vector.shape_cast %broadcast_in_dim3A_2 : vector<16xf32> to vector<1x16xf32>
        tpu.vector_store %arg7[%swap3A_31, %swap3A_32], %swap3A_35 {strides = array<i32>} : memref<40x128xf32, #tpu.memory_space<vmem>>, vector<1x16xf32>,
        %swap3A_36 = arith.index_cast %add3A_21 : i32 to index
        %swap3A_37 = arith.constant 48 : index
        %swap3A_38 = tpu.vector_load %arg7[%swap3A_36, %swap3A_37] {strides = array<i32>} : memref<40x128xf32, #tpu.memory_space<vmem>>, vector<1x16xf32>,
        %swap3A_39 = vector.shape_cast %swap3A_38 : vector<1x16xf32> to vector<16xf32>
        %swap3A_40 = vector.shape_cast %broadcast_in_dim3A_2 : vector<16xf32> to vector<1x16xf32>
        tpu.vector_store %arg7[%swap3A_36, %swap3A_37], %swap3A_40 {strides = array<i32>} : memref<40x128xf32, #tpu.memory_space<vmem>>, vector<1x16xf32>,
        %swap3A_41 = arith.index_cast %add3A_21 : i32 to index
        %swap3A_42 = arith.constant 64 : index
        %swap3A_43 = tpu.vector_load %arg7[%swap3A_41, %swap3A_42] {strides = array<i32>} : memref<40x128xf32, #tpu.memory_space<vmem>>, vector<1x16xf32>,
        %swap3A_44 = vector.shape_cast %swap3A_43 : vector<1x16xf32> to vector<16xf32>
        %swap3A_45 = vector.shape_cast %broadcast_in_dim3A_2 : vector<16xf32> to vector<1x16xf32>
        tpu.vector_store %arg7[%swap3A_41, %swap3A_42], %swap3A_45 {strides = array<i32>} : memref<40x128xf32, #tpu.memory_space<vmem>>, vector<1x16xf32>,
        %swap3A_46 = arith.index_cast %add3A_21 : i32 to index
        %swap3A_47 = arith.constant 80 : index
        %swap3A_48 = tpu.vector_load %arg7[%swap3A_46, %swap3A_47] {strides = array<i32>} : memref<40x128xf32, #tpu.memory_space<vmem>>, vector<1x16xf32>,
        %swap3A_49 = vector.shape_cast %swap3A_48 : vector<1x16xf32> to vector<16xf32>
        %swap3A_50 = vector.shape_cast %broadcast_in_dim3A_2 : vector<16xf32> to vector<1x16xf32>
        tpu.vector_store %arg7[%swap3A_46, %swap3A_47], %swap3A_50 {strides = array<i32>} : memref<40x128xf32, #tpu.memory_space<vmem>>, vector<1x16xf32>,
        %swap3A_51 = arith.index_cast %add3A_21 : i32 to index
        %swap3A_52 = arith.constant 96 : index
        %swap3A_53 = tpu.vector_load %arg7[%swap3A_51, %swap3A_52] {strides = array<i32>} : memref<40x128xf32, #tpu.memory_space<vmem>>, vector<1x16xf32>,
        %swap3A_54 = vector.shape_cast %swap3A_53 : vector<1x16xf32> to vector<16xf32>
        %swap3A_55 = vector.shape_cast %broadcast_in_dim3A_2 : vector<16xf32> to vector<1x16xf32>
        tpu.vector_store %arg7[%swap3A_51, %swap3A_52], %swap3A_55 {strides = array<i32>} : memref<40x128xf32, #tpu.memory_space<vmem>>, vector<1x16xf32>,
        %swap3A_56 = arith.index_cast %add3A_21 : i32 to index
        %swap3A_57 = arith.constant 112 : index
        %swap3A_58 = tpu.vector_load %arg7[%swap3A_56, %swap3A_57] {strides = array<i32>} : memref<40x128xf32, #tpu.memory_space<vmem>>, vector<1x16xf32>,
        %swap3A_59 = vector.shape_cast %swap3A_58 : vector<1x16xf32> to vector<16xf32>
        %swap3A_60 = vector.shape_cast %broadcast_in_dim3A_2 : vector<16xf32> to vector<1x16xf32>
        tpu.vector_store %arg7[%swap3A_56, %swap3A_57], %swap3A_60 {strides = array<i32>} : memref<40x128xf32, #tpu.memory_space<vmem>>, vector<1x16xf32>,
      }
      %scan3A_6 = arith.constant 40 : i32
      %mul3A = arith.constant 40 : i32
      %mul3A_7 = arith.muli %arg1, %mul3A : i32
      "tpu.region"() ({
        %run_scoped3A = tpu.sem_alloc : memref<!tpu.dma_semaphore, #tpu.memory_space<semaphore_mem>>
        %dma_start3A = arith.constant 0 : i32
        %dma_start3A_18 = tpu.memref_slice %arg8[%mul3A_7, %dma_start3A] : memref<640x128xf32, #tpu.memory_space<vmem_shared>> -> memref<40x128xf32, #tpu.memory_space<vmem_shared>>
        %dma_start3A_19 = arith.constant 0 : i32
        %dma_start3A_20 = tpu.memref_slice %arg8[%mul3A_7, %dma_start3A_19] : memref<640x128xf32, #tpu.memory_space<vmem_shared>> -> memref<40x128xf32, #tpu.memory_space<vmem_shared>>
        tpu.enqueue_dma source(%arg7 : memref<40x128xf32, #tpu.memory_space<vmem>>) target(%dma_start3A_20 : memref<40x128xf32, #tpu.memory_space<vmem_shared>>) target_semaphore(%run_scoped3A : memref<!tpu.dma_semaphore, #tpu.memory_space<semaphore_mem>>)
        %dma_wait3A = arith.constant 0 : i32
        %dma_wait3A_21 = tpu.memref_slice %arg8[%mul3A_7, %dma_wait3A] : memref<640x128xf32, #tpu.memory_space<vmem_shared>> -> memref<40x128xf32, #tpu.memory_space<vmem_shared>>
        %dma_wait3A_22 = arith.constant 0 : i32
        %dma_wait3A_23 = tpu.memref_slice %arg8[%mul3A_7, %dma_wait3A_22] : memref<640x128xf32, #tpu.memory_space<vmem_shared>> -> memref<40x128xf32, #tpu.memory_space<vmem_shared>>
        tpu.wait_dma2 semaphore(%run_scoped3A : memref<!tpu.dma_semaphore, #tpu.memory_space<semaphore_mem>>) src(%arg7 : memref<40x128xf32, #tpu.memory_space<vmem>>) dst(%dma_wait3A_23 : memref<40x128xf32, #tpu.memory_space<vmem_shared>>)
        tpu.yield
      }) : () -> ()
      "tpu.region"() ({
        %run_scoped3A = tpu.sem_alloc : memref<!tpu.dma_semaphore, #tpu.memory_space<semaphore_mem>>
        %dma_start3A = arith.constant 0 : i32
        %dma_start3A_18 = arith.constant 0 : i32
        %dma_start3A_19 = tpu.memref_slice %arg3[%arg1, %dma_start3A, %dma_start3A_18] : memref<16x5x128xi32, #tpu.memory_space<hbm>> -> memref<1x5x128xi32, #tpu.memory_space<hbm>>
        %dma_start3A_20 = tpu.memref_squeeze %dma_start3A_19 : memref<1x5x128xi32, #tpu.memory_space<hbm>> -> memref<5x128xi32, #tpu.memory_space<hbm>>
        %dma_start3A_21 = arith.constant 0 : i32
        %dma_start3A_22 = arith.constant 0 : i32
        %dma_start3A_23 = tpu.memref_slice %arg3[%arg1, %dma_start3A_21, %dma_start3A_22] : memref<16x5x128xi32, #tpu.memory_space<hbm>> -> memref<1x5x128xi32, #tpu.memory_space<hbm>>
        %dma_start3A_24 = tpu.memref_squeeze %dma_start3A_23 : memref<1x5x128xi32, #tpu.memory_space<hbm>> -> memref<5x128xi32, #tpu.memory_space<hbm>>
        tpu.enqueue_dma source(%dma_start3A_24 : memref<5x128xi32, #tpu.memory_space<hbm>>) target(%arg5 : memref<5x128xi32, #tpu.memory_space<vmem>>) target_semaphore(%run_scoped3A : memref<!tpu.dma_semaphore, #tpu.memory_space<semaphore_mem>>)
        %dma_wait3A = arith.constant 0 : i32
        %dma_wait3A_25 = arith.constant 0 : i32
        %dma_wait3A_26 = tpu.memref_slice %arg3[%arg1, %dma_wait3A, %dma_wait3A_25] : memref<16x5x128xi32, #tpu.memory_space<hbm>> -> memref<1x5x128xi32, #tpu.memory_space<hbm>>
        %dma_wait3A_27 = tpu.memref_squeeze %dma_wait3A_26 : memref<1x5x128xi32, #tpu.memory_space<hbm>> -> memref<5x128xi32, #tpu.memory_space<hbm>>
        %dma_wait3A_28 = arith.constant 0 : i32
        %dma_wait3A_29 = arith.constant 0 : i32
        %dma_wait3A_30 = tpu.memref_slice %arg3[%arg1, %dma_wait3A_28, %dma_wait3A_29] : memref<16x5x128xi32, #tpu.memory_space<hbm>> -> memref<1x5x128xi32, #tpu.memory_space<hbm>>
        %dma_wait3A_31 = tpu.memref_squeeze %dma_wait3A_30 : memref<1x5x128xi32, #tpu.memory_space<hbm>> -> memref<5x128xi32, #tpu.memory_space<hbm>>
        tpu.wait_dma2 semaphore(%run_scoped3A : memref<!tpu.dma_semaphore, #tpu.memory_space<semaphore_mem>>) src(%dma_wait3A_31 : memref<5x128xi32, #tpu.memory_space<hbm>>) dst(%arg5 : memref<5x128xi32, #tpu.memory_space<vmem>>)
        tpu.yield
      }) : () -> ()
      %barrier3A = arith.constant 0 : index
      tpu.barrier barrier_id(%barrier3A)
      %scan3A_8 = arith.constant 0 : i32
      %scan3A_9 = arith.constant 5 : i32
      %scan3A_10 = arith.addi %scan3A_8, %scan3A_9 : i32
      %scan3A_11 = arith.constant 1 : i32
      scf.for %scan3A_18 = %scan3A_8 to %scan3A_10 step %scan3A_11  : i32 {
        %mul3A_19 = arith.constant 1 : i32
        %mul3A_20 = arith.muli %scan3A_18, %mul3A_19 : i32
        %add3A = arith.constant 0 : i32
        %add3A_21 = arith.addi %add3A, %mul3A_20 : i32
        %mul3A_22 = arith.constant 640 : i32
        %mul3A_23 = arith.muli %arg1, %mul3A_22 : i32
        %mul3A_24 = arith.constant 128 : i32
        %mul3A_25 = arith.muli %add3A_21, %mul3A_24 : i32
        %add3A_26 = arith.addi %mul3A_23, %mul3A_25 : i32
        %dma_start3A = arith.constant 0 : i32
        %dma_start3A_27 = tpu.memref_slice %arg2[%add3A_26, %dma_start3A] : memref<10240x128xf32, #tpu.memory_space<hbm>> -> memref<128x128xf32, #tpu.memory_space<hbm>>
        %dma_start3A_28 = arith.constant 0 : i32
        %dma_start3A_29 = tpu.memref_slice %arg2[%add3A_26, %dma_start3A_28] : memref<10240x128xf32, #tpu.memory_space<hbm>> -> memref<128x128xf32, #tpu.memory_space<hbm>>
        tpu.enqueue_dma source(%dma_start3A_29 : memref<128x128xf32, #tpu.memory_space<hbm>>) target(%arg6 : memref<128x128xf32, #tpu.memory_space<vmem>>) target_semaphore(%arg9 : memref<!tpu.dma_semaphore, #tpu.memory_space<semaphore_mem>>)
        %dma_wait3A = arith.constant 0 : i32
        %dma_wait3A_30 = tpu.memref_slice %arg2[%add3A_26, %dma_wait3A] : memref<10240x128xf32, #tpu.memory_space<hbm>> -> memref<128x128xf32, #tpu.memory_space<hbm>>
        %dma_wait3A_31 = arith.constant 0 : i32
        %dma_wait3A_32 = tpu.memref_slice %arg2[%add3A_26, %dma_wait3A_31] : memref<10240x128xf32, #tpu.memory_space<hbm>> -> memref<128x128xf32, #tpu.memory_space<hbm>>
        tpu.wait_dma2 semaphore(%arg9 : memref<!tpu.dma_semaphore, #tpu.memory_space<semaphore_mem>>) src(%dma_wait3A_32 : memref<128x128xf32, #tpu.memory_space<hbm>>) dst(%arg6 : memref<128x128xf32, #tpu.memory_space<vmem>>)
        "tpu.region"() ({
          %run_scoped3A = tpu.sem_alloc : memref<!tpu.dma_semaphore, #tpu.memory_space<semaphore_mem>>
          %dma_start3A_33 = arith.constant 0 : i32
          %dma_start3A_34 = tpu.memref_slice %arg5[%add3A_21, %dma_start3A_33] : memref<5x128xi32, #tpu.memory_space<vmem>> -> memref<1x128xi32, #tpu.memory_space<vmem>>
          %dma_start3A_35 = tpu.memref_squeeze %dma_start3A_34 : memref<1x128xi32, #tpu.memory_space<vmem>> -> memref<128xi32, #tpu.memory_space<vmem>>
          %dma_start3A_36 = arith.constant 0 : i32
          %dma_start3A_37 = arith.constant 0 : i32
          %dma_start3A_38 = tpu.memref_slice %arg8[%dma_start3A_36, %dma_start3A_37] : memref<640x128xf32, #tpu.memory_space<vmem_shared>> -> memref<640x128xf32, #tpu.memory_space<vmem_shared>>
          tpu.enqueue_indirect_dma source(%arg6 : memref<128x128xf32, #tpu.memory_space<vmem>>) target(%dma_start3A_38 : memref<640x128xf32, #tpu.memory_space<vmem_shared>>) offsets(%dma_start3A_35 : memref<128xi32, #tpu.memory_space<vmem>>) semaphore(%run_scoped3A : memref<!tpu.dma_semaphore, #tpu.memory_space<semaphore_mem>>) {add = true}
          %dma_wait3A_39 = arith.constant 0 : i32
          %dma_wait3A_40 = tpu.memref_slice %arg5[%add3A_21, %dma_wait3A_39] : memref<5x128xi32, #tpu.memory_space<vmem>> -> memref<1x128xi32, #tpu.memory_space<vmem>>
          %dma_wait3A_41 = tpu.memref_squeeze %dma_wait3A_40 : memref<1x128xi32, #tpu.memory_space<vmem>> -> memref<128xi32, #tpu.memory_space<vmem>>
          %dma_wait3A_42 = arith.constant 0 : i32
          %dma_wait3A_43 = arith.constant 0 : i32
          %dma_wait3A_44 = tpu.memref_slice %arg8[%dma_wait3A_42, %dma_wait3A_43] : memref<640x128xf32, #tpu.memory_space<vmem_shared>> -> memref<640x128xf32, #tpu.memory_space<vmem_shared>>
          tpu.wait_indirect_dma semaphore(%run_scoped3A : memref<!tpu.dma_semaphore, #tpu.memory_space<semaphore_mem>>) src(%arg6 : memref<128x128xf32, #tpu.memory_space<vmem>>) dst(%dma_wait3A_44 : memref<640x128xf32, #tpu.memory_space<vmem_shared>>)
          tpu.yield
        }) : () -> ()
      }
      %scan3A_12 = arith.constant 5 : i32
      %barrier3A_13 = arith.constant 0 : index
      tpu.barrier barrier_id(%barrier3A_13)
      %mul3A_14 = arith.constant 32 : i32
      %mul3A_15 = arith.muli %arg1, %mul3A_14 : i32
      %mul3A_16 = arith.constant 32 : i32
      %mul3A_17 = arith.muli %arg1, %mul3A_16 : i32
      "tpu.region"() ({
        %run_scoped3A = tpu.sem_alloc : memref<!tpu.dma_semaphore, #tpu.memory_space<semaphore_mem>>
        %dma_start3A = arith.constant 0 : i32
        %dma_start3A_18 = tpu.memref_slice %arg4[%mul3A_17, %dma_start3A] : memref<512x128xf32, #tpu.memory_space<hbm>> -> memref<32x128xf32, #tpu.memory_space<hbm>>
        %dma_start3A_19 = arith.constant 0 : i32
        %dma_start3A_20 = tpu.memref_slice %arg8[%mul3A_15, %dma_start3A_19] : memref<640x128xf32, #tpu.memory_space<vmem_shared>> -> memref<32x128xf32, #tpu.memory_space<vmem_shared>>
        tpu.enqueue_dma source(%dma_start3A_20 : memref<32x128xf32, #tpu.memory_space<vmem_shared>>) target(%dma_start3A_18 : memref<32x128xf32, #tpu.memory_space<hbm>>) target_semaphore(%run_scoped3A : memref<!tpu.dma_semaphore, #tpu.memory_space<semaphore_mem>>)
        %dma_wait3A = arith.constant 0 : i32
        %dma_wait3A_21 = tpu.memref_slice %arg4[%mul3A_17, %dma_wait3A] : memref<512x128xf32, #tpu.memory_space<hbm>> -> memref<32x128xf32, #tpu.memory_space<hbm>>
        %dma_wait3A_22 = arith.constant 0 : i32
        %dma_wait3A_23 = tpu.memref_slice %arg8[%mul3A_15, %dma_wait3A_22] : memref<640x128xf32, #tpu.memory_space<vmem_shared>> -> memref<32x128xf32, #tpu.memory_space<vmem_shared>>
        tpu.wait_dma2 semaphore(%run_scoped3A : memref<!tpu.dma_semaphore, #tpu.memory_space<semaphore_mem>>) src(%dma_wait3A_23 : memref<32x128xf32, #tpu.memory_space<vmem_shared>>) dst(%dma_wait3A_21 : memref<32x128xf32, #tpu.memory_space<hbm>>)
        tpu.yield
      }) : () -> ()
    } else {
    }
    return
  }
}

module attributes {stable_mosaic.version = 14 : i64} {
  func.func @_expand_body(%arg0: i32, %arg1: memref<512x128xf32, #tpu.memory_space<vmem>>, %arg2: memref<16x128xf32, #tpu.memory_space<vmem>>, %arg3: memref<16x512x128xf32, #tpu.memory_space<vmem>>) attributes {dimension_semantics = [#tpu.dimension_semantics<arbitrary>], iteration_bounds = array<i64: 20>, scalar_prefetch = 0 : i64, scratch_operands = 0 : i64, tpu.core_type = #tpu.core_type<tc>, window_params = [{transform_indices = @transform_0, window_bounds = array<i64: 512, 128>}, {pipeline_mode = #tpu.pipeline_mode<synchronous>, transform_indices = @transform_1, window_bounds = array<i64: 16, 128>}, {transform_indices = @transform_2, window_bounds = array<i64: 16, 512, 128>}]} {
    %get3A = arith.constant 0 : index
    %get3A_0 = arith.constant 0 : index
    %get3A_1 = vector.load %arg2[%get3A, %get3A_0] : memref<16x128xf32, #tpu.memory_space<vmem>>, vector<16x128xf32>
    %broadcast_in_dim3A = vector.shape_cast %get3A_1 : vector<16x128xf32> to vector<16x1x128xf32>
    %get3A_2 = arith.constant 0 : index
    %get3A_3 = arith.constant 0 : index
    %get3A_4 = vector.load %arg1[%get3A_2, %get3A_3] : memref<512x128xf32, #tpu.memory_space<vmem>>, vector<512x128xf32>
    %broadcast_in_dim3A_5 = vector.shape_cast %get3A_4 : vector<512x128xf32> to vector<1x512x128xf32>
    %mul3A = vector.broadcast %broadcast_in_dim3A : vector<16x1x128xf32> to vector<16x512x128xf32>
    %mul3A_6 = vector.broadcast %broadcast_in_dim3A_5 : vector<1x512x128xf32> to vector<16x512x128xf32>
    %mul3A_7 = arith.mulf %mul3A, %mul3A_6 : vector<16x512x128xf32>
    %swap3A = arith.constant 0 : index
    %swap3A_8 = arith.constant 0 : index
    %swap3A_9 = arith.constant 0 : index
    %swap3A_10 = vector.load %arg3[%swap3A, %swap3A_8, %swap3A_9] : memref<16x512x128xf32, #tpu.memory_space<vmem>>, vector<16x512x128xf32>
    tpu.vector_store %arg3[%swap3A, %swap3A_8, %swap3A_9], %mul3A_7 {strides = array<i32>} : memref<16x512x128xf32, #tpu.memory_space<vmem>>, vector<16x512x128xf32>,
    return
  }
  func.func @transform_0(%arg0: i32) -> (i32, i32) {
    %c0_i32 = arith.constant 0 : i32
    %c0_i32_0 = arith.constant 0 : i32
    return %arg0, %c0_i32 : i32, i32
  }
  func.func @transform_1(%arg0: i32) -> (i32, i32) {
    %c0_i32 = arith.constant 0 : i32
    %c0_i32_0 = arith.constant 0 : i32
    %c0_i32_1 = arith.constant 0 : i32
    return %c0_i32, %c0_i32_0 : i32, i32
  }
  func.func @transform_2(%arg0: i32) -> (i32, i32, i32) {
    %c0_i32 = arith.constant 0 : i32
    %c0_i32_0 = arith.constant 0 : i32
    %c0_i32_1 = arith.constant 0 : i32
    return %c0_i32, %arg0, %c0_i32_0 : i32, i32, i32
  }
}

module attributes {stable_mosaic.version = 14 : i64} {
  func.func @_combine_body(%arg0: i32, %arg1: memref<2x512x128xf32, #tpu.memory_space<vmem>>, %arg2: memref<512x128xf32, #tpu.memory_space<vmem>>, %arg3: memref<512x128xf32, #tpu.memory_space<vmem>>, %arg4: memref<1x128xf32, #tpu.memory_space<vmem>>, %arg5: memref<128x128xf32, #tpu.memory_space<vmem>>, %arg6: memref<1x128xf32, #tpu.memory_space<vmem>>, %arg7: memref<16x128xf32, #tpu.memory_space<vmem>>, %arg8: memref<512x128xf32, #tpu.memory_space<vmem>>, %arg9: memref<16x512x128xf32, #tpu.memory_space<vmem>>) attributes {dimension_semantics = [#tpu.dimension_semantics<arbitrary>], iteration_bounds = array<i64: 20>, scalar_prefetch = 0 : i64, scratch_operands = 0 : i64, tpu.core_type = #tpu.core_type<tc>, window_params = [{transform_indices = @transform_0, window_bounds = array<i64: 2, 512, 128>}, {transform_indices = @transform_1, window_bounds = array<i64: 512, 128>}, {transform_indices = @transform_2, window_bounds = array<i64: 512, 128>}, {pipeline_mode = #tpu.pipeline_mode<synchronous>, transform_indices = @transform_3, window_bounds = array<i64: 1, 128>}, {pipeline_mode = #tpu.pipeline_mode<synchronous>, transform_indices = @transform_4, window_bounds = array<i64: 128, 128>}, {pipeline_mode = #tpu.pipeline_mode<synchronous>, transform_indices = @transform_5, window_bounds = array<i64: 1, 128>}, {pipeline_mode = #tpu.pipeline_mode<synchronous>, transform_indices = @transform_6, window_bounds = array<i64: 16, 128>}, {transform_indices = @transform_7, window_bounds = array<i64: 512, 128>}, {transform_indices = @transform_8, window_bounds = array<i64: 16, 512, 128>}]} {
    %get3A = arith.constant 0 : index
    %get3A_0 = arith.constant 0 : index
    %get3A_1 = vector.load %arg2[%get3A, %get3A_0] : memref<512x128xf32, #tpu.memory_space<vmem>>, vector<512x128xf32>
    %add3A = arith.constant 1.000000e+00 : f32
    %add3A_2 = vector.broadcast %add3A : f32 to vector<512x128xf32>
    %add3A_3 = arith.addf %get3A_1, %add3A_2 : vector<512x128xf32>
    %get3A_4 = arith.constant 0 : index
    %get3A_5 = arith.constant 0 : index
    %get3A_6 = arith.constant 0 : index
    %get3A_7 = vector.load %arg1[%get3A_4, %get3A_5, %get3A_6] : memref<2x512x128xf32, #tpu.memory_space<vmem>>, vector<1x512x128xf32>
    %get3A_8 = vector.shape_cast %get3A_7 : vector<1x512x128xf32> to vector<512x128xf32>
    %get3A_9 = arith.constant 1 : index
    %get3A_10 = arith.constant 0 : index
    %get3A_11 = arith.constant 0 : index
    %get3A_12 = vector.load %arg1[%get3A_9, %get3A_10, %get3A_11] : memref<2x512x128xf32, #tpu.memory_space<vmem>>, vector<1x512x128xf32>
    %get3A_13 = vector.shape_cast %get3A_12 : vector<1x512x128xf32> to vector<512x128xf32>
    %add3A_14 = arith.addf %get3A_8, %get3A_13 : vector<512x128xf32>
    %get3A_15 = arith.constant 0 : index
    %get3A_16 = arith.constant 0 : index
    %get3A_17 = vector.load %arg3[%get3A_15, %get3A_16] : memref<512x128xf32, #tpu.memory_space<vmem>>, vector<512x128xf32>
    %get3A_18 = arith.constant 0 : index
    %get3A_19 = arith.constant 0 : index
    %get3A_20 = vector.load %arg4[%get3A_18, %get3A_19] : memref<1x128xf32, #tpu.memory_space<vmem>>, vector<1x128xf32>
    %mul3A = vector.broadcast %get3A_20 : vector<1x128xf32> to vector<512x128xf32>
    %mul3A_21 = arith.mulf %get3A_17, %mul3A : vector<512x128xf32>
    %add3A_22 = arith.addf %add3A_14, %mul3A_21 : vector<512x128xf32>
    %div3A = arith.divf %add3A_22, %add3A_3 : vector<512x128xf32>
    %get3A_23 = arith.constant 0 : index
    %get3A_24 = arith.constant 0 : index
    %get3A_25 = vector.load %arg5[%get3A_23, %get3A_24] : memref<128x128xf32, #tpu.memory_space<vmem>>, vector<128x128xf32>
    %dot_general3A = arith.constant dense<0.000000e+00> : vector<512x128xf32>
    %dot_general3A_26 = tpu.matmul %div3A, %get3A_25, %dot_general3A {dimension_numbers = #tpu.dot_dimension_numbers<[1], [0], [0], [1], [0, 0, 1, 1], [], []>, transpose_lhs_hint = false} : vector<512x128xf32>, vector<128x128xf32>, vector<512x128xf32> -> vector<512x128xf32>
    %get3A_27 = arith.constant 0 : index
    %get3A_28 = arith.constant 0 : index
    %get3A_29 = vector.load %arg6[%get3A_27, %get3A_28] : memref<1x128xf32, #tpu.memory_space<vmem>>, vector<1x128xf32>
    %add3A_30 = vector.broadcast %get3A_29 : vector<1x128xf32> to vector<512x128xf32>
    %add3A_31 = arith.addf %dot_general3A_26, %add3A_30 : vector<512x128xf32>
    %max3A = arith.constant 0.000000e+00 : f32
    %max3A_32 = vector.broadcast %max3A : f32 to vector<512x128xf32>
    %max3A_33 = arith.maximumf %add3A_31, %max3A_32 : vector<512x128xf32>
    %swap3A = arith.constant 0 : index
    %swap3A_34 = arith.constant 0 : index
    %swap3A_35 = vector.load %arg8[%swap3A, %swap3A_34] : memref<512x128xf32, #tpu.memory_space<vmem>>, vector<512x128xf32>
    tpu.vector_store %arg8[%swap3A, %swap3A_34], %max3A_33 {strides = array<i32>} : memref<512x128xf32, #tpu.memory_space<vmem>>, vector<512x128xf32>,
    %get3A_36 = arith.constant 0 : index
    %get3A_37 = arith.constant 0 : index
    %get3A_38 = vector.load %arg7[%get3A_36, %get3A_37] : memref<16x128xf32, #tpu.memory_space<vmem>>, vector<16x128xf32>
    %broadcast_in_dim3A = vector.shape_cast %get3A_38 : vector<16x128xf32> to vector<16x1x128xf32>
    %broadcast_in_dim3A_39 = vector.shape_cast %max3A_33 : vector<512x128xf32> to vector<1x512x128xf32>
    %mul3A_40 = vector.broadcast %broadcast_in_dim3A : vector<16x1x128xf32> to vector<16x512x128xf32>
    %mul3A_41 = vector.broadcast %broadcast_in_dim3A_39 : vector<1x512x128xf32> to vector<16x512x128xf32>
    %mul3A_42 = arith.mulf %mul3A_40, %mul3A_41 : vector<16x512x128xf32>
    %swap3A_43 = arith.constant 0 : index
    %swap3A_44 = arith.constant 0 : index
    %swap3A_45 = arith.constant 0 : index
    %swap3A_46 = vector.load %arg9[%swap3A_43, %swap3A_44, %swap3A_45] : memref<16x512x128xf32, #tpu.memory_space<vmem>>, vector<16x512x128xf32>
    tpu.vector_store %arg9[%swap3A_43, %swap3A_44, %swap3A_45], %mul3A_42 {strides = array<i32>} : memref<16x512x128xf32, #tpu.memory_space<vmem>>, vector<16x512x128xf32>,
    return
  }
  func.func @transform_0(%arg0: i32) -> (i32, i32, i32) {
    %c0_i32 = arith.constant 0 : i32
    %c0_i32_0 = arith.constant 0 : i32
    %c0_i32_1 = arith.constant 0 : i32
    return %c0_i32, %arg0, %c0_i32_0 : i32, i32, i32
  }
  func.func @transform_1(%arg0: i32) -> (i32, i32) {
    %c0_i32 = arith.constant 0 : i32
    %c0_i32_0 = arith.constant 0 : i32
    return %arg0, %c0_i32 : i32, i32
  }
  func.func @transform_2(%arg0: i32) -> (i32, i32) {
    %c0_i32 = arith.constant 0 : i32
    %c0_i32_0 = arith.constant 0 : i32
    return %arg0, %c0_i32 : i32, i32
  }
  func.func @transform_3(%arg0: i32) -> (i32, i32) {
    %c0_i32 = arith.constant 0 : i32
    %c0_i32_0 = arith.constant 0 : i32
    %c0_i32_1 = arith.constant 0 : i32
    return %c0_i32, %c0_i32_0 : i32, i32
  }
  func.func @transform_4(%arg0: i32) -> (i32, i32) {
    %c0_i32 = arith.constant 0 : i32
    %c0_i32_0 = arith.constant 0 : i32
    %c0_i32_1 = arith.constant 0 : i32
    return %c0_i32, %c0_i32_0 : i32, i32
  }
  func.func @transform_5(%arg0: i32) -> (i32, i32) {
    %c0_i32 = arith.constant 0 : i32
    %c0_i32_0 = arith.constant 0 : i32
    %c0_i32_1 = arith.constant 0 : i32
    return %c0_i32, %c0_i32_0 : i32, i32
  }
  func.func @transform_6(%arg0: i32) -> (i32, i32) {
    %c0_i32 = arith.constant 0 : i32
    %c0_i32_0 = arith.constant 0 : i32
    %c0_i32_1 = arith.constant 0 : i32
    return %c0_i32, %c0_i32_0 : i32, i32
  }
  func.func @transform_7(%arg0: i32) -> (i32, i32) {
    %c0_i32 = arith.constant 0 : i32
    %c0_i32_0 = arith.constant 0 : i32
    return %arg0, %c0_i32 : i32, i32
  }
  func.func @transform_8(%arg0: i32) -> (i32, i32, i32) {
    %c0_i32 = arith.constant 0 : i32
    %c0_i32_0 = arith.constant 0 : i32
    %c0_i32_1 = arith.constant 0 : i32
    return %c0_i32, %arg0, %c0_i32_0 : i32, i32, i32
  }
}

module attributes {stable_mosaic.version = 14 : i64} {
  func.func @_combine_body(%arg0: i32, %arg1: memref<2x512x128xf32, #tpu.memory_space<vmem>>, %arg2: memref<512x128xf32, #tpu.memory_space<vmem>>, %arg3: memref<512x128xf32, #tpu.memory_space<vmem>>, %arg4: memref<1x128xf32, #tpu.memory_space<vmem>>, %arg5: memref<128x128xf32, #tpu.memory_space<vmem>>, %arg6: memref<1x128xf32, #tpu.memory_space<vmem>>, %arg7: memref<512x128xf32, #tpu.memory_space<vmem>>) attributes {dimension_semantics = [#tpu.dimension_semantics<arbitrary>], iteration_bounds = array<i64: 20>, scalar_prefetch = 0 : i64, scratch_operands = 0 : i64, tpu.core_type = #tpu.core_type<tc>, window_params = [{transform_indices = @transform_0, window_bounds = array<i64: 2, 512, 128>}, {transform_indices = @transform_1, window_bounds = array<i64: 512, 128>}, {transform_indices = @transform_2, window_bounds = array<i64: 512, 128>}, {pipeline_mode = #tpu.pipeline_mode<synchronous>, transform_indices = @transform_3, window_bounds = array<i64: 1, 128>}, {pipeline_mode = #tpu.pipeline_mode<synchronous>, transform_indices = @transform_4, window_bounds = array<i64: 128, 128>}, {pipeline_mode = #tpu.pipeline_mode<synchronous>, transform_indices = @transform_5, window_bounds = array<i64: 1, 128>}, {transform_indices = @transform_6, window_bounds = array<i64: 512, 128>}]} {
    %get3A = arith.constant 0 : index
    %get3A_0 = arith.constant 0 : index
    %get3A_1 = vector.load %arg2[%get3A, %get3A_0] : memref<512x128xf32, #tpu.memory_space<vmem>>, vector<512x128xf32>
    %add3A = arith.constant 1.000000e+00 : f32
    %add3A_2 = vector.broadcast %add3A : f32 to vector<512x128xf32>
    %add3A_3 = arith.addf %get3A_1, %add3A_2 : vector<512x128xf32>
    %get3A_4 = arith.constant 0 : index
    %get3A_5 = arith.constant 0 : index
    %get3A_6 = arith.constant 0 : index
    %get3A_7 = vector.load %arg1[%get3A_4, %get3A_5, %get3A_6] : memref<2x512x128xf32, #tpu.memory_space<vmem>>, vector<1x512x128xf32>
    %get3A_8 = vector.shape_cast %get3A_7 : vector<1x512x128xf32> to vector<512x128xf32>
    %get3A_9 = arith.constant 1 : index
    %get3A_10 = arith.constant 0 : index
    %get3A_11 = arith.constant 0 : index
    %get3A_12 = vector.load %arg1[%get3A_9, %get3A_10, %get3A_11] : memref<2x512x128xf32, #tpu.memory_space<vmem>>, vector<1x512x128xf32>
    %get3A_13 = vector.shape_cast %get3A_12 : vector<1x512x128xf32> to vector<512x128xf32>
    %add3A_14 = arith.addf %get3A_8, %get3A_13 : vector<512x128xf32>
    %get3A_15 = arith.constant 0 : index
    %get3A_16 = arith.constant 0 : index
    %get3A_17 = vector.load %arg3[%get3A_15, %get3A_16] : memref<512x128xf32, #tpu.memory_space<vmem>>, vector<512x128xf32>
    %get3A_18 = arith.constant 0 : index
    %get3A_19 = arith.constant 0 : index
    %get3A_20 = vector.load %arg4[%get3A_18, %get3A_19] : memref<1x128xf32, #tpu.memory_space<vmem>>, vector<1x128xf32>
    %mul3A = vector.broadcast %get3A_20 : vector<1x128xf32> to vector<512x128xf32>
    %mul3A_21 = arith.mulf %get3A_17, %mul3A : vector<512x128xf32>
    %add3A_22 = arith.addf %add3A_14, %mul3A_21 : vector<512x128xf32>
    %div3A = arith.divf %add3A_22, %add3A_3 : vector<512x128xf32>
    %get3A_23 = arith.constant 0 : index
    %get3A_24 = arith.constant 0 : index
    %get3A_25 = vector.load %arg5[%get3A_23, %get3A_24] : memref<128x128xf32, #tpu.memory_space<vmem>>, vector<128x128xf32>
    %dot_general3A = arith.constant dense<0.000000e+00> : vector<512x128xf32>
    %dot_general3A_26 = tpu.matmul %div3A, %get3A_25, %dot_general3A {dimension_numbers = #tpu.dot_dimension_numbers<[1], [0], [0], [1], [0, 0, 1, 1], [], []>, transpose_lhs_hint = false} : vector<512x128xf32>, vector<128x128xf32>, vector<512x128xf32> -> vector<512x128xf32>
    %get3A_27 = arith.constant 0 : index
    %get3A_28 = arith.constant 0 : index
    %get3A_29 = vector.load %arg6[%get3A_27, %get3A_28] : memref<1x128xf32, #tpu.memory_space<vmem>>, vector<1x128xf32>
    %add3A_30 = vector.broadcast %get3A_29 : vector<1x128xf32> to vector<512x128xf32>
    %add3A_31 = arith.addf %dot_general3A_26, %add3A_30 : vector<512x128xf32>
    %max3A = arith.constant 0.000000e+00 : f32
    %max3A_32 = vector.broadcast %max3A : f32 to vector<512x128xf32>
    %max3A_33 = arith.maximumf %add3A_31, %max3A_32 : vector<512x128xf32>
    %swap3A = arith.constant 0 : index
    %swap3A_34 = arith.constant 0 : index
    %swap3A_35 = vector.load %arg7[%swap3A, %swap3A_34] : memref<512x128xf32, #tpu.memory_space<vmem>>, vector<512x128xf32>
    tpu.vector_store %arg7[%swap3A, %swap3A_34], %max3A_33 {strides = array<i32>} : memref<512x128xf32, #tpu.memory_space<vmem>>, vector<512x128xf32>,
    return
  }
  func.func @transform_0(%arg0: i32) -> (i32, i32, i32) {
    %c0_i32 = arith.constant 0 : i32
    %c0_i32_0 = arith.constant 0 : i32
    %c0_i32_1 = arith.constant 0 : i32
    return %c0_i32, %arg0, %c0_i32_0 : i32, i32, i32
  }
  func.func @transform_1(%arg0: i32) -> (i32, i32) {
    %c0_i32 = arith.constant 0 : i32
    %c0_i32_0 = arith.constant 0 : i32
    return %arg0, %c0_i32 : i32, i32
  }
  func.func @transform_2(%arg0: i32) -> (i32, i32) {
    %c0_i32 = arith.constant 0 : i32
    %c0_i32_0 = arith.constant 0 : i32
    return %arg0, %c0_i32 : i32, i32
  }
  func.func @transform_3(%arg0: i32) -> (i32, i32) {
    %c0_i32 = arith.constant 0 : i32
    %c0_i32_0 = arith.constant 0 : i32
    %c0_i32_1 = arith.constant 0 : i32
    return %c0_i32, %c0_i32_0 : i32, i32
  }
  func.func @transform_4(%arg0: i32) -> (i32, i32) {
    %c0_i32 = arith.constant 0 : i32
    %c0_i32_0 = arith.constant 0 : i32
    %c0_i32_1 = arith.constant 0 : i32
    return %c0_i32, %c0_i32_0 : i32, i32
  }
  func.func @transform_5(%arg0: i32) -> (i32, i32) {
    %c0_i32 = arith.constant 0 : i32
    %c0_i32_0 = arith.constant 0 : i32
    %c0_i32_1 = arith.constant 0 : i32
    return %c0_i32, %c0_i32_0 : i32, i32
  }
  func.func @transform_6(%arg0: i32) -> (i32, i32) {
    %c0_i32 = arith.constant 0 : i32
    %c0_i32_0 = arith.constant 0 : i32
    return %arg0, %c0_i32 : i32, i32
  }
}

</mosaic_0001>

<sc_bundles>
// kernel: kernel.11.cloned.1.call-start
scs
__scs_entry_jumppad:
0x0: {  	(pc) =	sbr.rel $0x88, $3  }
0x1: {  	(tag) =	ssettag $0x0;
	lr =	simm.s32 $0x1  }
0x2: {  	[smem:$0x3F90] =	sst lr;
	_ =	strace $0xD0000000  }
0x3: {  	_ = 	snop  }
0x4: {  	_ = 	snop  }
0x5: {  	_ = 	snop  }
0x6: {  	_ = 	snop  }
0x7: {  	_ = 	snop  }
__scs_overlays_trampoline_lowered:
0x8: {  	[smem:$0x3F9F] =	sst s0  }
0x9: {  	[smem:$0x3FA0] =	sst s1  }
0xa: {  	[smem:$0x3FA1] =	sst s2  }
0xb: {  	[smem:$0x3FA2] =	sst s3  }
0xc: {  	[smem:$0x3FA3] =	sst s4  }
0xd: {  	[smem:$0x3FA4] =	sst s5  }
0xe: {  	[smem:$0x3FA5] =	sst s6  }
0xf: {  	[smem:$0x3FA6] =	sst s7  }
0x10: {  	[smem:$0x3FA7] =	sst s8  }
0x11: {  	[smem:$0x3FA8] =	sst s9;
	s0 =	simm.s32 @!p0 $0x0  }
0x12: {  	s1 =	sld [smem:$0x3F8E];
	s0 =	simm.s32 @p0 $0x1  }
0x13: {  	[smem:$0x3FA9] =	sst s0;
	s0 =	simm.s32 @!p1 $0x0  }
0x14: {  	s2 =	sld [smem:$0x3F8D];
	s0 =	simm.s32 @p1 $0x1  }
0x15: {  	[smem:$0x3FAA] =	sst s0;
	s0 =	simm.s32 @!p2 $0x0  }
0x16: {  	s3 =	sld [smem:$0x3FDB];
	s0 =	simm.s32 @p2 $0x1  }
0x17: {  	s4 =	simm.s32 $0x1BF5;
	[smem:$0x3FAC] =	sst s0  }
0x18: {  	s0 =	sld [smem:$0x3F8F];
	_ =	swait.ge [sflag:s4], $0x0  }
0x19: {  	s7 =	sld [smem:$0x3F90]  }
0x1a: {  	s8 =	sadd.s32 $0xFFFFE003, lr  }
0x1b: {  	s9 =	sadd.s32 $0xFFFFFEF7, lr;
	s5 =	simm.s32 $0xFFFFFFFF;
	p2 =	slt.u32 s8, $0xFFFFF086  }
0x1c: {  	p1 =	slt.u32 s9, $0xF7A;
	s5 =	simm.s32 @!p2 $0x0  }
0x1d: {  	s5 =	simm.s32 @p1 $0x1;
	p0 =	seq.s32 s7, s2  }
0x1e: {  	s7 =	smul.u32 @!p0 $0xF7A, s2;
	p2 =	seq.s32 @!p0 s5, $0x0  }
0x1f: {  	s9 =	smul.u32 $0xF7A, s1;
	s8 =	simm.s32 @!p0 $0x1BF5;
	p2 =	por !p2, p0  }
0x20: {  	[sflag:s8] =	ssyncset.s32 @!p0 $0xFFFFF086;
	s6 =	sadd.s32 @!p0 s3, s7;
	s7 =	simm.s32 @!p0 $0x108  }
0x21: {  	s3 =	sadd.s32 s3, s9;
	s6 =	sadd.s32 @!p0 $0x88, s6;
	s7 =	simm.s32 @p2 $0x1082  }
0x22: {  	[simem:s7], [sflag:s8] =	dma.local @!p0 [hbm:s6], $0xF7A  }
0x23: {  	s9 =	sor.u32 $0xD0000000, s2;
	s6 =	simm.s32 $0x108;
	_ =	swait.ge @!p0 [sflag:s8], $0x0  }
0x24: {  	s3 =	sadd.s32 $0x88, s3;
	s6 =	simm.s32 @!p1 $0x1082;
	[sflag:s4] =	ssyncset.s32 $0xFFFFF086  }
0x25: {  	[simem:s6], [sflag:s4] =	dma.local [hbm:s3], $0xF7A  }
0x26: {  	[smem:$0x3F90] =	sst s1;
	(tag) =	ssettag s2;
	_ =	strace s9  }
0x27: {  	s1 =	sld [smem:$0x3FA0]  }
0x28: {  	s2 =	sld [smem:$0x3FA1]  }
0x29: {  	s4 =	sld [smem:$0x3FA3]  }
0x2a: {  	p0 =	seq.s32 s5, $0x0;
	s5 =	sld [smem:$0x3FA4]  }
0x2b: {  	s6 =	sld [smem:$0x3FA5]  }
0x2c: {  	s7 =	sld [smem:$0x3FA6]  }
0x2d: {  	s3 =	simm.s32 $0x108;
	s8 =	sld [smem:$0x3FA7]  }
0x2e: {  	s3 =	simm.s32 @!p0 $0x1082;
	s9 =	sld [smem:$0x3FA8]  }
0x2f: {  	lr =	sadd.s32 s0, s3;
	s0 =	sld [smem:$0x3F9F]  }
0x30: {  	s3 =	sld [smem:$0x3FA2]  }
0x31: {  	[smem:$0x3FAB] =	sst s10  }
0x32: {  	s10 =	sld [smem:$0x3FA9];
	_ =	sdelay $0x3  }
0x33: {  	p0 =	seq.s32 s10, $0x1;
	s10 =	sld [smem:$0x3FAB];
	_ =	sdelay $0x3  }
0x34: {  	[smem:$0x3FAB] =	sst s10  }
0x35: {  	s10 =	sld [smem:$0x3FAA];
	_ =	sdelay $0x3  }
0x36: {  	p1 =	seq.s32 s10, $0x1;
	s10 =	sld [smem:$0x3FAB];
	_ =	sdelay $0x3  }
0x37: {  	[smem:$0x3FAB] =	sst s10  }
0x38: {  	s10 =	sld [smem:$0x3FAC]  }
0x39: {  	_ = 	snop;
	(pc) =	sbr.ind lr, $3  }
0x3a: {  	_ = 	snop  }
0x3b: {  	_ = 	snop  }
0x3c: {  	p2 =	seq.s32 s10, $0x1;
	s10 =	sld [smem:$0x3FAB]  }
0x3d: {  	_ =	shalt  }
0x3e: {  	_ =	shalt  }
0x3f: {  	_ =	shalt  }
0x40: {  	_ =	shalt  }
0x41: {  	_ =	shalt  }
0x42: {  	_ =	shalt  }
0x43: {  	_ =	shalt  }
0x44: {  	_ =	shalt  }
0x45: {  	_ =	shalt  }
0x46: {  	_ =	shalt  }
0x47: {  	_ =	shalt  }
0x48: {  	_ =	shalt  }
0x49: {  	_ =	shalt  }
0x4a: {  	_ =	shalt  }
0x4b: {  	_ =	shalt  }
0x4c: {  	_ =	shalt  }
0x4d: {  	_ =	shalt  }
0x4e: {  	_ =	shalt  }
0x4f: {  	_ =	shalt  }
0x50: {  	_ =	shalt  }
0x51: {  	_ =	shalt  }
0x52: {  	_ =	shalt  }
0x53: {  	_ =	shalt  }
0x54: {  	_ =	shalt  }
0x55: {  	_ =	shalt  }
0x56: {  	_ =	shalt  }
0x57: {  	_ =	shalt  }
0x58: {  	_ =	shalt  }
0x59: {  	_ =	shalt  }
0x5a: {  	_ =	shalt  }
0x5b: {  	_ =	shalt  }
0x5c: {  	_ =	shalt  }
0x5d: {  	_ =	shalt  }
0x5e: {  	_ =	shalt  }
0x5f: {  	_ =	shalt  }
0x60: {  	_ =	shalt  }
0x61: {  	_ =	shalt  }
0x62: {  	_ =	shalt  }
0x63: {  	_ =	shalt  }
0x64: {  	_ =	shalt  }
0x65: {  	_ =	shalt  }
0x66: {  	_ =	shalt  }
0x67: {  	_ =	shalt  }
0x68: {  	_ =	shalt  }
0x69: {  	_ =	shalt  }
0x6a: {  	_ =	shalt  }
0x6b: {  	_ =	shalt  }
0x6c: {  	_ =	shalt  }
0x6d: {  	_ =	shalt  }
0x6e: {  	_ =	shalt  }
0x6f: {  	_ =	shalt  }
0x70: {  	_ =	shalt  }
0x71: {  	_ =	shalt  }
0x72: {  	_ =	shalt  }
0x73: {  	_ =	shalt  }
0x74: {  	_ =	shalt  }
0x75: {  	_ =	shalt  }
0x76: {  	_ =	shalt  }
0x77: {  	_ =	shalt  }
0x78: {  	_ =	shalt  }
0x79: {  	_ =	shalt  }
0x7a: {  	_ =	shalt  }
0x7b: {  	_ =	shalt  }
0x7c: {  	_ =	shalt  }
0x7d: {  	_ =	shalt  }
0x7e: {  	_ =	shalt  }
0x7f: {  	_ =	shalt  }
0x80: {  	_ =	shalt  }
0x81: {  	_ =	shalt  }
0x82: {  	_ =	shalt  }
0x83: {  	_ =	shalt  }
0x84: {  	_ =	shalt  }
0x85: {  	_ =	shalt  }
0x86: {  	_ =	shalt  }
0x87: {  	_ =	shalt  }
.Lfunc_end0:
.L_simem_size_0:
called_computation.1_lowered:
.L_overlay_start_0:
0x88: {  	s2 =	sld [smem:$0x3FD9]  }
0x89: {  	s3 =	sld [smem:$0x3FFE];
	_ =	sdelay $0x1  }
0x8a: {  	s1 =	srdreg.scid  }
0x8b: {  	s0 =	sand.u32 $0x1, s1  }
0x8c: {  	s14 =	sshll.u32 s0, $0xA;
	s2 =	sadd.s32 s3, s2  }
0x8d: {  	s2 =	sadd.s32 s2, s14  }
0x8e: {  	[smem:$0x3FB7] =	sst s2  }
0x8f: {  	_ = 	snop  }
0x90: {  	s2 =	sld [smem:$0x3FD0];
	_ =	sdelay $0x2  }
0x91: {  	s4 =	simm.s32 $0xB;
	s5 =	simm.s32 $0x10;
	s15 =	sld [smem:$0x3FC5]  }
0x92: {  	[smem:s5], [sflag:s4] =	dma.local [hbm:s2], $0x1  }
0x93: {  	_ =	swait.eq [sflag:s4], $0x1  }
0x94: {  	[sflag:s4] =	ssyncset.done $0x0  }
0x95: {  	[sflag:s4] =	ssyncadd.s32 $0xFFFFFFFF  }
0x96: {  	s16 =	sld [smem:$0x10];
	(tm) =	ssettm $0x1  }
0x97: {  	s17 =	sld [smem:$0x3FFB];
	_ =	sdelay $0x3  }
0x98: {  	_ =	strace s17  }
0x99: {  	s4 =	sld [smem:$0x3FFC];
	_ =	sdelay $0x3  }
0x9a: {  	_ =	strace s4  }
0x9b: {  	s4 =	sld [smem:$0x3FFD];
	_ =	sdelay $0x3  }
0x9c: {  	_ =	strace s4  }
0x9d: {  	_ =	strace $0x8FFFFFFF  }
0x9e: {  	s18 =	sld [smem:$0x3FDB];
	_ =	sdelay $0x1  }
0x9f: {  	s19 =	simm.s32 $_scs_section_size  }
0xa0: {  	s6 =	simm.s32 $_size__tile_overlayer_lowered;
	s7 =	simm.s32 $_tile_overlayer_lowered  }
0xa1: {  	s22 =	simm.s32 $0x1BFF;
	s21 =	sshll.u32 s7, $0x1;
	s4 =	sadd.s32 s19, s18  }
0xa2: {  	s8 =	simm.s32 $0x0;
	s20 =	sshll.u32 s6, $0x1;
	s6 =	sadd.s32 s21, s4  }
0xa3: {  	[timem:s8], [sflag:s22] =	dma.local [hbm:s6], s20  }
0xa4: {  	_ =	swait.ge [sflag:s22], s20  }
0xa5: {  	s5 =	ssub.s32 $0x0, s20;
	[sflag:s22] =	ssyncset.done $0x0  }
0xa6: {  	[sflag:s22] =	ssyncadd.s32 s5;
	_ =	sdelay $0x1  }
0xa7: {  	s23 =	simm.s32 $0x1B8B  }
0xa8: {  	_ =	swait.ge [sflag:s23], $0x1  }
0xa9: {  	[sflag:s23] =	ssyncset.done $0x0  }
0xaa: {  	s25 =	simm.s32 $0x1B8E;
	s24 =	sld [smem:$0x3FFE];
	[sflag:s23] =	ssyncadd.s32 $0xFFFFFFFF  }
0xab: {  	s26 =	simm.s32 $execute0_lowered;
	[smem:$0x3FD2] =	sst s25  }
0xac: {  	s6 =	sshll.u32 s26, $0x1;
	_ =	strace $0x80000046;
	[dreg:$0x1] =	wrdreg $0xFFFFFFFF  }
0xad: {  	s28 =	simm.s32 $_size_execute0_lowered;
	s4 =	sadd.s32 s4, s6;
	[dreg:$0x0] =	wrdreg $0x0  }
0xae: {  	s6 =	sshll.u32 s28, $0x1;
	[dreg:$0x2] =	wrdreg s4  }
0xaf: {  	[dreg:$0x3] =	wrdreg s6  }
0xb0: {  	[dreg:$0x4] =	wrdreg $0xC0  }
0xb1: {  	_ =	task [dreg:s8], $0x5FFFF  }
0xb2: {  	[dreg:$0x1] =	wrdreg $0xFFFFFFFF  }
0xb3: {  	[dreg:$0x0] =	wrdreg $0x60  }
0xb4: {  	[dreg:$0x2] =	wrdreg s15  }
0xb5: {  	[dreg:$0x3] =	wrdreg s16  }
0xb6: {  	[dreg:$0x4] =	wrdreg s24  }
0xb7: {  	[dreg:$0x5] =	wrdreg $0x9  }
0xb8: {  	_ =	task.clear_ibuf [dreg:s8], $0x6FFFF;
	_ =	strace $0x90000046  }
0xb9: {  	s29 =	simm.s32 $0x9;
	_ =	strace $0x80000048  }
0xba: {  	_ =	swait.ge [sflag:s29], $0x1  }
0xbb: {  	[sflag:s29] =	ssyncadd.s32 $0xFFFFFFFF  }
0xbc: {  	_ =	strace $0x90000048  }
0xbd: {  	_ =	sfence  }
0xbe: {  	s30 =	sld [smem:$0x0];
	_ =	sdelay $0x2  }
0xbf: {  	s31 =	sshll.u32 s1, $0xD;
	s1 =	sshrl.u32 s1, $0x2  }
0xc0: {  	s3 =	sand.u32 $0x4000, s31;
	s1 =	sadd.s32 s1, s30  }
0xc1: {  	s0 =	sor.u32 s3, s0;
	s1 =	sshll.u32 s1, $0x11  }
0xc2: {  	s0 =	sor.u32 s1, s0  }
0xc3: {  	s0 =	sadd.s32 $0x8F2B, s0  }
0xc4: {  	[sflag:s0] =	ssyncadd.remote.s32 $0x1  }
0xc5: {  	_ =	sfence.sel $0xFFFF  }
0xc6: {  	[dreg:$0x0] =	wrdreg $0xFFFFFFFF;
	(pc) =	sbr.abs _section_cstart, $3  }
0xc7: {  	[dreg:$0x1] =	wrdreg $0xFFFFFFFF  }
0xc8: {  	_ =	task.clear_ibuf [dreg:s8], $0x2FFFF;
	_ =	strace $0x9FFFFFFF  }
0xc9: {  	(tm) =	ssettm $0x7FFFFFFF  }
tec
execute0_lowered:
.L_overlay_start_1:
0x0: {  	(tag) =	ssettag $0x1  }
0x1: {  	s2 =	rddreg [dreg:$0x0]  }
0x2: {  	s4 =	rddreg [dreg:$0x1]  }
0x3: {  	s1 =	srdreg.scid;
	s0 =	stileid.u32  }
0x4: {  	s9 =	rddreg [dreg:$0x2];
	s14 =	sand.u32 $0x1, s1;
	s5 =	sshll.u32 s0, $0x1  }
0x5: {  	s3 =	simm.s32 $0x0;
	s1 =	rddreg [dreg:$0x3];
	s6 =	sor.u32 s14, s5  }
0x6: {  	[smem:$0x7FF] =	sst s3;
	s5 =	sshll.u32 s6, $0x6  }
0x7: {  	_ =	strace $0x80000047;
	s5 =	sadd.s32 s4, s5;
	s4 =	simm.s32 $0x2  }
0x8: {  	[tilespmem:s3], [sflag:$0x2] =	stream.linear.gather [hbm4b:s5+s3], $0x200, $0x38;
	[tilespmem:$0x2A00] =	vst v63  }
0x9: {  	_ =	swait.ge [sflag:s4], $0x200  }
0xa: {  	s7 =	simm.s32 $0x200;
	s8 =	simm.s32 $0x1;
	[sflag:s4] =	ssyncset.done $0x0  }
0xb: {  	s10 =	smul.u32 $0x1400, s6;
	s6 =	simm.s32 $0x50;
	[sflag:s4] =	ssyncadd.s32 $0xFFFFFE00  }
0xc: {  	[tilespmem:s7], [sflag:$0x1] =	stream.indirect.gather [hbm4b:s2+s6], $0x80, s3, s6, $0xb8;
	[tilespmem:$0x2A00] =	vst v63  }
0xd: {  	_ =	swait.ge [sflag:s8], $0x2800  }
0xe: {  	s15 =	sadd.s32 s10, s9;
	[sflag:s8] =	ssyncset.done $0x0  }
0xf: {  	s9 =	sadd.s32 $0x2600, s15;
	[sflag:s8] =	ssyncadd.s32 $0xFFFFD800  }
0x10: {  	[hbm4b:s9+s3] =	stream.linear.scatter [tilespmem:s7], [sflag:$0x2], $0x2800, $0x38;
	[tilespmem:$0x2A00] =	vst v63  }
0x11: {  	_ =	swait.ge [sflag:s4], $0x2800  }
0x12: {  	[sflag:s4] =	ssyncset.done $0x0  }
0x13: {  	s10 =	simm.s32 $0x80;
	[sflag:s4] =	ssyncadd.s32 $0xFFFFD800  }
0x14: {  	[tilespmem:s7], [sflag:$0x1] =	stream.indirect.gather [hbm4b:s2+s6], $0x80, s10, s6, $0xb8;
	[tilespmem:$0x2A00] =	vst v63  }
0x15: {  	_ =	swait.ge [sflag:s8], $0x2800  }
0x16: {  	[sflag:s8] =	ssyncset.done $0x0  }
0x17: {  	s11 =	sadd.s32 $0x2B00, s15;
	[sflag:s8] =	ssyncadd.s32 $0xFFFFD800  }
0x18: {  	[hbm4b:s11+s3] =	stream.linear.scatter [tilespmem:s7], [sflag:$0x2], $0x2800, $0x38;
	[tilespmem:$0x2A00] =	vst v63  }
0x19: {  	_ =	swait.ge [sflag:s4], $0x2800  }
0x1a: {  	[sflag:s4] =	ssyncset.done $0x0  }
0x1b: {  	s12 =	simm.s32 $0x100;
	[sflag:s4] =	ssyncadd.s32 $0xFFFFD800  }
0x1c: {  	[tilespmem:s7], [sflag:$0x1] =	stream.indirect.gather [hbm4b:s2+s6], $0x80, s12, s6, $0xb8;
	[tilespmem:$0x2A00] =	vst v63  }
0x1d: {  	_ =	swait.ge [sflag:s8], $0x2800  }
0x1e: {  	[sflag:s8] =	ssyncset.done $0x0  }
0x1f: {  	s16 =	ssub.s32 $0x2, s14;
	s13 =	sadd.s32 $0x3000, s15;
	[sflag:s8] =	ssyncadd.s32 $0xFFFFD800  }
0x20: {  	[hbm4b:s13+s3] =	stream.linear.scatter [tilespmem:s7], [sflag:$0x2], $0x2800, $0x38;
	[tilespmem:$0x2A00] =	vst v63  }
0x21: {  	s17 =	sshrl.u32 s16, $0x1;
	_ =	swait.ge [sflag:s4], $0x2800  }
0x22: {  	s16 =	ssub.s32 s16, s17;
	[sflag:s4] =	ssyncset.done $0x0  }
0x23: {  	s14 =	simm.s32 $0x180;
	s16 =	smax.u32 s16, $0x1;
	[sflag:s4] =	ssyncadd.s32 $0xFFFFD800  }
0x24: {  	[tilespmem:s7], [sflag:$0x1] =	stream.indirect.gather [hbm4b:s2+s6], $0x80, s14, s6, $0xb8;
	[tilespmem:$0x2A00] =	vst v63  }
0x25: {  	p0 =	sne.s32 s16, $0x1;
	_ =	swait.ge [sflag:s8], $0x2800  }
.Ltmp0:
0x26: {  	[sflag:s8] =	ssyncset.done $0x0;
	(pc) =	sbr.rel @!p0 .LBB2_2-.Ltmp0, $4  }
0x27: {  	s15 =	sadd.s32 $0x3500, s15;
	[sflag:s8] =	ssyncadd.s32 $0xFFFFD800  }
0x28: {  	[hbm4b:s15+s3] =	stream.linear.scatter [tilespmem:s7], [sflag:$0x2], $0x2800, $0x38;
	[tilespmem:$0x2A00] =	vst v63  }
0x29: {  	_ =	swait.ge [sflag:s4], $0x2800  }
0x2a: {  	s16 =	sadd.s32 $0xFFFFFFFF, s16;
	[sflag:s4] =	ssyncset.done $0x0  }
.LBB2_1:
0x2b: {  	p0 =	sne.s32 s16, $0x1;
	s16 =	sadd.s32 $0xFFFFFFFF, s16;
	[sflag:s4] =	ssyncadd.s32 $0xFFFFD800  }
0x2c: {  	[tilespmem:s3], [sflag:$0x2] =	stream.linear.gather [hbm4b:s5+s3], $0x200, $0x38;
	[tilespmem:$0x2A00] =	vst v63  }
0x2d: {  	_ =	swait.ge [sflag:s4], $0x200  }
0x2e: {  	[sflag:s4] =	ssyncset.done $0x0  }
0x2f: {  	[sflag:s4] =	ssyncadd.s32 $0xFFFFFE00  }
0x30: {  	[tilespmem:s7], [sflag:$0x1] =	stream.indirect.gather [hbm4b:s2+s6], $0x80, s3, s6, $0xb8;
	[tilespmem:$0x2A00] =	vst v63  }
0x31: {  	_ =	swait.ge [sflag:s8], $0x2800  }
0x32: {  	[sflag:s8] =	ssyncset.done $0x0  }
0x33: {  	[sflag:s8] =	ssyncadd.s32 $0xFFFFD800  }
0x34: {  	[hbm4b:s9+s3] =	stream.linear.scatter [tilespmem:s7], [sflag:$0x2], $0x2800, $0x38;
	[tilespmem:$0x2A00] =	vst v63  }
0x35: {  	_ =	swait.ge [sflag:s4], $0x2800  }
0x36: {  	[sflag:s4] =	ssyncset.done $0x0  }
0x37: {  	[sflag:s4] =	ssyncadd.s32 $0xFFFFD800  }
0x38: {  	[tilespmem:s7], [sflag:$0x1] =	stream.indirect.gather [hbm4b:s2+s6], $0x80, s10, s6, $0xb8;
	[tilespmem:$0x2A00] =	vst v63  }
0x39: {  	_ =	swait.ge [sflag:s8], $0x2800  }
0x3a: {  	[sflag:s8] =	ssyncset.done $0x0  }
0x3b: {  	[sflag:s8] =	ssyncadd.s32 $0xFFFFD800  }
0x3c: {  	[hbm4b:s11+s3] =	stream.linear.scatter [tilespmem:s7], [sflag:$0x2], $0x2800, $0x38;
	[tilespmem:$0x2A00] =	vst v63  }
0x3d: {  	_ =	swait.ge [sflag:s4], $0x2800  }
0x3e: {  	[sflag:s4] =	ssyncset.done $0x0  }
0x3f: {  	[sflag:s4] =	ssyncadd.s32 $0xFFFFD800  }
0x40: {  	[tilespmem:s7], [sflag:$0x1] =	stream.indirect.gather [hbm4b:s2+s6], $0x80, s12, s6, $0xb8;
	[tilespmem:$0x2A00] =	vst v63  }
0x41: {  	_ =	swait.ge [sflag:s8], $0x2800  }
0x42: {  	[sflag:s8] =	ssyncset.done $0x0  }
0x43: {  	[sflag:s8] =	ssyncadd.s32 $0xFFFFD800  }
0x44: {  	[hbm4b:s13+s3] =	stream.linear.scatter [tilespmem:s7], [sflag:$0x2], $0x2800, $0x38;
	[tilespmem:$0x2A00] =	vst v63  }
0x45: {  	_ =	swait.ge [sflag:s4], $0x2800  }
0x46: {  	[sflag:s4] =	ssyncset.done $0x0  }
0x47: {  	[sflag:s4] =	ssyncadd.s32 $0xFFFFD800  }
0x48: {  	[tilespmem:s7], [sflag:$0x1] =	stream.indirect.gather [hbm4b:s2+s6], $0x80, s14, s6, $0xb8;
	[tilespmem:$0x2A00] =	vst v63  }
0x49: {  	_ =	swait.ge [sflag:s8], $0x2800  }
.Ltmp1:
0x4a: {  	[sflag:s8] =	ssyncset.done $0x0;
	(pc) =	sbr.rel @p0 .LBB2_1-.Ltmp1, $4  }
0x4b: {  	[sflag:s8] =	ssyncadd.s32 $0xFFFFD800  }
0x4c: {  	[hbm4b:s15+s3] =	stream.linear.scatter [tilespmem:s7], [sflag:$0x2], $0x2800, $0x38;
	[tilespmem:$0x2A00] =	vst v63  }
0x4d: {  	_ =	swait.ge [sflag:s4], $0x2800  }
0x4e: {  	[sflag:s4] =	ssyncset.done $0x0  }
.LBB2_2:
0x4f: {  	[sflag:s4] =	ssyncadd.s32 $0xFFFFD800  }
0x50: {  	_ =	sfence.sel $0x180000  }
0x51: {  	[bflag:$0x0] =	sbarrier.arrive $0xFFFF  }
0x52: {  	p0 =	sne.s32 s0, $0x0;
	_ =	strace $0x90000047  }
0x53: {  	s0 =	sadd.s32 @!p0 $0x100000, s1;
	[bflag:$0x2] =	sbarrier.arrive $0xFFFF  }
0x54: {  	[sflag:s0] =	ssyncadd.tile.s32 @!p0 $0x1;
	_ =	shalt  }
.Lfunc_end2:
_tile_overlayer_lowered:
.L_overlay_start_2:
0x55: {  	(tag) =	ssettag $0x2  }
0x56: {  	s0 =	rddreg [dreg:$0x0];
	s2 =	stileid.u32  }
0x57: {  	s1 =	rddreg [dreg:$0x1];
	p0 =	sne.s32 s2, $0x0  }
0x58: {  	s3 =	rddreg [dreg:$0x2];
	[bflag:$0x3] =	sbarrier.arrive $0xFFFF;
	s2 =	simm.s32 @!p0 $0x1C02  }
0x59: {  	[timem:s3], [sflag:s2] =	dma.local @!p0 [hbm:s0], s1  }
0x5a: {  	s0 =	simm.s32 @!p0 $0x2  }
0x5b: {  	_ =	swait.ge @!p0 [sflag:s0], s1  }
0x5c: {  	s1 =	ssub.s32 @!p0 $0x0, s1;
	[sflag:s0] =	ssyncset.done @!p0 $0x0  }
0x5d: {  	[sflag:s0] =	ssyncadd.s32 @!p0 s1  }
0x5e: {  	[bflag:$0x3] =	sbarrier.arrive $0xFFFF  }
0x5f: {  	_ =	shalt  }

// kernel: kernel.14.cloned.1.call-start
scs
__scs_entry_jumppad:
0x0: {  	(pc) =	sbr.rel $0x88, $3  }
0x1: {  	(tag) =	ssettag $0x0;
	lr =	simm.s32 $0x1  }
0x2: {  	[smem:$0x3F90] =	sst lr;
	_ =	strace $0xD0000000  }
0x3: {  	_ = 	snop  }
0x4: {  	_ = 	snop  }
0x5: {  	_ = 	snop  }
0x6: {  	_ = 	snop  }
0x7: {  	_ = 	snop  }
__scs_overlays_trampoline_lowered:
0x8: {  	[smem:$0x3F9F] =	sst s0  }
0x9: {  	[smem:$0x3FA0] =	sst s1  }
0xa: {  	[smem:$0x3FA1] =	sst s2  }
0xb: {  	[smem:$0x3FA2] =	sst s3  }
0xc: {  	[smem:$0x3FA3] =	sst s4  }
0xd: {  	[smem:$0x3FA4] =	sst s5  }
0xe: {  	[smem:$0x3FA5] =	sst s6  }
0xf: {  	[smem:$0x3FA6] =	sst s7  }
0x10: {  	[smem:$0x3FA7] =	sst s8  }
0x11: {  	[smem:$0x3FA8] =	sst s9;
	s0 =	simm.s32 @!p0 $0x0  }
0x12: {  	s1 =	sld [smem:$0x3F8E];
	s0 =	simm.s32 @p0 $0x1  }
0x13: {  	[smem:$0x3FA9] =	sst s0;
	s0 =	simm.s32 @!p1 $0x0  }
0x14: {  	s2 =	sld [smem:$0x3F8D];
	s0 =	simm.s32 @p1 $0x1  }
0x15: {  	[smem:$0x3FAA] =	sst s0;
	s0 =	simm.s32 @!p2 $0x0  }
0x16: {  	s3 =	sld [smem:$0x3FDB];
	s0 =	simm.s32 @p2 $0x1  }
0x17: {  	s4 =	simm.s32 $0x1BF5;
	[smem:$0x3FAC] =	sst s0  }
0x18: {  	s0 =	sld [smem:$0x3F8F];
	_ =	swait.ge [sflag:s4], $0x0  }
0x19: {  	s7 =	sld [smem:$0x3F90]  }
0x1a: {  	s8 =	sadd.s32 $0xFFFFE003, lr  }
0x1b: {  	s9 =	sadd.s32 $0xFFFFFEF7, lr;
	s5 =	simm.s32 $0xFFFFFFFF;
	p2 =	slt.u32 s8, $0xFFFFF086  }
0x1c: {  	p1 =	slt.u32 s9, $0xF7A;
	s5 =	simm.s32 @!p2 $0x0  }
0x1d: {  	s5 =	simm.s32 @p1 $0x1;
	p0 =	seq.s32 s7, s2  }
0x1e: {  	s7 =	smul.u32 @!p0 $0xF7A, s2;
	p2 =	seq.s32 @!p0 s5, $0x0  }
0x1f: {  	s9 =	smul.u32 $0xF7A, s1;
	s8 =	simm.s32 @!p0 $0x1BF5;
	p2 =	por !p2, p0  }
0x20: {  	[sflag:s8] =	ssyncset.s32 @!p0 $0xFFFFF086;
	s6 =	sadd.s32 @!p0 s3, s7;
	s7 =	simm.s32 @!p0 $0x108  }
0x21: {  	s3 =	sadd.s32 s3, s9;
	s6 =	sadd.s32 @!p0 $0x88, s6;
	s7 =	simm.s32 @p2 $0x1082  }
0x22: {  	[simem:s7], [sflag:s8] =	dma.local @!p0 [hbm:s6], $0xF7A  }
0x23: {  	s9 =	sor.u32 $0xD0000000, s2;
	s6 =	simm.s32 $0x108;
	_ =	swait.ge @!p0 [sflag:s8], $0x0  }
0x24: {  	s3 =	sadd.s32 $0x88, s3;
	s6 =	simm.s32 @!p1 $0x1082;
	[sflag:s4] =	ssyncset.s32 $0xFFFFF086  }
0x25: {  	[simem:s6], [sflag:s4] =	dma.local [hbm:s3], $0xF7A  }
0x26: {  	[smem:$0x3F90] =	sst s1;
	(tag) =	ssettag s2;
	_ =	strace s9  }
0x27: {  	s1 =	sld [smem:$0x3FA0]  }
0x28: {  	s2 =	sld [smem:$0x3FA1]  }
0x29: {  	s4 =	sld [smem:$0x3FA3]  }
0x2a: {  	p0 =	seq.s32 s5, $0x0;
	s5 =	sld [smem:$0x3FA4]  }
0x2b: {  	s6 =	sld [smem:$0x3FA5]  }
0x2c: {  	s7 =	sld [smem:$0x3FA6]  }
0x2d: {  	s3 =	simm.s32 $0x108;
	s8 =	sld [smem:$0x3FA7]  }
0x2e: {  	s3 =	simm.s32 @!p0 $0x1082;
	s9 =	sld [smem:$0x3FA8]  }
0x2f: {  	lr =	sadd.s32 s0, s3;
	s0 =	sld [smem:$0x3F9F]  }
0x30: {  	s3 =	sld [smem:$0x3FA2]  }
0x31: {  	[smem:$0x3FAB] =	sst s10  }
0x32: {  	s10 =	sld [smem:$0x3FA9];
	_ =	sdelay $0x3  }
0x33: {  	p0 =	seq.s32 s10, $0x1;
	s10 =	sld [smem:$0x3FAB];
	_ =	sdelay $0x3  }
0x34: {  	[smem:$0x3FAB] =	sst s10  }
0x35: {  	s10 =	sld [smem:$0x3FAA];
	_ =	sdelay $0x3  }
0x36: {  	p1 =	seq.s32 s10, $0x1;
	s10 =	sld [smem:$0x3FAB];
	_ =	sdelay $0x3  }
0x37: {  	[smem:$0x3FAB] =	sst s10  }
0x38: {  	s10 =	sld [smem:$0x3FAC]  }
0x39: {  	_ = 	snop;
	(pc) =	sbr.ind lr, $3  }
0x3a: {  	_ = 	snop  }
0x3b: {  	_ = 	snop  }
0x3c: {  	p2 =	seq.s32 s10, $0x1;
	s10 =	sld [smem:$0x3FAB]  }
0x3d: {  	_ =	shalt  }
0x3e: {  	_ =	shalt  }
0x3f: {  	_ =	shalt  }
0x40: {  	_ =	shalt  }
0x41: {  	_ =	shalt  }
0x42: {  	_ =	shalt  }
0x43: {  	_ =	shalt  }
0x44: {  	_ =	shalt  }
0x45: {  	_ =	shalt  }
0x46: {  	_ =	shalt  }
0x47: {  	_ =	shalt  }
0x48: {  	_ =	shalt  }
0x49: {  	_ =	shalt  }
0x4a: {  	_ =	shalt  }
0x4b: {  	_ =	shalt  }
0x4c: {  	_ =	shalt  }
0x4d: {  	_ =	shalt  }
0x4e: {  	_ =	shalt  }
0x4f: {  	_ =	shalt  }
0x50: {  	_ =	shalt  }
0x51: {  	_ =	shalt  }
0x52: {  	_ =	shalt  }
0x53: {  	_ =	shalt  }
0x54: {  	_ =	shalt  }
0x55: {  	_ =	shalt  }
0x56: {  	_ =	shalt  }
0x57: {  	_ =	shalt  }
0x58: {  	_ =	shalt  }
0x59: {  	_ =	shalt  }
0x5a: {  	_ =	shalt  }
0x5b: {  	_ =	shalt  }
0x5c: {  	_ =	shalt  }
0x5d: {  	_ =	shalt  }
0x5e: {  	_ =	shalt  }
0x5f: {  	_ =	shalt  }
0x60: {  	_ =	shalt  }
0x61: {  	_ =	shalt  }
0x62: {  	_ =	shalt  }
0x63: {  	_ =	shalt  }
0x64: {  	_ =	shalt  }
0x65: {  	_ =	shalt  }
0x66: {  	_ =	shalt  }
0x67: {  	_ =	shalt  }
0x68: {  	_ =	shalt  }
0x69: {  	_ =	shalt  }
0x6a: {  	_ =	shalt  }
0x6b: {  	_ =	shalt  }
0x6c: {  	_ =	shalt  }
0x6d: {  	_ =	shalt  }
0x6e: {  	_ =	shalt  }
0x6f: {  	_ =	shalt  }
0x70: {  	_ =	shalt  }
0x71: {  	_ =	shalt  }
0x72: {  	_ =	shalt  }
0x73: {  	_ =	shalt  }
0x74: {  	_ =	shalt  }
0x75: {  	_ =	shalt  }
0x76: {  	_ =	shalt  }
0x77: {  	_ =	shalt  }
0x78: {  	_ =	shalt  }
0x79: {  	_ =	shalt  }
0x7a: {  	_ =	shalt  }
0x7b: {  	_ =	shalt  }
0x7c: {  	_ =	shalt  }
0x7d: {  	_ =	shalt  }
0x7e: {  	_ =	shalt  }
0x7f: {  	_ =	shalt  }
0x80: {  	_ =	shalt  }
0x81: {  	_ =	shalt  }
0x82: {  	_ =	shalt  }
0x83: {  	_ =	shalt  }
0x84: {  	_ =	shalt  }
0x85: {  	_ =	shalt  }
0x86: {  	_ =	shalt  }
0x87: {  	_ =	shalt  }
.Lfunc_end0:
.L_simem_size_0:
called_computation.2_lowered:
.L_overlay_start_0:
0x88: {  	s2 =	sld [smem:$0x3FD9]  }
0x89: {  	s3 =	sld [smem:$0x3FFE];
	_ =	sdelay $0x1  }
0x8a: {  	s1 =	srdreg.scid  }
0x8b: {  	s0 =	sand.u32 $0x1, s1  }
0x8c: {  	s15 =	sshll.u32 s0, $0xA;
	s2 =	sadd.s32 s3, s2  }
0x8d: {  	s2 =	sadd.s32 s2, s15  }
0x8e: {  	[smem:$0x3FB7] =	sst s2  }
0x8f: {  	_ = 	snop  }
0x90: {  	s2 =	sld [smem:$0x3FD0];
	_ =	sdelay $0x2  }
0x91: {  	s16 =	simm.s32 $0xB;
	s4 =	simm.s32 $0x10  }
0x92: {  	[smem:s4], [sflag:s16] =	dma.local [hbm:s2], $0x1  }
0x93: {  	_ =	swait.eq [sflag:s16], $0x1  }
0x94: {  	[sflag:s16] =	ssyncset.done $0x0  }
0x95: {  	[sflag:s16] =	ssyncadd.s32 $0xFFFFFFFF  }
0x96: {  	s17 =	sld [smem:$0x11];
	(tm) =	ssettm $0x1  }
0x97: {  	s18 =	sld [smem:$0x3FFB];
	_ =	sdelay $0x3  }
0x98: {  	_ =	strace s18  }
0x99: {  	s2 =	sld [smem:$0x3FFC];
	_ =	sdelay $0x3  }
0x9a: {  	_ =	strace s2  }
0x9b: {  	s2 =	sld [smem:$0x3FFD];
	_ =	sdelay $0x3  }
0x9c: {  	_ =	strace s2  }
0x9d: {  	_ =	strace $0x8FFFFFFF  }
0x9e: {  	s19 =	sld [smem:$0x3FDB];
	_ =	sdelay $0x1  }
0x9f: {  	s20 =	simm.s32 $_scs_section_size  }
0xa0: {  	s5 =	simm.s32 $_size__tile_overlayer_lowered;
	s6 =	simm.s32 $_tile_overlayer_lowered  }
0xa1: {  	s7 =	simm.s32 $0x1BFF;
	s21 =	sshll.u32 s6, $0x1;
	s4 =	sadd.s32 s20, s19  }
0xa2: {  	s22 =	simm.s32 $0x0;
	s5 =	sshll.u32 s5, $0x1;
	s6 =	sadd.s32 s21, s4  }
0xa3: {  	[timem:s22], [sflag:s7] =	dma.local [hbm:s6], s5  }
0xa4: {  	_ =	swait.ge [sflag:s7], s5  }
0xa5: {  	s5 =	ssub.s32 $0x0, s5;
	[sflag:s7] =	ssyncset.done $0x0  }
0xa6: {  	[sflag:s7] =	ssyncadd.s32 s5;
	_ =	sdelay $0x1  }
0xa7: {  	s23 =	simm.s32 $0x1B8B  }
0xa8: {  	_ =	swait.ge [sflag:s23], $0x1  }
0xa9: {  	[sflag:s23] =	ssyncset.done $0x0  }
0xaa: {  	[sflag:s23] =	ssyncadd.s32 $0xFFFFFFFF  }
0xab: {  	s5 =	sld [smem:$0x0]  }
0xac: {  	s6 =	sand.u32 $0xFFFFFFFE, s1  }
0xad: {  	p0 =	sne.s32 s1, s6  }
0xae: {  	s6 =	sshll.u32 @p0 s6, $0xE  }
0xaf: {  	s6 =	sadd.s32 @p0 $0x11B8D, s6;
	s7 =	sshll.u32 @p0 s5, $0x11  }
0xb0: {  	s6 =	sor.u32 @p0 s7, s6  }
0xb1: {  	[sflag:s6] =	ssyncadd.remote.s32 @p0 $0x1;
	_ =	sdelay $0x1  }
0xb2: {  	s6 =	simm.s32 @p0 $0x1B8D  }
0xb3: {  	_ =	swait.eq @p0 [sflag:s6], $0x1  }
0xb4: {  	[sflag:s6] =	ssyncadd.s32 @p0 $0xFFFFFFFF  }
0xb5: {  	s7 =	sshll.u32 @!p0 s1, $0xE  }
0xb6: {  	s7 =	sor.u32 @!p0 $0x4000, s7;
	s6 =	simm.s32 @!p0 $0x1B8D  }
0xb7: {  	s5 =	sshll.u32 @!p0 s5, $0x11;
	s7 =	sadd.s32 @!p0 $0x11B8D, s7;
	_ =	swait.eq @!p0 [sflag:s6], $0x1  }
0xb8: {  	s5 =	sor.u32 @!p0 s5, s7;
	[sflag:s6] =	ssyncadd.s32 @!p0 $0xFFFFFFFF  }
0xb9: {  	s25 =	simm.s32 $0x1B8E;
	s24 =	sld [smem:$0x3FFE];
	[sflag:s5] =	ssyncadd.remote.s32 @!p0 $0x1  }
0xba: {  	s26 =	simm.s32 $execute0_lowered;
	[smem:$0x3FD2] =	sst s25  }
0xbb: {  	s6 =	sshll.u32 s26, $0x1;
	_ =	strace $0x8000004C;
	[dreg:$0x1] =	wrdreg $0xFFFFFFFF  }
0xbc: {  	s28 =	simm.s32 $_size_execute0_lowered;
	s4 =	sadd.s32 s4, s6;
	[dreg:$0x0] =	wrdreg $0x0  }
0xbd: {  	s6 =	sshll.u32 s28, $0x1;
	[dreg:$0x2] =	wrdreg s4  }
0xbe: {  	[dreg:$0x3] =	wrdreg s6  }
0xbf: {  	[dreg:$0x4] =	wrdreg $0xC0  }
0xc0: {  	_ =	task [dreg:s22], $0x5FFFF  }
0xc1: {  	[dreg:$0x1] =	wrdreg $0xFFFFFFFF  }
0xc2: {  	[dreg:$0x0] =	wrdreg $0x60  }
0xc3: {  	[dreg:$0x2] =	wrdreg s24  }
0xc4: {  	[dreg:$0x3] =	wrdreg s17  }
0xc5: {  	[dreg:$0x4] =	wrdreg $0x90000  }
0xc6: {  	[dreg:$0x5] =	wrdreg $0xA  }
0xc7: {  	_ =	task.clear_ibuf [dreg:s22], $0x6FFFF;
	_ =	strace $0x9000004C  }
0xc8: {  	s29 =	simm.s32 $0xA;
	_ =	strace $0x8000004E  }
0xc9: {  	_ =	swait.ge [sflag:s29], $0x1  }
0xca: {  	[sflag:s29] =	ssyncadd.s32 $0xFFFFFFFF  }
0xcb: {  	_ =	strace $0x9000004E  }
0xcc: {  	_ =	sfence  }
0xcd: {  	s30 =	sld [smem:$0x0];
	_ =	sdelay $0x2  }
0xce: {  	s31 =	sshll.u32 s1, $0xD;
	s1 =	sshrl.u32 s1, $0x2  }
0xcf: {  	s4 =	sand.u32 $0x4000, s31;
	s1 =	sadd.s32 s1, s30  }
0xd0: {  	s0 =	sor.u32 s4, s0;
	s1 =	sshll.u32 s1, $0x11  }
0xd1: {  	s0 =	sor.u32 s1, s0  }
0xd2: {  	s0 =	sadd.s32 $0x8F2B, s0  }
0xd3: {  	[sflag:s0] =	ssyncadd.remote.s32 $0x1  }
0xd4: {  	_ =	sfence.sel $0xFFFF  }
0xd5: {  	[dreg:$0x0] =	wrdreg $0xFFFFFFFF;
	(pc) =	sbr.abs _section_cstart, $3  }
0xd6: {  	[dreg:$0x1] =	wrdreg $0xFFFFFFFF  }
0xd7: {  	_ =	task.clear_ibuf [dreg:s22], $0x2FFFF;
	_ =	strace $0x9FFFFFFF  }
0xd8: {  	(tm) =	ssettm $0x7FFFFFFF  }
0xd9: {  	_ =	shalt  }
tec
execute0_lowered:
.L_overlay_start_1:
0x0: {  	(tag) =	ssettag $0x1  }
0x1: {  	s0 =	rddreg [dreg:$0x0]  }
0x2: {  	s2 =	rddreg [dreg:$0x1]  }
0x3: {  	s1 =	rddreg [dreg:$0x2]  }
0x4: {  	s3 =	simm.s32 $0x0;
	s5 =	srdreg.scid;
	s16 =	stileid.u32  }
0x5: {  	s28 =	simm.s32 $0x3;
	s29 =	simm.s32 $0x4;
	s8 =	smul.u32 $0x50000, s16  }
0x6: {  	[smem:$0x7FF] =	sst s3;
	s4 =	sadd.s32 $0x48200, s0;
	s13 =	smul.u32 $0x14000, s16  }
0x7: {  	s6 =	sand.u32 $0x1, s5;
	s15 =	sshll.u32 s16, $0x1;
	s16 =	smul.u32 $0x5000, s16  }
0x8: {  	s7 =	sadd.s32 $0x3E200, s0;
	s0 =	sadd.s32 $0x2C8200, s0;
	s12 =	smul.u32 $0x140000, s6  }
0x9: {  	s5 =	sor.u32 s6, s15;
	s9 =	ssub.s32 $0x2, s6;
	s6 =	smul.u32 $0x2800, s6  }
0xa: {  	s30 =	simm.s32 $0x0;
	_ =	strace $0x8000004D;
	s10 =	smul.u32 $0x2800, s5  }
0xb: {  	s17 =	sshrl.u32 s9, $0x1;
	s8 =	sshrl.u32 s8, $0x2;
	s15 =	sadd.s32 $0x5000, s13  }
0xc: {  	s14 =	ssub.s32 s9, s17;
	s5 =	sadd.s32 s8, s1;
	s21 =	sadd.s32 s13, s12  }
0xd: {  	s11 =	sadd.s32 s12, s15;
	s17 =	sadd.s32 $0xA000, s13;
	s6 =	sadd.s32 s6, s16  }
0xe: {  	s8 =	sadd.s32 $0x8000, s5;
	s18 =	sadd.s32 $0x10000, s5;
	s19 =	sshrl.u32 s10, $0x3  }
0xf: {  	s10 =	sshrl.u32 s21, $0x3;
	s11 =	sshrl.u32 s11, $0x3;
	s22 =	sadd.s32 s12, s17  }
0x10: {  	s6 =	sor.u32 $0x400, s6;
	s14 =	smax.u32 s14, $0x1;
	[dreg:$0x4] =	wrdreg s8  }
0x11: {  	s21 =	simm.s32 $0x5000;
	[dreg:$0x5] =	wrdreg s18;
	s20 =	sadd.s32 s2, s19  }
0x12: {  	s9 =	sadd.s32 s7, s19;
	s10 =	sadd.s32 s0, s10;
	s11 =	sadd.s32 s0, s11  }
0x13: {  	s19 =	sadd.s32 s15, s1;
	s18 =	sadd.s32 $0xF000, s13;
	s23 =	sshrl.u32 s22, $0x3  }
0x14: {  	s26 =	sshrl.u32 s6, $0x3;
	s22 =	simm.s32 $0x1;
	[dreg:$0x6] =	wrdreg s20  }
0x15: {  	s24 =	sadd.s32 s12, s18;
	s12 =	sadd.s32 s0, s23;
	s31 =	sadd.s32 s18, s1  }
0x16: {  	s15 =	sadd.s32 s26, s7;
	s16 =	sadd.s32 s26, s2;
	s18 =	simm.s32 $0x5  }
0x17: {  	s20 =	simm.s32 $0x80;
	s23 =	sshrl.u32 s19, $0x3;
	s26 =	simm.s32 $0x2  }
0x18: {  	s25 =	sshrl.u32 s24, $0x3;
	s24 =	sadd.s32 s17, s1;
	s17 =	simm.s32 $0x1000  }
0x19: {  	v0 =	vimm.f32 $0.0e+00;
	s13 =	sadd.s32 s0, s25;
	s24 =	sshrl.u32 s24, $0x3;
	s25 =	sshrl.u32 s31, $0x3  }
.LBB2_1:
0x1a: {  	s0 =	simm.s32 $0x0;
	s2 =	simm.s32 $0x200  }
.LBB2_2:
0x1b: {  	p0 =	sne.s32 s2, $0x1FE00;
	[tilespmem:s0+$0x1070] =	vst v0  }
0x1c: {  	[tilespmem:s0+$0x1000] =	vst v0  }
0x1d: {  	[tilespmem:s0+$0x1010] =	vst v0  }
.Ltmp0:
0x1e: {  	[tilespmem:s0+$0x1020] =	vst v0;
	(pc) =	sbr.rel @p0 .LBB2_2-.Ltmp0, $4  }
0x1f: {  	[tilespmem:s0+$0x1030] =	vst v0  }
0x20: {  	[tilespmem:s0+$0x1040] =	vst v0  }
0x21: {  	[tilespmem:s0+$0x1050] =	vst v0  }
0x22: {  	[tilespmem:s0+$0x1060] =	vst v0;
	s0 =	sshra.s32 s2, $0x2;
	s2 =	sadd.s32 $0x200, s2  }
0x23: {  	[tilespmem:s0+$0x1070] =	vst v0  }
0x24: {  	[tilespmem:s0+$0x1000] =	vst v0  }
0x25: {  	[tilespmem:s0+$0x1010] =	vst v0  }
0x26: {  	[tilespmem:s0+$0x1020] =	vst v0  }
0x27: {  	[tilespmem:s0+$0x1030] =	vst v0  }
0x28: {  	[tilespmem:s0+$0x1040] =	vst v0  }
0x29: {  	[tilespmem:s0+$0x1050] =	vst v0  }
0x2a: {  	[tilespmem:s0+$0x1060] =	vst v0  }
0x2b: {  	[spmem:s5] =	stream.linear.scatter [tilespmem:s17], [sflag:$0x5], $0x8000, $0x38;
	[tilespmem:$0x1D000] =	vst v63  }
0x2c: {  	_ =	swait.ge [sflag:s18], $0x8000  }
0x2d: {  	[sflag:s18] =	ssyncset.done $0x0  }
0x2e: {  	s6 =	rddreg [dreg:$0x4];
	[sflag:s18] =	ssyncadd.s32 $0xFFFF8000  }
0x2f: {  	[spmem:s6] =	stream.linear.scatter [tilespmem:s17], [sflag:$0x5], $0x8000, $0x38;
	[tilespmem:$0x1D000] =	vst v63  }
0x30: {  	_ =	swait.ge [sflag:s18], $0x8000  }
0x31: {  	[sflag:s18] =	ssyncset.done $0x0  }
0x32: {  	s7 =	rddreg [dreg:$0x5];
	[sflag:s18] =	ssyncadd.s32 $0xFFFF8000  }
0x33: {  	[spmem:s7] =	stream.linear.scatter [tilespmem:s17], [sflag:$0x5], $0x4000, $0x38;
	[tilespmem:$0x1D000] =	vst v63  }
0x34: {  	_ =	swait.ge [sflag:s18], $0x4000  }
0x35: {  	[sflag:s18] =	ssyncset.done $0x0  }
0x36: {  	s8 =	simm.s32 $0x0;
	s2 =	rddreg [dreg:$0x6];
	[sflag:s18] =	ssyncadd.s32 $0xFFFFC000  }
0x37: {  	[tilespmem:s8], [sflag:$0x5] =	stream.linear.gather [hbm4b:s2+s8], $0x400, $0x38;
	[tilespmem:$0x1D000] =	vst v63  }
0x38: {  	_ =	swait.ge [sflag:s18], $0x400  }
0x39: {  	[sflag:s18] =	ssyncset.done $0x0  }
0x3a: {  	s19 =	simm.s32 $0x800;
	[sflag:s18] =	ssyncadd.s32 $0xFFFFFC00  }
0x3b: {  	[tilespmem:s19], [sflag:$0x5] =	stream.linear.gather [hbm4b:s9+s8], $0x400, $0x38;
	[tilespmem:$0x1D000] =	vst v63  }
0x3c: {  	_ =	swait.ge [sflag:s18], $0x400  }
0x3d: {  	[sflag:s18] =	ssyncset.done $0x0  }
0x3e: {  	s0 =	sand.u32 $0x400, s8;
	[sflag:s18] =	ssyncadd.s32 $0xFFFFFC00  }
0x3f: {  	s6 =	sxor.u32 $0x400, s0;
	[bflag:$0x0] =	sbarrier.arrive $0xFFFF  }
0x40: {  	[tilespmem:s6], [sflag:$0x3] =	stream.linear.gather [hbm4b:s16+s3], $0x400, $0x38;
	[tilespmem:$0x1D000] =	vst v63  }
0x41: {  	s7 =	sxor.u32 $0xC00, s0  }
0x42: {  	[tilespmem:s7], [sflag:$0x4] =	stream.linear.gather [hbm4b:s15+s3], $0x400, $0x38;
	[tilespmem:$0x1D000] =	vst v63  }
0x43: {  	_ = 	snop  }
0x44: {  	[tilespmem:s17], [sflag:$0x1] =	stream.indirect.gather [hbm4b:s4+s20], $0x80, s0, s20, $0xb8;
	[tilespmem:$0x1D000] =	vst v63  }
0x45: {  	s8 =	sor.u32 $0x80, s0  }
0x46: {  	[tilespmem:s21], [sflag:$0x2] =	stream.indirect.gather [hbm4b:s4+s20], $0x80, s8, s20, $0xb8;
	[tilespmem:$0x1D000] =	vst v63  }
0x47: {  	_ =	swait.ge [sflag:s22], $0x4000  }
0x48: {  	[sflag:s22] =	ssyncset.done $0x0  }
0x49: {  	s19 =	sor.u32 $0x800, s0;
	[sflag:s22] =	ssyncadd.s32 $0xFFFFC000  }
0x4a: {  	[spmem:s1] =	stream.indirect.scatter.add.f32 [tilespmem:s17], [sflag:$0x5], $0x80, s19, s20, $0xb8;
	[tilespmem:$0x1D000] =	vst v63  }
0x4b: {  	_ =	swait.ge [sflag:s18], $0x4000  }
0x4c: {  	[sflag:s18] =	ssyncset.done $0x0  }
0x4d: {  	[sflag:s18] =	ssyncadd.s32 $0xFFFFC000  }
0x4e: {  	_ =	swait.ge [sflag:s26], $0x4000  }
0x4f: {  	[sflag:s26] =	ssyncset.done $0x0  }
0x50: {  	s6 =	sor.u32 $0x880, s0;
	[sflag:s26] =	ssyncadd.s32 $0xFFFFC000  }
0x51: {  	[spmem:s1] =	stream.indirect.scatter.add.f32 [tilespmem:s21], [sflag:$0x5], $0x80, s6, s20, $0xb8;
	[tilespmem:$0x1D000] =	vst v63  }
0x52: {  	_ =	swait.ge [sflag:s18], $0x4000  }
0x53: {  	[sflag:s18] =	ssyncset.done $0x0  }
0x54: {  	s7 =	sor.u32 $0x100, s0;
	[sflag:s18] =	ssyncadd.s32 $0xFFFFC000  }
0x55: {  	[tilespmem:s17], [sflag:$0x1] =	stream.indirect.gather [hbm4b:s4+s20], $0x80, s7, s20, $0xb8;
	[tilespmem:$0x1D000] =	vst v63  }
0x56: {  	s8 =	sor.u32 $0x180, s0  }
0x57: {  	[tilespmem:s21], [sflag:$0x2] =	stream.indirect.gather [hbm4b:s4+s20], $0x80, s8, s20, $0xb8;
	[tilespmem:$0x1D000] =	vst v63  }
0x58: {  	_ =	swait.ge [sflag:s22], $0x4000  }
0x59: {  	[sflag:s22] =	ssyncset.done $0x0  }
0x5a: {  	s19 =	sor.u32 $0x900, s0;
	[sflag:s22] =	ssyncadd.s32 $0xFFFFC000  }
0x5b: {  	[spmem:s1] =	stream.indirect.scatter.add.f32 [tilespmem:s17], [sflag:$0x5], $0x80, s19, s20, $0xb8;
	[tilespmem:$0x1D000] =	vst v63  }
0x5c: {  	_ =	swait.ge [sflag:s18], $0x4000  }
0x5d: {  	[sflag:s18] =	ssyncset.done $0x0  }
0x5e: {  	[sflag:s18] =	ssyncadd.s32 $0xFFFFC000  }
0x5f: {  	_ =	swait.ge [sflag:s26], $0x4000  }
0x60: {  	[sflag:s26] =	ssyncset.done $0x0  }
0x61: {  	s6 =	sor.u32 $0x980, s0;
	[sflag:s26] =	ssyncadd.s32 $0xFFFFC000  }
0x62: {  	[spmem:s1] =	stream.indirect.scatter.add.f32 [tilespmem:s21], [sflag:$0x5], $0x80, s6, s20, $0xb8;
	[tilespmem:$0x1D000] =	vst v63  }
0x63: {  	_ =	swait.ge [sflag:s18], $0x4000  }
0x64: {  	[sflag:s18] =	ssyncset.done $0x0  }
0x65: {  	s7 =	sor.u32 $0x200, s0;
	[sflag:s18] =	ssyncadd.s32 $0xFFFFC000  }
0x66: {  	[tilespmem:s17], [sflag:$0x1] =	stream.indirect.gather [hbm4b:s4+s20], $0x80, s7, s20, $0xb8;
	[tilespmem:$0x1D000] =	vst v63  }
0x67: {  	s8 =	sor.u32 $0x280, s0  }
0x68: {  	[tilespmem:s21], [sflag:$0x2] =	stream.indirect.gather [hbm4b:s4+s20], $0x80, s8, s20, $0xb8;
	[tilespmem:$0x1D000] =	vst v63  }
0x69: {  	_ =	swait.ge [sflag:s22], $0x4000  }
0x6a: {  	[sflag:s22] =	ssyncset.done $0x0  }
0x6b: {  	s19 =	sor.u32 $0xA00, s0;
	[sflag:s22] =	ssyncadd.s32 $0xFFFFC000  }
0x6c: {  	[spmem:s1] =	stream.indirect.scatter.add.f32 [tilespmem:s17], [sflag:$0x5], $0x80, s19, s20, $0xb8;
	[tilespmem:$0x1D000] =	vst v63  }
0x6d: {  	_ =	swait.ge [sflag:s18], $0x4000  }
0x6e: {  	[sflag:s18] =	ssyncset.done $0x0  }
0x6f: {  	[sflag:s18] =	ssyncadd.s32 $0xFFFFC000  }
0x70: {  	_ =	swait.ge [sflag:s26], $0x4000  }
0x71: {  	[sflag:s26] =	ssyncset.done $0x0  }
0x72: {  	s6 =	sor.u32 $0xA80, s0;
	[sflag:s26] =	ssyncadd.s32 $0xFFFFC000  }
0x73: {  	[spmem:s1] =	stream.indirect.scatter.add.f32 [tilespmem:s21], [sflag:$0x5], $0x80, s6, s20, $0xb8;
	[tilespmem:$0x1D000] =	vst v63  }
0x74: {  	_ =	swait.ge [sflag:s18], $0x4000  }
0x75: {  	[sflag:s18] =	ssyncset.done $0x0  }
0x76: {  	s7 =	sor.u32 $0x300, s0;
	[sflag:s18] =	ssyncadd.s32 $0xFFFFC000  }
0x77: {  	[tilespmem:s17], [sflag:$0x1] =	stream.indirect.gather [hbm4b:s4+s20], $0x80, s7, s20, $0xb8;
	[tilespmem:$0x1D000] =	vst v63  }
0x78: {  	s8 =	sor.u32 $0x380, s0  }
0x79: {  	[tilespmem:s21], [sflag:$0x2] =	stream.indirect.gather [hbm4b:s4+s20], $0x80, s8, s20, $0xb8;
	[tilespmem:$0x1D000] =	vst v63  }
0x7a: {  	_ =	swait.ge [sflag:s22], $0x4000  }
0x7b: {  	[sflag:s22] =	ssyncset.done $0x0  }
0x7c: {  	s19 =	sor.u32 $0xB00, s0;
	[sflag:s22] =	ssyncadd.s32 $0xFFFFC000  }
0x7d: {  	[spmem:s1] =	stream.indirect.scatter.add.f32 [tilespmem:s17], [sflag:$0x5], $0x80, s19, s20, $0xb8;
	[tilespmem:$0x1D000] =	vst v63  }
0x7e: {  	_ =	swait.ge [sflag:s18], $0x4000  }
0x7f: {  	[sflag:s18] =	ssyncset.done $0x0  }
0x80: {  	[sflag:s18] =	ssyncadd.s32 $0xFFFFC000  }
0x81: {  	_ =	swait.ge [sflag:s26], $0x4000  }
0x82: {  	[sflag:s26] =	ssyncset.done $0x0  }
0x83: {  	s0 =	sor.u32 $0xB80, s0;
	[sflag:s26] =	ssyncadd.s32 $0xFFFFC000  }
0x84: {  	[spmem:s1] =	stream.indirect.scatter.add.f32 [tilespmem:s21], [sflag:$0x5], $0x80, s0, s20, $0xb8;
	[tilespmem:$0x1D000] =	vst v63  }
0x85: {  	_ =	swait.ge [sflag:s18], $0x4000  }
0x86: {  	[sflag:s18] =	ssyncset.done $0x0  }
0x87: {  	[sflag:s18] =	ssyncadd.s32 $0xFFFFC000  }
0x88: {  	_ =	swait.ge [sflag:s28], $0x400  }
0x89: {  	[sflag:s28] =	ssyncset.done $0x0  }
0x8a: {  	s6 =	simm.s32 $0x400;
	[sflag:s28] =	ssyncadd.s32 $0xFFFFFC00  }
0x8b: {  	s2 =	simm.s32 $0x800;
	s31 =	sand.u32 $0x400, s6;
	_ =	swait.ge [sflag:s29], $0x400  }
0x8c: {  	s19 =	sadd.s32 $0x80, s15;
	s0 =	sadd.s32 $0x80, s16;
	[sflag:s29] =	ssyncset.done $0x0  }
.LBB2_4:
0x8d: {  	s8 =	sxor.u32 $0x400, s31  }
0x8e: {  	[sflag:s29] =	ssyncadd.s32 $0xFFFFFC00;
	s6 =	smov.u32 s2;
	s7 =	sadd.s32 $0x400, s2  }
0x8f: {  	[tilespmem:s8], [sflag:$0x3] =	stream.linear.gather [hbm4b:s0+s3], $0x400, $0x38;
	[tilespmem:$0x1D000] =	vst v63  }
0x90: {  	p0 =	sne.s32 s2, $0x2000;
	s2 =	sxor.u32 $0xC00, s31  }
0x91: {  	[tilespmem:s2], [sflag:$0x4] =	stream.linear.gather [hbm4b:s19+s3], $0x400, $0x38;
	[tilespmem:$0x1D000] =	vst v63  }
0x92: {  	_ = 	snop  }
0x93: {  	[tilespmem:s17], [sflag:$0x1] =	stream.indirect.gather [hbm4b:s4+s20], $0x80, s31, s20, $0xb8;
	[tilespmem:$0x1D000] =	vst v63  }
0x94: {  	s2 =	sor.u32 $0x80, s31  }
0x95: {  	[tilespmem:s21], [sflag:$0x2] =	stream.indirect.gather [hbm4b:s4+s20], $0x80, s2, s20, $0xb8;
	[tilespmem:$0x1D000] =	vst v63  }
0x96: {  	_ =	swait.ge [sflag:s22], $0x4000  }
0x97: {  	[sflag:s22] =	ssyncset.done $0x0  }
0x98: {  	s2 =	sor.u32 $0x800, s31;
	[sflag:s22] =	ssyncadd.s32 $0xFFFFC000  }
0x99: {  	[spmem:s1] =	stream.indirect.scatter.add.f32 [tilespmem:s17], [sflag:$0x5], $0x80, s2, s20, $0xb8;
	[tilespmem:$0x1D000] =	vst v63  }
0x9a: {  	_ =	swait.ge [sflag:s18], $0x4000  }
0x9b: {  	[sflag:s18] =	ssyncset.done $0x0  }
0x9c: {  	[sflag:s18] =	ssyncadd.s32 $0xFFFFC000  }
0x9d: {  	_ =	swait.ge [sflag:s26], $0x4000  }
0x9e: {  	[sflag:s26] =	ssyncset.done $0x0  }
0x9f: {  	s2 =	sor.u32 $0x880, s31;
	[sflag:s26] =	ssyncadd.s32 $0xFFFFC000  }
0xa0: {  	[spmem:s1] =	stream.indirect.scatter.add.f32 [tilespmem:s21], [sflag:$0x5], $0x80, s2, s20, $0xb8;
	[tilespmem:$0x1D000] =	vst v63  }
0xa1: {  	_ =	swait.ge [sflag:s18], $0x4000  }
0xa2: {  	[sflag:s18] =	ssyncset.done $0x0  }
0xa3: {  	s2 =	sor.u32 $0x100, s31;
	[sflag:s18] =	ssyncadd.s32 $0xFFFFC000  }
0xa4: {  	[tilespmem:s17], [sflag:$0x1] =	stream.indirect.gather [hbm4b:s4+s20], $0x80, s2, s20, $0xb8;
	[tilespmem:$0x1D000] =	vst v63  }
0xa5: {  	s2 =	sor.u32 $0x180, s31  }
0xa6: {  	[tilespmem:s21], [sflag:$0x2] =	stream.indirect.gather [hbm4b:s4+s20], $0x80, s2, s20, $0xb8;
	[tilespmem:$0x1D000] =	vst v63  }
0xa7: {  	_ =	swait.ge [sflag:s22], $0x4000  }
0xa8: {  	[sflag:s22] =	ssyncset.done $0x0  }
0xa9: {  	s2 =	sor.u32 $0x900, s31;
	[sflag:s22] =	ssyncadd.s32 $0xFFFFC000  }
0xaa: {  	[spmem:s1] =	stream.indirect.scatter.add.f32 [tilespmem:s17], [sflag:$0x5], $0x80, s2, s20, $0xb8;
	[tilespmem:$0x1D000] =	vst v63  }
0xab: {  	_ =	swait.ge [sflag:s18], $0x4000  }
0xac: {  	[sflag:s18] =	ssyncset.done $0x0  }
0xad: {  	[sflag:s18] =	ssyncadd.s32 $0xFFFFC000  }
0xae: {  	_ =	swait.ge [sflag:s26], $0x4000  }
0xaf: {  	[sflag:s26] =	ssyncset.done $0x0  }
0xb0: {  	s2 =	sor.u32 $0x980, s31;
	[sflag:s26] =	ssyncadd.s32 $0xFFFFC000  }
0xb1: {  	[spmem:s1] =	stream.indirect.scatter.add.f32 [tilespmem:s21], [sflag:$0x5], $0x80, s2, s20, $0xb8;
	[tilespmem:$0x1D000] =	vst v63  }
0xb2: {  	_ =	swait.ge [sflag:s18], $0x4000  }
0xb3: {  	[sflag:s18] =	ssyncset.done $0x0  }
0xb4: {  	s2 =	sor.u32 $0x200, s31;
	[sflag:s18] =	ssyncadd.s32 $0xFFFFC000  }
0xb5: {  	[tilespmem:s17], [sflag:$0x1] =	stream.indirect.gather [hbm4b:s4+s20], $0x80, s2, s20, $0xb8;
	[tilespmem:$0x1D000] =	vst v63  }
0xb6: {  	s2 =	sor.u32 $0x280, s31  }
0xb7: {  	[tilespmem:s21], [sflag:$0x2] =	stream.indirect.gather [hbm4b:s4+s20], $0x80, s2, s20, $0xb8;
	[tilespmem:$0x1D000] =	vst v63  }
0xb8: {  	_ =	swait.ge [sflag:s22], $0x4000  }
0xb9: {  	[sflag:s22] =	ssyncset.done $0x0  }
0xba: {  	s2 =	sor.u32 $0xA00, s31;
	[sflag:s22] =	ssyncadd.s32 $0xFFFFC000  }
0xbb: {  	[spmem:s1] =	stream.indirect.scatter.add.f32 [tilespmem:s17], [sflag:$0x5], $0x80, s2, s20, $0xb8;
	[tilespmem:$0x1D000] =	vst v63  }
0xbc: {  	_ =	swait.ge [sflag:s18], $0x4000  }
0xbd: {  	[sflag:s18] =	ssyncset.done $0x0  }
0xbe: {  	[sflag:s18] =	ssyncadd.s32 $0xFFFFC000  }
0xbf: {  	_ =	swait.ge [sflag:s26], $0x4000  }
0xc0: {  	[sflag:s26] =	ssyncset.done $0x0  }
0xc1: {  	s2 =	sor.u32 $0xA80, s31;
	[sflag:s26] =	ssyncadd.s32 $0xFFFFC000  }
0xc2: {  	[spmem:s1] =	stream.indirect.scatter.add.f32 [tilespmem:s21], [sflag:$0x5], $0x80, s2, s20, $0xb8;
	[tilespmem:$0x1D000] =	vst v63  }
0xc3: {  	_ =	swait.ge [sflag:s18], $0x4000  }
0xc4: {  	[sflag:s18] =	ssyncset.done $0x0  }
0xc5: {  	s2 =	sor.u32 $0x300, s31;
	[sflag:s18] =	ssyncadd.s32 $0xFFFFC000  }
0xc6: {  	[tilespmem:s17], [sflag:$0x1] =	stream.indirect.gather [hbm4b:s4+s20], $0x80, s2, s20, $0xb8;
	[tilespmem:$0x1D000] =	vst v63  }
0xc7: {  	s2 =	sor.u32 $0x380, s31  }
0xc8: {  	[tilespmem:s21], [sflag:$0x2] =	stream.indirect.gather [hbm4b:s4+s20], $0x80, s2, s20, $0xb8;
	[tilespmem:$0x1D000] =	vst v63  }
0xc9: {  	_ =	swait.ge [sflag:s22], $0x4000  }
0xca: {  	[sflag:s22] =	ssyncset.done $0x0  }
0xcb: {  	s2 =	sor.u32 $0xB00, s31;
	[sflag:s22] =	ssyncadd.s32 $0xFFFFC000  }
0xcc: {  	[spmem:s1] =	stream.indirect.scatter.add.f32 [tilespmem:s17], [sflag:$0x5], $0x80, s2, s20, $0xb8;
	[tilespmem:$0x1D000] =	vst v63  }
0xcd: {  	_ =	swait.ge [sflag:s18], $0x4000  }
0xce: {  	[sflag:s18] =	ssyncset.done $0x0  }
0xcf: {  	[sflag:s18] =	ssyncadd.s32 $0xFFFFC000  }
0xd0: {  	_ =	swait.ge [sflag:s26], $0x4000  }
0xd1: {  	[sflag:s26] =	ssyncset.done $0x0  }
0xd2: {  	s2 =	sor.u32 $0xB80, s31;
	[sflag:s26] =	ssyncadd.s32 $0xFFFFC000  }
0xd3: {  	[spmem:s1] =	stream.indirect.scatter.add.f32 [tilespmem:s21], [sflag:$0x5], $0x80, s2, s20, $0xb8;
	[tilespmem:$0x1D000] =	vst v63  }
0xd4: {  	_ =	swait.ge [sflag:s18], $0x4000  }
0xd5: {  	[sflag:s18] =	ssyncset.done $0x0  }
0xd6: {  	[sflag:s18] =	ssyncadd.s32 $0xFFFFC000  }
.Ltmp1:
0xd7: {  	_ =	swait.ge [sflag:s28], $0x400;
	(pc) =	sbr.rel @p0 .LBB2_4-.Ltmp1, $4  }
0xd8: {  	[sflag:s28] =	ssyncset.done $0x0  }
0xd9: {  	[sflag:s28] =	ssyncadd.s32 $0xFFFFFC00  }
0xda: {  	s0 =	sadd.s32 $0x80, s0;
	s19 =	sadd.s32 $0x80, s19;
	_ =	swait.ge [sflag:s29], $0x400  }
0xdb: {  	s31 =	sand.u32 $0x400, s6;
	s2 =	smov.u32 s7;
	[sflag:s29] =	ssyncset.done $0x0  }
0xdc: {  	s2 =	sxor.u32 $0x400, s31;
	[sflag:s29] =	ssyncadd.s32 $0xFFFFFC00  }
0xdd: {  	[tilespmem:s2], [sflag:$0x3] =	stream.linear.gather [hbm4b:s0+s3], $0x400, $0x38;
	[tilespmem:$0x1D000] =	vst v63  }
0xde: {  	s2 =	sxor.u32 $0xC00, s31  }
0xdf: {  	[tilespmem:s2], [sflag:$0x4] =	stream.linear.gather [hbm4b:s19+s3], $0x400, $0x38;
	[tilespmem:$0x1D000] =	vst v63  }
0xe0: {  	_ = 	snop  }
0xe1: {  	[tilespmem:s17], [sflag:$0x1] =	stream.indirect.gather [hbm4b:s4+s20], $0x80, s31, s20, $0xb8;
	[tilespmem:$0x1D000] =	vst v63  }
0xe2: {  	s6 =	sor.u32 $0x80, s31  }
0xe3: {  	[tilespmem:s21], [sflag:$0x2] =	stream.indirect.gather [hbm4b:s4+s20], $0x80, s6, s20, $0xb8;
	[tilespmem:$0x1D000] =	vst v63  }
0xe4: {  	_ =	swait.ge [sflag:s22], $0x4000  }
0xe5: {  	[sflag:s22] =	ssyncset.done $0x0  }
0xe6: {  	s7 =	sor.u32 $0x800, s31;
	[sflag:s22] =	ssyncadd.s32 $0xFFFFC000  }
0xe7: {  	[spmem:s1] =	stream.indirect.scatter.add.f32 [tilespmem:s17], [sflag:$0x5], $0x80, s7, s20, $0xb8;
	[tilespmem:$0x1D000] =	vst v63  }
0xe8: {  	_ =	swait.ge [sflag:s18], $0x4000  }
0xe9: {  	[sflag:s18] =	ssyncset.done $0x0  }
0xea: {  	[sflag:s18] =	ssyncadd.s32 $0xFFFFC000  }
0xeb: {  	_ =	swait.ge [sflag:s26], $0x4000  }
0xec: {  	[sflag:s26] =	ssyncset.done $0x0  }
0xed: {  	s8 =	sor.u32 $0x880, s31;
	[sflag:s26] =	ssyncadd.s32 $0xFFFFC000  }
0xee: {  	[spmem:s1] =	stream.indirect.scatter.add.f32 [tilespmem:s21], [sflag:$0x5], $0x80, s8, s20, $0xb8;
	[tilespmem:$0x1D000] =	vst v63  }
0xef: {  	_ =	swait.ge [sflag:s18], $0x4000  }
0xf0: {  	[sflag:s18] =	ssyncset.done $0x0  }
0xf1: {  	s19 =	sor.u32 $0x100, s31;
	[sflag:s18] =	ssyncadd.s32 $0xFFFFC000  }
0xf2: {  	[tilespmem:s17], [sflag:$0x1] =	stream.indirect.gather [hbm4b:s4+s20], $0x80, s19, s20, $0xb8;
	[tilespmem:$0x1D000] =	vst v63  }
0xf3: {  	s2 =	sor.u32 $0x180, s31  }
0xf4: {  	[tilespmem:s21], [sflag:$0x2] =	stream.indirect.gather [hbm4b:s4+s20], $0x80, s2, s20, $0xb8;
	[tilespmem:$0x1D000] =	vst v63  }
0xf5: {  	_ =	swait.ge [sflag:s22], $0x4000  }
0xf6: {  	[sflag:s22] =	ssyncset.done $0x0  }
0xf7: {  	s6 =	sor.u32 $0x900, s31;
	[sflag:s22] =	ssyncadd.s32 $0xFFFFC000  }
0xf8: {  	[spmem:s1] =	stream.indirect.scatter.add.f32 [tilespmem:s17], [sflag:$0x5], $0x80, s6, s20, $0xb8;
	[tilespmem:$0x1D000] =	vst v63  }
0xf9: {  	_ =	swait.ge [sflag:s18], $0x4000  }
0xfa: {  	[sflag:s18] =	ssyncset.done $0x0  }
0xfb: {  	[sflag:s18] =	ssyncadd.s32 $0xFFFFC000  }
0xfc: {  	_ =	swait.ge [sflag:s26], $0x4000  }
0xfd: {  	[sflag:s26] =	ssyncset.done $0x0  }
0xfe: {  	s7 =	sor.u32 $0x980, s31;
	[sflag:s26] =	ssyncadd.s32 $0xFFFFC000  }
0xff: {  	[spmem:s1] =	stream.indirect.scatter.add.f32 [tilespmem:s21], [sflag:$0x5], $0x80, s7, s20, $0xb8;
	[tilespmem:$0x1D000] =	vst v63  }
0x100: {  	_ =	swait.ge [sflag:s18], $0x4000  }
0x101: {  	[sflag:s18] =	ssyncset.done $0x0  }
0x102: {  	s8 =	sor.u32 $0x200, s31;
	[sflag:s18] =	ssyncadd.s32 $0xFFFFC000  }
0x103: {  	[tilespmem:s17], [sflag:$0x1] =	stream.indirect.gather [hbm4b:s4+s20], $0x80, s8, s20, $0xb8;
	[tilespmem:$0x1D000] =	vst v63  }
0x104: {  	s19 =	sor.u32 $0x280, s31  }
0x105: {  	[tilespmem:s21], [sflag:$0x2] =	stream.indirect.gather [hbm4b:s4+s20], $0x80, s19, s20, $0xb8;
	[tilespmem:$0x1D000] =	vst v63  }
0x106: {  	_ =	swait.ge [sflag:s22], $0x4000  }
0x107: {  	[sflag:s22] =	ssyncset.done $0x0  }
0x108: {  	s2 =	sor.u32 $0xA00, s31;
	[sflag:s22] =	ssyncadd.s32 $0xFFFFC000  }
0x109: {  	[spmem:s1] =	stream.indirect.scatter.add.f32 [tilespmem:s17], [sflag:$0x5], $0x80, s2, s20, $0xb8;
	[tilespmem:$0x1D000] =	vst v63  }
0x10a: {  	_ =	swait.ge [sflag:s18], $0x4000  }
0x10b: {  	[sflag:s18] =	ssyncset.done $0x0  }
0x10c: {  	[sflag:s18] =	ssyncadd.s32 $0xFFFFC000  }
0x10d: {  	_ =	swait.ge [sflag:s26], $0x4000  }
0x10e: {  	[sflag:s26] =	ssyncset.done $0x0  }
0x10f: {  	s6 =	sor.u32 $0xA80, s31;
	[sflag:s26] =	ssyncadd.s32 $0xFFFFC000  }
0x110: {  	[spmem:s1] =	stream.indirect.scatter.add.f32 [tilespmem:s21], [sflag:$0x5], $0x80, s6, s20, $0xb8;
	[tilespmem:$0x1D000] =	vst v63  }
0x111: {  	_ =	swait.ge [sflag:s18], $0x4000  }
0x112: {  	[sflag:s18] =	ssyncset.done $0x0  }
0x113: {  	s7 =	sor.u32 $0x300, s31;
	[sflag:s18] =	ssyncadd.s32 $0xFFFFC000  }
0x114: {  	[tilespmem:s17], [sflag:$0x1] =	stream.indirect.gather [hbm4b:s4+s20], $0x80, s7, s20, $0xb8;
	[tilespmem:$0x1D000] =	vst v63  }
0x115: {  	s8 =	sor.u32 $0x380, s31  }
0x116: {  	[tilespmem:s21], [sflag:$0x2] =	stream.indirect.gather [hbm4b:s4+s20], $0x80, s8, s20, $0xb8;
	[tilespmem:$0x1D000] =	vst v63  }
0x117: {  	_ =	swait.ge [sflag:s22], $0x4000  }
0x118: {  	[sflag:s22] =	ssyncset.done $0x0  }
0x119: {  	s19 =	sor.u32 $0xB00, s31;
	[sflag:s22] =	ssyncadd.s32 $0xFFFFC000  }
0x11a: {  	[spmem:s1] =	stream.indirect.scatter.add.f32 [tilespmem:s17], [sflag:$0x5], $0x80, s19, s20, $0xb8;
	[tilespmem:$0x1D000] =	vst v63  }
0x11b: {  	_ =	swait.ge [sflag:s18], $0x4000  }
0x11c: {  	[sflag:s18] =	ssyncset.done $0x0  }
0x11d: {  	[sflag:s18] =	ssyncadd.s32 $0xFFFFC000  }
0x11e: {  	_ =	swait.ge [sflag:s26], $0x4000  }
0x11f: {  	[sflag:s26] =	ssyncset.done $0x0  }
0x120: {  	s31 =	sor.u32 $0xB80, s31;
	[sflag:s26] =	ssyncadd.s32 $0xFFFFC000  }
0x121: {  	[spmem:s1] =	stream.indirect.scatter.add.f32 [tilespmem:s21], [sflag:$0x5], $0x80, s31, s20, $0xb8;
	[tilespmem:$0x1D000] =	vst v63  }
0x122: {  	_ =	swait.ge [sflag:s18], $0x4000  }
0x123: {  	[sflag:s18] =	ssyncset.done $0x0  }
0x124: {  	[sflag:s18] =	ssyncadd.s32 $0xFFFFC000  }
0x125: {  	_ =	swait.ge [sflag:s28], $0x400  }
0x126: {  	[sflag:s28] =	ssyncset.done $0x0  }
0x127: {  	[sflag:s28] =	ssyncadd.s32 $0xFFFFFC00  }
0x128: {  	_ =	swait.ge [sflag:s29], $0x400  }
0x129: {  	[sflag:s29] =	ssyncset.done $0x0  }
0x12a: {  	s2 =	simm.s32 $0x400;
	[sflag:s29] =	ssyncadd.s32 $0xFFFFFC00  }
0x12b: {  	[tilespmem:s17], [sflag:$0x1] =	stream.indirect.gather [hbm4b:s4+s20], $0x80, s2, s20, $0xb8;
	[tilespmem:$0x1D000] =	vst v63  }
0x12c: {  	s6 =	simm.s32 $0x480  }
0x12d: {  	[tilespmem:s21], [sflag:$0x2] =	stream.indirect.gather [hbm4b:s4+s20], $0x80, s6, s20, $0xb8;
	[tilespmem:$0x1D000] =	vst v63  }
0x12e: {  	_ =	swait.ge [sflag:s22], $0x4000  }
0x12f: {  	[sflag:s22] =	ssyncset.done $0x0  }
0x130: {  	s7 =	simm.s32 $0xC00;
	[sflag:s22] =	ssyncadd.s32 $0xFFFFC000  }
0x131: {  	[spmem:s1] =	stream.indirect.scatter.add.f32 [tilespmem:s17], [sflag:$0x5], $0x80, s7, s20, $0xb8;
	[tilespmem:$0x1D000] =	vst v63  }
0x132: {  	_ =	swait.ge [sflag:s18], $0x4000  }
0x133: {  	[sflag:s18] =	ssyncset.done $0x0  }
0x134: {  	[sflag:s18] =	ssyncadd.s32 $0xFFFFC000  }
0x135: {  	_ =	swait.ge [sflag:s26], $0x4000  }
0x136: {  	[sflag:s26] =	ssyncset.done $0x0  }
0x137: {  	s8 =	simm.s32 $0xC80;
	[sflag:s26] =	ssyncadd.s32 $0xFFFFC000  }
0x138: {  	[spmem:s1] =	stream.indirect.scatter.add.f32 [tilespmem:s21], [sflag:$0x5], $0x80, s8, s20, $0xb8;
	[tilespmem:$0x1D000] =	vst v63  }
0x139: {  	_ =	swait.ge [sflag:s18], $0x4000  }
0x13a: {  	[sflag:s18] =	ssyncset.done $0x0  }
0x13b: {  	s19 =	simm.s32 $0x500;
	[sflag:s18] =	ssyncadd.s32 $0xFFFFC000  }
0x13c: {  	[tilespmem:s17], [sflag:$0x1] =	stream.indirect.gather [hbm4b:s4+s20], $0x80, s19, s20, $0xb8;
	[tilespmem:$0x1D000] =	vst v63  }
0x13d: {  	s31 =	simm.s32 $0x580  }
0x13e: {  	[tilespmem:s21], [sflag:$0x2] =	stream.indirect.gather [hbm4b:s4+s20], $0x80, s31, s20, $0xb8;
	[tilespmem:$0x1D000] =	vst v63  }
0x13f: {  	_ =	swait.ge [sflag:s22], $0x4000  }
0x140: {  	[sflag:s22] =	ssyncset.done $0x0  }
0x141: {  	s2 =	simm.s32 $0xD00;
	[sflag:s22] =	ssyncadd.s32 $0xFFFFC000  }
0x142: {  	[spmem:s1] =	stream.indirect.scatter.add.f32 [tilespmem:s17], [sflag:$0x5], $0x80, s2, s20, $0xb8;
	[tilespmem:$0x1D000] =	vst v63  }
0x143: {  	_ =	swait.ge [sflag:s18], $0x4000  }
0x144: {  	[sflag:s18] =	ssyncset.done $0x0  }
0x145: {  	[sflag:s18] =	ssyncadd.s32 $0xFFFFC000  }
0x146: {  	_ =	swait.ge [sflag:s26], $0x4000  }
0x147: {  	[sflag:s26] =	ssyncset.done $0x0  }
0x148: {  	s6 =	simm.s32 $0xD80;
	[sflag:s26] =	ssyncadd.s32 $0xFFFFC000  }
0x149: {  	[spmem:s1] =	stream.indirect.scatter.add.f32 [tilespmem:s21], [sflag:$0x5], $0x80, s6, s20, $0xb8;
	[tilespmem:$0x1D000] =	vst v63  }
0x14a: {  	_ =	swait.ge [sflag:s18], $0x4000  }
0x14b: {  	[sflag:s18] =	ssyncset.done $0x0  }
0x14c: {  	s7 =	simm.s32 $0x600;
	[sflag:s18] =	ssyncadd.s32 $0xFFFFC000  }
0x14d: {  	[tilespmem:s17], [sflag:$0x1] =	stream.indirect.gather [hbm4b:s4+s20], $0x80, s7, s20, $0xb8;
	[tilespmem:$0x1D000] =	vst v63  }
0x14e: {  	s8 =	simm.s32 $0x680  }
0x14f: {  	[tilespmem:s21], [sflag:$0x2] =	stream.indirect.gather [hbm4b:s4+s20], $0x80, s8, s20, $0xb8;
	[tilespmem:$0x1D000] =	vst v63  }
0x150: {  	_ =	swait.ge [sflag:s22], $0x4000  }
0x151: {  	[sflag:s22] =	ssyncset.done $0x0  }
0x152: {  	s19 =	simm.s32 $0xE00;
	[sflag:s22] =	ssyncadd.s32 $0xFFFFC000  }
0x153: {  	[spmem:s1] =	stream.indirect.scatter.add.f32 [tilespmem:s17], [sflag:$0x5], $0x80, s19, s20, $0xb8;
	[tilespmem:$0x1D000] =	vst v63  }
0x154: {  	_ =	swait.ge [sflag:s18], $0x4000  }
0x155: {  	[sflag:s18] =	ssyncset.done $0x0  }
0x156: {  	[sflag:s18] =	ssyncadd.s32 $0xFFFFC000  }
0x157: {  	_ =	swait.ge [sflag:s26], $0x4000  }
0x158: {  	[sflag:s26] =	ssyncset.done $0x0  }
0x159: {  	s31 =	simm.s32 $0xE80;
	[sflag:s26] =	ssyncadd.s32 $0xFFFFC000  }
0x15a: {  	[spmem:s1] =	stream.indirect.scatter.add.f32 [tilespmem:s21], [sflag:$0x5], $0x80, s31, s20, $0xb8;
	[tilespmem:$0x1D000] =	vst v63  }
0x15b: {  	_ =	swait.ge [sflag:s18], $0x4000  }
0x15c: {  	[sflag:s18] =	ssyncset.done $0x0  }
0x15d: {  	s2 =	simm.s32 $0x700;
	[sflag:s18] =	ssyncadd.s32 $0xFFFFC000  }
0x15e: {  	[tilespmem:s17], [sflag:$0x1] =	stream.indirect.gather [hbm4b:s4+s20], $0x80, s2, s20, $0xb8;
	[tilespmem:$0x1D000] =	vst v63  }
0x15f: {  	s6 =	simm.s32 $0x780  }
0x160: {  	[tilespmem:s21], [sflag:$0x2] =	stream.indirect.gather [hbm4b:s4+s20], $0x80, s6, s20, $0xb8;
	[tilespmem:$0x1D000] =	vst v63  }
0x161: {  	_ =	swait.ge [sflag:s22], $0x4000  }
0x162: {  	[sflag:s22] =	ssyncset.done $0x0  }
0x163: {  	s7 =	simm.s32 $0xF00;
	[sflag:s22] =	ssyncadd.s32 $0xFFFFC000  }
0x164: {  	[spmem:s1] =	stream.indirect.scatter.add.f32 [tilespmem:s17], [sflag:$0x5], $0x80, s7, s20, $0xb8;
	[tilespmem:$0x1D000] =	vst v63  }
0x165: {  	_ =	swait.ge [sflag:s18], $0x4000  }
0x166: {  	[sflag:s18] =	ssyncset.done $0x0  }
0x167: {  	[sflag:s18] =	ssyncadd.s32 $0xFFFFC000  }
0x168: {  	_ =	swait.ge [sflag:s26], $0x4000  }
0x169: {  	[sflag:s26] =	ssyncset.done $0x0  }
0x16a: {  	s8 =	simm.s32 $0xF80;
	[sflag:s26] =	ssyncadd.s32 $0xFFFFC000  }
0x16b: {  	[spmem:s1] =	stream.indirect.scatter.add.f32 [tilespmem:s21], [sflag:$0x5], $0x80, s8, s20, $0xb8;
	[tilespmem:$0x1D000] =	vst v63  }
0x16c: {  	_ =	swait.ge [sflag:s18], $0x4000  }
0x16d: {  	s19 =	stileid.u32;
	[sflag:s18] =	ssyncset.done $0x0  }
0x16e: {  	s0 =	sshll.u32 s19, $0x6;
	[sflag:s18] =	ssyncadd.s32 $0xFFFFC000  }
0x16f: {  	s0 =	sor.u32 $0x1C05, s0;
	s31 =	sshrl.u32 s5, $0x3;
	[bflag:$0x0] =	sbarrier.arrive $0xFFFF  }
0x170: {  	[hbm:s10], [sflag:s0] =	dma.local [spmem:s31], $0xA00  }
0x171: {  	_ =	swait.ge [sflag:s18], $0xA00  }
0x172: {  	[sflag:s18] =	ssyncset.done $0x0  }
0x173: {  	[sflag:s18] =	ssyncadd.s32 $0xFFFFF600  }
0x174: {  	[hbm:s11], [sflag:s0] =	dma.local [spmem:s23], $0xA00  }
0x175: {  	_ =	swait.ge [sflag:s18], $0xA00  }
0x176: {  	[sflag:s18] =	ssyncset.done $0x0  }
0x177: {  	[sflag:s18] =	ssyncadd.s32 $0xFFFFF600  }
0x178: {  	[hbm:s12], [sflag:s0] =	dma.local [spmem:s24], $0xA00  }
0x179: {  	s30 =	sadd.s32 $0x1, s30;
	_ =	swait.ge [sflag:s18], $0xA00  }
0x17a: {  	p0 =	sne.s32 s30, s14;
	[sflag:s18] =	ssyncset.done $0x0  }
.Ltmp2:
0x17b: {  	[sflag:s18] =	ssyncadd.s32 $0xFFFFF600;
	(pc) =	sbr.rel @p0 .LBB2_1-.Ltmp2, $4  }
0x17c: {  	[hbm:s13], [sflag:s0] =	dma.local [spmem:s25], $0xA00  }
0x17d: {  	_ =	swait.ge [sflag:s18], $0xA00  }
0x17e: {  	[sflag:s18] =	ssyncset.done $0x0  }
0x17f: {  	[sflag:s18] =	ssyncadd.s32 $0xFFFFF600  }
0x180: {  	_ =	sfence.sel $0x180000  }
0x181: {  	[bflag:$0x0] =	sbarrier.arrive $0xFFFF  }
0x182: {  	_ =	strace $0x9000004D  }
0x183: {  	s0 =	stileid.u32;
	[bflag:$0x2] =	sbarrier.arrive $0xFFFF  }
0x184: {  	p0 =	sne.s32 s0, $0x0;
	s0 =	rddreg [dreg:$0x3]  }
0x185: {  	s0 =	sadd.s32 @!p0 $0x100000, s0  }
0x186: {  	[sflag:s0] =	ssyncadd.tile.s32 @!p0 $0x1;
	_ =	shalt  }
.Lfunc_end2:
_tile_overlayer_lowered:
.L_overlay_start_2:
0x187: {  	(tag) =	ssettag $0x2  }
0x188: {  	s0 =	rddreg [dreg:$0x0];
	s2 =	stileid.u32  }
0x189: {  	s1 =	rddreg [dreg:$0x1];
	p0 =	sne.s32 s2, $0x0  }
0x18a: {  	s3 =	rddreg [dreg:$0x2];
	[bflag:$0x3] =	sbarrier.arrive $0xFFFF;
	s2 =	simm.s32 @!p0 $0x1C05  }
0x18b: {  	[timem:s3], [sflag:s2] =	dma.local @!p0 [hbm:s0], s1  }
0x18c: {  	s0 =	simm.s32 @!p0 $0x5  }
0x18d: {  	_ =	swait.ge @!p0 [sflag:s0], s1  }
0x18e: {  	s1 =	ssub.s32 @!p0 $0x0, s1;
	[sflag:s0] =	ssyncset.done @!p0 $0x0  }
0x18f: {  	[sflag:s0] =	ssyncadd.s32 @!p0 s1  }
0x190: {  	[bflag:$0x3] =	sbarrier.arrive $0xFFFF  }
0x191: {  	_ =	shalt  }

// kernel: kernel.17.cloned.1.call-start
scs
__scs_entry_jumppad:
0x0: {  	(pc) =	sbr.rel $0x88, $3  }
0x1: {  	(tag) =	ssettag $0x0;
	lr =	simm.s32 $0x1  }
0x2: {  	[smem:$0x3F90] =	sst lr;
	_ =	strace $0xD0000000  }
0x3: {  	_ = 	snop  }
0x4: {  	_ = 	snop  }
0x5: {  	_ = 	snop  }
0x6: {  	_ = 	snop  }
0x7: {  	_ = 	snop  }
__scs_overlays_trampoline_lowered:
0x8: {  	[smem:$0x3F9F] =	sst s0  }
0x9: {  	[smem:$0x3FA0] =	sst s1  }
0xa: {  	[smem:$0x3FA1] =	sst s2  }
0xb: {  	[smem:$0x3FA2] =	sst s3  }
0xc: {  	[smem:$0x3FA3] =	sst s4  }
0xd: {  	[smem:$0x3FA4] =	sst s5  }
0xe: {  	[smem:$0x3FA5] =	sst s6  }
0xf: {  	[smem:$0x3FA6] =	sst s7  }
0x10: {  	[smem:$0x3FA7] =	sst s8  }
0x11: {  	[smem:$0x3FA8] =	sst s9;
	s0 =	simm.s32 @!p0 $0x0  }
0x12: {  	s1 =	sld [smem:$0x3F8E];
	s0 =	simm.s32 @p0 $0x1  }
0x13: {  	[smem:$0x3FA9] =	sst s0;
	s0 =	simm.s32 @!p1 $0x0  }
0x14: {  	s2 =	sld [smem:$0x3F8D];
	s0 =	simm.s32 @p1 $0x1  }
0x15: {  	[smem:$0x3FAA] =	sst s0;
	s0 =	simm.s32 @!p2 $0x0  }
0x16: {  	s3 =	sld [smem:$0x3FDB];
	s0 =	simm.s32 @p2 $0x1  }
0x17: {  	s4 =	simm.s32 $0x1BF5;
	[smem:$0x3FAC] =	sst s0  }
0x18: {  	s0 =	sld [smem:$0x3F8F];
	_ =	swait.ge [sflag:s4], $0x0  }
0x19: {  	s7 =	sld [smem:$0x3F90]  }
0x1a: {  	s8 =	sadd.s32 $0xFFFFE003, lr  }
0x1b: {  	s9 =	sadd.s32 $0xFFFFFEF7, lr;
	s5 =	simm.s32 $0xFFFFFFFF;
	p2 =	slt.u32 s8, $0xFFFFF086  }
0x1c: {  	p1 =	slt.u32 s9, $0xF7A;
	s5 =	simm.s32 @!p2 $0x0  }
0x1d: {  	s5 =	simm.s32 @p1 $0x1;
	p0 =	seq.s32 s7, s2  }
0x1e: {  	s7 =	smul.u32 @!p0 $0xF7A, s2;
	p2 =	seq.s32 @!p0 s5, $0x0  }
0x1f: {  	s9 =	smul.u32 $0xF7A, s1;
	s8 =	simm.s32 @!p0 $0x1BF5;
	p2 =	por !p2, p0  }
0x20: {  	[sflag:s8] =	ssyncset.s32 @!p0 $0xFFFFF086;
	s6 =	sadd.s32 @!p0 s3, s7;
	s7 =	simm.s32 @!p0 $0x108  }
0x21: {  	s3 =	sadd.s32 s3, s9;
	s6 =	sadd.s32 @!p0 $0x88, s6;
	s7 =	simm.s32 @p2 $0x1082  }
0x22: {  	[simem:s7], [sflag:s8] =	dma.local @!p0 [hbm:s6], $0xF7A  }
0x23: {  	s9 =	sor.u32 $0xD0000000, s2;
	s6 =	simm.s32 $0x108;
	_ =	swait.ge @!p0 [sflag:s8], $0x0  }
0x24: {  	s3 =	sadd.s32 $0x88, s3;
	s6 =	simm.s32 @!p1 $0x1082;
	[sflag:s4] =	ssyncset.s32 $0xFFFFF086  }
0x25: {  	[simem:s6], [sflag:s4] =	dma.local [hbm:s3], $0xF7A  }
0x26: {  	[smem:$0x3F90] =	sst s1;
	(tag) =	ssettag s2;
	_ =	strace s9  }
0x27: {  	s1 =	sld [smem:$0x3FA0]  }
0x28: {  	s2 =	sld [smem:$0x3FA1]  }
0x29: {  	s4 =	sld [smem:$0x3FA3]  }
0x2a: {  	p0 =	seq.s32 s5, $0x0;
	s5 =	sld [smem:$0x3FA4]  }
0x2b: {  	s6 =	sld [smem:$0x3FA5]  }
0x2c: {  	s7 =	sld [smem:$0x3FA6]  }
0x2d: {  	s3 =	simm.s32 $0x108;
	s8 =	sld [smem:$0x3FA7]  }
0x2e: {  	s3 =	simm.s32 @!p0 $0x1082;
	s9 =	sld [smem:$0x3FA8]  }
0x2f: {  	lr =	sadd.s32 s0, s3;
	s0 =	sld [smem:$0x3F9F]  }
0x30: {  	s3 =	sld [smem:$0x3FA2]  }
0x31: {  	[smem:$0x3FAB] =	sst s10  }
0x32: {  	s10 =	sld [smem:$0x3FA9];
	_ =	sdelay $0x3  }
0x33: {  	p0 =	seq.s32 s10, $0x1;
	s10 =	sld [smem:$0x3FAB];
	_ =	sdelay $0x3  }
0x34: {  	[smem:$0x3FAB] =	sst s10  }
0x35: {  	s10 =	sld [smem:$0x3FAA];
	_ =	sdelay $0x3  }
0x36: {  	p1 =	seq.s32 s10, $0x1;
	s10 =	sld [smem:$0x3FAB];
	_ =	sdelay $0x3  }
0x37: {  	[smem:$0x3FAB] =	sst s10  }
0x38: {  	s10 =	sld [smem:$0x3FAC]  }
0x39: {  	_ = 	snop;
	(pc) =	sbr.ind lr, $3  }
0x3a: {  	_ = 	snop  }
0x3b: {  	_ = 	snop  }
0x3c: {  	p2 =	seq.s32 s10, $0x1;
	s10 =	sld [smem:$0x3FAB]  }
0x3d: {  	_ =	shalt  }
0x3e: {  	_ =	shalt  }
0x3f: {  	_ =	shalt  }
0x40: {  	_ =	shalt  }
0x41: {  	_ =	shalt  }
0x42: {  	_ =	shalt  }
0x43: {  	_ =	shalt  }
0x44: {  	_ =	shalt  }
0x45: {  	_ =	shalt  }
0x46: {  	_ =	shalt  }
0x47: {  	_ =	shalt  }
0x48: {  	_ =	shalt  }
0x49: {  	_ =	shalt  }
0x4a: {  	_ =	shalt  }
0x4b: {  	_ =	shalt  }
0x4c: {  	_ =	shalt  }
0x4d: {  	_ =	shalt  }
0x4e: {  	_ =	shalt  }
0x4f: {  	_ =	shalt  }
0x50: {  	_ =	shalt  }
0x51: {  	_ =	shalt  }
0x52: {  	_ =	shalt  }
0x53: {  	_ =	shalt  }
0x54: {  	_ =	shalt  }
0x55: {  	_ =	shalt  }
0x56: {  	_ =	shalt  }
0x57: {  	_ =	shalt  }
0x58: {  	_ =	shalt  }
0x59: {  	_ =	shalt  }
0x5a: {  	_ =	shalt  }
0x5b: {  	_ =	shalt  }
0x5c: {  	_ =	shalt  }
0x5d: {  	_ =	shalt  }
0x5e: {  	_ =	shalt  }
0x5f: {  	_ =	shalt  }
0x60: {  	_ =	shalt  }
0x61: {  	_ =	shalt  }
0x62: {  	_ =	shalt  }
0x63: {  	_ =	shalt  }
0x64: {  	_ =	shalt  }
0x65: {  	_ =	shalt  }
0x66: {  	_ =	shalt  }
0x67: {  	_ =	shalt  }
0x68: {  	_ =	shalt  }
0x69: {  	_ =	shalt  }
0x6a: {  	_ =	shalt  }
0x6b: {  	_ =	shalt  }
0x6c: {  	_ =	shalt  }
0x6d: {  	_ =	shalt  }
0x6e: {  	_ =	shalt  }
0x6f: {  	_ =	shalt  }
0x70: {  	_ =	shalt  }
0x71: {  	_ =	shalt  }
0x72: {  	_ =	shalt  }
0x73: {  	_ =	shalt  }
0x74: {  	_ =	shalt  }
0x75: {  	_ =	shalt  }
0x76: {  	_ =	shalt  }
0x77: {  	_ =	shalt  }
0x78: {  	_ =	shalt  }
0x79: {  	_ =	shalt  }
0x7a: {  	_ =	shalt  }
0x7b: {  	_ =	shalt  }
0x7c: {  	_ =	shalt  }
0x7d: {  	_ =	shalt  }
0x7e: {  	_ =	shalt  }
0x7f: {  	_ =	shalt  }
0x80: {  	_ =	shalt  }
0x81: {  	_ =	shalt  }
0x82: {  	_ =	shalt  }
0x83: {  	_ =	shalt  }
0x84: {  	_ =	shalt  }
0x85: {  	_ =	shalt  }
0x86: {  	_ =	shalt  }
0x87: {  	_ =	shalt  }
.Lfunc_end0:
.L_simem_size_0:
called_computation.3_lowered:
.L_overlay_start_0:
0x88: {  	s2 =	sld [smem:$0x3FD9]  }
0x89: {  	s3 =	sld [smem:$0x3FFE];
	_ =	sdelay $0x1  }
0x8a: {  	s1 =	srdreg.scid  }
0x8b: {  	s0 =	sand.u32 $0x1, s1  }
0x8c: {  	s14 =	sshll.u32 s0, $0xA;
	s2 =	sadd.s32 s3, s2  }
0x8d: {  	s2 =	sadd.s32 s2, s14  }
0x8e: {  	[smem:$0x3FB7] =	sst s2  }
0x8f: {  	_ = 	snop  }
0x90: {  	s2 =	sld [smem:$0x3FD0];
	_ =	sdelay $0x2  }
0x91: {  	s15 =	simm.s32 $0xB;
	s4 =	simm.s32 $0x10  }
0x92: {  	[smem:s4], [sflag:s15] =	dma.local [hbm:s2], $0x1  }
0x93: {  	_ =	swait.eq [sflag:s15], $0x1  }
0x94: {  	[sflag:s15] =	ssyncset.done $0x0  }
0x95: {  	[sflag:s15] =	ssyncadd.s32 $0xFFFFFFFF  }
0x96: {  	s16 =	sld [smem:$0x11];
	(tm) =	ssettm $0x1  }
0x97: {  	s17 =	sld [smem:$0x3FFB];
	_ =	sdelay $0x3  }
0x98: {  	_ =	strace s17  }
0x99: {  	s3 =	sld [smem:$0x3FFC];
	_ =	sdelay $0x3  }
0x9a: {  	_ =	strace s3  }
0x9b: {  	s3 =	sld [smem:$0x3FFD];
	_ =	sdelay $0x3  }
0x9c: {  	_ =	strace s3  }
0x9d: {  	_ =	strace $0x8FFFFFFF  }
0x9e: {  	s18 =	sld [smem:$0x3FDB];
	_ =	sdelay $0x1  }
0x9f: {  	s19 =	simm.s32 $_scs_section_size  }
0xa0: {  	s5 =	simm.s32 $_size__tile_overlayer_lowered;
	s6 =	simm.s32 $_tile_overlayer_lowered  }
0xa1: {  	s22 =	simm.s32 $0x1BFF;
	s21 =	sshll.u32 s6, $0x1;
	s3 =	sadd.s32 s19, s18  }
0xa2: {  	s7 =	simm.s32 $0x0;
	s20 =	sshll.u32 s5, $0x1;
	s5 =	sadd.s32 s21, s3  }
0xa3: {  	[timem:s7], [sflag:s22] =	dma.local [hbm:s5], s20  }
0xa4: {  	_ =	swait.ge [sflag:s22], s20  }
0xa5: {  	s4 =	ssub.s32 $0x0, s20;
	[sflag:s22] =	ssyncset.done $0x0  }
0xa6: {  	[sflag:s22] =	ssyncadd.s32 s4;
	_ =	sdelay $0x1  }
0xa7: {  	s23 =	simm.s32 $0x1B8B  }
0xa8: {  	_ =	swait.ge [sflag:s23], $0x1  }
0xa9: {  	[sflag:s23] =	ssyncset.done $0x0  }
0xaa: {  	s25 =	simm.s32 $0x1B8E;
	s24 =	sld [smem:$0x3FFE];
	[sflag:s23] =	ssyncadd.s32 $0xFFFFFFFF  }
0xab: {  	s26 =	simm.s32 $execute0_lowered;
	[smem:$0x3FD2] =	sst s25  }
0xac: {  	s5 =	sshll.u32 s26, $0x1;
	_ =	strace $0x8000004F;
	[dreg:$0x1] =	wrdreg $0xFFFFFFFF  }
0xad: {  	s28 =	simm.s32 $_size_execute0_lowered;
	s3 =	sadd.s32 s3, s5;
	[dreg:$0x0] =	wrdreg $0x0  }
0xae: {  	s5 =	sshll.u32 s28, $0x1;
	[dreg:$0x2] =	wrdreg s3  }
0xaf: {  	[dreg:$0x3] =	wrdreg s5  }
0xb0: {  	[dreg:$0x4] =	wrdreg $0xC0  }
0xb1: {  	_ =	task [dreg:s7], $0x5FFFF  }
0xb2: {  	[dreg:$0x1] =	wrdreg $0xFFFFFFFF  }
0xb3: {  	[dreg:$0x0] =	wrdreg $0x60  }
0xb4: {  	[dreg:$0x2] =	wrdreg s24  }
0xb5: {  	[dreg:$0x3] =	wrdreg s16  }
0xb6: {  	[dreg:$0x4] =	wrdreg $0x90000  }
0xb7: {  	[dreg:$0x5] =	wrdreg $0x9  }
0xb8: {  	_ =	task.clear_ibuf [dreg:s7], $0x6FFFF;
	_ =	strace $0x9000004F  }
0xb9: {  	s29 =	simm.s32 $0x9;
	_ =	strace $0x80000051  }
0xba: {  	_ =	swait.ge [sflag:s29], $0x1  }
0xbb: {  	[sflag:s29] =	ssyncadd.s32 $0xFFFFFFFF  }
0xbc: {  	_ =	strace $0x90000051  }
0xbd: {  	_ =	sfence  }
0xbe: {  	s30 =	sld [smem:$0x0];
	_ =	sdelay $0x2  }
0xbf: {  	s31 =	sshll.u32 s1, $0xD;
	s1 =	sshrl.u32 s1, $0x2  }
0xc0: {  	s3 =	sand.u32 $0x4000, s31;
	s1 =	sadd.s32 s1, s30  }
0xc1: {  	s0 =	sor.u32 s3, s0;
	s1 =	sshll.u32 s1, $0x11  }
0xc2: {  	s0 =	sor.u32 s1, s0  }
0xc3: {  	s0 =	sadd.s32 $0x8F2B, s0  }
0xc4: {  	[sflag:s0] =	ssyncadd.remote.s32 $0x1  }
0xc5: {  	_ =	sfence.sel $0xFFFF  }
0xc6: {  	[dreg:$0x0] =	wrdreg $0xFFFFFFFF;
	(pc) =	sbr.abs _section_cstart, $3  }
0xc7: {  	[dreg:$0x1] =	wrdreg $0xFFFFFFFF  }
0xc8: {  	_ =	task.clear_ibuf [dreg:s7], $0x2FFFF;
	_ =	strace $0x9FFFFFFF  }
0xc9: {  	(tm) =	ssettm $0x7FFFFFFF  }
tec
execute0_lowered:
.L_overlay_start_1:
0x0: {  	(tag) =	ssettag $0x1  }
0x1: {  	s0 =	rddreg [dreg:$0x0]  }
0x2: {  	s2 =	rddreg [dreg:$0x1]  }
0x3: {  	s1 =	rddreg [dreg:$0x2]  }
0x4: {  	s3 =	simm.s32 $0x0;
	s5 =	srdreg.scid;
	s16 =	stileid.u32  }
0x5: {  	s28 =	simm.s32 $0x3;
	s29 =	simm.s32 $0x4;
	s8 =	smul.u32 $0x50000, s16  }
0x6: {  	[smem:$0x7FF] =	sst s3;
	s4 =	sadd.s32 $0x48200, s0;
	s13 =	smul.u32 $0x14000, s16  }
0x7: {  	s6 =	sand.u32 $0x1, s5;
	s15 =	sshll.u32 s16, $0x1;
	s16 =	smul.u32 $0x5000, s16  }
0x8: {  	s7 =	sadd.s32 $0x3E200, s0;
	s0 =	sadd.s32 $0x2C8200, s0;
	s12 =	smul.u32 $0x140000, s6  }
0x9: {  	s5 =	sor.u32 s6, s15;
	s9 =	ssub.s32 $0x2, s6;
	s6 =	smul.u32 $0x2800, s6  }
0xa: {  	s30 =	simm.s32 $0x0;
	_ =	strace $0x80000050;
	s10 =	smul.u32 $0x2800, s5  }
0xb: {  	s17 =	sshrl.u32 s9, $0x1;
	s8 =	sshrl.u32 s8, $0x2;
	s15 =	sadd.s32 $0x5000, s13  }
0xc: {  	s14 =	ssub.s32 s9, s17;
	s5 =	sadd.s32 s8, s1;
	s21 =	sadd.s32 s13, s12  }
0xd: {  	s11 =	sadd.s32 s12, s15;
	s17 =	sadd.s32 $0xA000, s13;
	s6 =	sadd.s32 s6, s16  }
0xe: {  	s8 =	sadd.s32 $0x8000, s5;
	s18 =	sadd.s32 $0x10000, s5;
	s19 =	sshrl.u32 s10, $0x3  }
0xf: {  	s10 =	sshrl.u32 s21, $0x3;
	s11 =	sshrl.u32 s11, $0x3;
	s22 =	sadd.s32 s12, s17  }
0x10: {  	s6 =	sor.u32 $0x400, s6;
	s14 =	smax.u32 s14, $0x1;
	[dreg:$0x4] =	wrdreg s8  }
0x11: {  	s21 =	simm.s32 $0x5000;
	[dreg:$0x5] =	wrdreg s18;
	s20 =	sadd.s32 s2, s19  }
0x12: {  	s9 =	sadd.s32 s7, s19;
	s10 =	sadd.s32 s0, s10;
	s11 =	sadd.s32 s0, s11  }
0x13: {  	s19 =	sadd.s32 s15, s1;
	s18 =	sadd.s32 $0xF000, s13;
	s23 =	sshrl.u32 s22, $0x3  }
0x14: {  	s26 =	sshrl.u32 s6, $0x3;
	s22 =	simm.s32 $0x1;
	[dreg:$0x6] =	wrdreg s20  }
0x15: {  	s24 =	sadd.s32 s12, s18;
	s12 =	sadd.s32 s0, s23;
	s31 =	sadd.s32 s18, s1  }
0x16: {  	s15 =	sadd.s32 s26, s7;
	s16 =	sadd.s32 s26, s2;
	s18 =	simm.s32 $0x5  }
0x17: {  	s20 =	simm.s32 $0x80;
	s23 =	sshrl.u32 s19, $0x3;
	s26 =	simm.s32 $0x2  }
0x18: {  	s25 =	sshrl.u32 s24, $0x3;
	s24 =	sadd.s32 s17, s1;
	s17 =	simm.s32 $0x1000  }
0x19: {  	v0 =	vimm.f32 $0.0e+00;
	s13 =	sadd.s32 s0, s25;
	s24 =	sshrl.u32 s24, $0x3;
	s25 =	sshrl.u32 s31, $0x3  }
.LBB2_1:
0x1a: {  	s0 =	simm.s32 $0x0;
	s2 =	simm.s32 $0x200  }
.LBB2_2:
0x1b: {  	p0 =	sne.s32 s2, $0x1FE00;
	[tilespmem:s0+$0x1070] =	vst v0  }
0x1c: {  	[tilespmem:s0+$0x1000] =	vst v0  }
0x1d: {  	[tilespmem:s0+$0x1010] =	vst v0  }
.Ltmp0:
0x1e: {  	[tilespmem:s0+$0x1020] =	vst v0;
	(pc) =	sbr.rel @p0 .LBB2_2-.Ltmp0, $4  }
0x1f: {  	[tilespmem:s0+$0x1030] =	vst v0  }
0x20: {  	[tilespmem:s0+$0x1040] =	vst v0  }
0x21: {  	[tilespmem:s0+$0x1050] =	vst v0  }
0x22: {  	[tilespmem:s0+$0x1060] =	vst v0;
	s0 =	sshra.s32 s2, $0x2;
	s2 =	sadd.s32 $0x200, s2  }
0x23: {  	[tilespmem:s0+$0x1070] =	vst v0  }
0x24: {  	[tilespmem:s0+$0x1000] =	vst v0  }
0x25: {  	[tilespmem:s0+$0x1010] =	vst v0  }
0x26: {  	[tilespmem:s0+$0x1020] =	vst v0  }
0x27: {  	[tilespmem:s0+$0x1030] =	vst v0  }
0x28: {  	[tilespmem:s0+$0x1040] =	vst v0  }
0x29: {  	[tilespmem:s0+$0x1050] =	vst v0  }
0x2a: {  	[tilespmem:s0+$0x1060] =	vst v0  }
0x2b: {  	[spmem:s5] =	stream.linear.scatter [tilespmem:s17], [sflag:$0x5], $0x8000, $0x38;
	[tilespmem:$0x1D000] =	vst v63  }
0x2c: {  	_ =	swait.ge [sflag:s18], $0x8000  }
0x2d: {  	[sflag:s18] =	ssyncset.done $0x0  }
0x2e: {  	s6 =	rddreg [dreg:$0x4];
	[sflag:s18] =	ssyncadd.s32 $0xFFFF8000  }
0x2f: {  	[spmem:s6] =	stream.linear.scatter [tilespmem:s17], [sflag:$0x5], $0x8000, $0x38;
	[tilespmem:$0x1D000] =	vst v63  }
0x30: {  	_ =	swait.ge [sflag:s18], $0x8000  }
0x31: {  	[sflag:s18] =	ssyncset.done $0x0  }
0x32: {  	s7 =	rddreg [dreg:$0x5];
	[sflag:s18] =	ssyncadd.s32 $0xFFFF8000  }
0x33: {  	[spmem:s7] =	stream.linear.scatter [tilespmem:s17], [sflag:$0x5], $0x4000, $0x38;
	[tilespmem:$0x1D000] =	vst v63  }
0x34: {  	_ =	swait.ge [sflag:s18], $0x4000  }
0x35: {  	[sflag:s18] =	ssyncset.done $0x0  }
0x36: {  	s8 =	simm.s32 $0x0;
	s2 =	rddreg [dreg:$0x6];
	[sflag:s18] =	ssyncadd.s32 $0xFFFFC000  }
0x37: {  	[tilespmem:s8], [sflag:$0x5] =	stream.linear.gather [hbm4b:s2+s8], $0x400, $0x38;
	[tilespmem:$0x1D000] =	vst v63  }
0x38: {  	_ =	swait.ge [sflag:s18], $0x400  }
0x39: {  	[sflag:s18] =	ssyncset.done $0x0  }
0x3a: {  	s19 =	simm.s32 $0x800;
	[sflag:s18] =	ssyncadd.s32 $0xFFFFFC00  }
0x3b: {  	[tilespmem:s19], [sflag:$0x5] =	stream.linear.gather [hbm4b:s9+s8], $0x400, $0x38;
	[tilespmem:$0x1D000] =	vst v63  }
0x3c: {  	_ =	swait.ge [sflag:s18], $0x400  }
0x3d: {  	[sflag:s18] =	ssyncset.done $0x0  }
0x3e: {  	s0 =	sand.u32 $0x400, s8;
	[sflag:s18] =	ssyncadd.s32 $0xFFFFFC00  }
0x3f: {  	s6 =	sxor.u32 $0x400, s0;
	[bflag:$0x0] =	sbarrier.arrive $0xFFFF  }
0x40: {  	[tilespmem:s6], [sflag:$0x3] =	stream.linear.gather [hbm4b:s16+s3], $0x400, $0x38;
	[tilespmem:$0x1D000] =	vst v63  }
0x41: {  	s7 =	sxor.u32 $0xC00, s0  }
0x42: {  	[tilespmem:s7], [sflag:$0x4] =	stream.linear.gather [hbm4b:s15+s3], $0x400, $0x38;
	[tilespmem:$0x1D000] =	vst v63  }
0x43: {  	_ = 	snop  }
0x44: {  	[tilespmem:s17], [sflag:$0x1] =	stream.indirect.gather [hbm4b:s4+s20], $0x80, s0, s20, $0xb8;
	[tilespmem:$0x1D000] =	vst v63  }
0x45: {  	s8 =	sor.u32 $0x80, s0  }
0x46: {  	[tilespmem:s21], [sflag:$0x2] =	stream.indirect.gather [hbm4b:s4+s20], $0x80, s8, s20, $0xb8;
	[tilespmem:$0x1D000] =	vst v63  }
0x47: {  	_ =	swait.ge [sflag:s22], $0x4000  }
0x48: {  	[sflag:s22] =	ssyncset.done $0x0  }
0x49: {  	s19 =	sor.u32 $0x800, s0;
	[sflag:s22] =	ssyncadd.s32 $0xFFFFC000  }
0x4a: {  	[spmem:s1] =	stream.indirect.scatter.add.f32 [tilespmem:s17], [sflag:$0x5], $0x80, s19, s20, $0xb8;
	[tilespmem:$0x1D000] =	vst v63  }
0x4b: {  	_ =	swait.ge [sflag:s18], $0x4000  }
0x4c: {  	[sflag:s18] =	ssyncset.done $0x0  }
0x4d: {  	[sflag:s18] =	ssyncadd.s32 $0xFFFFC000  }
0x4e: {  	_ =	swait.ge [sflag:s26], $0x4000  }
0x4f: {  	[sflag:s26] =	ssyncset.done $0x0  }
0x50: {  	s6 =	sor.u32 $0x880, s0;
	[sflag:s26] =	ssyncadd.s32 $0xFFFFC000  }
0x51: {  	[spmem:s1] =	stream.indirect.scatter.add.f32 [tilespmem:s21], [sflag:$0x5], $0x80, s6, s20, $0xb8;
	[tilespmem:$0x1D000] =	vst v63  }
0x52: {  	_ =	swait.ge [sflag:s18], $0x4000  }
0x53: {  	[sflag:s18] =	ssyncset.done $0x0  }
0x54: {  	s7 =	sor.u32 $0x100, s0;
	[sflag:s18] =	ssyncadd.s32 $0xFFFFC000  }
0x55: {  	[tilespmem:s17], [sflag:$0x1] =	stream.indirect.gather [hbm4b:s4+s20], $0x80, s7, s20, $0xb8;
	[tilespmem:$0x1D000] =	vst v63  }
0x56: {  	s8 =	sor.u32 $0x180, s0  }
0x57: {  	[tilespmem:s21], [sflag:$0x2] =	stream.indirect.gather [hbm4b:s4+s20], $0x80, s8, s20, $0xb8;
	[tilespmem:$0x1D000] =	vst v63  }
0x58: {  	_ =	swait.ge [sflag:s22], $0x4000  }
0x59: {  	[sflag:s22] =	ssyncset.done $0x0  }
0x5a: {  	s19 =	sor.u32 $0x900, s0;
	[sflag:s22] =	ssyncadd.s32 $0xFFFFC000  }
0x5b: {  	[spmem:s1] =	stream.indirect.scatter.add.f32 [tilespmem:s17], [sflag:$0x5], $0x80, s19, s20, $0xb8;
	[tilespmem:$0x1D000] =	vst v63  }
0x5c: {  	_ =	swait.ge [sflag:s18], $0x4000  }
0x5d: {  	[sflag:s18] =	ssyncset.done $0x0  }
0x5e: {  	[sflag:s18] =	ssyncadd.s32 $0xFFFFC000  }
0x5f: {  	_ =	swait.ge [sflag:s26], $0x4000  }
0x60: {  	[sflag:s26] =	ssyncset.done $0x0  }
0x61: {  	s6 =	sor.u32 $0x980, s0;
	[sflag:s26] =	ssyncadd.s32 $0xFFFFC000  }
0x62: {  	[spmem:s1] =	stream.indirect.scatter.add.f32 [tilespmem:s21], [sflag:$0x5], $0x80, s6, s20, $0xb8;
	[tilespmem:$0x1D000] =	vst v63  }
0x63: {  	_ =	swait.ge [sflag:s18], $0x4000  }
0x64: {  	[sflag:s18] =	ssyncset.done $0x0  }
0x65: {  	s7 =	sor.u32 $0x200, s0;
	[sflag:s18] =	ssyncadd.s32 $0xFFFFC000  }
0x66: {  	[tilespmem:s17], [sflag:$0x1] =	stream.indirect.gather [hbm4b:s4+s20], $0x80, s7, s20, $0xb8;
	[tilespmem:$0x1D000] =	vst v63  }
0x67: {  	s8 =	sor.u32 $0x280, s0  }
0x68: {  	[tilespmem:s21], [sflag:$0x2] =	stream.indirect.gather [hbm4b:s4+s20], $0x80, s8, s20, $0xb8;
	[tilespmem:$0x1D000] =	vst v63  }
0x69: {  	_ =	swait.ge [sflag:s22], $0x4000  }
0x6a: {  	[sflag:s22] =	ssyncset.done $0x0  }
0x6b: {  	s19 =	sor.u32 $0xA00, s0;
	[sflag:s22] =	ssyncadd.s32 $0xFFFFC000  }
0x6c: {  	[spmem:s1] =	stream.indirect.scatter.add.f32 [tilespmem:s17], [sflag:$0x5], $0x80, s19, s20, $0xb8;
	[tilespmem:$0x1D000] =	vst v63  }
0x6d: {  	_ =	swait.ge [sflag:s18], $0x4000  }
0x6e: {  	[sflag:s18] =	ssyncset.done $0x0  }
0x6f: {  	[sflag:s18] =	ssyncadd.s32 $0xFFFFC000  }
0x70: {  	_ =	swait.ge [sflag:s26], $0x4000  }
0x71: {  	[sflag:s26] =	ssyncset.done $0x0  }
0x72: {  	s6 =	sor.u32 $0xA80, s0;
	[sflag:s26] =	ssyncadd.s32 $0xFFFFC000  }
0x73: {  	[spmem:s1] =	stream.indirect.scatter.add.f32 [tilespmem:s21], [sflag:$0x5], $0x80, s6, s20, $0xb8;
	[tilespmem:$0x1D000] =	vst v63  }
0x74: {  	_ =	swait.ge [sflag:s18], $0x4000  }
0x75: {  	[sflag:s18] =	ssyncset.done $0x0  }
0x76: {  	s7 =	sor.u32 $0x300, s0;
	[sflag:s18] =	ssyncadd.s32 $0xFFFFC000  }
0x77: {  	[tilespmem:s17], [sflag:$0x1] =	stream.indirect.gather [hbm4b:s4+s20], $0x80, s7, s20, $0xb8;
	[tilespmem:$0x1D000] =	vst v63  }
0x78: {  	s8 =	sor.u32 $0x380, s0  }
0x79: {  	[tilespmem:s21], [sflag:$0x2] =	stream.indirect.gather [hbm4b:s4+s20], $0x80, s8, s20, $0xb8;
	[tilespmem:$0x1D000] =	vst v63  }
0x7a: {  	_ =	swait.ge [sflag:s22], $0x4000  }
0x7b: {  	[sflag:s22] =	ssyncset.done $0x0  }
0x7c: {  	s19 =	sor.u32 $0xB00, s0;
	[sflag:s22] =	ssyncadd.s32 $0xFFFFC000  }
0x7d: {  	[spmem:s1] =	stream.indirect.scatter.add.f32 [tilespmem:s17], [sflag:$0x5], $0x80, s19, s20, $0xb8;
	[tilespmem:$0x1D000] =	vst v63  }
0x7e: {  	_ =	swait.ge [sflag:s18], $0x4000  }
0x7f: {  	[sflag:s18] =	ssyncset.done $0x0  }
0x80: {  	[sflag:s18] =	ssyncadd.s32 $0xFFFFC000  }
0x81: {  	_ =	swait.ge [sflag:s26], $0x4000  }
0x82: {  	[sflag:s26] =	ssyncset.done $0x0  }
0x83: {  	s0 =	sor.u32 $0xB80, s0;
	[sflag:s26] =	ssyncadd.s32 $0xFFFFC000  }
0x84: {  	[spmem:s1] =	stream.indirect.scatter.add.f32 [tilespmem:s21], [sflag:$0x5], $0x80, s0, s20, $0xb8;
	[tilespmem:$0x1D000] =	vst v63  }
0x85: {  	_ =	swait.ge [sflag:s18], $0x4000  }
0x86: {  	[sflag:s18] =	ssyncset.done $0x0  }
0x87: {  	[sflag:s18] =	ssyncadd.s32 $0xFFFFC000  }
0x88: {  	_ =	swait.ge [sflag:s28], $0x400  }
0x89: {  	[sflag:s28] =	ssyncset.done $0x0  }
0x8a: {  	s6 =	simm.s32 $0x400;
	[sflag:s28] =	ssyncadd.s32 $0xFFFFFC00  }
0x8b: {  	s2 =	simm.s32 $0x800;
	s31 =	sand.u32 $0x400, s6;
	_ =	swait.ge [sflag:s29], $0x400  }
0x8c: {  	s19 =	sadd.s32 $0x80, s15;
	s0 =	sadd.s32 $0x80, s16;
	[sflag:s29] =	ssyncset.done $0x0  }
.LBB2_4:
0x8d: {  	s8 =	sxor.u32 $0x400, s31  }
0x8e: {  	[sflag:s29] =	ssyncadd.s32 $0xFFFFFC00;
	s6 =	smov.u32 s2;
	s7 =	sadd.s32 $0x400, s2  }
0x8f: {  	[tilespmem:s8], [sflag:$0x3] =	stream.linear.gather [hbm4b:s0+s3], $0x400, $0x38;
	[tilespmem:$0x1D000] =	vst v63  }
0x90: {  	p0 =	sne.s32 s2, $0x2000;
	s2 =	sxor.u32 $0xC00, s31  }
0x91: {  	[tilespmem:s2], [sflag:$0x4] =	stream.linear.gather [hbm4b:s19+s3], $0x400, $0x38;
	[tilespmem:$0x1D000] =	vst v63  }
0x92: {  	_ = 	snop  }
0x93: {  	[tilespmem:s17], [sflag:$0x1] =	stream.indirect.gather [hbm4b:s4+s20], $0x80, s31, s20, $0xb8;
	[tilespmem:$0x1D000] =	vst v63  }
0x94: {  	s2 =	sor.u32 $0x80, s31  }
0x95: {  	[tilespmem:s21], [sflag:$0x2] =	stream.indirect.gather [hbm4b:s4+s20], $0x80, s2, s20, $0xb8;
	[tilespmem:$0x1D000] =	vst v63  }
0x96: {  	_ =	swait.ge [sflag:s22], $0x4000  }
0x97: {  	[sflag:s22] =	ssyncset.done $0x0  }
0x98: {  	s2 =	sor.u32 $0x800, s31;
	[sflag:s22] =	ssyncadd.s32 $0xFFFFC000  }
0x99: {  	[spmem:s1] =	stream.indirect.scatter.add.f32 [tilespmem:s17], [sflag:$0x5], $0x80, s2, s20, $0xb8;
	[tilespmem:$0x1D000] =	vst v63  }
0x9a: {  	_ =	swait.ge [sflag:s18], $0x4000  }
0x9b: {  	[sflag:s18] =	ssyncset.done $0x0  }
0x9c: {  	[sflag:s18] =	ssyncadd.s32 $0xFFFFC000  }
0x9d: {  	_ =	swait.ge [sflag:s26], $0x4000  }
0x9e: {  	[sflag:s26] =	ssyncset.done $0x0  }
0x9f: {  	s2 =	sor.u32 $0x880, s31;
	[sflag:s26] =	ssyncadd.s32 $0xFFFFC000  }
0xa0: {  	[spmem:s1] =	stream.indirect.scatter.add.f32 [tilespmem:s21], [sflag:$0x5], $0x80, s2, s20, $0xb8;
	[tilespmem:$0x1D000] =	vst v63  }
0xa1: {  	_ =	swait.ge [sflag:s18], $0x4000  }
0xa2: {  	[sflag:s18] =	ssyncset.done $0x0  }
0xa3: {  	s2 =	sor.u32 $0x100, s31;
	[sflag:s18] =	ssyncadd.s32 $0xFFFFC000  }
0xa4: {  	[tilespmem:s17], [sflag:$0x1] =	stream.indirect.gather [hbm4b:s4+s20], $0x80, s2, s20, $0xb8;
	[tilespmem:$0x1D000] =	vst v63  }
0xa5: {  	s2 =	sor.u32 $0x180, s31  }
0xa6: {  	[tilespmem:s21], [sflag:$0x2] =	stream.indirect.gather [hbm4b:s4+s20], $0x80, s2, s20, $0xb8;
	[tilespmem:$0x1D000] =	vst v63  }
0xa7: {  	_ =	swait.ge [sflag:s22], $0x4000  }
0xa8: {  	[sflag:s22] =	ssyncset.done $0x0  }
0xa9: {  	s2 =	sor.u32 $0x900, s31;
	[sflag:s22] =	ssyncadd.s32 $0xFFFFC000  }
0xaa: {  	[spmem:s1] =	stream.indirect.scatter.add.f32 [tilespmem:s17], [sflag:$0x5], $0x80, s2, s20, $0xb8;
	[tilespmem:$0x1D000] =	vst v63  }
0xab: {  	_ =	swait.ge [sflag:s18], $0x4000  }
0xac: {  	[sflag:s18] =	ssyncset.done $0x0  }
0xad: {  	[sflag:s18] =	ssyncadd.s32 $0xFFFFC000  }
0xae: {  	_ =	swait.ge [sflag:s26], $0x4000  }
0xaf: {  	[sflag:s26] =	ssyncset.done $0x0  }
0xb0: {  	s2 =	sor.u32 $0x980, s31;
	[sflag:s26] =	ssyncadd.s32 $0xFFFFC000  }
0xb1: {  	[spmem:s1] =	stream.indirect.scatter.add.f32 [tilespmem:s21], [sflag:$0x5], $0x80, s2, s20, $0xb8;
	[tilespmem:$0x1D000] =	vst v63  }
0xb2: {  	_ =	swait.ge [sflag:s18], $0x4000  }
0xb3: {  	[sflag:s18] =	ssyncset.done $0x0  }
0xb4: {  	s2 =	sor.u32 $0x200, s31;
	[sflag:s18] =	ssyncadd.s32 $0xFFFFC000  }
0xb5: {  	[tilespmem:s17], [sflag:$0x1] =	stream.indirect.gather [hbm4b:s4+s20], $0x80, s2, s20, $0xb8;
	[tilespmem:$0x1D000] =	vst v63  }
0xb6: {  	s2 =	sor.u32 $0x280, s31  }
0xb7: {  	[tilespmem:s21], [sflag:$0x2] =	stream.indirect.gather [hbm4b:s4+s20], $0x80, s2, s20, $0xb8;
	[tilespmem:$0x1D000] =	vst v63  }
0xb8: {  	_ =	swait.ge [sflag:s22], $0x4000  }
0xb9: {  	[sflag:s22] =	ssyncset.done $0x0  }
0xba: {  	s2 =	sor.u32 $0xA00, s31;
	[sflag:s22] =	ssyncadd.s32 $0xFFFFC000  }
0xbb: {  	[spmem:s1] =	stream.indirect.scatter.add.f32 [tilespmem:s17], [sflag:$0x5], $0x80, s2, s20, $0xb8;
	[tilespmem:$0x1D000] =	vst v63  }
0xbc: {  	_ =	swait.ge [sflag:s18], $0x4000  }
0xbd: {  	[sflag:s18] =	ssyncset.done $0x0  }
0xbe: {  	[sflag:s18] =	ssyncadd.s32 $0xFFFFC000  }
0xbf: {  	_ =	swait.ge [sflag:s26], $0x4000  }
0xc0: {  	[sflag:s26] =	ssyncset.done $0x0  }
0xc1: {  	s2 =	sor.u32 $0xA80, s31;
	[sflag:s26] =	ssyncadd.s32 $0xFFFFC000  }
0xc2: {  	[spmem:s1] =	stream.indirect.scatter.add.f32 [tilespmem:s21], [sflag:$0x5], $0x80, s2, s20, $0xb8;
	[tilespmem:$0x1D000] =	vst v63  }
0xc3: {  	_ =	swait.ge [sflag:s18], $0x4000  }
0xc4: {  	[sflag:s18] =	ssyncset.done $0x0  }
0xc5: {  	s2 =	sor.u32 $0x300, s31;
	[sflag:s18] =	ssyncadd.s32 $0xFFFFC000  }
0xc6: {  	[tilespmem:s17], [sflag:$0x1] =	stream.indirect.gather [hbm4b:s4+s20], $0x80, s2, s20, $0xb8;
	[tilespmem:$0x1D000] =	vst v63  }
0xc7: {  	s2 =	sor.u32 $0x380, s31  }
0xc8: {  	[tilespmem:s21], [sflag:$0x2] =	stream.indirect.gather [hbm4b:s4+s20], $0x80, s2, s20, $0xb8;
	[tilespmem:$0x1D000] =	vst v63  }
0xc9: {  	_ =	swait.ge [sflag:s22], $0x4000  }
0xca: {  	[sflag:s22] =	ssyncset.done $0x0  }
0xcb: {  	s2 =	sor.u32 $0xB00, s31;
	[sflag:s22] =	ssyncadd.s32 $0xFFFFC000  }
0xcc: {  	[spmem:s1] =	stream.indirect.scatter.add.f32 [tilespmem:s17], [sflag:$0x5], $0x80, s2, s20, $0xb8;
	[tilespmem:$0x1D000] =	vst v63  }
0xcd: {  	_ =	swait.ge [sflag:s18], $0x4000  }
0xce: {  	[sflag:s18] =	ssyncset.done $0x0  }
0xcf: {  	[sflag:s18] =	ssyncadd.s32 $0xFFFFC000  }
0xd0: {  	_ =	swait.ge [sflag:s26], $0x4000  }
0xd1: {  	[sflag:s26] =	ssyncset.done $0x0  }
0xd2: {  	s2 =	sor.u32 $0xB80, s31;
	[sflag:s26] =	ssyncadd.s32 $0xFFFFC000  }
0xd3: {  	[spmem:s1] =	stream.indirect.scatter.add.f32 [tilespmem:s21], [sflag:$0x5], $0x80, s2, s20, $0xb8;
	[tilespmem:$0x1D000] =	vst v63  }
0xd4: {  	_ =	swait.ge [sflag:s18], $0x4000  }
0xd5: {  	[sflag:s18] =	ssyncset.done $0x0  }
0xd6: {  	[sflag:s18] =	ssyncadd.s32 $0xFFFFC000  }
.Ltmp1:
0xd7: {  	_ =	swait.ge [sflag:s28], $0x400;
	(pc) =	sbr.rel @p0 .LBB2_4-.Ltmp1, $4  }
0xd8: {  	[sflag:s28] =	ssyncset.done $0x0  }
0xd9: {  	[sflag:s28] =	ssyncadd.s32 $0xFFFFFC00  }
0xda: {  	s0 =	sadd.s32 $0x80, s0;
	s19 =	sadd.s32 $0x80, s19;
	_ =	swait.ge [sflag:s29], $0x400  }
0xdb: {  	s31 =	sand.u32 $0x400, s6;
	s2 =	smov.u32 s7;
	[sflag:s29] =	ssyncset.done $0x0  }
0xdc: {  	s2 =	sxor.u32 $0x400, s31;
	[sflag:s29] =	ssyncadd.s32 $0xFFFFFC00  }
0xdd: {  	[tilespmem:s2], [sflag:$0x3] =	stream.linear.gather [hbm4b:s0+s3], $0x400, $0x38;
	[tilespmem:$0x1D000] =	vst v63  }
0xde: {  	s2 =	sxor.u32 $0xC00, s31  }
0xdf: {  	[tilespmem:s2], [sflag:$0x4] =	stream.linear.gather [hbm4b:s19+s3], $0x400, $0x38;
	[tilespmem:$0x1D000] =	vst v63  }
0xe0: {  	_ = 	snop  }
0xe1: {  	[tilespmem:s17], [sflag:$0x1] =	stream.indirect.gather [hbm4b:s4+s20], $0x80, s31, s20, $0xb8;
	[tilespmem:$0x1D000] =	vst v63  }
0xe2: {  	s6 =	sor.u32 $0x80, s31  }
0xe3: {  	[tilespmem:s21], [sflag:$0x2] =	stream.indirect.gather [hbm4b:s4+s20], $0x80, s6, s20, $0xb8;
	[tilespmem:$0x1D000] =	vst v63  }
0xe4: {  	_ =	swait.ge [sflag:s22], $0x4000  }
0xe5: {  	[sflag:s22] =	ssyncset.done $0x0  }
0xe6: {  	s7 =	sor.u32 $0x800, s31;
	[sflag:s22] =	ssyncadd.s32 $0xFFFFC000  }
0xe7: {  	[spmem:s1] =	stream.indirect.scatter.add.f32 [tilespmem:s17], [sflag:$0x5], $0x80, s7, s20, $0xb8;
	[tilespmem:$0x1D000] =	vst v63  }
0xe8: {  	_ =	swait.ge [sflag:s18], $0x4000  }
0xe9: {  	[sflag:s18] =	ssyncset.done $0x0  }
0xea: {  	[sflag:s18] =	ssyncadd.s32 $0xFFFFC000  }
0xeb: {  	_ =	swait.ge [sflag:s26], $0x4000  }
0xec: {  	[sflag:s26] =	ssyncset.done $0x0  }
0xed: {  	s8 =	sor.u32 $0x880, s31;
	[sflag:s26] =	ssyncadd.s32 $0xFFFFC000  }
0xee: {  	[spmem:s1] =	stream.indirect.scatter.add.f32 [tilespmem:s21], [sflag:$0x5], $0x80, s8, s20, $0xb8;
	[tilespmem:$0x1D000] =	vst v63  }
0xef: {  	_ =	swait.ge [sflag:s18], $0x4000  }
0xf0: {  	[sflag:s18] =	ssyncset.done $0x0  }
0xf1: {  	s19 =	sor.u32 $0x100, s31;
	[sflag:s18] =	ssyncadd.s32 $0xFFFFC000  }
0xf2: {  	[tilespmem:s17], [sflag:$0x1] =	stream.indirect.gather [hbm4b:s4+s20], $0x80, s19, s20, $0xb8;
	[tilespmem:$0x1D000] =	vst v63  }
0xf3: {  	s2 =	sor.u32 $0x180, s31  }
0xf4: {  	[tilespmem:s21], [sflag:$0x2] =	stream.indirect.gather [hbm4b:s4+s20], $0x80, s2, s20, $0xb8;
	[tilespmem:$0x1D000] =	vst v63  }
0xf5: {  	_ =	swait.ge [sflag:s22], $0x4000  }
0xf6: {  	[sflag:s22] =	ssyncset.done $0x0  }
0xf7: {  	s6 =	sor.u32 $0x900, s31;
	[sflag:s22] =	ssyncadd.s32 $0xFFFFC000  }
0xf8: {  	[spmem:s1] =	stream.indirect.scatter.add.f32 [tilespmem:s17], [sflag:$0x5], $0x80, s6, s20, $0xb8;
	[tilespmem:$0x1D000] =	vst v63  }
0xf9: {  	_ =	swait.ge [sflag:s18], $0x4000  }
0xfa: {  	[sflag:s18] =	ssyncset.done $0x0  }
0xfb: {  	[sflag:s18] =	ssyncadd.s32 $0xFFFFC000  }
0xfc: {  	_ =	swait.ge [sflag:s26], $0x4000  }
0xfd: {  	[sflag:s26] =	ssyncset.done $0x0  }
0xfe: {  	s7 =	sor.u32 $0x980, s31;
	[sflag:s26] =	ssyncadd.s32 $0xFFFFC000  }
0xff: {  	[spmem:s1] =	stream.indirect.scatter.add.f32 [tilespmem:s21], [sflag:$0x5], $0x80, s7, s20, $0xb8;
	[tilespmem:$0x1D000] =	vst v63  }
0x100: {  	_ =	swait.ge [sflag:s18], $0x4000  }
0x101: {  	[sflag:s18] =	ssyncset.done $0x0  }
0x102: {  	s8 =	sor.u32 $0x200, s31;
	[sflag:s18] =	ssyncadd.s32 $0xFFFFC000  }
0x103: {  	[tilespmem:s17], [sflag:$0x1] =	stream.indirect.gather [hbm4b:s4+s20], $0x80, s8, s20, $0xb8;
	[tilespmem:$0x1D000] =	vst v63  }
0x104: {  	s19 =	sor.u32 $0x280, s31  }
0x105: {  	[tilespmem:s21], [sflag:$0x2] =	stream.indirect.gather [hbm4b:s4+s20], $0x80, s19, s20, $0xb8;
	[tilespmem:$0x1D000] =	vst v63  }
0x106: {  	_ =	swait.ge [sflag:s22], $0x4000  }
0x107: {  	[sflag:s22] =	ssyncset.done $0x0  }
0x108: {  	s2 =	sor.u32 $0xA00, s31;
	[sflag:s22] =	ssyncadd.s32 $0xFFFFC000  }
0x109: {  	[spmem:s1] =	stream.indirect.scatter.add.f32 [tilespmem:s17], [sflag:$0x5], $0x80, s2, s20, $0xb8;
	[tilespmem:$0x1D000] =	vst v63  }
0x10a: {  	_ =	swait.ge [sflag:s18], $0x4000  }
0x10b: {  	[sflag:s18] =	ssyncset.done $0x0  }
0x10c: {  	[sflag:s18] =	ssyncadd.s32 $0xFFFFC000  }
0x10d: {  	_ =	swait.ge [sflag:s26], $0x4000  }
0x10e: {  	[sflag:s26] =	ssyncset.done $0x0  }
0x10f: {  	s6 =	sor.u32 $0xA80, s31;
	[sflag:s26] =	ssyncadd.s32 $0xFFFFC000  }
0x110: {  	[spmem:s1] =	stream.indirect.scatter.add.f32 [tilespmem:s21], [sflag:$0x5], $0x80, s6, s20, $0xb8;
	[tilespmem:$0x1D000] =	vst v63  }
0x111: {  	_ =	swait.ge [sflag:s18], $0x4000  }
0x112: {  	[sflag:s18] =	ssyncset.done $0x0  }
0x113: {  	s7 =	sor.u32 $0x300, s31;
	[sflag:s18] =	ssyncadd.s32 $0xFFFFC000  }
0x114: {  	[tilespmem:s17], [sflag:$0x1] =	stream.indirect.gather [hbm4b:s4+s20], $0x80, s7, s20, $0xb8;
	[tilespmem:$0x1D000] =	vst v63  }
0x115: {  	s8 =	sor.u32 $0x380, s31  }
0x116: {  	[tilespmem:s21], [sflag:$0x2] =	stream.indirect.gather [hbm4b:s4+s20], $0x80, s8, s20, $0xb8;
	[tilespmem:$0x1D000] =	vst v63  }
0x117: {  	_ =	swait.ge [sflag:s22], $0x4000  }
0x118: {  	[sflag:s22] =	ssyncset.done $0x0  }
0x119: {  	s19 =	sor.u32 $0xB00, s31;
	[sflag:s22] =	ssyncadd.s32 $0xFFFFC000  }
0x11a: {  	[spmem:s1] =	stream.indirect.scatter.add.f32 [tilespmem:s17], [sflag:$0x5], $0x80, s19, s20, $0xb8;
	[tilespmem:$0x1D000] =	vst v63  }
0x11b: {  	_ =	swait.ge [sflag:s18], $0x4000  }
0x11c: {  	[sflag:s18] =	ssyncset.done $0x0  }
0x11d: {  	[sflag:s18] =	ssyncadd.s32 $0xFFFFC000  }
0x11e: {  	_ =	swait.ge [sflag:s26], $0x4000  }
0x11f: {  	[sflag:s26] =	ssyncset.done $0x0  }
0x120: {  	s31 =	sor.u32 $0xB80, s31;
	[sflag:s26] =	ssyncadd.s32 $0xFFFFC000  }
0x121: {  	[spmem:s1] =	stream.indirect.scatter.add.f32 [tilespmem:s21], [sflag:$0x5], $0x80, s31, s20, $0xb8;
	[tilespmem:$0x1D000] =	vst v63  }
0x122: {  	_ =	swait.ge [sflag:s18], $0x4000  }
0x123: {  	[sflag:s18] =	ssyncset.done $0x0  }
0x124: {  	[sflag:s18] =	ssyncadd.s32 $0xFFFFC000  }
0x125: {  	_ =	swait.ge [sflag:s28], $0x400  }
0x126: {  	[sflag:s28] =	ssyncset.done $0x0  }
0x127: {  	[sflag:s28] =	ssyncadd.s32 $0xFFFFFC00  }
0x128: {  	_ =	swait.ge [sflag:s29], $0x400  }
0x129: {  	[sflag:s29] =	ssyncset.done $0x0  }
0x12a: {  	s2 =	simm.s32 $0x400;
	[sflag:s29] =	ssyncadd.s32 $0xFFFFFC00  }
0x12b: {  	[tilespmem:s17], [sflag:$0x1] =	stream.indirect.gather [hbm4b:s4+s20], $0x80, s2, s20, $0xb8;
	[tilespmem:$0x1D000] =	vst v63  }
0x12c: {  	s6 =	simm.s32 $0x480  }
0x12d: {  	[tilespmem:s21], [sflag:$0x2] =	stream.indirect.gather [hbm4b:s4+s20], $0x80, s6, s20, $0xb8;
	[tilespmem:$0x1D000] =	vst v63  }
0x12e: {  	_ =	swait.ge [sflag:s22], $0x4000  }
0x12f: {  	[sflag:s22] =	ssyncset.done $0x0  }
0x130: {  	s7 =	simm.s32 $0xC00;
	[sflag:s22] =	ssyncadd.s32 $0xFFFFC000  }
0x131: {  	[spmem:s1] =	stream.indirect.scatter.add.f32 [tilespmem:s17], [sflag:$0x5], $0x80, s7, s20, $0xb8;
	[tilespmem:$0x1D000] =	vst v63  }
0x132: {  	_ =	swait.ge [sflag:s18], $0x4000  }
0x133: {  	[sflag:s18] =	ssyncset.done $0x0  }
0x134: {  	[sflag:s18] =	ssyncadd.s32 $0xFFFFC000  }
0x135: {  	_ =	swait.ge [sflag:s26], $0x4000  }
0x136: {  	[sflag:s26] =	ssyncset.done $0x0  }
0x137: {  	s8 =	simm.s32 $0xC80;
	[sflag:s26] =	ssyncadd.s32 $0xFFFFC000  }
0x138: {  	[spmem:s1] =	stream.indirect.scatter.add.f32 [tilespmem:s21], [sflag:$0x5], $0x80, s8, s20, $0xb8;
	[tilespmem:$0x1D000] =	vst v63  }
0x139: {  	_ =	swait.ge [sflag:s18], $0x4000  }
0x13a: {  	[sflag:s18] =	ssyncset.done $0x0  }
0x13b: {  	s19 =	simm.s32 $0x500;
	[sflag:s18] =	ssyncadd.s32 $0xFFFFC000  }
0x13c: {  	[tilespmem:s17], [sflag:$0x1] =	stream.indirect.gather [hbm4b:s4+s20], $0x80, s19, s20, $0xb8;
	[tilespmem:$0x1D000] =	vst v63  }
0x13d: {  	s31 =	simm.s32 $0x580  }
0x13e: {  	[tilespmem:s21], [sflag:$0x2] =	stream.indirect.gather [hbm4b:s4+s20], $0x80, s31, s20, $0xb8;
	[tilespmem:$0x1D000] =	vst v63  }
0x13f: {  	_ =	swait.ge [sflag:s22], $0x4000  }
0x140: {  	[sflag:s22] =	ssyncset.done $0x0  }
0x141: {  	s2 =	simm.s32 $0xD00;
	[sflag:s22] =	ssyncadd.s32 $0xFFFFC000  }
0x142: {  	[spmem:s1] =	stream.indirect.scatter.add.f32 [tilespmem:s17], [sflag:$0x5], $0x80, s2, s20, $0xb8;
	[tilespmem:$0x1D000] =	vst v63  }
0x143: {  	_ =	swait.ge [sflag:s18], $0x4000  }
0x144: {  	[sflag:s18] =	ssyncset.done $0x0  }
0x145: {  	[sflag:s18] =	ssyncadd.s32 $0xFFFFC000  }
0x146: {  	_ =	swait.ge [sflag:s26], $0x4000  }
0x147: {  	[sflag:s26] =	ssyncset.done $0x0  }
0x148: {  	s6 =	simm.s32 $0xD80;
	[sflag:s26] =	ssyncadd.s32 $0xFFFFC000  }
0x149: {  	[spmem:s1] =	stream.indirect.scatter.add.f32 [tilespmem:s21], [sflag:$0x5], $0x80, s6, s20, $0xb8;
	[tilespmem:$0x1D000] =	vst v63  }
0x14a: {  	_ =	swait.ge [sflag:s18], $0x4000  }
0x14b: {  	[sflag:s18] =	ssyncset.done $0x0  }
0x14c: {  	s7 =	simm.s32 $0x600;
	[sflag:s18] =	ssyncadd.s32 $0xFFFFC000  }
0x14d: {  	[tilespmem:s17], [sflag:$0x1] =	stream.indirect.gather [hbm4b:s4+s20], $0x80, s7, s20, $0xb8;
	[tilespmem:$0x1D000] =	vst v63  }
0x14e: {  	s8 =	simm.s32 $0x680  }
0x14f: {  	[tilespmem:s21], [sflag:$0x2] =	stream.indirect.gather [hbm4b:s4+s20], $0x80, s8, s20, $0xb8;
	[tilespmem:$0x1D000] =	vst v63  }
0x150: {  	_ =	swait.ge [sflag:s22], $0x4000  }
0x151: {  	[sflag:s22] =	ssyncset.done $0x0  }
0x152: {  	s19 =	simm.s32 $0xE00;
	[sflag:s22] =	ssyncadd.s32 $0xFFFFC000  }
0x153: {  	[spmem:s1] =	stream.indirect.scatter.add.f32 [tilespmem:s17], [sflag:$0x5], $0x80, s19, s20, $0xb8;
	[tilespmem:$0x1D000] =	vst v63  }
0x154: {  	_ =	swait.ge [sflag:s18], $0x4000  }
0x155: {  	[sflag:s18] =	ssyncset.done $0x0  }
0x156: {  	[sflag:s18] =	ssyncadd.s32 $0xFFFFC000  }
0x157: {  	_ =	swait.ge [sflag:s26], $0x4000  }
0x158: {  	[sflag:s26] =	ssyncset.done $0x0  }
0x159: {  	s31 =	simm.s32 $0xE80;
	[sflag:s26] =	ssyncadd.s32 $0xFFFFC000  }
0x15a: {  	[spmem:s1] =	stream.indirect.scatter.add.f32 [tilespmem:s21], [sflag:$0x5], $0x80, s31, s20, $0xb8;
	[tilespmem:$0x1D000] =	vst v63  }
0x15b: {  	_ =	swait.ge [sflag:s18], $0x4000  }
0x15c: {  	[sflag:s18] =	ssyncset.done $0x0  }
0x15d: {  	s2 =	simm.s32 $0x700;
	[sflag:s18] =	ssyncadd.s32 $0xFFFFC000  }
0x15e: {  	[tilespmem:s17], [sflag:$0x1] =	stream.indirect.gather [hbm4b:s4+s20], $0x80, s2, s20, $0xb8;
	[tilespmem:$0x1D000] =	vst v63  }
0x15f: {  	s6 =	simm.s32 $0x780  }
0x160: {  	[tilespmem:s21], [sflag:$0x2] =	stream.indirect.gather [hbm4b:s4+s20], $0x80, s6, s20, $0xb8;
	[tilespmem:$0x1D000] =	vst v63  }
0x161: {  	_ =	swait.ge [sflag:s22], $0x4000  }
0x162: {  	[sflag:s22] =	ssyncset.done $0x0  }
0x163: {  	s7 =	simm.s32 $0xF00;
	[sflag:s22] =	ssyncadd.s32 $0xFFFFC000  }
0x164: {  	[spmem:s1] =	stream.indirect.scatter.add.f32 [tilespmem:s17], [sflag:$0x5], $0x80, s7, s20, $0xb8;
	[tilespmem:$0x1D000] =	vst v63  }
0x165: {  	_ =	swait.ge [sflag:s18], $0x4000  }
0x166: {  	[sflag:s18] =	ssyncset.done $0x0  }
0x167: {  	[sflag:s18] =	ssyncadd.s32 $0xFFFFC000  }
0x168: {  	_ =	swait.ge [sflag:s26], $0x4000  }
0x169: {  	[sflag:s26] =	ssyncset.done $0x0  }
0x16a: {  	s8 =	simm.s32 $0xF80;
	[sflag:s26] =	ssyncadd.s32 $0xFFFFC000  }
0x16b: {  	[spmem:s1] =	stream.indirect.scatter.add.f32 [tilespmem:s21], [sflag:$0x5], $0x80, s8, s20, $0xb8;
	[tilespmem:$0x1D000] =	vst v63  }
0x16c: {  	_ =	swait.ge [sflag:s18], $0x4000  }
0x16d: {  	s19 =	stileid.u32;
	[sflag:s18] =	ssyncset.done $0x0  }
0x16e: {  	s0 =	sshll.u32 s19, $0x6;
	[sflag:s18] =	ssyncadd.s32 $0xFFFFC000  }
0x16f: {  	s0 =	sor.u32 $0x1C05, s0;
	s31 =	sshrl.u32 s5, $0x3;
	[bflag:$0x0] =	sbarrier.arrive $0xFFFF  }
0x170: {  	[hbm:s10], [sflag:s0] =	dma.local [spmem:s31], $0xA00  }
0x171: {  	_ =	swait.ge [sflag:s18], $0xA00  }
0x172: {  	[sflag:s18] =	ssyncset.done $0x0  }
0x173: {  	[sflag:s18] =	ssyncadd.s32 $0xFFFFF600  }
0x174: {  	[hbm:s11], [sflag:s0] =	dma.local [spmem:s23], $0xA00  }
0x175: {  	_ =	swait.ge [sflag:s18], $0xA00  }
0x176: {  	[sflag:s18] =	ssyncset.done $0x0  }
0x177: {  	[sflag:s18] =	ssyncadd.s32 $0xFFFFF600  }
0x178: {  	[hbm:s12], [sflag:s0] =	dma.local [spmem:s24], $0xA00  }
0x179: {  	s30 =	sadd.s32 $0x1, s30;
	_ =	swait.ge [sflag:s18], $0xA00  }
0x17a: {  	p0 =	sne.s32 s30, s14;
	[sflag:s18] =	ssyncset.done $0x0  }
.Ltmp2:
0x17b: {  	[sflag:s18] =	ssyncadd.s32 $0xFFFFF600;
	(pc) =	sbr.rel @p0 .LBB2_1-.Ltmp2, $4  }
0x17c: {  	[hbm:s13], [sflag:s0] =	dma.local [spmem:s25], $0xA00  }
0x17d: {  	_ =	swait.ge [sflag:s18], $0xA00  }
0x17e: {  	[sflag:s18] =	ssyncset.done $0x0  }
0x17f: {  	[sflag:s18] =	ssyncadd.s32 $0xFFFFF600  }
0x180: {  	_ =	sfence.sel $0x180000  }
0x181: {  	[bflag:$0x0] =	sbarrier.arrive $0xFFFF  }
0x182: {  	_ =	strace $0x90000050  }
0x183: {  	s0 =	stileid.u32;
	[bflag:$0x2] =	sbarrier.arrive $0xFFFF  }
0x184: {  	p0 =	sne.s32 s0, $0x0;
	s0 =	rddreg [dreg:$0x3]  }
0x185: {  	s0 =	sadd.s32 @!p0 $0x100000, s0  }
0x186: {  	[sflag:s0] =	ssyncadd.tile.s32 @!p0 $0x1;
	_ =	shalt  }
.Lfunc_end2:
_tile_overlayer_lowered:
.L_overlay_start_2:
0x187: {  	(tag) =	ssettag $0x2  }
0x188: {  	s0 =	rddreg [dreg:$0x0];
	s2 =	stileid.u32  }
0x189: {  	s1 =	rddreg [dreg:$0x1];
	p0 =	sne.s32 s2, $0x0  }
0x18a: {  	s3 =	rddreg [dreg:$0x2];
	[bflag:$0x3] =	sbarrier.arrive $0xFFFF;
	s2 =	simm.s32 @!p0 $0x1C05  }
0x18b: {  	[timem:s3], [sflag:s2] =	dma.local @!p0 [hbm:s0], s1  }
0x18c: {  	s0 =	simm.s32 @!p0 $0x5  }
0x18d: {  	_ =	swait.ge @!p0 [sflag:s0], s1  }
0x18e: {  	s1 =	ssub.s32 @!p0 $0x0, s1;
	[sflag:s0] =	ssyncset.done @!p0 $0x0  }
0x18f: {  	[sflag:s0] =	ssyncadd.s32 @!p0 s1  }
0x190: {  	[bflag:$0x3] =	sbarrier.arrive $0xFFFF  }
0x191: {  	_ =	shalt  }

// kernel: kernel.20.cloned.1.call-start
scs
__scs_entry_jumppad:
0x0: {  	(pc) =	sbr.rel $0x88, $3  }
0x1: {  	(tag) =	ssettag $0x0;
	lr =	simm.s32 $0x1  }
0x2: {  	[smem:$0x3F90] =	sst lr;
	_ =	strace $0xD0000000  }
0x3: {  	_ = 	snop  }
0x4: {  	_ = 	snop  }
0x5: {  	_ = 	snop  }
0x6: {  	_ = 	snop  }
0x7: {  	_ = 	snop  }
__scs_overlays_trampoline_lowered:
0x8: {  	[smem:$0x3F9F] =	sst s0  }
0x9: {  	[smem:$0x3FA0] =	sst s1  }
0xa: {  	[smem:$0x3FA1] =	sst s2  }
0xb: {  	[smem:$0x3FA2] =	sst s3  }
0xc: {  	[smem:$0x3FA3] =	sst s4  }
0xd: {  	[smem:$0x3FA4] =	sst s5  }
0xe: {  	[smem:$0x3FA5] =	sst s6  }
0xf: {  	[smem:$0x3FA6] =	sst s7  }
0x10: {  	[smem:$0x3FA7] =	sst s8  }
0x11: {  	[smem:$0x3FA8] =	sst s9;
	s0 =	simm.s32 @!p0 $0x0  }
0x12: {  	s1 =	sld [smem:$0x3F8E];
	s0 =	simm.s32 @p0 $0x1  }
0x13: {  	[smem:$0x3FA9] =	sst s0;
	s0 =	simm.s32 @!p1 $0x0  }
0x14: {  	s2 =	sld [smem:$0x3F8D];
	s0 =	simm.s32 @p1 $0x1  }
0x15: {  	[smem:$0x3FAA] =	sst s0;
	s0 =	simm.s32 @!p2 $0x0  }
0x16: {  	s3 =	sld [smem:$0x3FDB];
	s0 =	simm.s32 @p2 $0x1  }
0x17: {  	s4 =	simm.s32 $0x1BF5;
	[smem:$0x3FAC] =	sst s0  }
0x18: {  	s0 =	sld [smem:$0x3F8F];
	_ =	swait.ge [sflag:s4], $0x0  }
0x19: {  	s7 =	sld [smem:$0x3F90]  }
0x1a: {  	s8 =	sadd.s32 $0xFFFFE003, lr  }
0x1b: {  	s9 =	sadd.s32 $0xFFFFFEF7, lr;
	s5 =	simm.s32 $0xFFFFFFFF;
	p2 =	slt.u32 s8, $0xFFFFF086  }
0x1c: {  	p1 =	slt.u32 s9, $0xF7A;
	s5 =	simm.s32 @!p2 $0x0  }
0x1d: {  	s5 =	simm.s32 @p1 $0x1;
	p0 =	seq.s32 s7, s2  }
0x1e: {  	s7 =	smul.u32 @!p0 $0xF7A, s2;
	p2 =	seq.s32 @!p0 s5, $0x0  }
0x1f: {  	s9 =	smul.u32 $0xF7A, s1;
	s8 =	simm.s32 @!p0 $0x1BF5;
	p2 =	por !p2, p0  }
0x20: {  	[sflag:s8] =	ssyncset.s32 @!p0 $0xFFFFF086;
	s6 =	sadd.s32 @!p0 s3, s7;
	s7 =	simm.s32 @!p0 $0x108  }
0x21: {  	s3 =	sadd.s32 s3, s9;
	s6 =	sadd.s32 @!p0 $0x88, s6;
	s7 =	simm.s32 @p2 $0x1082  }
0x22: {  	[simem:s7], [sflag:s8] =	dma.local @!p0 [hbm:s6], $0xF7A  }
0x23: {  	s9 =	sor.u32 $0xD0000000, s2;
	s6 =	simm.s32 $0x108;
	_ =	swait.ge @!p0 [sflag:s8], $0x0  }
0x24: {  	s3 =	sadd.s32 $0x88, s3;
	s6 =	simm.s32 @!p1 $0x1082;
	[sflag:s4] =	ssyncset.s32 $0xFFFFF086  }
0x25: {  	[simem:s6], [sflag:s4] =	dma.local [hbm:s3], $0xF7A  }
0x26: {  	[smem:$0x3F90] =	sst s1;
	(tag) =	ssettag s2;
	_ =	strace s9  }
0x27: {  	s1 =	sld [smem:$0x3FA0]  }
0x28: {  	s2 =	sld [smem:$0x3FA1]  }
0x29: {  	s4 =	sld [smem:$0x3FA3]  }
0x2a: {  	p0 =	seq.s32 s5, $0x0;
	s5 =	sld [smem:$0x3FA4]  }
0x2b: {  	s6 =	sld [smem:$0x3FA5]  }
0x2c: {  	s7 =	sld [smem:$0x3FA6]  }
0x2d: {  	s3 =	simm.s32 $0x108;
	s8 =	sld [smem:$0x3FA7]  }
0x2e: {  	s3 =	simm.s32 @!p0 $0x1082;
	s9 =	sld [smem:$0x3FA8]  }
0x2f: {  	lr =	sadd.s32 s0, s3;
	s0 =	sld [smem:$0x3F9F]  }
0x30: {  	s3 =	sld [smem:$0x3FA2]  }
0x31: {  	[smem:$0x3FAB] =	sst s10  }
0x32: {  	s10 =	sld [smem:$0x3FA9];
	_ =	sdelay $0x3  }
0x33: {  	p0 =	seq.s32 s10, $0x1;
	s10 =	sld [smem:$0x3FAB];
	_ =	sdelay $0x3  }
0x34: {  	[smem:$0x3FAB] =	sst s10  }
0x35: {  	s10 =	sld [smem:$0x3FAA];
	_ =	sdelay $0x3  }
0x36: {  	p1 =	seq.s32 s10, $0x1;
	s10 =	sld [smem:$0x3FAB];
	_ =	sdelay $0x3  }
0x37: {  	[smem:$0x3FAB] =	sst s10  }
0x38: {  	s10 =	sld [smem:$0x3FAC]  }
0x39: {  	_ = 	snop;
	(pc) =	sbr.ind lr, $3  }
0x3a: {  	_ = 	snop  }
0x3b: {  	_ = 	snop  }
0x3c: {  	p2 =	seq.s32 s10, $0x1;
	s10 =	sld [smem:$0x3FAB]  }
0x3d: {  	_ =	shalt  }
0x3e: {  	_ =	shalt  }
0x3f: {  	_ =	shalt  }
0x40: {  	_ =	shalt  }
0x41: {  	_ =	shalt  }
0x42: {  	_ =	shalt  }
0x43: {  	_ =	shalt  }
0x44: {  	_ =	shalt  }
0x45: {  	_ =	shalt  }
0x46: {  	_ =	shalt  }
0x47: {  	_ =	shalt  }
0x48: {  	_ =	shalt  }
0x49: {  	_ =	shalt  }
0x4a: {  	_ =	shalt  }
0x4b: {  	_ =	shalt  }
0x4c: {  	_ =	shalt  }
0x4d: {  	_ =	shalt  }
0x4e: {  	_ =	shalt  }
0x4f: {  	_ =	shalt  }
0x50: {  	_ =	shalt  }
0x51: {  	_ =	shalt  }
0x52: {  	_ =	shalt  }
0x53: {  	_ =	shalt  }
0x54: {  	_ =	shalt  }
0x55: {  	_ =	shalt  }
0x56: {  	_ =	shalt  }
0x57: {  	_ =	shalt  }
0x58: {  	_ =	shalt  }
0x59: {  	_ =	shalt  }
0x5a: {  	_ =	shalt  }
0x5b: {  	_ =	shalt  }
0x5c: {  	_ =	shalt  }
0x5d: {  	_ =	shalt  }
0x5e: {  	_ =	shalt  }
0x5f: {  	_ =	shalt  }
0x60: {  	_ =	shalt  }
0x61: {  	_ =	shalt  }
0x62: {  	_ =	shalt  }
0x63: {  	_ =	shalt  }
0x64: {  	_ =	shalt  }
0x65: {  	_ =	shalt  }
0x66: {  	_ =	shalt  }
0x67: {  	_ =	shalt  }
0x68: {  	_ =	shalt  }
0x69: {  	_ =	shalt  }
0x6a: {  	_ =	shalt  }
0x6b: {  	_ =	shalt  }
0x6c: {  	_ =	shalt  }
0x6d: {  	_ =	shalt  }
0x6e: {  	_ =	shalt  }
0x6f: {  	_ =	shalt  }
0x70: {  	_ =	shalt  }
0x71: {  	_ =	shalt  }
0x72: {  	_ =	shalt  }
0x73: {  	_ =	shalt  }
0x74: {  	_ =	shalt  }
0x75: {  	_ =	shalt  }
0x76: {  	_ =	shalt  }
0x77: {  	_ =	shalt  }
0x78: {  	_ =	shalt  }
0x79: {  	_ =	shalt  }
0x7a: {  	_ =	shalt  }
0x7b: {  	_ =	shalt  }
0x7c: {  	_ =	shalt  }
0x7d: {  	_ =	shalt  }
0x7e: {  	_ =	shalt  }
0x7f: {  	_ =	shalt  }
0x80: {  	_ =	shalt  }
0x81: {  	_ =	shalt  }
0x82: {  	_ =	shalt  }
0x83: {  	_ =	shalt  }
0x84: {  	_ =	shalt  }
0x85: {  	_ =	shalt  }
0x86: {  	_ =	shalt  }
0x87: {  	_ =	shalt  }
.Lfunc_end0:
.L_simem_size_0:
called_computation.4_lowered:
.L_overlay_start_0:
0x88: {  	s2 =	sld [smem:$0x3FD9]  }
0x89: {  	s3 =	sld [smem:$0x3FFE];
	_ =	sdelay $0x1  }
0x8a: {  	s1 =	srdreg.scid  }
0x8b: {  	s0 =	sand.u32 $0x1, s1  }
0x8c: {  	s14 =	sshll.u32 s0, $0xA;
	s2 =	sadd.s32 s3, s2  }
0x8d: {  	s2 =	sadd.s32 s2, s14  }
0x8e: {  	[smem:$0x3FB7] =	sst s2  }
0x8f: {  	_ = 	snop  }
0x90: {  	s2 =	sld [smem:$0x3FD0];
	_ =	sdelay $0x2  }
0x91: {  	s15 =	simm.s32 $0xB;
	s4 =	simm.s32 $0x10  }
0x92: {  	[smem:s4], [sflag:s15] =	dma.local [hbm:s2], $0x1  }
0x93: {  	_ =	swait.eq [sflag:s15], $0x1  }
0x94: {  	[sflag:s15] =	ssyncset.done $0x0  }
0x95: {  	[sflag:s15] =	ssyncadd.s32 $0xFFFFFFFF  }
0x96: {  	s16 =	sld [smem:$0x11];
	(tm) =	ssettm $0x1  }
0x97: {  	s17 =	sld [smem:$0x3FFB];
	_ =	sdelay $0x3  }
0x98: {  	_ =	strace s17  }
0x99: {  	s3 =	sld [smem:$0x3FFC];
	_ =	sdelay $0x3  }
0x9a: {  	_ =	strace s3  }
0x9b: {  	s3 =	sld [smem:$0x3FFD];
	_ =	sdelay $0x3  }
0x9c: {  	_ =	strace s3  }
0x9d: {  	_ =	strace $0x8FFFFFFF  }
0x9e: {  	s18 =	sld [smem:$0x3FDB];
	_ =	sdelay $0x1  }
0x9f: {  	s19 =	simm.s32 $_scs_section_size  }
0xa0: {  	s5 =	simm.s32 $_size__tile_overlayer_lowered;
	s6 =	simm.s32 $_tile_overlayer_lowered  }
0xa1: {  	s22 =	simm.s32 $0x1BFF;
	s21 =	sshll.u32 s6, $0x1;
	s3 =	sadd.s32 s19, s18  }
0xa2: {  	s7 =	simm.s32 $0x0;
	s20 =	sshll.u32 s5, $0x1;
	s5 =	sadd.s32 s21, s3  }
0xa3: {  	[timem:s7], [sflag:s22] =	dma.local [hbm:s5], s20  }
0xa4: {  	_ =	swait.ge [sflag:s22], s20  }
0xa5: {  	s4 =	ssub.s32 $0x0, s20;
	[sflag:s22] =	ssyncset.done $0x0  }
0xa6: {  	[sflag:s22] =	ssyncadd.s32 s4;
	_ =	sdelay $0x1  }
0xa7: {  	s23 =	simm.s32 $0x1B8B  }
0xa8: {  	_ =	swait.ge [sflag:s23], $0x1  }
0xa9: {  	[sflag:s23] =	ssyncset.done $0x0  }
0xaa: {  	s25 =	simm.s32 $0x1B8E;
	s24 =	sld [smem:$0x3FFE];
	[sflag:s23] =	ssyncadd.s32 $0xFFFFFFFF  }
0xab: {  	s26 =	simm.s32 $execute0_lowered;
	[smem:$0x3FD2] =	sst s25  }
0xac: {  	s5 =	sshll.u32 s26, $0x1;
	_ =	strace $0x80000052;
	[dreg:$0x1] =	wrdreg $0xFFFFFFFF  }
0xad: {  	s28 =	simm.s32 $_size_execute0_lowered;
	s3 =	sadd.s32 s3, s5;
	[dreg:$0x0] =	wrdreg $0x0  }
0xae: {  	s5 =	sshll.u32 s28, $0x1;
	[dreg:$0x2] =	wrdreg s3  }
0xaf: {  	[dreg:$0x3] =	wrdreg s5  }
0xb0: {  	[dreg:$0x4] =	wrdreg $0xC0  }
0xb1: {  	_ =	task [dreg:s7], $0x5FFFF  }
0xb2: {  	[dreg:$0x1] =	wrdreg $0xFFFFFFFF  }
0xb3: {  	[dreg:$0x0] =	wrdreg $0x60  }
0xb4: {  	[dreg:$0x2] =	wrdreg s24  }
0xb5: {  	[dreg:$0x3] =	wrdreg s16  }
0xb6: {  	[dreg:$0x4] =	wrdreg $0x90000  }
0xb7: {  	[dreg:$0x5] =	wrdreg $0x9  }
0xb8: {  	_ =	task.clear_ibuf [dreg:s7], $0x6FFFF;
	_ =	strace $0x90000052  }
0xb9: {  	s29 =	simm.s32 $0x9;
	_ =	strace $0x80000054  }
0xba: {  	_ =	swait.ge [sflag:s29], $0x1  }
0xbb: {  	[sflag:s29] =	ssyncadd.s32 $0xFFFFFFFF  }
0xbc: {  	_ =	strace $0x90000054  }
0xbd: {  	_ =	sfence  }
0xbe: {  	s30 =	sld [smem:$0x0];
	_ =	sdelay $0x2  }
0xbf: {  	s31 =	sshll.u32 s1, $0xD;
	s1 =	sshrl.u32 s1, $0x2  }
0xc0: {  	s3 =	sand.u32 $0x4000, s31;
	s1 =	sadd.s32 s1, s30  }
0xc1: {  	s0 =	sor.u32 s3, s0;
	s1 =	sshll.u32 s1, $0x11  }
0xc2: {  	s0 =	sor.u32 s1, s0  }
0xc3: {  	s0 =	sadd.s32 $0x8F2B, s0  }
0xc4: {  	[sflag:s0] =	ssyncadd.remote.s32 $0x1  }
0xc5: {  	_ =	sfence.sel $0xFFFF  }
0xc6: {  	[dreg:$0x0] =	wrdreg $0xFFFFFFFF;
	(pc) =	sbr.abs _section_cstart, $3  }
0xc7: {  	[dreg:$0x1] =	wrdreg $0xFFFFFFFF  }
0xc8: {  	_ =	task.clear_ibuf [dreg:s7], $0x2FFFF;
	_ =	strace $0x9FFFFFFF  }
0xc9: {  	(tm) =	ssettm $0x7FFFFFFF  }
tec
execute0_lowered:
.L_overlay_start_1:
0x0: {  	(tag) =	ssettag $0x1  }
0x1: {  	s0 =	rddreg [dreg:$0x0]  }
0x2: {  	s2 =	rddreg [dreg:$0x1]  }
0x3: {  	s1 =	rddreg [dreg:$0x2]  }
0x4: {  	s3 =	simm.s32 $0x0;
	s5 =	srdreg.scid;
	s16 =	stileid.u32  }
0x5: {  	s28 =	simm.s32 $0x3;
	s29 =	simm.s32 $0x4;
	s8 =	smul.u32 $0x50000, s16  }
0x6: {  	[smem:$0x7FF] =	sst s3;
	s4 =	sadd.s32 $0x48200, s0;
	s13 =	smul.u32 $0x14000, s16  }
0x7: {  	s6 =	sand.u32 $0x1, s5;
	s15 =	sshll.u32 s16, $0x1;
	s16 =	smul.u32 $0x5000, s16  }
0x8: {  	s7 =	sadd.s32 $0x3E200, s0;
	s0 =	sadd.s32 $0x2C8200, s0;
	s12 =	smul.u32 $0x140000, s6  }
0x9: {  	s5 =	sor.u32 s6, s15;
	s9 =	ssub.s32 $0x2, s6;
	s6 =	smul.u32 $0x2800, s6  }
0xa: {  	s30 =	simm.s32 $0x0;
	_ =	strace $0x80000053;
	s10 =	smul.u32 $0x2800, s5  }
0xb: {  	s17 =	sshrl.u32 s9, $0x1;
	s8 =	sshrl.u32 s8, $0x2;
	s15 =	sadd.s32 $0x5000, s13  }
0xc: {  	s14 =	ssub.s32 s9, s17;
	s5 =	sadd.s32 s8, s1;
	s21 =	sadd.s32 s13, s12  }
0xd: {  	s11 =	sadd.s32 s12, s15;
	s17 =	sadd.s32 $0xA000, s13;
	s6 =	sadd.s32 s6, s16  }
0xe: {  	s8 =	sadd.s32 $0x8000, s5;
	s18 =	sadd.s32 $0x10000, s5;
	s19 =	sshrl.u32 s10, $0x3  }
0xf: {  	s10 =	sshrl.u32 s21, $0x3;
	s11 =	sshrl.u32 s11, $0x3;
	s22 =	sadd.s32 s12, s17  }
0x10: {  	s6 =	sor.u32 $0x400, s6;
	s14 =	smax.u32 s14, $0x1;
	[dreg:$0x4] =	wrdreg s8  }
0x11: {  	s21 =	simm.s32 $0x5000;
	[dreg:$0x5] =	wrdreg s18;
	s20 =	sadd.s32 s2, s19  }
0x12: {  	s9 =	sadd.s32 s7, s19;
	s10 =	sadd.s32 s0, s10;
	s11 =	sadd.s32 s0, s11  }
0x13: {  	s19 =	sadd.s32 s15, s1;
	s18 =	sadd.s32 $0xF000, s13;
	s23 =	sshrl.u32 s22, $0x3  }
0x14: {  	s26 =	sshrl.u32 s6, $0x3;
	s22 =	simm.s32 $0x1;
	[dreg:$0x6] =	wrdreg s20  }
0x15: {  	s24 =	sadd.s32 s12, s18;
	s12 =	sadd.s32 s0, s23;
	s31 =	sadd.s32 s18, s1  }
0x16: {  	s15 =	sadd.s32 s26, s7;
	s16 =	sadd.s32 s26, s2;
	s18 =	simm.s32 $0x5  }
0x17: {  	s20 =	simm.s32 $0x80;
	s23 =	sshrl.u32 s19, $0x3;
	s26 =	simm.s32 $0x2  }
0x18: {  	s25 =	sshrl.u32 s24, $0x3;
	s24 =	sadd.s32 s17, s1;
	s17 =	simm.s32 $0x1000  }
0x19: {  	v0 =	vimm.f32 $0.0e+00;
	s13 =	sadd.s32 s0, s25;
	s24 =	sshrl.u32 s24, $0x3;
	s25 =	sshrl.u32 s31, $0x3  }
.LBB2_1:
0x1a: {  	s0 =	simm.s32 $0x0;
	s2 =	simm.s32 $0x200  }
.LBB2_2:
0x1b: {  	p0 =	sne.s32 s2, $0x1FE00;
	[tilespmem:s0+$0x1070] =	vst v0  }
0x1c: {  	[tilespmem:s0+$0x1000] =	vst v0  }
0x1d: {  	[tilespmem:s0+$0x1010] =	vst v0  }
.Ltmp0:
0x1e: {  	[tilespmem:s0+$0x1020] =	vst v0;
	(pc) =	sbr.rel @p0 .LBB2_2-.Ltmp0, $4  }
0x1f: {  	[tilespmem:s0+$0x1030] =	vst v0  }
0x20: {  	[tilespmem:s0+$0x1040] =	vst v0  }
0x21: {  	[tilespmem:s0+$0x1050] =	vst v0  }
0x22: {  	[tilespmem:s0+$0x1060] =	vst v0;
	s0 =	sshra.s32 s2, $0x2;
	s2 =	sadd.s32 $0x200, s2  }
0x23: {  	[tilespmem:s0+$0x1070] =	vst v0  }
0x24: {  	[tilespmem:s0+$0x1000] =	vst v0  }
0x25: {  	[tilespmem:s0+$0x1010] =	vst v0  }
0x26: {  	[tilespmem:s0+$0x1020] =	vst v0  }
0x27: {  	[tilespmem:s0+$0x1030] =	vst v0  }
0x28: {  	[tilespmem:s0+$0x1040] =	vst v0  }
0x29: {  	[tilespmem:s0+$0x1050] =	vst v0  }
0x2a: {  	[tilespmem:s0+$0x1060] =	vst v0  }
0x2b: {  	[spmem:s5] =	stream.linear.scatter [tilespmem:s17], [sflag:$0x5], $0x8000, $0x38;
	[tilespmem:$0x1D000] =	vst v63  }
0x2c: {  	_ =	swait.ge [sflag:s18], $0x8000  }
0x2d: {  	[sflag:s18] =	ssyncset.done $0x0  }
0x2e: {  	s6 =	rddreg [dreg:$0x4];
	[sflag:s18] =	ssyncadd.s32 $0xFFFF8000  }
0x2f: {  	[spmem:s6] =	stream.linear.scatter [tilespmem:s17], [sflag:$0x5], $0x8000, $0x38;
	[tilespmem:$0x1D000] =	vst v63  }
0x30: {  	_ =	swait.ge [sflag:s18], $0x8000  }
0x31: {  	[sflag:s18] =	ssyncset.done $0x0  }
0x32: {  	s7 =	rddreg [dreg:$0x5];
	[sflag:s18] =	ssyncadd.s32 $0xFFFF8000  }
0x33: {  	[spmem:s7] =	stream.linear.scatter [tilespmem:s17], [sflag:$0x5], $0x4000, $0x38;
	[tilespmem:$0x1D000] =	vst v63  }
0x34: {  	_ =	swait.ge [sflag:s18], $0x4000  }
0x35: {  	[sflag:s18] =	ssyncset.done $0x0  }
0x36: {  	s8 =	simm.s32 $0x0;
	s2 =	rddreg [dreg:$0x6];
	[sflag:s18] =	ssyncadd.s32 $0xFFFFC000  }
0x37: {  	[tilespmem:s8], [sflag:$0x5] =	stream.linear.gather [hbm4b:s2+s8], $0x400, $0x38;
	[tilespmem:$0x1D000] =	vst v63  }
0x38: {  	_ =	swait.ge [sflag:s18], $0x400  }
0x39: {  	[sflag:s18] =	ssyncset.done $0x0  }
0x3a: {  	s19 =	simm.s32 $0x800;
	[sflag:s18] =	ssyncadd.s32 $0xFFFFFC00  }
0x3b: {  	[tilespmem:s19], [sflag:$0x5] =	stream.linear.gather [hbm4b:s9+s8], $0x400, $0x38;
	[tilespmem:$0x1D000] =	vst v63  }
0x3c: {  	_ =	swait.ge [sflag:s18], $0x400  }
0x3d: {  	[sflag:s18] =	ssyncset.done $0x0  }
0x3e: {  	s0 =	sand.u32 $0x400, s8;
	[sflag:s18] =	ssyncadd.s32 $0xFFFFFC00  }
0x3f: {  	s6 =	sxor.u32 $0x400, s0;
	[bflag:$0x0] =	sbarrier.arrive $0xFFFF  }
0x40: {  	[tilespmem:s6], [sflag:$0x3] =	stream.linear.gather [hbm4b:s16+s3], $0x400, $0x38;
	[tilespmem:$0x1D000] =	vst v63  }
0x41: {  	s7 =	sxor.u32 $0xC00, s0  }
0x42: {  	[tilespmem:s7], [sflag:$0x4] =	stream.linear.gather [hbm4b:s15+s3], $0x400, $0x38;
	[tilespmem:$0x1D000] =	vst v63  }
0x43: {  	_ = 	snop  }
0x44: {  	[tilespmem:s17], [sflag:$0x1] =	stream.indirect.gather [hbm4b:s4+s20], $0x80, s0, s20, $0xb8;
	[tilespmem:$0x1D000] =	vst v63  }
0x45: {  	s8 =	sor.u32 $0x80, s0  }
0x46: {  	[tilespmem:s21], [sflag:$0x2] =	stream.indirect.gather [hbm4b:s4+s20], $0x80, s8, s20, $0xb8;
	[tilespmem:$0x1D000] =	vst v63  }
0x47: {  	_ =	swait.ge [sflag:s22], $0x4000  }
0x48: {  	[sflag:s22] =	ssyncset.done $0x0  }
0x49: {  	s19 =	sor.u32 $0x800, s0;
	[sflag:s22] =	ssyncadd.s32 $0xFFFFC000  }
0x4a: {  	[spmem:s1] =	stream.indirect.scatter.add.f32 [tilespmem:s17], [sflag:$0x5], $0x80, s19, s20, $0xb8;
	[tilespmem:$0x1D000] =	vst v63  }
0x4b: {  	_ =	swait.ge [sflag:s18], $0x4000  }
0x4c: {  	[sflag:s18] =	ssyncset.done $0x0  }
0x4d: {  	[sflag:s18] =	ssyncadd.s32 $0xFFFFC000  }
0x4e: {  	_ =	swait.ge [sflag:s26], $0x4000  }
0x4f: {  	[sflag:s26] =	ssyncset.done $0x0  }
0x50: {  	s6 =	sor.u32 $0x880, s0;
	[sflag:s26] =	ssyncadd.s32 $0xFFFFC000  }
0x51: {  	[spmem:s1] =	stream.indirect.scatter.add.f32 [tilespmem:s21], [sflag:$0x5], $0x80, s6, s20, $0xb8;
	[tilespmem:$0x1D000] =	vst v63  }
0x52: {  	_ =	swait.ge [sflag:s18], $0x4000  }
0x53: {  	[sflag:s18] =	ssyncset.done $0x0  }
0x54: {  	s7 =	sor.u32 $0x100, s0;
	[sflag:s18] =	ssyncadd.s32 $0xFFFFC000  }
0x55: {  	[tilespmem:s17], [sflag:$0x1] =	stream.indirect.gather [hbm4b:s4+s20], $0x80, s7, s20, $0xb8;
	[tilespmem:$0x1D000] =	vst v63  }
0x56: {  	s8 =	sor.u32 $0x180, s0  }
0x57: {  	[tilespmem:s21], [sflag:$0x2] =	stream.indirect.gather [hbm4b:s4+s20], $0x80, s8, s20, $0xb8;
	[tilespmem:$0x1D000] =	vst v63  }
0x58: {  	_ =	swait.ge [sflag:s22], $0x4000  }
0x59: {  	[sflag:s22] =	ssyncset.done $0x0  }
0x5a: {  	s19 =	sor.u32 $0x900, s0;
	[sflag:s22] =	ssyncadd.s32 $0xFFFFC000  }
0x5b: {  	[spmem:s1] =	stream.indirect.scatter.add.f32 [tilespmem:s17], [sflag:$0x5], $0x80, s19, s20, $0xb8;
	[tilespmem:$0x1D000] =	vst v63  }
0x5c: {  	_ =	swait.ge [sflag:s18], $0x4000  }
0x5d: {  	[sflag:s18] =	ssyncset.done $0x0  }
0x5e: {  	[sflag:s18] =	ssyncadd.s32 $0xFFFFC000  }
0x5f: {  	_ =	swait.ge [sflag:s26], $0x4000  }
0x60: {  	[sflag:s26] =	ssyncset.done $0x0  }
0x61: {  	s6 =	sor.u32 $0x980, s0;
	[sflag:s26] =	ssyncadd.s32 $0xFFFFC000  }
0x62: {  	[spmem:s1] =	stream.indirect.scatter.add.f32 [tilespmem:s21], [sflag:$0x5], $0x80, s6, s20, $0xb8;
	[tilespmem:$0x1D000] =	vst v63  }
0x63: {  	_ =	swait.ge [sflag:s18], $0x4000  }
0x64: {  	[sflag:s18] =	ssyncset.done $0x0  }
0x65: {  	s7 =	sor.u32 $0x200, s0;
	[sflag:s18] =	ssyncadd.s32 $0xFFFFC000  }
0x66: {  	[tilespmem:s17], [sflag:$0x1] =	stream.indirect.gather [hbm4b:s4+s20], $0x80, s7, s20, $0xb8;
	[tilespmem:$0x1D000] =	vst v63  }
0x67: {  	s8 =	sor.u32 $0x280, s0  }
0x68: {  	[tilespmem:s21], [sflag:$0x2] =	stream.indirect.gather [hbm4b:s4+s20], $0x80, s8, s20, $0xb8;
	[tilespmem:$0x1D000] =	vst v63  }
0x69: {  	_ =	swait.ge [sflag:s22], $0x4000  }
0x6a: {  	[sflag:s22] =	ssyncset.done $0x0  }
0x6b: {  	s19 =	sor.u32 $0xA00, s0;
	[sflag:s22] =	ssyncadd.s32 $0xFFFFC000  }
0x6c: {  	[spmem:s1] =	stream.indirect.scatter.add.f32 [tilespmem:s17], [sflag:$0x5], $0x80, s19, s20, $0xb8;
	[tilespmem:$0x1D000] =	vst v63  }
0x6d: {  	_ =	swait.ge [sflag:s18], $0x4000  }
0x6e: {  	[sflag:s18] =	ssyncset.done $0x0  }
0x6f: {  	[sflag:s18] =	ssyncadd.s32 $0xFFFFC000  }
0x70: {  	_ =	swait.ge [sflag:s26], $0x4000  }
0x71: {  	[sflag:s26] =	ssyncset.done $0x0  }
0x72: {  	s6 =	sor.u32 $0xA80, s0;
	[sflag:s26] =	ssyncadd.s32 $0xFFFFC000  }
0x73: {  	[spmem:s1] =	stream.indirect.scatter.add.f32 [tilespmem:s21], [sflag:$0x5], $0x80, s6, s20, $0xb8;
	[tilespmem:$0x1D000] =	vst v63  }
0x74: {  	_ =	swait.ge [sflag:s18], $0x4000  }
0x75: {  	[sflag:s18] =	ssyncset.done $0x0  }
0x76: {  	s7 =	sor.u32 $0x300, s0;
	[sflag:s18] =	ssyncadd.s32 $0xFFFFC000  }
0x77: {  	[tilespmem:s17], [sflag:$0x1] =	stream.indirect.gather [hbm4b:s4+s20], $0x80, s7, s20, $0xb8;
	[tilespmem:$0x1D000] =	vst v63  }
0x78: {  	s8 =	sor.u32 $0x380, s0  }
0x79: {  	[tilespmem:s21], [sflag:$0x2] =	stream.indirect.gather [hbm4b:s4+s20], $0x80, s8, s20, $0xb8;
	[tilespmem:$0x1D000] =	vst v63  }
0x7a: {  	_ =	swait.ge [sflag:s22], $0x4000  }
0x7b: {  	[sflag:s22] =	ssyncset.done $0x0  }
0x7c: {  	s19 =	sor.u32 $0xB00, s0;
	[sflag:s22] =	ssyncadd.s32 $0xFFFFC000  }
0x7d: {  	[spmem:s1] =	stream.indirect.scatter.add.f32 [tilespmem:s17], [sflag:$0x5], $0x80, s19, s20, $0xb8;
	[tilespmem:$0x1D000] =	vst v63  }
0x7e: {  	_ =	swait.ge [sflag:s18], $0x4000  }
0x7f: {  	[sflag:s18] =	ssyncset.done $0x0  }
0x80: {  	[sflag:s18] =	ssyncadd.s32 $0xFFFFC000  }
0x81: {  	_ =	swait.ge [sflag:s26], $0x4000  }
0x82: {  	[sflag:s26] =	ssyncset.done $0x0  }
0x83: {  	s0 =	sor.u32 $0xB80, s0;
	[sflag:s26] =	ssyncadd.s32 $0xFFFFC000  }
0x84: {  	[spmem:s1] =	stream.indirect.scatter.add.f32 [tilespmem:s21], [sflag:$0x5], $0x80, s0, s20, $0xb8;
	[tilespmem:$0x1D000] =	vst v63  }
0x85: {  	_ =	swait.ge [sflag:s18], $0x4000  }
0x86: {  	[sflag:s18] =	ssyncset.done $0x0  }
0x87: {  	[sflag:s18] =	ssyncadd.s32 $0xFFFFC000  }
0x88: {  	_ =	swait.ge [sflag:s28], $0x400  }
0x89: {  	[sflag:s28] =	ssyncset.done $0x0  }
0x8a: {  	s6 =	simm.s32 $0x400;
	[sflag:s28] =	ssyncadd.s32 $0xFFFFFC00  }
0x8b: {  	s2 =	simm.s32 $0x800;
	s31 =	sand.u32 $0x400, s6;
	_ =	swait.ge [sflag:s29], $0x400  }
0x8c: {  	s19 =	sadd.s32 $0x80, s15;
	s0 =	sadd.s32 $0x80, s16;
	[sflag:s29] =	ssyncset.done $0x0  }
.LBB2_4:
0x8d: {  	s8 =	sxor.u32 $0x400, s31  }
0x8e: {  	[sflag:s29] =	ssyncadd.s32 $0xFFFFFC00;
	s6 =	smov.u32 s2;
	s7 =	sadd.s32 $0x400, s2  }
0x8f: {  	[tilespmem:s8], [sflag:$0x3] =	stream.linear.gather [hbm4b:s0+s3], $0x400, $0x38;
	[tilespmem:$0x1D000] =	vst v63  }
0x90: {  	p0 =	sne.s32 s2, $0x2000;
	s2 =	sxor.u32 $0xC00, s31  }
0x91: {  	[tilespmem:s2], [sflag:$0x4] =	stream.linear.gather [hbm4b:s19+s3], $0x400, $0x38;
	[tilespmem:$0x1D000] =	vst v63  }
0x92: {  	_ = 	snop  }
0x93: {  	[tilespmem:s17], [sflag:$0x1] =	stream.indirect.gather [hbm4b:s4+s20], $0x80, s31, s20, $0xb8;
	[tilespmem:$0x1D000] =	vst v63  }
0x94: {  	s2 =	sor.u32 $0x80, s31  }
0x95: {  	[tilespmem:s21], [sflag:$0x2] =	stream.indirect.gather [hbm4b:s4+s20], $0x80, s2, s20, $0xb8;
	[tilespmem:$0x1D000] =	vst v63  }
0x96: {  	_ =	swait.ge [sflag:s22], $0x4000  }
0x97: {  	[sflag:s22] =	ssyncset.done $0x0  }
0x98: {  	s2 =	sor.u32 $0x800, s31;
	[sflag:s22] =	ssyncadd.s32 $0xFFFFC000  }
0x99: {  	[spmem:s1] =	stream.indirect.scatter.add.f32 [tilespmem:s17], [sflag:$0x5], $0x80, s2, s20, $0xb8;
	[tilespmem:$0x1D000] =	vst v63  }
0x9a: {  	_ =	swait.ge [sflag:s18], $0x4000  }
0x9b: {  	[sflag:s18] =	ssyncset.done $0x0  }
0x9c: {  	[sflag:s18] =	ssyncadd.s32 $0xFFFFC000  }
0x9d: {  	_ =	swait.ge [sflag:s26], $0x4000  }
0x9e: {  	[sflag:s26] =	ssyncset.done $0x0  }
0x9f: {  	s2 =	sor.u32 $0x880, s31;
	[sflag:s26] =	ssyncadd.s32 $0xFFFFC000  }
0xa0: {  	[spmem:s1] =	stream.indirect.scatter.add.f32 [tilespmem:s21], [sflag:$0x5], $0x80, s2, s20, $0xb8;
	[tilespmem:$0x1D000] =	vst v63  }
0xa1: {  	_ =	swait.ge [sflag:s18], $0x4000  }
0xa2: {  	[sflag:s18] =	ssyncset.done $0x0  }
0xa3: {  	s2 =	sor.u32 $0x100, s31;
	[sflag:s18] =	ssyncadd.s32 $0xFFFFC000  }
0xa4: {  	[tilespmem:s17], [sflag:$0x1] =	stream.indirect.gather [hbm4b:s4+s20], $0x80, s2, s20, $0xb8;
	[tilespmem:$0x1D000] =	vst v63  }
0xa5: {  	s2 =	sor.u32 $0x180, s31  }
0xa6: {  	[tilespmem:s21], [sflag:$0x2] =	stream.indirect.gather [hbm4b:s4+s20], $0x80, s2, s20, $0xb8;
	[tilespmem:$0x1D000] =	vst v63  }
0xa7: {  	_ =	swait.ge [sflag:s22], $0x4000  }
0xa8: {  	[sflag:s22] =	ssyncset.done $0x0  }
0xa9: {  	s2 =	sor.u32 $0x900, s31;
	[sflag:s22] =	ssyncadd.s32 $0xFFFFC000  }
0xaa: {  	[spmem:s1] =	stream.indirect.scatter.add.f32 [tilespmem:s17], [sflag:$0x5], $0x80, s2, s20, $0xb8;
	[tilespmem:$0x1D000] =	vst v63  }
0xab: {  	_ =	swait.ge [sflag:s18], $0x4000  }
0xac: {  	[sflag:s18] =	ssyncset.done $0x0  }
0xad: {  	[sflag:s18] =	ssyncadd.s32 $0xFFFFC000  }
0xae: {  	_ =	swait.ge [sflag:s26], $0x4000  }
0xaf: {  	[sflag:s26] =	ssyncset.done $0x0  }
0xb0: {  	s2 =	sor.u32 $0x980, s31;
	[sflag:s26] =	ssyncadd.s32 $0xFFFFC000  }
0xb1: {  	[spmem:s1] =	stream.indirect.scatter.add.f32 [tilespmem:s21], [sflag:$0x5], $0x80, s2, s20, $0xb8;
	[tilespmem:$0x1D000] =	vst v63  }
0xb2: {  	_ =	swait.ge [sflag:s18], $0x4000  }
0xb3: {  	[sflag:s18] =	ssyncset.done $0x0  }
0xb4: {  	s2 =	sor.u32 $0x200, s31;
	[sflag:s18] =	ssyncadd.s32 $0xFFFFC000  }
0xb5: {  	[tilespmem:s17], [sflag:$0x1] =	stream.indirect.gather [hbm4b:s4+s20], $0x80, s2, s20, $0xb8;
	[tilespmem:$0x1D000] =	vst v63  }
0xb6: {  	s2 =	sor.u32 $0x280, s31  }
0xb7: {  	[tilespmem:s21], [sflag:$0x2] =	stream.indirect.gather [hbm4b:s4+s20], $0x80, s2, s20, $0xb8;
	[tilespmem:$0x1D000] =	vst v63  }
0xb8: {  	_ =	swait.ge [sflag:s22], $0x4000  }
0xb9: {  	[sflag:s22] =	ssyncset.done $0x0  }
0xba: {  	s2 =	sor.u32 $0xA00, s31;
	[sflag:s22] =	ssyncadd.s32 $0xFFFFC000  }
0xbb: {  	[spmem:s1] =	stream.indirect.scatter.add.f32 [tilespmem:s17], [sflag:$0x5], $0x80, s2, s20, $0xb8;
	[tilespmem:$0x1D000] =	vst v63  }
0xbc: {  	_ =	swait.ge [sflag:s18], $0x4000  }
0xbd: {  	[sflag:s18] =	ssyncset.done $0x0  }
0xbe: {  	[sflag:s18] =	ssyncadd.s32 $0xFFFFC000  }
0xbf: {  	_ =	swait.ge [sflag:s26], $0x4000  }
0xc0: {  	[sflag:s26] =	ssyncset.done $0x0  }
0xc1: {  	s2 =	sor.u32 $0xA80, s31;
	[sflag:s26] =	ssyncadd.s32 $0xFFFFC000  }
0xc2: {  	[spmem:s1] =	stream.indirect.scatter.add.f32 [tilespmem:s21], [sflag:$0x5], $0x80, s2, s20, $0xb8;
	[tilespmem:$0x1D000] =	vst v63  }
0xc3: {  	_ =	swait.ge [sflag:s18], $0x4000  }
0xc4: {  	[sflag:s18] =	ssyncset.done $0x0  }
0xc5: {  	s2 =	sor.u32 $0x300, s31;
	[sflag:s18] =	ssyncadd.s32 $0xFFFFC000  }
0xc6: {  	[tilespmem:s17], [sflag:$0x1] =	stream.indirect.gather [hbm4b:s4+s20], $0x80, s2, s20, $0xb8;
	[tilespmem:$0x1D000] =	vst v63  }
0xc7: {  	s2 =	sor.u32 $0x380, s31  }
0xc8: {  	[tilespmem:s21], [sflag:$0x2] =	stream.indirect.gather [hbm4b:s4+s20], $0x80, s2, s20, $0xb8;
	[tilespmem:$0x1D000] =	vst v63  }
0xc9: {  	_ =	swait.ge [sflag:s22], $0x4000  }
0xca: {  	[sflag:s22] =	ssyncset.done $0x0  }
0xcb: {  	s2 =	sor.u32 $0xB00, s31;
	[sflag:s22] =	ssyncadd.s32 $0xFFFFC000  }
0xcc: {  	[spmem:s1] =	stream.indirect.scatter.add.f32 [tilespmem:s17], [sflag:$0x5], $0x80, s2, s20, $0xb8;
	[tilespmem:$0x1D000] =	vst v63  }
0xcd: {  	_ =	swait.ge [sflag:s18], $0x4000  }
0xce: {  	[sflag:s18] =	ssyncset.done $0x0  }
0xcf: {  	[sflag:s18] =	ssyncadd.s32 $0xFFFFC000  }
0xd0: {  	_ =	swait.ge [sflag:s26], $0x4000  }
0xd1: {  	[sflag:s26] =	ssyncset.done $0x0  }
0xd2: {  	s2 =	sor.u32 $0xB80, s31;
	[sflag:s26] =	ssyncadd.s32 $0xFFFFC000  }
0xd3: {  	[spmem:s1] =	stream.indirect.scatter.add.f32 [tilespmem:s21], [sflag:$0x5], $0x80, s2, s20, $0xb8;
	[tilespmem:$0x1D000] =	vst v63  }
0xd4: {  	_ =	swait.ge [sflag:s18], $0x4000  }
0xd5: {  	[sflag:s18] =	ssyncset.done $0x0  }
0xd6: {  	[sflag:s18] =	ssyncadd.s32 $0xFFFFC000  }
.Ltmp1:
0xd7: {  	_ =	swait.ge [sflag:s28], $0x400;
	(pc) =	sbr.rel @p0 .LBB2_4-.Ltmp1, $4  }
0xd8: {  	[sflag:s28] =	ssyncset.done $0x0  }
0xd9: {  	[sflag:s28] =	ssyncadd.s32 $0xFFFFFC00  }
0xda: {  	s0 =	sadd.s32 $0x80, s0;
	s19 =	sadd.s32 $0x80, s19;
	_ =	swait.ge [sflag:s29], $0x400  }
0xdb: {  	s31 =	sand.u32 $0x400, s6;
	s2 =	smov.u32 s7;
	[sflag:s29] =	ssyncset.done $0x0  }
0xdc: {  	s2 =	sxor.u32 $0x400, s31;
	[sflag:s29] =	ssyncadd.s32 $0xFFFFFC00  }
0xdd: {  	[tilespmem:s2], [sflag:$0x3] =	stream.linear.gather [hbm4b:s0+s3], $0x400, $0x38;
	[tilespmem:$0x1D000] =	vst v63  }
0xde: {  	s2 =	sxor.u32 $0xC00, s31  }
0xdf: {  	[tilespmem:s2], [sflag:$0x4] =	stream.linear.gather [hbm4b:s19+s3], $0x400, $0x38;
	[tilespmem:$0x1D000] =	vst v63  }
0xe0: {  	_ = 	snop  }
0xe1: {  	[tilespmem:s17], [sflag:$0x1] =	stream.indirect.gather [hbm4b:s4+s20], $0x80, s31, s20, $0xb8;
	[tilespmem:$0x1D000] =	vst v63  }
0xe2: {  	s6 =	sor.u32 $0x80, s31  }
0xe3: {  	[tilespmem:s21], [sflag:$0x2] =	stream.indirect.gather [hbm4b:s4+s20], $0x80, s6, s20, $0xb8;
	[tilespmem:$0x1D000] =	vst v63  }
0xe4: {  	_ =	swait.ge [sflag:s22], $0x4000  }
0xe5: {  	[sflag:s22] =	ssyncset.done $0x0  }
0xe6: {  	s7 =	sor.u32 $0x800, s31;
	[sflag:s22] =	ssyncadd.s32 $0xFFFFC000  }
0xe7: {  	[spmem:s1] =	stream.indirect.scatter.add.f32 [tilespmem:s17], [sflag:$0x5], $0x80, s7, s20, $0xb8;
	[tilespmem:$0x1D000] =	vst v63  }
0xe8: {  	_ =	swait.ge [sflag:s18], $0x4000  }
0xe9: {  	[sflag:s18] =	ssyncset.done $0x0  }
0xea: {  	[sflag:s18] =	ssyncadd.s32 $0xFFFFC000  }
0xeb: {  	_ =	swait.ge [sflag:s26], $0x4000  }
0xec: {  	[sflag:s26] =	ssyncset.done $0x0  }
0xed: {  	s8 =	sor.u32 $0x880, s31;
	[sflag:s26] =	ssyncadd.s32 $0xFFFFC000  }
0xee: {  	[spmem:s1] =	stream.indirect.scatter.add.f32 [tilespmem:s21], [sflag:$0x5], $0x80, s8, s20, $0xb8;
	[tilespmem:$0x1D000] =	vst v63  }
0xef: {  	_ =	swait.ge [sflag:s18], $0x4000  }
0xf0: {  	[sflag:s18] =	ssyncset.done $0x0  }
0xf1: {  	s19 =	sor.u32 $0x100, s31;
	[sflag:s18] =	ssyncadd.s32 $0xFFFFC000  }
0xf2: {  	[tilespmem:s17], [sflag:$0x1] =	stream.indirect.gather [hbm4b:s4+s20], $0x80, s19, s20, $0xb8;
	[tilespmem:$0x1D000] =	vst v63  }
0xf3: {  	s2 =	sor.u32 $0x180, s31  }
0xf4: {  	[tilespmem:s21], [sflag:$0x2] =	stream.indirect.gather [hbm4b:s4+s20], $0x80, s2, s20, $0xb8;
	[tilespmem:$0x1D000] =	vst v63  }
0xf5: {  	_ =	swait.ge [sflag:s22], $0x4000  }
0xf6: {  	[sflag:s22] =	ssyncset.done $0x0  }
0xf7: {  	s6 =	sor.u32 $0x900, s31;
	[sflag:s22] =	ssyncadd.s32 $0xFFFFC000  }
0xf8: {  	[spmem:s1] =	stream.indirect.scatter.add.f32 [tilespmem:s17], [sflag:$0x5], $0x80, s6, s20, $0xb8;
	[tilespmem:$0x1D000] =	vst v63  }
0xf9: {  	_ =	swait.ge [sflag:s18], $0x4000  }
0xfa: {  	[sflag:s18] =	ssyncset.done $0x0  }
0xfb: {  	[sflag:s18] =	ssyncadd.s32 $0xFFFFC000  }
0xfc: {  	_ =	swait.ge [sflag:s26], $0x4000  }
0xfd: {  	[sflag:s26] =	ssyncset.done $0x0  }
0xfe: {  	s7 =	sor.u32 $0x980, s31;
	[sflag:s26] =	ssyncadd.s32 $0xFFFFC000  }
0xff: {  	[spmem:s1] =	stream.indirect.scatter.add.f32 [tilespmem:s21], [sflag:$0x5], $0x80, s7, s20, $0xb8;
	[tilespmem:$0x1D000] =	vst v63  }
0x100: {  	_ =	swait.ge [sflag:s18], $0x4000  }
0x101: {  	[sflag:s18] =	ssyncset.done $0x0  }
0x102: {  	s8 =	sor.u32 $0x200, s31;
	[sflag:s18] =	ssyncadd.s32 $0xFFFFC000  }
0x103: {  	[tilespmem:s17], [sflag:$0x1] =	stream.indirect.gather [hbm4b:s4+s20], $0x80, s8, s20, $0xb8;
	[tilespmem:$0x1D000] =	vst v63  }
0x104: {  	s19 =	sor.u32 $0x280, s31  }
0x105: {  	[tilespmem:s21], [sflag:$0x2] =	stream.indirect.gather [hbm4b:s4+s20], $0x80, s19, s20, $0xb8;
	[tilespmem:$0x1D000] =	vst v63  }
0x106: {  	_ =	swait.ge [sflag:s22], $0x4000  }
0x107: {  	[sflag:s22] =	ssyncset.done $0x0  }
0x108: {  	s2 =	sor.u32 $0xA00, s31;
	[sflag:s22] =	ssyncadd.s32 $0xFFFFC000  }
0x109: {  	[spmem:s1] =	stream.indirect.scatter.add.f32 [tilespmem:s17], [sflag:$0x5], $0x80, s2, s20, $0xb8;
	[tilespmem:$0x1D000] =	vst v63  }
0x10a: {  	_ =	swait.ge [sflag:s18], $0x4000  }
0x10b: {  	[sflag:s18] =	ssyncset.done $0x0  }
0x10c: {  	[sflag:s18] =	ssyncadd.s32 $0xFFFFC000  }
0x10d: {  	_ =	swait.ge [sflag:s26], $0x4000  }
0x10e: {  	[sflag:s26] =	ssyncset.done $0x0  }
0x10f: {  	s6 =	sor.u32 $0xA80, s31;
	[sflag:s26] =	ssyncadd.s32 $0xFFFFC000  }
0x110: {  	[spmem:s1] =	stream.indirect.scatter.add.f32 [tilespmem:s21], [sflag:$0x5], $0x80, s6, s20, $0xb8;
	[tilespmem:$0x1D000] =	vst v63  }
0x111: {  	_ =	swait.ge [sflag:s18], $0x4000  }
0x112: {  	[sflag:s18] =	ssyncset.done $0x0  }
0x113: {  	s7 =	sor.u32 $0x300, s31;
	[sflag:s18] =	ssyncadd.s32 $0xFFFFC000  }
0x114: {  	[tilespmem:s17], [sflag:$0x1] =	stream.indirect.gather [hbm4b:s4+s20], $0x80, s7, s20, $0xb8;
	[tilespmem:$0x1D000] =	vst v63  }
0x115: {  	s8 =	sor.u32 $0x380, s31  }
0x116: {  	[tilespmem:s21], [sflag:$0x2] =	stream.indirect.gather [hbm4b:s4+s20], $0x80, s8, s20, $0xb8;
	[tilespmem:$0x1D000] =	vst v63  }
0x117: {  	_ =	swait.ge [sflag:s22], $0x4000  }
0x118: {  	[sflag:s22] =	ssyncset.done $0x0  }
0x119: {  	s19 =	sor.u32 $0xB00, s31;
	[sflag:s22] =	ssyncadd.s32 $0xFFFFC000  }
0x11a: {  	[spmem:s1] =	stream.indirect.scatter.add.f32 [tilespmem:s17], [sflag:$0x5], $0x80, s19, s20, $0xb8;
	[tilespmem:$0x1D000] =	vst v63  }
0x11b: {  	_ =	swait.ge [sflag:s18], $0x4000  }
0x11c: {  	[sflag:s18] =	ssyncset.done $0x0  }
0x11d: {  	[sflag:s18] =	ssyncadd.s32 $0xFFFFC000  }
0x11e: {  	_ =	swait.ge [sflag:s26], $0x4000  }
0x11f: {  	[sflag:s26] =	ssyncset.done $0x0  }
0x120: {  	s31 =	sor.u32 $0xB80, s31;
	[sflag:s26] =	ssyncadd.s32 $0xFFFFC000  }
0x121: {  	[spmem:s1] =	stream.indirect.scatter.add.f32 [tilespmem:s21], [sflag:$0x5], $0x80, s31, s20, $0xb8;
	[tilespmem:$0x1D000] =	vst v63  }
0x122: {  	_ =	swait.ge [sflag:s18], $0x4000  }
0x123: {  	[sflag:s18] =	ssyncset.done $0x0  }
0x124: {  	[sflag:s18] =	ssyncadd.s32 $0xFFFFC000  }
0x125: {  	_ =	swait.ge [sflag:s28], $0x400  }
0x126: {  	[sflag:s28] =	ssyncset.done $0x0  }
0x127: {  	[sflag:s28] =	ssyncadd.s32 $0xFFFFFC00  }
0x128: {  	_ =	swait.ge [sflag:s29], $0x400  }
0x129: {  	[sflag:s29] =	ssyncset.done $0x0  }
0x12a: {  	s2 =	simm.s32 $0x400;
	[sflag:s29] =	ssyncadd.s32 $0xFFFFFC00  }
0x12b: {  	[tilespmem:s17], [sflag:$0x1] =	stream.indirect.gather [hbm4b:s4+s20], $0x80, s2, s20, $0xb8;
	[tilespmem:$0x1D000] =	vst v63  }
0x12c: {  	s6 =	simm.s32 $0x480  }
0x12d: {  	[tilespmem:s21], [sflag:$0x2] =	stream.indirect.gather [hbm4b:s4+s20], $0x80, s6, s20, $0xb8;
	[tilespmem:$0x1D000] =	vst v63  }
0x12e: {  	_ =	swait.ge [sflag:s22], $0x4000  }
0x12f: {  	[sflag:s22] =	ssyncset.done $0x0  }
0x130: {  	s7 =	simm.s32 $0xC00;
	[sflag:s22] =	ssyncadd.s32 $0xFFFFC000  }
0x131: {  	[spmem:s1] =	stream.indirect.scatter.add.f32 [tilespmem:s17], [sflag:$0x5], $0x80, s7, s20, $0xb8;
	[tilespmem:$0x1D000] =	vst v63  }
0x132: {  	_ =	swait.ge [sflag:s18], $0x4000  }
0x133: {  	[sflag:s18] =	ssyncset.done $0x0  }
0x134: {  	[sflag:s18] =	ssyncadd.s32 $0xFFFFC000  }
0x135: {  	_ =	swait.ge [sflag:s26], $0x4000  }
0x136: {  	[sflag:s26] =	ssyncset.done $0x0  }
0x137: {  	s8 =	simm.s32 $0xC80;
	[sflag:s26] =	ssyncadd.s32 $0xFFFFC000  }
0x138: {  	[spmem:s1] =	stream.indirect.scatter.add.f32 [tilespmem:s21], [sflag:$0x5], $0x80, s8, s20, $0xb8;
	[tilespmem:$0x1D000] =	vst v63  }
0x139: {  	_ =	swait.ge [sflag:s18], $0x4000  }
0x13a: {  	[sflag:s18] =	ssyncset.done $0x0  }
0x13b: {  	s19 =	simm.s32 $0x500;
	[sflag:s18] =	ssyncadd.s32 $0xFFFFC000  }
0x13c: {  	[tilespmem:s17], [sflag:$0x1] =	stream.indirect.gather [hbm4b:s4+s20], $0x80, s19, s20, $0xb8;
	[tilespmem:$0x1D000] =	vst v63  }
0x13d: {  	s31 =	simm.s32 $0x580  }
0x13e: {  	[tilespmem:s21], [sflag:$0x2] =	stream.indirect.gather [hbm4b:s4+s20], $0x80, s31, s20, $0xb8;
	[tilespmem:$0x1D000] =	vst v63  }
0x13f: {  	_ =	swait.ge [sflag:s22], $0x4000  }
0x140: {  	[sflag:s22] =	ssyncset.done $0x0  }
0x141: {  	s2 =	simm.s32 $0xD00;
	[sflag:s22] =	ssyncadd.s32 $0xFFFFC000  }
0x142: {  	[spmem:s1] =	stream.indirect.scatter.add.f32 [tilespmem:s17], [sflag:$0x5], $0x80, s2, s20, $0xb8;
	[tilespmem:$0x1D000] =	vst v63  }
0x143: {  	_ =	swait.ge [sflag:s18], $0x4000  }
0x144: {  	[sflag:s18] =	ssyncset.done $0x0  }
0x145: {  	[sflag:s18] =	ssyncadd.s32 $0xFFFFC000  }
0x146: {  	_ =	swait.ge [sflag:s26], $0x4000  }
0x147: {  	[sflag:s26] =	ssyncset.done $0x0  }
0x148: {  	s6 =	simm.s32 $0xD80;
	[sflag:s26] =	ssyncadd.s32 $0xFFFFC000  }
0x149: {  	[spmem:s1] =	stream.indirect.scatter.add.f32 [tilespmem:s21], [sflag:$0x5], $0x80, s6, s20, $0xb8;
	[tilespmem:$0x1D000] =	vst v63  }
0x14a: {  	_ =	swait.ge [sflag:s18], $0x4000  }
0x14b: {  	[sflag:s18] =	ssyncset.done $0x0  }
0x14c: {  	s7 =	simm.s32 $0x600;
	[sflag:s18] =	ssyncadd.s32 $0xFFFFC000  }
0x14d: {  	[tilespmem:s17], [sflag:$0x1] =	stream.indirect.gather [hbm4b:s4+s20], $0x80, s7, s20, $0xb8;
	[tilespmem:$0x1D000] =	vst v63  }
0x14e: {  	s8 =	simm.s32 $0x680  }
0x14f: {  	[tilespmem:s21], [sflag:$0x2] =	stream.indirect.gather [hbm4b:s4+s20], $0x80, s8, s20, $0xb8;
	[tilespmem:$0x1D000] =	vst v63  }
0x150: {  	_ =	swait.ge [sflag:s22], $0x4000  }
0x151: {  	[sflag:s22] =	ssyncset.done $0x0  }
0x152: {  	s19 =	simm.s32 $0xE00;
	[sflag:s22] =	ssyncadd.s32 $0xFFFFC000  }
0x153: {  	[spmem:s1] =	stream.indirect.scatter.add.f32 [tilespmem:s17], [sflag:$0x5], $0x80, s19, s20, $0xb8;
	[tilespmem:$0x1D000] =	vst v63  }
0x154: {  	_ =	swait.ge [sflag:s18], $0x4000  }
0x155: {  	[sflag:s18] =	ssyncset.done $0x0  }
0x156: {  	[sflag:s18] =	ssyncadd.s32 $0xFFFFC000  }
0x157: {  	_ =	swait.ge [sflag:s26], $0x4000  }
0x158: {  	[sflag:s26] =	ssyncset.done $0x0  }
0x159: {  	s31 =	simm.s32 $0xE80;
	[sflag:s26] =	ssyncadd.s32 $0xFFFFC000  }
0x15a: {  	[spmem:s1] =	stream.indirect.scatter.add.f32 [tilespmem:s21], [sflag:$0x5], $0x80, s31, s20, $0xb8;
	[tilespmem:$0x1D000] =	vst v63  }
0x15b: {  	_ =	swait.ge [sflag:s18], $0x4000  }
0x15c: {  	[sflag:s18] =	ssyncset.done $0x0  }
0x15d: {  	s2 =	simm.s32 $0x700;
	[sflag:s18] =	ssyncadd.s32 $0xFFFFC000  }
0x15e: {  	[tilespmem:s17], [sflag:$0x1] =	stream.indirect.gather [hbm4b:s4+s20], $0x80, s2, s20, $0xb8;
	[tilespmem:$0x1D000] =	vst v63  }
0x15f: {  	s6 =	simm.s32 $0x780  }
0x160: {  	[tilespmem:s21], [sflag:$0x2] =	stream.indirect.gather [hbm4b:s4+s20], $0x80, s6, s20, $0xb8;
	[tilespmem:$0x1D000] =	vst v63  }
0x161: {  	_ =	swait.ge [sflag:s22], $0x4000  }
0x162: {  	[sflag:s22] =	ssyncset.done $0x0  }
0x163: {  	s7 =	simm.s32 $0xF00;
	[sflag:s22] =	ssyncadd.s32 $0xFFFFC000  }
0x164: {  	[spmem:s1] =	stream.indirect.scatter.add.f32 [tilespmem:s17], [sflag:$0x5], $0x80, s7, s20, $0xb8;
	[tilespmem:$0x1D000] =	vst v63  }
0x165: {  	_ =	swait.ge [sflag:s18], $0x4000  }
0x166: {  	[sflag:s18] =	ssyncset.done $0x0  }
0x167: {  	[sflag:s18] =	ssyncadd.s32 $0xFFFFC000  }
0x168: {  	_ =	swait.ge [sflag:s26], $0x4000  }
0x169: {  	[sflag:s26] =	ssyncset.done $0x0  }
0x16a: {  	s8 =	simm.s32 $0xF80;
	[sflag:s26] =	ssyncadd.s32 $0xFFFFC000  }
0x16b: {  	[spmem:s1] =	stream.indirect.scatter.add.f32 [tilespmem:s21], [sflag:$0x5], $0x80, s8, s20, $0xb8;
	[tilespmem:$0x1D000] =	vst v63  }
0x16c: {  	_ =	swait.ge [sflag:s18], $0x4000  }
0x16d: {  	s19 =	stileid.u32;
	[sflag:s18] =	ssyncset.done $0x0  }
0x16e: {  	s0 =	sshll.u32 s19, $0x6;
	[sflag:s18] =	ssyncadd.s32 $0xFFFFC000  }
0x16f: {  	s0 =	sor.u32 $0x1C05, s0;
	s31 =	sshrl.u32 s5, $0x3;
	[bflag:$0x0] =	sbarrier.arrive $0xFFFF  }
0x170: {  	[hbm:s10], [sflag:s0] =	dma.local [spmem:s31], $0xA00  }
0x171: {  	_ =	swait.ge [sflag:s18], $0xA00  }
0x172: {  	[sflag:s18] =	ssyncset.done $0x0  }
0x173: {  	[sflag:s18] =	ssyncadd.s32 $0xFFFFF600  }
0x174: {  	[hbm:s11], [sflag:s0] =	dma.local [spmem:s23], $0xA00  }
0x175: {  	_ =	swait.ge [sflag:s18], $0xA00  }
0x176: {  	[sflag:s18] =	ssyncset.done $0x0  }
0x177: {  	[sflag:s18] =	ssyncadd.s32 $0xFFFFF600  }
0x178: {  	[hbm:s12], [sflag:s0] =	dma.local [spmem:s24], $0xA00  }
0x179: {  	s30 =	sadd.s32 $0x1, s30;
	_ =	swait.ge [sflag:s18], $0xA00  }
0x17a: {  	p0 =	sne.s32 s30, s14;
	[sflag:s18] =	ssyncset.done $0x0  }
.Ltmp2:
0x17b: {  	[sflag:s18] =	ssyncadd.s32 $0xFFFFF600;
	(pc) =	sbr.rel @p0 .LBB2_1-.Ltmp2, $4  }
0x17c: {  	[hbm:s13], [sflag:s0] =	dma.local [spmem:s25], $0xA00  }
0x17d: {  	_ =	swait.ge [sflag:s18], $0xA00  }
0x17e: {  	[sflag:s18] =	ssyncset.done $0x0  }
0x17f: {  	[sflag:s18] =	ssyncadd.s32 $0xFFFFF600  }
0x180: {  	_ =	sfence.sel $0x180000  }
0x181: {  	[bflag:$0x0] =	sbarrier.arrive $0xFFFF  }
0x182: {  	_ =	strace $0x90000053  }
0x183: {  	s0 =	stileid.u32;
	[bflag:$0x2] =	sbarrier.arrive $0xFFFF  }
0x184: {  	p0 =	sne.s32 s0, $0x0;
	s0 =	rddreg [dreg:$0x3]  }
0x185: {  	s0 =	sadd.s32 @!p0 $0x100000, s0  }
0x186: {  	[sflag:s0] =	ssyncadd.tile.s32 @!p0 $0x1;
	_ =	shalt  }
.Lfunc_end2:
_tile_overlayer_lowered:
.L_overlay_start_2:
0x187: {  	(tag) =	ssettag $0x2  }
0x188: {  	s0 =	rddreg [dreg:$0x0];
	s2 =	stileid.u32  }
0x189: {  	s1 =	rddreg [dreg:$0x1];
	p0 =	sne.s32 s2, $0x0  }
0x18a: {  	s3 =	rddreg [dreg:$0x2];
	[bflag:$0x3] =	sbarrier.arrive $0xFFFF;
	s2 =	simm.s32 @!p0 $0x1C05  }
0x18b: {  	[timem:s3], [sflag:s2] =	dma.local @!p0 [hbm:s0], s1  }
0x18c: {  	s0 =	simm.s32 @!p0 $0x5  }
0x18d: {  	_ =	swait.ge @!p0 [sflag:s0], s1  }
0x18e: {  	s1 =	ssub.s32 @!p0 $0x0, s1;
	[sflag:s0] =	ssyncset.done @!p0 $0x0  }
0x18f: {  	[sflag:s0] =	ssyncadd.s32 @!p0 s1  }
0x190: {  	[bflag:$0x3] =	sbarrier.arrive $0xFFFF  }
0x191: {  	_ =	shalt  }

// kernel: kernel.23.cloned.1.call-start
scs
__scs_entry_jumppad:
0x0: {  	(pc) =	sbr.rel $0x88, $3  }
0x1: {  	(tag) =	ssettag $0x0;
	lr =	simm.s32 $0x1  }
0x2: {  	[smem:$0x3F90] =	sst lr;
	_ =	strace $0xD0000000  }
0x3: {  	_ = 	snop  }
0x4: {  	_ = 	snop  }
0x5: {  	_ = 	snop  }
0x6: {  	_ = 	snop  }
0x7: {  	_ = 	snop  }
__scs_overlays_trampoline_lowered:
0x8: {  	[smem:$0x3F9F] =	sst s0  }
0x9: {  	[smem:$0x3FA0] =	sst s1  }
0xa: {  	[smem:$0x3FA1] =	sst s2  }
0xb: {  	[smem:$0x3FA2] =	sst s3  }
0xc: {  	[smem:$0x3FA3] =	sst s4  }
0xd: {  	[smem:$0x3FA4] =	sst s5  }
0xe: {  	[smem:$0x3FA5] =	sst s6  }
0xf: {  	[smem:$0x3FA6] =	sst s7  }
0x10: {  	[smem:$0x3FA7] =	sst s8  }
0x11: {  	[smem:$0x3FA8] =	sst s9;
	s0 =	simm.s32 @!p0 $0x0  }
0x12: {  	s1 =	sld [smem:$0x3F8E];
	s0 =	simm.s32 @p0 $0x1  }
0x13: {  	[smem:$0x3FA9] =	sst s0;
	s0 =	simm.s32 @!p1 $0x0  }
0x14: {  	s2 =	sld [smem:$0x3F8D];
	s0 =	simm.s32 @p1 $0x1  }
0x15: {  	[smem:$0x3FAA] =	sst s0;
	s0 =	simm.s32 @!p2 $0x0  }
0x16: {  	s3 =	sld [smem:$0x3FDB];
	s0 =	simm.s32 @p2 $0x1  }
0x17: {  	s4 =	simm.s32 $0x1BF5;
	[smem:$0x3FAC] =	sst s0  }
0x18: {  	s0 =	sld [smem:$0x3F8F];
	_ =	swait.ge [sflag:s4], $0x0  }
0x19: {  	s7 =	sld [smem:$0x3F90]  }
0x1a: {  	s8 =	sadd.s32 $0xFFFFE003, lr  }
0x1b: {  	s9 =	sadd.s32 $0xFFFFFEF7, lr;
	s5 =	simm.s32 $0xFFFFFFFF;
	p2 =	slt.u32 s8, $0xFFFFF086  }
0x1c: {  	p1 =	slt.u32 s9, $0xF7A;
	s5 =	simm.s32 @!p2 $0x0  }
0x1d: {  	s5 =	simm.s32 @p1 $0x1;
	p0 =	seq.s32 s7, s2  }
0x1e: {  	s7 =	smul.u32 @!p0 $0xF7A, s2;
	p2 =	seq.s32 @!p0 s5, $0x0  }
0x1f: {  	s9 =	smul.u32 $0xF7A, s1;
	s8 =	simm.s32 @!p0 $0x1BF5;
	p2 =	por !p2, p0  }
0x20: {  	[sflag:s8] =	ssyncset.s32 @!p0 $0xFFFFF086;
	s6 =	sadd.s32 @!p0 s3, s7;
	s7 =	simm.s32 @!p0 $0x108  }
0x21: {  	s3 =	sadd.s32 s3, s9;
	s6 =	sadd.s32 @!p0 $0x88, s6;
	s7 =	simm.s32 @p2 $0x1082  }
0x22: {  	[simem:s7], [sflag:s8] =	dma.local @!p0 [hbm:s6], $0xF7A  }
0x23: {  	s9 =	sor.u32 $0xD0000000, s2;
	s6 =	simm.s32 $0x108;
	_ =	swait.ge @!p0 [sflag:s8], $0x0  }
0x24: {  	s3 =	sadd.s32 $0x88, s3;
	s6 =	simm.s32 @!p1 $0x1082;
	[sflag:s4] =	ssyncset.s32 $0xFFFFF086  }
0x25: {  	[simem:s6], [sflag:s4] =	dma.local [hbm:s3], $0xF7A  }
0x26: {  	[smem:$0x3F90] =	sst s1;
	(tag) =	ssettag s2;
	_ =	strace s9  }
0x27: {  	s1 =	sld [smem:$0x3FA0]  }
0x28: {  	s2 =	sld [smem:$0x3FA1]  }
0x29: {  	s4 =	sld [smem:$0x3FA3]  }
0x2a: {  	p0 =	seq.s32 s5, $0x0;
	s5 =	sld [smem:$0x3FA4]  }
0x2b: {  	s6 =	sld [smem:$0x3FA5]  }
0x2c: {  	s7 =	sld [smem:$0x3FA6]  }
0x2d: {  	s3 =	simm.s32 $0x108;
	s8 =	sld [smem:$0x3FA7]  }
0x2e: {  	s3 =	simm.s32 @!p0 $0x1082;
	s9 =	sld [smem:$0x3FA8]  }
0x2f: {  	lr =	sadd.s32 s0, s3;
	s0 =	sld [smem:$0x3F9F]  }
0x30: {  	s3 =	sld [smem:$0x3FA2]  }
0x31: {  	[smem:$0x3FAB] =	sst s10  }
0x32: {  	s10 =	sld [smem:$0x3FA9];
	_ =	sdelay $0x3  }
0x33: {  	p0 =	seq.s32 s10, $0x1;
	s10 =	sld [smem:$0x3FAB];
	_ =	sdelay $0x3  }
0x34: {  	[smem:$0x3FAB] =	sst s10  }
0x35: {  	s10 =	sld [smem:$0x3FAA];
	_ =	sdelay $0x3  }
0x36: {  	p1 =	seq.s32 s10, $0x1;
	s10 =	sld [smem:$0x3FAB];
	_ =	sdelay $0x3  }
0x37: {  	[smem:$0x3FAB] =	sst s10  }
0x38: {  	s10 =	sld [smem:$0x3FAC]  }
0x39: {  	_ = 	snop;
	(pc) =	sbr.ind lr, $3  }
0x3a: {  	_ = 	snop  }
0x3b: {  	_ = 	snop  }
0x3c: {  	p2 =	seq.s32 s10, $0x1;
	s10 =	sld [smem:$0x3FAB]  }
0x3d: {  	_ =	shalt  }
0x3e: {  	_ =	shalt  }
0x3f: {  	_ =	shalt  }
0x40: {  	_ =	shalt  }
0x41: {  	_ =	shalt  }
0x42: {  	_ =	shalt  }
0x43: {  	_ =	shalt  }
0x44: {  	_ =	shalt  }
0x45: {  	_ =	shalt  }
0x46: {  	_ =	shalt  }
0x47: {  	_ =	shalt  }
0x48: {  	_ =	shalt  }
0x49: {  	_ =	shalt  }
0x4a: {  	_ =	shalt  }
0x4b: {  	_ =	shalt  }
0x4c: {  	_ =	shalt  }
0x4d: {  	_ =	shalt  }
0x4e: {  	_ =	shalt  }
0x4f: {  	_ =	shalt  }
0x50: {  	_ =	shalt  }
0x51: {  	_ =	shalt  }
0x52: {  	_ =	shalt  }
0x53: {  	_ =	shalt  }
0x54: {  	_ =	shalt  }
0x55: {  	_ =	shalt  }
0x56: {  	_ =	shalt  }
0x57: {  	_ =	shalt  }
0x58: {  	_ =	shalt  }
0x59: {  	_ =	shalt  }
0x5a: {  	_ =	shalt  }
0x5b: {  	_ =	shalt  }
0x5c: {  	_ =	shalt  }
0x5d: {  	_ =	shalt  }
0x5e: {  	_ =	shalt  }
0x5f: {  	_ =	shalt  }
0x60: {  	_ =	shalt  }
0x61: {  	_ =	shalt  }
0x62: {  	_ =	shalt  }
0x63: {  	_ =	shalt  }
0x64: {  	_ =	shalt  }
0x65: {  	_ =	shalt  }
0x66: {  	_ =	shalt  }
0x67: {  	_ =	shalt  }
0x68: {  	_ =	shalt  }
0x69: {  	_ =	shalt  }
0x6a: {  	_ =	shalt  }
0x6b: {  	_ =	shalt  }
0x6c: {  	_ =	shalt  }
0x6d: {  	_ =	shalt  }
0x6e: {  	_ =	shalt  }
0x6f: {  	_ =	shalt  }
0x70: {  	_ =	shalt  }
0x71: {  	_ =	shalt  }
0x72: {  	_ =	shalt  }
0x73: {  	_ =	shalt  }
0x74: {  	_ =	shalt  }
0x75: {  	_ =	shalt  }
0x76: {  	_ =	shalt  }
0x77: {  	_ =	shalt  }
0x78: {  	_ =	shalt  }
0x79: {  	_ =	shalt  }
0x7a: {  	_ =	shalt  }
0x7b: {  	_ =	shalt  }
0x7c: {  	_ =	shalt  }
0x7d: {  	_ =	shalt  }
0x7e: {  	_ =	shalt  }
0x7f: {  	_ =	shalt  }
0x80: {  	_ =	shalt  }
0x81: {  	_ =	shalt  }
0x82: {  	_ =	shalt  }
0x83: {  	_ =	shalt  }
0x84: {  	_ =	shalt  }
0x85: {  	_ =	shalt  }
0x86: {  	_ =	shalt  }
0x87: {  	_ =	shalt  }
.Lfunc_end0:
.L_simem_size_0:
called_computation.5_lowered:
.L_overlay_start_0:
0x88: {  	s2 =	sld [smem:$0x3FD9]  }
0x89: {  	s3 =	sld [smem:$0x3FFE];
	_ =	sdelay $0x1  }
0x8a: {  	s1 =	srdreg.scid  }
0x8b: {  	s0 =	sand.u32 $0x1, s1  }
0x8c: {  	s14 =	sshll.u32 s0, $0xA;
	s2 =	sadd.s32 s3, s2  }
0x8d: {  	s2 =	sadd.s32 s2, s14  }
0x8e: {  	[smem:$0x3FB7] =	sst s2  }
0x8f: {  	_ = 	snop  }
0x90: {  	s2 =	sld [smem:$0x3FD0];
	_ =	sdelay $0x2  }
0x91: {  	s15 =	simm.s32 $0xB;
	s4 =	simm.s32 $0x10  }
0x92: {  	[smem:s4], [sflag:s15] =	dma.local [hbm:s2], $0x1  }
0x93: {  	_ =	swait.eq [sflag:s15], $0x1  }
0x94: {  	[sflag:s15] =	ssyncset.done $0x0  }
0x95: {  	[sflag:s15] =	ssyncadd.s32 $0xFFFFFFFF  }
0x96: {  	s16 =	sld [smem:$0x10];
	(tm) =	ssettm $0x1  }
0x97: {  	s17 =	sld [smem:$0x3FFB];
	_ =	sdelay $0x3  }
0x98: {  	_ =	strace s17  }
0x99: {  	s3 =	sld [smem:$0x3FFC];
	_ =	sdelay $0x3  }
0x9a: {  	_ =	strace s3  }
0x9b: {  	s3 =	sld [smem:$0x3FFD];
	_ =	sdelay $0x3  }
0x9c: {  	_ =	strace s3  }
0x9d: {  	_ =	strace $0x8FFFFFFF  }
0x9e: {  	s18 =	sld [smem:$0x3FDB];
	_ =	sdelay $0x1  }
0x9f: {  	s19 =	simm.s32 $_scs_section_size  }
0xa0: {  	s5 =	simm.s32 $_size__tile_overlayer_lowered;
	s6 =	simm.s32 $_tile_overlayer_lowered  }
0xa1: {  	s22 =	simm.s32 $0x1BFF;
	s21 =	sshll.u32 s6, $0x1;
	s3 =	sadd.s32 s19, s18  }
0xa2: {  	s7 =	simm.s32 $0x0;
	s20 =	sshll.u32 s5, $0x1;
	s5 =	sadd.s32 s21, s3  }
0xa3: {  	[timem:s7], [sflag:s22] =	dma.local [hbm:s5], s20  }
0xa4: {  	_ =	swait.ge [sflag:s22], s20  }
0xa5: {  	s4 =	ssub.s32 $0x0, s20;
	[sflag:s22] =	ssyncset.done $0x0  }
0xa6: {  	[sflag:s22] =	ssyncadd.s32 s4;
	_ =	sdelay $0x1  }
0xa7: {  	s23 =	simm.s32 $0x1B8B  }
0xa8: {  	_ =	swait.ge [sflag:s23], $0x1  }
0xa9: {  	[sflag:s23] =	ssyncset.done $0x0  }
0xaa: {  	s25 =	simm.s32 $0x1B8E;
	s24 =	sld [smem:$0x3FFE];
	[sflag:s23] =	ssyncadd.s32 $0xFFFFFFFF  }
0xab: {  	s26 =	simm.s32 $execute0_lowered;
	[smem:$0x3FD2] =	sst s25  }
0xac: {  	s5 =	sshll.u32 s26, $0x1;
	_ =	strace $0x80000055;
	[dreg:$0x1] =	wrdreg $0xFFFFFFFF  }
0xad: {  	s28 =	simm.s32 $_size_execute0_lowered;
	s3 =	sadd.s32 s3, s5;
	[dreg:$0x0] =	wrdreg $0x0  }
0xae: {  	s5 =	sshll.u32 s28, $0x1;
	[dreg:$0x2] =	wrdreg s3  }
0xaf: {  	[dreg:$0x3] =	wrdreg s5  }
0xb0: {  	[dreg:$0x4] =	wrdreg $0xC0  }
0xb1: {  	_ =	task [dreg:s7], $0x5FFFF  }
0xb2: {  	[dreg:$0x1] =	wrdreg $0xFFFFFFFF  }
0xb3: {  	[dreg:$0x0] =	wrdreg $0x60  }
0xb4: {  	[dreg:$0x2] =	wrdreg s24  }
0xb5: {  	[dreg:$0x3] =	wrdreg s16  }
0xb6: {  	[dreg:$0x4] =	wrdreg $0x58000  }
0xb7: {  	[dreg:$0x5] =	wrdreg $0x9  }
0xb8: {  	_ =	task.clear_ibuf [dreg:s7], $0x6FFFF;
	_ =	strace $0x90000055  }
0xb9: {  	s29 =	simm.s32 $0x9;
	_ =	strace $0x80000057  }
0xba: {  	_ =	swait.ge [sflag:s29], $0x1  }
0xbb: {  	[sflag:s29] =	ssyncadd.s32 $0xFFFFFFFF  }
0xbc: {  	_ =	strace $0x90000057  }
0xbd: {  	_ =	sfence  }
0xbe: {  	s30 =	sld [smem:$0x0];
	_ =	sdelay $0x2  }
0xbf: {  	s31 =	sshll.u32 s1, $0xD;
	s1 =	sshrl.u32 s1, $0x2  }
0xc0: {  	s3 =	sand.u32 $0x4000, s31;
	s1 =	sadd.s32 s1, s30  }
0xc1: {  	s0 =	sor.u32 s3, s0;
	s1 =	sshll.u32 s1, $0x11  }
0xc2: {  	s0 =	sor.u32 s1, s0  }
0xc3: {  	s0 =	sadd.s32 $0x8F2B, s0  }
0xc4: {  	[sflag:s0] =	ssyncadd.remote.s32 $0x1  }
0xc5: {  	_ =	sfence.sel $0xFFFF  }
0xc6: {  	[dreg:$0x0] =	wrdreg $0xFFFFFFFF;
	(pc) =	sbr.abs _section_cstart, $3  }
0xc7: {  	[dreg:$0x1] =	wrdreg $0xFFFFFFFF  }
0xc8: {  	_ =	task.clear_ibuf [dreg:s7], $0x2FFFF;
	_ =	strace $0x9FFFFFFF  }
0xc9: {  	(tm) =	ssettm $0x7FFFFFFF  }
tec
execute0_lowered:
.L_overlay_start_1:
0x0: {  	(tag) =	ssettag $0x1  }
0x1: {  	s1 =	srdreg.scid  }
0x2: {  	s1 =	sand.u32 $0x1, s1  }
0x3: {  	p0 =	seq.s32 s1, $0x1  }
.Ltmp0:
0x4: {  	s3 =	rddreg [dreg:$0x0];
	(pc) =	sbr.rel @p0 .LBB2_4-.Ltmp0, $4  }
0x5: {  	s4 =	rddreg [dreg:$0x1]  }
0x6: {  	s2 =	rddreg [dreg:$0x2];
	s5 =	simm.s32 $0x0  }
0x7: {  	[smem:$0x7FF] =	sst s5  }
0x8: {  	s0 =	rddreg [dreg:$0x3];
	_ =	strace $0x80000056;
	s1 =	stileid.u32  }
0x9: {  	s5 =	smul.u32 $0x5000, s1  }
0xa: {  	s6 =	sadd.s32 $0x2E00, s3;
	s7 =	sshll.u32 s1, $0x7;
	s29 =	smul.u32 $0x2800, s1  }
0xb: {  	s30 =	sshll.u32 s1, $0xC;
	s31 =	sshll.u32 s1, $0x9;
	s12 =	simm.s32 $0x0  }
0xc: {  	s13 =	simm.s32 $0x200;
	s28 =	sadd.s32 s7, s3;
	s3 =	sadd.s32 s30, s2  }
0xd: {  	s4 =	sadd.s32 s4, s31;
	s5 =	sshrl.u32 s5, $0x2;
	s10 =	sadd.s32 s6, s29  }
0xe: {  	s11 =	sadd.s32 $0x2600, s28;
	s8 =	sadd.s32 s5, s2;
	s9 =	sadd.s32 $0x800, s10  }
0xf: {  	v0 =	vimm.f32 $0.0e+00;
	s7 =	sadd.s32 $0x1000, s10;
	s6 =	sadd.s32 $0x1800, s10;
	s5 =	sadd.s32 $0x2000, s10  }
.LBB2_2:
0x10: {  	p0 =	sne.s32 s13, $0x4E00;
	[tilespmem:s12+$0x4470] =	vst v0  }
0x11: {  	[tilespmem:s12+$0x4400] =	vst v0  }
0x12: {  	[tilespmem:s12+$0x4410] =	vst v0  }
.Ltmp1:
0x13: {  	[tilespmem:s12+$0x4420] =	vst v0;
	(pc) =	sbr.rel @p0 .LBB2_2-.Ltmp1, $4  }
0x14: {  	[tilespmem:s12+$0x4430] =	vst v0  }
0x15: {  	[tilespmem:s12+$0x4440] =	vst v0  }
0x16: {  	[tilespmem:s12+$0x4450] =	vst v0  }
0x17: {  	[tilespmem:s12+$0x4460] =	vst v0;
	s12 =	sshra.s32 s13, $0x2;
	s13 =	sadd.s32 $0x200, s13  }
0x18: {  	[tilespmem:s12+$0x4470] =	vst v0  }
0x19: {  	[tilespmem:s12+$0x4400] =	vst v0  }
0x1a: {  	[tilespmem:s12+$0x4410] =	vst v0  }
0x1b: {  	[tilespmem:s12+$0x4420] =	vst v0  }
0x1c: {  	[tilespmem:s12+$0x4430] =	vst v0  }
0x1d: {  	[tilespmem:s12+$0x4440] =	vst v0  }
0x1e: {  	[tilespmem:s12+$0x4450] =	vst v0  }
0x1f: {  	[tilespmem:s12+$0x4460] =	vst v0;
	s22 =	simm.s32 $0x4400;
	s23 =	simm.s32 $0x2  }
0x20: {  	[spmem:s8] =	stream.linear.scatter [tilespmem:s22], [sflag:$0x2], $0x1400, $0x38;
	[tilespmem:$0x6C00] =	vst v63  }
0x21: {  	_ =	swait.ge [sflag:s23], $0x1400  }
0x22: {  	[sflag:s23] =	ssyncset.done $0x0  }
0x23: {  	s24 =	simm.s32 $0x0;
	[sflag:s23] =	ssyncadd.s32 $0xFFFFEC00  }
0x24: {  	[tilespmem:s24], [sflag:$0x2] =	stream.linear.gather [hbm4b:s11+s24], $0x280, $0x38;
	[tilespmem:$0x6C00] =	vst v63  }
0x25: {  	_ =	swait.ge [sflag:s23], $0x280  }
0x26: {  	[sflag:s23] =	ssyncset.done $0x0  }
0x27: {  	[sflag:s23] =	ssyncadd.s32 $0xFFFFFD80  }
0x28: {  	s25 =	simm.s32 $0x400;
	s26 =	simm.s32 $0x1;
	[bflag:$0x0] =	sbarrier.arrive $0xFFFF  }
0x29: {  	[tilespmem:s25], [sflag:$0x1] =	stream.linear.gather [hbm4b:s10+s24], $0x4000, $0x38;
	[tilespmem:$0x6C00] =	vst v63  }
0x2a: {  	_ =	swait.ge [sflag:s26], $0x4000  }
0x2b: {  	[sflag:s26] =	ssyncset.done $0x0  }
0x2c: {  	s13 =	simm.s32 $0x80;
	[sflag:s26] =	ssyncadd.s32 $0xFFFFC000  }
0x2d: {  	[spmem:s2] =	stream.indirect.scatter.add.f32 [tilespmem:s25], [sflag:$0x2], $0x80, s24, s13, $0xb8;
	[tilespmem:$0x6C00] =	vst v63  }
0x2e: {  	_ =	swait.ge [sflag:s23], $0x4000  }
0x2f: {  	[sflag:s23] =	ssyncset.done $0x0  }
0x30: {  	[sflag:s23] =	ssyncadd.s32 $0xFFFFC000  }
0x31: {  	[tilespmem:s25], [sflag:$0x1] =	stream.linear.gather [hbm4b:s9+s24], $0x4000, $0x38;
	[tilespmem:$0x6C00] =	vst v63  }
0x32: {  	_ =	swait.ge [sflag:s26], $0x4000  }
0x33: {  	[sflag:s26] =	ssyncset.done $0x0  }
0x34: {  	[sflag:s26] =	ssyncadd.s32 $0xFFFFC000  }
0x35: {  	[spmem:s2] =	stream.indirect.scatter.add.f32 [tilespmem:s25], [sflag:$0x2], $0x80, s13, s13, $0xb8;
	[tilespmem:$0x6C00] =	vst v63  }
0x36: {  	_ =	swait.ge [sflag:s23], $0x4000  }
0x37: {  	[sflag:s23] =	ssyncset.done $0x0  }
0x38: {  	[sflag:s23] =	ssyncadd.s32 $0xFFFFC000  }
0x39: {  	[tilespmem:s25], [sflag:$0x1] =	stream.linear.gather [hbm4b:s7+s24], $0x4000, $0x38;
	[tilespmem:$0x6C00] =	vst v63  }
0x3a: {  	_ =	swait.ge [sflag:s26], $0x4000  }
0x3b: {  	[sflag:s26] =	ssyncset.done $0x0  }
0x3c: {  	s28 =	simm.s32 $0x100;
	[sflag:s26] =	ssyncadd.s32 $0xFFFFC000  }
0x3d: {  	[spmem:s2] =	stream.indirect.scatter.add.f32 [tilespmem:s25], [sflag:$0x2], $0x80, s28, s13, $0xb8;
	[tilespmem:$0x6C00] =	vst v63  }
0x3e: {  	_ =	swait.ge [sflag:s23], $0x4000  }
0x3f: {  	[sflag:s23] =	ssyncset.done $0x0  }
0x40: {  	[sflag:s23] =	ssyncadd.s32 $0xFFFFC000  }
0x41: {  	[tilespmem:s25], [sflag:$0x1] =	stream.linear.gather [hbm4b:s6+s24], $0x4000, $0x38;
	[tilespmem:$0x6C00] =	vst v63  }
0x42: {  	_ =	swait.ge [sflag:s26], $0x4000  }
0x43: {  	[sflag:s26] =	ssyncset.done $0x0  }
0x44: {  	s29 =	simm.s32 $0x180;
	[sflag:s26] =	ssyncadd.s32 $0xFFFFC000  }
0x45: {  	[spmem:s2] =	stream.indirect.scatter.add.f32 [tilespmem:s25], [sflag:$0x2], $0x80, s29, s13, $0xb8;
	[tilespmem:$0x6C00] =	vst v63  }
0x46: {  	_ =	swait.ge [sflag:s23], $0x4000  }
0x47: {  	[sflag:s23] =	ssyncset.done $0x0  }
0x48: {  	[sflag:s23] =	ssyncadd.s32 $0xFFFFC000  }
0x49: {  	[tilespmem:s25], [sflag:$0x1] =	stream.linear.gather [hbm4b:s5+s24], $0x4000, $0x38;
	[tilespmem:$0x6C00] =	vst v63  }
0x4a: {  	_ =	swait.ge [sflag:s26], $0x4000  }
0x4b: {  	[sflag:s26] =	ssyncset.done $0x0  }
0x4c: {  	s30 =	simm.s32 $0x200;
	[sflag:s26] =	ssyncadd.s32 $0xFFFFC000  }
0x4d: {  	[spmem:s2] =	stream.indirect.scatter.add.f32 [tilespmem:s25], [sflag:$0x2], $0x80, s30, s13, $0xb8;
	[tilespmem:$0x6C00] =	vst v63  }
0x4e: {  	_ =	swait.ge [sflag:s23], $0x4000  }
0x4f: {  	[sflag:s23] =	ssyncset.done $0x0  }
0x50: {  	s31 =	sshll.u32 s1, $0x6;
	[sflag:s23] =	ssyncadd.s32 $0xFFFFC000  }
0x51: {  	s3 =	sshrl.u32 s3, $0x3;
	s2 =	sor.u32 $0x1C02, s31;
	[bflag:$0x0] =	sbarrier.arrive $0xFFFF  }
0x52: {  	[hbm:s4], [sflag:s2] =	dma.local [spmem:s3], $0x200  }
0x53: {  	_ =	swait.ge [sflag:s23], $0x200  }
0x54: {  	[sflag:s23] =	ssyncset.done $0x0  }
0x55: {  	[sflag:s23] =	ssyncadd.s32 $0xFFFFFE00  }
.LBB2_4:
0x56: {  	_ =	sfence.sel $0x180000  }
0x57: {  	[bflag:$0x0] =	sbarrier.arrive $0xFFFF  }
0x58: {  	p0 =	sne.s32 s1, $0x0;
	_ =	strace $0x90000056  }
0x59: {  	s0 =	sadd.s32 @!p0 $0x100000, s0;
	[bflag:$0x2] =	sbarrier.arrive $0xFFFF  }
0x5a: {  	[sflag:s0] =	ssyncadd.tile.s32 @!p0 $0x1;
	_ =	shalt  }
.Lfunc_end2:
_tile_overlayer_lowered:
.L_overlay_start_2:
0x5b: {  	(tag) =	ssettag $0x2  }
0x5c: {  	s0 =	rddreg [dreg:$0x0];
	s2 =	stileid.u32  }
0x5d: {  	s1 =	rddreg [dreg:$0x1];
	p0 =	sne.s32 s2, $0x0  }
0x5e: {  	s3 =	rddreg [dreg:$0x2];
	[bflag:$0x3] =	sbarrier.arrive $0xFFFF;
	s2 =	simm.s32 @!p0 $0x1C02  }
0x5f: {  	[timem:s3], [sflag:s2] =	dma.local @!p0 [hbm:s0], s1  }
0x60: {  	s0 =	simm.s32 @!p0 $0x2  }
0x61: {  	_ =	swait.ge @!p0 [sflag:s0], s1  }
0x62: {  	s1 =	ssub.s32 @!p0 $0x0, s1;
	[sflag:s0] =	ssyncset.done @!p0 $0x0  }
0x63: {  	[sflag:s0] =	ssyncadd.s32 @!p0 s1  }
0x64: {  	[bflag:$0x3] =	sbarrier.arrive $0xFFFF  }
0x65: {  	_ =	shalt  }

// kernel: scatter_offload_async_start
scs
__scs_entry_jumppad:
0x0: {  	(pc) =	sbr.rel $0x88, $3  }
0x1: {  	(tag) =	ssettag $0x0;
	lr =	simm.s32 $0x1  }
0x2: {  	[smem:$0x3F90] =	sst lr;
	_ =	strace $0xD0000000  }
0x3: {  	_ = 	snop  }
0x4: {  	_ = 	snop  }
0x5: {  	_ = 	snop  }
0x6: {  	_ = 	snop  }
0x7: {  	_ = 	snop  }
__scs_overlays_trampoline_lowered:
0x8: {  	[smem:$0x3F9F] =	sst s0  }
0x9: {  	[smem:$0x3FA0] =	sst s1  }
0xa: {  	[smem:$0x3FA1] =	sst s2  }
0xb: {  	[smem:$0x3FA2] =	sst s3  }
0xc: {  	[smem:$0x3FA3] =	sst s4  }
0xd: {  	[smem:$0x3FA4] =	sst s5  }
0xe: {  	[smem:$0x3FA5] =	sst s6  }
0xf: {  	[smem:$0x3FA6] =	sst s7  }
0x10: {  	[smem:$0x3FA7] =	sst s8  }
0x11: {  	[smem:$0x3FA8] =	sst s9;
	s0 =	simm.s32 @!p0 $0x0  }
0x12: {  	s1 =	sld [smem:$0x3F8E];
	s0 =	simm.s32 @p0 $0x1  }
0x13: {  	[smem:$0x3FA9] =	sst s0;
	s0 =	simm.s32 @!p1 $0x0  }
0x14: {  	s2 =	sld [smem:$0x3F8D];
	s0 =	simm.s32 @p1 $0x1  }
0x15: {  	[smem:$0x3FAA] =	sst s0;
	s0 =	simm.s32 @!p2 $0x0  }
0x16: {  	s3 =	sld [smem:$0x3FDB];
	s0 =	simm.s32 @p2 $0x1  }
0x17: {  	s4 =	simm.s32 $0x1BF5;
	[smem:$0x3FAC] =	sst s0  }
0x18: {  	s0 =	sld [smem:$0x3F8F];
	_ =	swait.ge [sflag:s4], $0x0  }
0x19: {  	s7 =	sld [smem:$0x3F90]  }
0x1a: {  	s8 =	sadd.s32 $0xFFFFE003, lr  }
0x1b: {  	s9 =	sadd.s32 $0xFFFFFEF7, lr;
	s5 =	simm.s32 $0xFFFFFFFF;
	p2 =	slt.u32 s8, $0xFFFFF086  }
0x1c: {  	p1 =	slt.u32 s9, $0xF7A;
	s5 =	simm.s32 @!p2 $0x0  }
0x1d: {  	s5 =	simm.s32 @p1 $0x1;
	p0 =	seq.s32 s7, s2  }
0x1e: {  	s7 =	smul.u32 @!p0 $0xF7A, s2;
	p2 =	seq.s32 @!p0 s5, $0x0  }
0x1f: {  	s9 =	smul.u32 $0xF7A, s1;
	s8 =	simm.s32 @!p0 $0x1BF5;
	p2 =	por !p2, p0  }
0x20: {  	[sflag:s8] =	ssyncset.s32 @!p0 $0xFFFFF086;
	s6 =	sadd.s32 @!p0 s3, s7;
	s7 =	simm.s32 @!p0 $0x108  }
0x21: {  	s3 =	sadd.s32 s3, s9;
	s6 =	sadd.s32 @!p0 $0x88, s6;
	s7 =	simm.s32 @p2 $0x1082  }
0x22: {  	[simem:s7], [sflag:s8] =	dma.local @!p0 [hbm:s6], $0xF7A  }
0x23: {  	s9 =	sor.u32 $0xD0000000, s2;
	s6 =	simm.s32 $0x108;
	_ =	swait.ge @!p0 [sflag:s8], $0x0  }
0x24: {  	s3 =	sadd.s32 $0x88, s3;
	s6 =	simm.s32 @!p1 $0x1082;
	[sflag:s4] =	ssyncset.s32 $0xFFFFF086  }
0x25: {  	[simem:s6], [sflag:s4] =	dma.local [hbm:s3], $0xF7A  }
0x26: {  	[smem:$0x3F90] =	sst s1;
	(tag) =	ssettag s2;
	_ =	strace s9  }
0x27: {  	s1 =	sld [smem:$0x3FA0]  }
0x28: {  	s2 =	sld [smem:$0x3FA1]  }
0x29: {  	s4 =	sld [smem:$0x3FA3]  }
0x2a: {  	p0 =	seq.s32 s5, $0x0;
	s5 =	sld [smem:$0x3FA4]  }
0x2b: {  	s6 =	sld [smem:$0x3FA5]  }
0x2c: {  	s7 =	sld [smem:$0x3FA6]  }
0x2d: {  	s3 =	simm.s32 $0x108;
	s8 =	sld [smem:$0x3FA7]  }
0x2e: {  	s3 =	simm.s32 @!p0 $0x1082;
	s9 =	sld [smem:$0x3FA8]  }
0x2f: {  	lr =	sadd.s32 s0, s3;
	s0 =	sld [smem:$0x3F9F]  }
0x30: {  	s3 =	sld [smem:$0x3FA2]  }
0x31: {  	[smem:$0x3FAB] =	sst s10  }
0x32: {  	s10 =	sld [smem:$0x3FA9];
	_ =	sdelay $0x3  }
0x33: {  	p0 =	seq.s32 s10, $0x1;
	s10 =	sld [smem:$0x3FAB];
	_ =	sdelay $0x3  }
0x34: {  	[smem:$0x3FAB] =	sst s10  }
0x35: {  	s10 =	sld [smem:$0x3FAA];
	_ =	sdelay $0x3  }
0x36: {  	p1 =	seq.s32 s10, $0x1;
	s10 =	sld [smem:$0x3FAB];
	_ =	sdelay $0x3  }
0x37: {  	[smem:$0x3FAB] =	sst s10  }
0x38: {  	s10 =	sld [smem:$0x3FAC]  }
0x39: {  	_ = 	snop;
	(pc) =	sbr.ind lr, $3  }
0x3a: {  	_ = 	snop  }
0x3b: {  	_ = 	snop  }
0x3c: {  	p2 =	seq.s32 s10, $0x1;
	s10 =	sld [smem:$0x3FAB]  }
0x3d: {  	_ =	shalt  }
0x3e: {  	_ =	shalt  }
0x3f: {  	_ =	shalt  }
0x40: {  	_ =	shalt  }
0x41: {  	_ =	shalt  }
0x42: {  	_ =	shalt  }
0x43: {  	_ =	shalt  }
0x44: {  	_ =	shalt  }
0x45: {  	_ =	shalt  }
0x46: {  	_ =	shalt  }
0x47: {  	_ =	shalt  }
0x48: {  	_ =	shalt  }
0x49: {  	_ =	shalt  }
0x4a: {  	_ =	shalt  }
0x4b: {  	_ =	shalt  }
0x4c: {  	_ =	shalt  }
0x4d: {  	_ =	shalt  }
0x4e: {  	_ =	shalt  }
0x4f: {  	_ =	shalt  }
0x50: {  	_ =	shalt  }
0x51: {  	_ =	shalt  }
0x52: {  	_ =	shalt  }
0x53: {  	_ =	shalt  }
0x54: {  	_ =	shalt  }
0x55: {  	_ =	shalt  }
0x56: {  	_ =	shalt  }
0x57: {  	_ =	shalt  }
0x58: {  	_ =	shalt  }
0x59: {  	_ =	shalt  }
0x5a: {  	_ =	shalt  }
0x5b: {  	_ =	shalt  }
0x5c: {  	_ =	shalt  }
0x5d: {  	_ =	shalt  }
0x5e: {  	_ =	shalt  }
0x5f: {  	_ =	shalt  }
0x60: {  	_ =	shalt  }
0x61: {  	_ =	shalt  }
0x62: {  	_ =	shalt  }
0x63: {  	_ =	shalt  }
0x64: {  	_ =	shalt  }
0x65: {  	_ =	shalt  }
0x66: {  	_ =	shalt  }
0x67: {  	_ =	shalt  }
0x68: {  	_ =	shalt  }
0x69: {  	_ =	shalt  }
0x6a: {  	_ =	shalt  }
0x6b: {  	_ =	shalt  }
0x6c: {  	_ =	shalt  }
0x6d: {  	_ =	shalt  }
0x6e: {  	_ =	shalt  }
0x6f: {  	_ =	shalt  }
0x70: {  	_ =	shalt  }
0x71: {  	_ =	shalt  }
0x72: {  	_ =	shalt  }
0x73: {  	_ =	shalt  }
0x74: {  	_ =	shalt  }
0x75: {  	_ =	shalt  }
0x76: {  	_ =	shalt  }
0x77: {  	_ =	shalt  }
0x78: {  	_ =	shalt  }
0x79: {  	_ =	shalt  }
0x7a: {  	_ =	shalt  }
0x7b: {  	_ =	shalt  }
0x7c: {  	_ =	shalt  }
0x7d: {  	_ =	shalt  }
0x7e: {  	_ =	shalt  }
0x7f: {  	_ =	shalt  }
0x80: {  	_ =	shalt  }
0x81: {  	_ =	shalt  }
0x82: {  	_ =	shalt  }
0x83: {  	_ =	shalt  }
0x84: {  	_ =	shalt  }
0x85: {  	_ =	shalt  }
0x86: {  	_ =	shalt  }
0x87: {  	_ =	shalt  }
.Lfunc_end0:
.L_simem_size_0:
called_computation_lowered:
.L_overlay_start_0:
0x88: {  	s0 =	sld [smem:$0x3FD9]  }
0x89: {  	s1 =	sld [smem:$0x3FFE];
	_ =	sdelay $0x3  }
0x8a: {  	s0 =	sadd.s32 s1, s0  }
0x8b: {  	[smem:$0x3FB7] =	sst s0  }
0x8c: {  	_ = 	snop  }
0x8d: {  	s0 =	sld [smem:$0x3FD0];
	_ =	sdelay $0x2  }
0x8e: {  	s13 =	simm.s32 $0xB;
	s2 =	simm.s32 $0x10  }
0x8f: {  	[smem:s2], [sflag:s13] =	dma.local [hbm:s0], $0x1  }
0x90: {  	_ =	swait.eq [sflag:s13], $0x1  }
0x91: {  	[sflag:s13] =	ssyncset.done $0x0  }
0x92: {  	[sflag:s13] =	ssyncadd.s32 $0xFFFFFFFF  }
0x93: {  	s14 =	sld [smem:$0x10];
	(tm) =	ssettm $0x1  }
0x94: {  	s15 =	sld [smem:$0x3FFB];
	_ =	sdelay $0x3  }
0x95: {  	_ =	strace s15  }
0x96: {  	s1 =	sld [smem:$0x3FFC];
	_ =	sdelay $0x3  }
0x97: {  	_ =	strace s1  }
0x98: {  	s1 =	sld [smem:$0x3FFD];
	_ =	sdelay $0x3  }
0x99: {  	_ =	strace s1  }
0x9a: {  	_ =	strace $0x8FFFFFFF  }
0x9b: {  	s16 =	sld [smem:$0x3FDB];
	_ =	sdelay $0x1  }
0x9c: {  	s17 =	simm.s32 $_scs_section_size  }
0x9d: {  	s3 =	simm.s32 $_size__tile_overlayer_lowered;
	s4 =	simm.s32 $_tile_overlayer_lowered  }
0x9e: {  	s20 =	simm.s32 $0x1BFF;
	s19 =	sshll.u32 s4, $0x1;
	s1 =	sadd.s32 s17, s16  }
0x9f: {  	s5 =	simm.s32 $0x0;
	s18 =	sshll.u32 s3, $0x1;
	s3 =	sadd.s32 s19, s1  }
0xa0: {  	[timem:s5], [sflag:s20] =	dma.local [hbm:s3], s18  }
0xa1: {  	_ =	swait.ge [sflag:s20], s18  }
0xa2: {  	s2 =	ssub.s32 $0x0, s18;
	[sflag:s20] =	ssyncset.done $0x0  }
0xa3: {  	[sflag:s20] =	ssyncadd.s32 s2;
	_ =	sdelay $0x1  }
0xa4: {  	s21 =	simm.s32 $0x1B8B  }
0xa5: {  	_ =	swait.ge [sflag:s21], $0x1  }
0xa6: {  	[sflag:s21] =	ssyncset.done $0x0  }
0xa7: {  	s23 =	simm.s32 $0x1B8E;
	s22 =	sld [smem:$0x3FFE];
	[sflag:s21] =	ssyncadd.s32 $0xFFFFFFFF  }
0xa8: {  	s24 =	simm.s32 $execute0_lowered;
	[smem:$0x3FD2] =	sst s23  }
0xa9: {  	s3 =	sshll.u32 s24, $0x1;
	_ =	strace $0x80000049;
	[dreg:$0x1] =	wrdreg $0xFFFFFFFF  }
0xaa: {  	s25 =	simm.s32 $_size_execute0_lowered;
	s1 =	sadd.s32 s1, s3;
	[dreg:$0x0] =	wrdreg $0x0  }
0xab: {  	s3 =	sshll.u32 s25, $0x1;
	[dreg:$0x2] =	wrdreg s1  }
0xac: {  	[dreg:$0x3] =	wrdreg s3  }
0xad: {  	[dreg:$0x4] =	wrdreg $0xC0  }
0xae: {  	_ =	task [dreg:s5], $0x5FFFF  }
0xaf: {  	[dreg:$0x1] =	wrdreg $0xFFFFFFFF  }
0xb0: {  	[dreg:$0x0] =	wrdreg $0x60  }
0xb1: {  	[dreg:$0x2] =	wrdreg s14  }
0xb2: {  	[dreg:$0x3] =	wrdreg s22  }
0xb3: {  	[dreg:$0x4] =	wrdreg $0x9  }
0xb4: {  	_ =	task.clear_ibuf [dreg:s5], $0x5FFFF;
	_ =	strace $0x90000049  }
0xb5: {  	s26 =	simm.s32 $0x9;
	_ =	strace $0x8000004B  }
0xb6: {  	_ =	swait.ge [sflag:s26], $0x1  }
0xb7: {  	[sflag:s26] =	ssyncadd.s32 $0xFFFFFFFF  }
0xb8: {  	_ =	strace $0x9000004B  }
0xb9: {  	_ =	sfence  }
0xba: {  	s28 =	sld [smem:$0x0];
	_ =	sdelay $0x1  }
0xbb: {  	s29 =	srdreg.scid  }
0xbc: {  	s30 =	sshll.u32 s29, $0xD;
	s31 =	sshrl.u32 s29, $0x2  }
0xbd: {  	s2 =	sand.u32 $0x4000, s30;
	s1 =	sand.u32 $0x1, s29;
	s0 =	sadd.s32 s31, s28  }
0xbe: {  	s1 =	sor.u32 s2, s1;
	s0 =	sshll.u32 s0, $0x11  }
0xbf: {  	s0 =	sor.u32 s0, s1  }
0xc0: {  	s0 =	sadd.s32 $0x8F2B, s0  }
0xc1: {  	[sflag:s0] =	ssyncadd.remote.s32 $0x1  }
0xc2: {  	_ =	sfence.sel $0xFFFF  }
0xc3: {  	[dreg:$0x0] =	wrdreg $0xFFFFFFFF;
	(pc) =	sbr.abs _section_cstart, $3  }
0xc4: {  	[dreg:$0x1] =	wrdreg $0xFFFFFFFF  }
0xc5: {  	_ =	task.clear_ibuf [dreg:s5], $0x2FFFF;
	_ =	strace $0x9FFFFFFF  }
0xc6: {  	(tm) =	ssettm $0x7FFFFFFF  }
0xc7: {  	_ =	shalt  }
tec
execute0_lowered:
.L_overlay_start_1:
0x0: {  	(tag) =	ssettag $0x1  }
0x1: {  	s1 =	rddreg [dreg:$0x0]  }
0x2: {  	s0 =	rddreg [dreg:$0x1];
	_ =	strace $0x8000004A;
	s15 =	stileid.u32  }
0x3: {  	s2 =	simm.s32 $0x1;
	s4 =	smin.u32 s15, $0x8;
	s3 =	sshll.u32 s15, $0x1  }
0x4: {  	v1 =	vimm.s32 $0xFFFFFFFF;
	[sflag:s2] =	ssyncpa.u1 $0x0;
	s4 =	sadd.s32 s4, s3  }
0x5: {  	s5 =	simm.s32 $0x5DC0;
	p0 =	slt.u32 s15, $0x8;
	[tilespmem:$0x10] =	vst v1;
	s4 =	smul.u32 $0x1F40, s4  }
0x6: {  	v0 =	vimm.f32 $0.0e+00;
	[tilespmem:$0x20] =	vst v1;
	s5 =	simm.s32 @!p0 $0x3E80  }
0x7: {  	[tilespmem:$0x30] =	vst v0;
	s5 =	sadd.s32 s5, s4  }
0x8: {  	[tilespmem:$0x40] =	vst v0;
	s5 =	smin.u32 s5, $0x4E200  }
0x9: {  	s7 =	simm.s32 $0x2;
	[tilespmem:$0x50] =	vst v0;
	s9 =	ssub.s32 s5, s4  }
0xa: {  	s8 =	simm.s32 $0x8;
	s31 =	simm.s32 $0x9;
	[tilespmem:$0x60] =	vst v1;
	p0 =	sgt.s32 s9, $0x0  }
0xb: {  	s16 =	simm.s32 $0x0;
	s17 =	simm.s32 $0xF0;
	[tilespmem:$0x70] =	vst v1;
	s9 =	simm.s32 @!p0 $0x0  }
0xc: {  	s18 =	simm.s32 $0xFFFFFFFF;
	s19 =	simm.s32 $0xFFFFC280;
	[tilespmem:$0x80] =	vst v1;
	s6 =	smulhi.u32 $0x10624DD3, s9  }
0xd: {  	s20 =	simm.s32 $0xFFFFFFFE;
	s21 =	simm.s32 $0xF;
	s25 =	simm.s32 $0x0;
	v1 =	vimm.s32 $0x0;
	[tilespmem:$0xB0] =	vst v0  }
0xe: {  	s24 =	simm.s32 $0x0;
	s15 =	sshllo.u32 s15, $0x1;
	[tilespmem:$0x90] =	vst v1;
	s10 =	sshrl.u32 s6, $0x9  }
0xf: {  	[tilespmem:$0xA0] =	vst v1;
	[sflag:s7] =	ssyncpa.u1 $0x0;
	s7 =	simm.s32 $0x7;
	s11 =	smul.u32 $0x1F40, s10  }
.Ltmp0:
0x10: {  	s13 =	sor.u32 $0x80, s3;
	[sflag:s7] =	ssyncpa.u1 $0x0;
	(pc) =	sbr.rel .LBB2_1-.Ltmp0, $4  }
0x11: {  	s14 =	sor.u32 $0x81, s3;
	[sflag:s8] =	ssyncpa.u1 $0x0;
	p0 =	sne.s32 s9, s11  }
0x12: {  	s23 =	smov.u32 s4;
	[sflag:s31] =	ssyncpa.u1 $0x0;
	s2 =	simm.s32 @!p0 $0x0  }
0x13: {  	vm0 =	vmmov $0xffff;
	v2 =	vlaneseq.u32;
	s6 =	sadd.s32 $0x2A600, s0;
	s9 =	sadd.s32 $0x34400, s0;
	s10 =	sadd.s32 s2, s10  }
0x14: {  	vm1 =	vmxor vm1, vm1;
	vm2 =	vmmov $0x1;
	vm3 =	vcmask $0x3F3C;
	p0 =	por $0x0, $0x0;
	s11 =	sadd.s32 $0x1, s10;
	s12 =	sadd.s32 $0x2, s10  }
.LBB2_9:
0x15: {  	p1 =	slt.u32 s24, $0x3  }
0x16: {  	s0 =	simm.s32 @!p1 $0x2  }
0x17: {  	_ =	swait.ge @!p1 [sflag:s0], $0x1F40  }
0x18: {  	[sflag:s0] =	ssyncset.done @!p1 $0x0  }
0x19: {  	[sflag:s0] =	ssyncadd.s32 @!p1 $0xFFFFE0C0;
	s0 =	simm.s32 @!p1 $0x9  }
0x1a: {  	_ =	swait.ge @!p1 [sflag:s0], $0x10  }
0x1b: {  	[sflag:s0] =	ssyncset.done @!p1 $0x0  }
0x1c: {  	[sflag:s0] =	ssyncadd.s32 @!p1 $0xFFFFFFF0;
	p1 =	sne.s32 s24, s12  }
.Ltmp1:
0x1d: {  	s2 =	sadd.s32 $0x1F40, s23;
	(pc) =	sbr.rel @!p1 .LBB2_10-.Ltmp1, $4  }
0x1e: {  	s22 =	smov.u32 s4;
	s31 =	sadd.s32 $0x1, s24;
	s17 =	sadd.s32 $0x1F40, s17  }
0x1f: {  	s18 =	sadd.s32 $0x1, s18;
	s25 =	smov.u32 s23;
	p2 =	slt.s32 s2, s5  }
0x20: {  	p0 =	por !p0, !p0;
	s19 =	sadd.s32 $0x1F40, s19;
	s22 =	smov.u32 @p2 s2  }
0x21: {  	s20 =	sadd.s32 $0x1, s20;
	s23 =	smov.u32 s22;
	s24 =	smov.u32 s31  }
.LBB2_1:
0x22: {  	p1 =	sge.u32 s24, s10  }
0x23: {  	s0 =	smulhi.u32 @!p1 $0xAAAAAAAB, s24;
	_ =	sdelay $0x1  }
0x24: {  	s0 =	sshrl.u32 @!p1 s0, $0x1  }
0x25: {  	s0 =	smul.u32 @!p1 $0x3, s0;
	_ =	sdelay $0x1  }
0x26: {  	s0 =	ssub.s32 @!p1 s24, s0  }
0x27: {  	s0 =	smul.u32 @!p1 $0x7D00, s0;
	_ =	sdelay $0x1  }
0x28: {  	s2 =	sshrl.u32 @!p1 s23, $0x3;
	s0 =	sshrl.u32 @!p1 s0, $0x2  }
0x29: {  	s22 =	sand.u32 @!p1 $0x7, s23;
	s2 =	sadd.s32 @!p1 s6, s2;
	s0 =	sadd.s32 @!p1 $0x100, s0  }
0x2a: {  	[tilespmem:s0], [sflag:$0x7] =	stream.linear.gather @!p1 [hbm4b:s2+s22], $0x1F40, $0x38;
	[tilespmem:$0x11A60] =	vst v63  }
0x2b: {  	s0 =	sadd.s32 $0xFFFFFFFF, s24  }
0x2c: {  	p1 =	sge.u32 s0, s10  }
.Ltmp2:
0x2d: {  	_ = 	snop;
	(pc) =	sbr.rel @p1 .LBB2_5-.Ltmp2, $1  }
0x2e: {  	_ =	sdelay $0x3  }
0x2f: {  	s2 =	smulhi.u32 $0xAAAAAAAB, s0;
	_ =	sdelay $0x1  }
0x30: {  	s2 =	sshrl.u32 s2, $0x1  }
0x31: {  	s2 =	smul.u32 $0x3, s2;
	_ =	sdelay $0x1  }
0x32: {  	s2 =	ssub.s32 s0, s2  }
0x33: {  	s2 =	smul.u32 $0x7D00, s2  }
0x34: {  	_ =	swait.ge [sflag:s7], $0x1F40  }
0x35: {  	[sflag:s7] =	ssyncset.done $0x0;
	s2 =	sshrl.u32 s2, $0x2  }
0x36: {  	[sflag:s7] =	ssyncadd.s32 $0xFFFFE0C0;
	(ifvalue) =	ssetifvalue $0xFFFFFFFF;
	v3 =	vld.msk [tilespmem:s2+$0x100 ss:$0x1], $0xffff;
	_ =	sdelay $0x2  }
0x37: {  	s30 =	smulhi.u32 $0xAAAAAAAB, s18;
	p1 =	sne.s32 s24, $0x1  }
0x38: {  	v4 =	vimm.s32 @!p1 $0x0  }
0x39: {  	s2 =	sshrl.u32 s30, $0x1;
	v4 =	vperm.xlane @!p1 v3, v4  }
0x3a: {  	s22 =	sshll.u32 s24, $0x4;
	s2 =	smul.u32 $0xFFFE8900, s2;
	vm4 =	vlt.u32 v3, $0x2800  }
0x3b: {  	s22 =	sand.u32 $0x10, s22;
	v3 =	vnsel vm4, $0xFFFFFFFE, v3;
	vm4 =	vlt.u32 @!p1 v4, $0x2800  }
0x3c: {  	s2 =	sshra.s32 s2, $0x2;
	[tilespmem:s22+$0x60] =	vst v3;
	v3 =	vnsel @!p1 vm4, $0xFFFFFFFE, v4  }
0x3d: {  	s28 =	sadd.s32 s2, s17;
	[tilespmem:$0x80] =	vst @!p1 v3  }
0x3e: {  	v3 =	vld.msk [tilespmem:s28+$0x0 ss:$0x1], $0xffff;
	_ =	sdelay $0x4  }
0x3f: {  	(xrf1) =	vunique.msk.u32 $0xffff, v3;
	_ =	sdelay $0xd  }
0x40: {  	v4 =	vimm.s32 $0xFFFFFFFF;
	v5, _, _ =	vpop (xrf1)  }
0x41: {  	vm5 =	vne.s32 v3, v4;
	vm4 =	veq.s32 v5, v2  }
0x42: {  	vm6 =	vlt.u32 v3, $0x2800;
	vm4 =	vmand vm5, vm4  }
0x43: {  	vm4 =	vmand vm6, vm4  }
0x44: {  	v4 =	vnsel vm4, $0xFFFFFFFF, v3  }
0x45: {  	s31 =	sand.u32 $0x1, s0  }
0x46: {  	s0 =	simm.s32 $0x1F40;
	p1 =	seq.s32 s31, $0x1  }
0x47: {  	s0 =	simm.s32 @!p1 $0x0  }
0x48: {  	s26 =	sadd.s32 $0x7DF0, s0;
	(ifvalue) =	ssetifvalue $0xFFFFFFFF  }
0x49: {  	v3 =	vperm.xlane v3, v1;
	[tilespmem:s26], [sflag:$0x8] =	stream.indirect_vreg.gather [hbm4b:s1+s16], $0x1, v4, vm0, $0x4038;
	v4 =	vnsel vm6, $0xFFFFFFFE, v4;
	[tilespmem:$0x11A60] =	vst v63  }
0x4a: {  	s2 =	simm.s32 $0x0;
	s22 =	sadd.s32 $0xFFFFFFF0, s28;
	[tilespmem:s28+$0x0] =	vst v4  }
.LBB2_3:
0x4b: {  	v4 =	vld.msk [tilespmem:s22+$0x0 ss:$0x1], $0xffff;
	s2 =	sadd.s32 $0x10, s2;
	v5 =	vmov v3;
	s28 =	smov.u32 s22  }
0x4c: {  	p1 =	slt.u32 s2, $0x1F30;
	_ =	sdelay $0x4  }
0x4d: {  	v3 =	vperm.xlane v4, v1;
	(xrf1) =	vunique.msk.u32 $0xffff, v4;
	_ =	sdelay $0xd  }
0x4e: {  	v6, _, _ =	vpop (xrf1)  }
0x4f: {  	vm5 =	vne.s32 v4, v5;
	vm4 =	veq.s32 v6, v2  }
0x50: {  	vm6 =	vlt.u32 v4, $0x2800;
	vm4 =	vmand vm5, vm4  }
0x51: {  	vm4 =	vmand vm6, vm4  }
0x52: {  	v4 =	vnsel vm4, $0xFFFFFFFF, v4  }
.Ltmp3:
0x53: {  	v5 =	vnsel vm6, $0xFFFFFFFE, v4;
	(pc) =	sbr.rel @p1 .LBB2_3-.Ltmp3, $3  }
0x54: {  	_ =	sdelay $0x1  }
0x55: {  	s22 =	sadd.s32 $0xFFFFFFF0, s22;
	s26 =	sadd.s32 $0xFFFFFFF0, s26;
	(ifvalue) =	ssetifvalue $0xFFFFFFFF  }
0x56: {  	[tilespmem:s26], [sflag:$0x8] =	stream.indirect_vreg.gather [hbm4b:s1+s16], $0x1, v4, vm0, $0x4038;
	[tilespmem:s28+$0x0] =	vst v5  }
0x57: {  	s2 =	sshrl.u32 s25, $0x3  }
0x58: {  	s0 =	sadd.s32 $0x9D40, s0;
	s2 =	sadd.s32 s9, s2  }
0x59: {  	[tilespmem:s0], [sflag:$0x8] =	stream.linear.gather [hbm:s2], $0x1F40, $0x38;
	[tilespmem:$0x11A60] =	vst v63  }
.LBB2_5:
0x5a: {  	p1 =	slt.u32 s24, $0x2  }
0x5b: {  	p2 =	sge.u32 @!p1 s24, s12  }
0x5c: {  	p1 =	por p1, p2  }
.Ltmp4:
0x5d: {  	_ = 	snop;
	(pc) =	sbr.rel @p1 .LBB2_9-.Ltmp4, $1  }
0x5e: {  	_ =	sdelay $0x3  }
0x5f: {  	s0 =	sadd.s32 $0xFFFFFFFE, s24  }
0x60: {  	s2 =	smulhi.u32 $0xAAAAAAAB, s0;
	_ =	sdelay $0x1  }
0x61: {  	s2 =	sshrl.u32 s2, $0x1  }
0x62: {  	s2 =	smul.u32 $0x3, s2;
	_ =	sdelay $0x1  }
0x63: {  	s0 =	ssub.s32 s0, s2  }
0x64: {  	_ =	swait.ge [sflag:s8], $0x3E80;
	s0 =	smul.u32 $0x1F40, s0  }
0x65: {  	p1 =	sne.s32 s24, s11;
	[sflag:s8] =	ssyncset.done $0x0  }
0x66: {  	[sflag:s8] =	ssyncadd.s32 $0xFFFFC180;
	s2 =	sadd.s32 @!p1 $0x203F, s0  }
0x67: {  	[spmem:s14] =	stream.linear.scatter @!p1 [tilespmem:s2], [sflag:$0x1], $0x1, $0x38;
	[tilespmem:$0x11A60] =	vst v63  }
0x68: {  	s2 =	simm.s32 @!p1 $0x1  }
0x69: {  	_ =	swait.ge @!p1 [sflag:s2], $0x1  }
0x6a: {  	s22 =	sshll.u32 s24, $0x4;
	[sflag:s2] =	ssyncset.done @!p1 $0x0  }
0x6b: {  	s25 =	sand.u32 $0x10, s22;
	[sflag:s2] =	ssyncadd.s32 @!p1 $0xFFFFFFFF  }
0x6c: {  	s2 =	sxor.u32 $0x10, s25;
	v4 =	vld [tilespmem:s25+$0x10]  }
0x6d: {  	v5 =	vld [tilespmem:s2+$0x60]  }
0x6e: {  	v3 =	vld [tilespmem:$0x80];
	_ =	sdelay $0x2  }
0x6f: {  	(v2sf) =	vpush v4, $0x0  }
0x70: {  	(v2sf) =	vpush v5, $0x0  }
0x71: {  	(v2sf) =	vpush v3, $0x0;
	_ =	sdelay $0xc  }
0x72: {  	s22 =	spop (v2sf)  }
0x73: {  	s26 =	spop (v2sf)  }
0x74: {  	s28 =	spop (v2sf)  }
0x75: {  	p2 =	seq.s32 s22, s26;
	p3 =	seq.s32 s28, s22  }
0x76: {  	p3 =	por p2, p3  }
0x77: {  	s26 =	sand.u32 $0x1, s24;
	v4 =	vpsel p3, $0xFFFFFFFF, v4  }
0x78: {  	s29 =	smul.u32 $0x1F40, s26;
	[tilespmem:s25+$0x10] =	vst.msk $0x1, v4  }
0x79: {  	v4 =	vld [tilespmem:$0x30]  }
0x7a: {  	v5 =	vld [tilespmem:s29+$0x9D40]  }
0x7b: {  	v6 =	vld [tilespmem:s25+$0x40];
	_ =	sdelay $0x3  }
0x7c: {  	vm4 =	vmmov vm1;
	v5 =	vadd.f32 v5, v4  }
0x7d: {  	vm5 =	vmmov vm2;
	vm4 =	vmmov @p2 vm2;
	s22 =	sshll.u32 s26, $0x4;
	v4 =	vadd.f32 v6, v4  }
0x7e: {  	s26 =	sor.u32 $0x11A40, s22;
	vm5 =	vmmov @p3 vm1;
	[tilespmem:s29+$0x9D40] =	vst.msk vm4, v5  }
0x7f: {  	[tilespmem:s26+$0x0] =	vst.msk vm5, v4  }
0x80: {  	v4 =	vld [tilespmem:s29+$0x7DF0];
	_ =	sdelay $0x3  }
0x81: {  	v5 =	vimm.f32 $0.0e+00  }
0x82: {  	v4 =	vshift.insert v4, v5, s21  }
0x83: {  	s22 =	sor.u32 $0x40, s2  }
0x84: {  	[tilespmem:s22+$0x0] =	vst.msk $0x1, v4  }
0x85: {  	[tilespmem:s29+$0x7DFF] =	vst.msk $0x1, v5  }
0x86: {  	v4 =	vld [tilespmem:s0+$0x2030];
	_ =	sdelay $0x1  }
0x87: {  	s22 =	smulhi.u32 $0xAAAAAAAB, s20;
	s0 =	simm.s32 $0x1  }
0x88: {  	s0 =	simm.s32 @!p0 $0x0  }
0x89: {  	s22 =	sshrl.u32 s22, $0x1;
	s0 =	smul.u32 $0x7D00, s0  }
0x8a: {  	s22 =	smul.u32 $0xFFFE8900, s22;
	v4 =	vshift.insert v4, v1, s21  }
0x8b: {  	s0 =	sshrl.u32 s0, $0x2  }
0x8c: {  	s22 =	sshra.s32 s22, $0x2;
	s30 =	sadd.s32 $0x9D40, s0;
	[tilespmem:s2+$0x10] =	vst.msk $0x1, v4  }
0x8d: {  	s22 =	sadd.s32 s22, s19;
	v6 =	vld [tilespmem:s30+$0x0]  }
0x8e: {  	v7 =	vld [tilespmem:s22+$0x0];
	_ =	sdelay $0x3  }
0x8f: {  	v5 =	vadd.f32 v6, v5  }
0x90: {  	vm4 =	vne.s32 v7, $0xFFFFFFFF  }
0x91: {  	(xrf2) =	vadd.seg.scan.f32 vm4, v5;
	_ =	sdelay $0x3  }
0x92: {  	s31 =	sadd.s32 $0x5EC0, s0;
	v5 =	vperm.xlane v4, v1  }
0x93: {  	v6 =	vld [tilespmem:s31+$0x0]  }
0x94: {  	vm5 =	veq.s32 v7, v3;
	vm6 =	veq.s32 v7, v5  }
0x95: {  	vm7 =	vgt.u32 v7, $0xFFFFFFFD;
	vm6 =	vmor vm6, vm5  }
0x96: {  	vm6 =	vmor vm6, vm7  }
0x97: {  	v9 =	vld [tilespmem:$0xA0];
	v7 =	vsel vm6, $0xFFFFFFFF, v7  }
0x98: {  	v10 =	vld [tilespmem:$0x90];
	v6 =	vsel vm5, $0x0, v6;
	v8, _, _ =	vpop (xrf2)  }
0x99: {  	v6 =	vadd.f32 v8, v6  }
0x9a: {  	s0 =	sadd.s32 $0xDBC0, s0  }
0x9b: {  	vm4 =	vmand vm4, vm3;
	[tilespmem:s0+$0x0] =	vst v6;
	(ifvalue) =	ssetifvalue $0xFFFFFFFF  }
0x9c: {  	vm6 =	veq.s32 v9, $0x1;
	[hbm4b:s1+s16] =	stream.indirect_vreg.scatter [tilespmem:s0], [sflag:$0x2], $0x1, v7, vm0, $0x4038;
	v7 =	vsel vm4, $0x0, v8;
	[tilespmem:$0x11A60] =	vst v63  }
0x9d: {  	s2 =	simm.s32 $0x0;
	s22 =	sadd.s32 $0x10, s22;
	vm4 =	vmor vm6, vm5;
	v6 =	vsel vm5, v8, v10;
	v7 =	vshift.insert v7, v0, s21  }
.LBB2_7:
0x9e: {  	v8 =	vld [tilespmem:s22+$0x0];
	s30 =	sadd.s32 $0x10, s30  }
0x9f: {  	s31 =	sadd.s32 $0x10, s31;
	v9 =	vld [tilespmem:s30+$0x0]  }
0xa0: {  	s2 =	sadd.s32 $0x10, s2;
	v10 =	vld [tilespmem:s31+$0x0]  }
0xa1: {  	p2 =	slt.u32 s2, $0x1F30;
	_ =	sdelay $0x2  }
0xa2: {  	v7 =	vadd.f32 v9, v7  }
0xa3: {  	vm5 =	vne.s32 v8, $0xFFFFFFFF  }
0xa4: {  	vm6 =	vmand vm5, vm3;
	(xrf2) =	vadd.seg.scan.f32 vm5, v7;
	_ =	sdelay $0x5  }
0xa5: {  	vm7 =	veq.s32 v8, v5;
	vm5 =	veq.s32 v8, v3  }
0xa6: {  	vm8 =	vgt.u32 v8, $0xFFFFFFFD;
	vm4 =	vmor vm4, vm5;
	vm7 =	vmor vm7, vm5  }
0xa7: {  	vm7 =	vmor vm7, vm8  }
0xa8: {  	v8 =	vsel vm7, $0xFFFFFFFF, v8  }
.Ltmp5:
0xa9: {  	v7 =	vsel vm5, $0x0, v10;
	v9, _, _ =	vpop (xrf2);
	(pc) =	sbr.rel @p2 .LBB2_7-.Ltmp5, $4  }
0xaa: {  	v6 =	vsel vm5, v9, v6;
	v10 =	vadd.f32 v9, v7;
	v7 =	vsel vm6, $0x0, v9  }
0xab: {  	s0 =	sadd.s32 $0x10, s0;
	v7 =	vshift.insert v7, v0, s21  }
0xac: {  	s22 =	sadd.s32 $0x10, s22;
	[tilespmem:s0+$0x0] =	vst v10;
	(ifvalue) =	ssetifvalue $0xFFFFFFFF  }
0xad: {  	[hbm4b:s1+s16] =	stream.indirect_vreg.scatter [tilespmem:s0], [sflag:$0x2], $0x1, v8, vm0, $0x4038;
	[tilespmem:$0x11A60] =	vst v63  }
0xae: {  	v3 =	vld [tilespmem:s29+$0xFAF0];
	_ =	sdelay $0x4  }
0xaf: {  	v3 =	vshift.insert v3, v0, s21  }
0xb0: {  	s0 =	simm.s32 $0x30  }
0xb1: {  	[tilespmem:s0+$0x0] =	vst.msk $0x1, v3  }
0xb2: {  	v3 =	vsel vm4, $0x1, v1;
	[tilespmem:$0x90] =	vst v6  }
0xb3: {  	s0 =	sadd.s32 @!p1 $0xFAFF, s29;
	[tilespmem:$0xA0] =	vst v3  }
0xb4: {  	[spmem:s15] =	stream.linear.scatter @!p1 [tilespmem:s0], [sflag:$0x1], $0x1, $0x38;
	[tilespmem:$0x11A60] =	vst v63  }
0xb5: {  	s0 =	simm.s32 @!p1 $0x1  }
0xb6: {  	v3 =	vmctz.xlane @!p1 vm4;
	_ =	swait.ge @!p1 [sflag:s0], $0x1  }
0xb7: {  	(v2sf) =	vpush @!p1 v4, $0x0  }
0xb8: {  	(v2sf) =	vpush @!p1 v3, $0x0;
	_ =	sdelay $0xd  }
0xb9: {  	s2 =	spop @!p1 (v2sf)  }
0xba: {  	s22 =	spop @!p1 (v2sf)  }
0xbb: {  	p2 =	sne.s32 @!p1 s28, s2;
	p3 =	slt.s32 @!p1 s22, $0xF  }
0xbc: {  	[sflag:s0] =	ssyncset.done @!p1 $0x0;
	p2 =	por p2, p1;
	p3 =	por !p3, p1  }
0xbd: {  	[sflag:s0] =	ssyncadd.s32 @!p1 $0xFFFFFFFF;
	v3 =	vimm.s32 @!p2 $0xFFFFFFFF;
	s22 =	simm.s32 @p3 $0xF  }
0xbe: {  	[tilespmem:$0x80] =	vst @!p2 v3;
	s2 =	sadd.s32 @!p1 $0x90, s22  }
0xbf: {  	[spmem:s3] =	stream.linear.scatter @!p1 [tilespmem:s2], [sflag:$0x1], $0x1, $0x38;
	[tilespmem:$0x11A60] =	vst v63  }
0xc0: {  	_ =	swait.ge @!p1 [sflag:s0], $0x1  }
0xc1: {  	[sflag:s0] =	ssyncset.done @!p1 $0x0  }
0xc2: {  	s2 =	simm.s32 @!p1 $0x80;
	[sflag:s0] =	ssyncadd.s32 @!p1 $0xFFFFFFFF  }
0xc3: {  	[spmem:s13] =	stream.linear.scatter @!p1 [tilespmem:s2], [sflag:$0x1], $0x1, $0x38;
	[tilespmem:$0x11A60] =	vst v63  }
0xc4: {  	_ =	swait.ge @!p1 [sflag:s0], $0x1  }
0xc5: {  	[sflag:s0] =	ssyncset.done @!p1 $0x0  }
0xc6: {  	[sflag:s0] =	ssyncadd.s32 @!p1 $0xFFFFFFFF;
	(ifvalue) =	ssetifvalue $0xFFFFFFFF;
	v3 =	vld [tilespmem:s25+$0x10];
	_ =	sdelay $0x3  }
.Ltmp6:
0xc7: {  	_ = 	snop;
	(pc) =	sbr.rel .LBB2_9-.Ltmp6, $3  }
0xc8: {  	_ =	sdelay $0x1  }
0xc9: {  	(ifvalue) =	ssetifvalue $0xFFFFFFFF  }
0xca: {  	[hbm4b:s1+s16] =	stream.indirect_vreg.scatter [tilespmem:s26], [sflag:$0x9], $0x1, v3, vm0, $0x4038;
	[tilespmem:$0x11A60] =	vst v63  }
.LBB2_10:
0xcb: {  	_ =	sfence.sel $0x180000  }
0xcc: {  	s0 =	simm.s32 $0x7;
	[bflag:$0x0] =	sbarrier.arrive $0xFFFF  }
0xcd: {  	s26 =	simm.s32 $0x8;
	[sflag:s0] =	ssyncpa.u1 $0x1  }
0xce: {  	s28 =	simm.s32 $0x9;
	[sflag:s26] =	ssyncpa.u1 $0x1  }
0xcf: {  	[sflag:s28] =	ssyncpa.u1 $0x1  }
0xd0: {  	_ =	sfence.stream.spmem  }
0xd1: {  	s29 =	simm.s32 $0x3;
	[bflag:$0x0] =	sbarrier.arrive $0xFFFF  }
0xd2: {  	s30 =	simm.s32 $0x4;
	[sflag:s29] =	ssyncpa.u1 $0x1  }
0xd3: {  	s31 =	simm.s32 $0x3C;
	s2 =	stileid.u32;
	[sflag:s30] =	ssyncpa.u1 $0x1  }
0xd4: {  	p0 =	sne.s32 s2, $0x0;
	[sflag:s31] =	ssyncpa.u1 $0x1  }
0xd5: {  	s0 =	simm.s32 @p0 $0x1;
	_ =	sfence @p0  }
0xd6: {  	[sflag:s0] =	ssyncpa.u1 @p0 $0x1;
	s0 =	simm.s32 @p0 $0x2  }
0xd7: {  	[sflag:s0] =	ssyncpa.u1 @p0 $0x1  }
0xd8: {  	_ =	strace @p0 $0x9000004A  }
0xd9: {  	[bflag:$0x2] =	sbarrier.arrive @p0 $0xFFFF  }
0xda: {  	_ =	shalt @p0  }
.LBB2_11:
0xdb: {  	_ =	sfence.stream.spmem;
	s0 =	simm.s32 $0x5  }
0xdc: {  	s2 =	simm.s32 $0x80;
	s3 =	simm.s32 $0xC0;
	[sflag:s0] =	ssyncpa.u1 $0x0  }
0xdd: {  	[tilespmem:s3], [sflag:$0x5] =	stream.linear.gather [spmem:s2], $0x20, $0x38;
	[tilespmem:$0x11A60] =	vst v63  }
0xde: {  	s2 =	simm.s32 $0x0;
	s3 =	simm.s32 $0xE0  }
0xdf: {  	[tilespmem:s3], [sflag:$0x5] =	stream.linear.gather [spmem:s2], $0x20, $0x38;
	[tilespmem:$0x11A60] =	vst v63  }
.Ltmp7:
0xe0: {  	_ = 	snop;
	(pc) =	sbr.rel .LBB2_12-.Ltmp7, $4  }
0xe1: {  	_ =	swait.ge [sflag:s0], $0x40  }
0xe2: {  	[sflag:s0] =	ssyncset.done $0x0  }
0xe3: {  	s31 =	simm.s32 $0x6;
	[sflag:s0] =	ssyncadd.s32 $0xFFFFFFC0  }
0xe4: {  	s4 =	simm.s32 $0x0;
	[sflag:s31] =	ssyncpa.u1 $0x0  }
.LBB2_17:
0xe5: {  	p0 =	sgt.u32 s5, $0x27FF  }
0xe6: {  	s0 =	sshrl.u32 @!p0 s5, $0x3  }
0xe7: {  	s5 =	sand.u32 @!p0 $0x7, s5;
	s6 =	simm.s32 @!p0 $0xB0;
	s0 =	sadd.s32 @!p0 s1, s0  }
0xe8: {  	[tilespmem:s6], [sflag:$0x6] =	stream.linear.gather @!p0 [hbm4b:s0+s5], $0x1, $0x38;
	[tilespmem:$0x11A60] =	vst v63  }
0xe9: {  	s0 =	simm.s32 @!p0 $0x6  }
0xea: {  	_ =	swait.ge @!p0 [sflag:s0], $0x1  }
0xeb: {  	[sflag:s0] =	ssyncset.done @!p0 $0x0  }
0xec: {  	[sflag:s0] =	ssyncadd.s32 @!p0 $0xFFFFFFFF  }
0xed: {  	v2 =	vmov @!p0 s4;
	v1 =	vld.msk @!p0 [tilespmem:$0xB0], $0x1;
	_ =	sdelay $0x3  }
0xee: {  	s0 =	simm.s32 @!p0 $0xE0  }
0xef: {  	[tilespmem:v2+s0+$0x0], v1 =	vst.idx.ret.add.f32.msk @!p0 $0x1, v1  }
0xf0: {  	[tilespmem:s2+$0xC0] =	vst.msk $0x1, v0  }
0xf1: {  	v0 =	vld.msk [tilespmem:s4+$0xE0], $0x1;
	_ =	sdelay $0x4  }
0xf2: {  	[tilespmem:s2+$0xE0] =	vst.msk $0x1, v0;
	s2 =	sadd.s32 $0x1, s2  }
.LBB2_19:
0xf3: {  	s4 =	sadd.s32 $0x1, s4  }
0xf4: {  	p0 =	sne.s32 s4, $0x20  }
.Ltmp8:
0xf5: {  	_ = 	snop;
	(pc) =	sbr.rel @!p0 .LBB2_20-.Ltmp8, $1  }
0xf6: {  	_ =	sdelay $0x3  }
.LBB2_12:
0xf7: {  	v0 =	vld.msk [tilespmem:s4+$0xC0], $0x1;
	_ =	sdelay $0x4  }
0xf8: {  	(v2sf) =	vpush v0, $0x0;
	_ =	sdelay $0xe  }
0xf9: {  	s5 =	spop (v2sf)  }
0xfa: {  	p0 =	seq.s32 s5, $0xFFFFFFFF  }
.Ltmp9:
0xfb: {  	_ = 	snop;
	(pc) =	sbr.rel @p0 .LBB2_19-.Ltmp9, $1  }
0xfc: {  	_ =	sdelay $0x3  }
0xfd: {  	p0 =	slt.s32 s2, $0x1  }
.Ltmp10:
0xfe: {  	_ = 	snop;
	(pc) =	sbr.rel @p0 .LBB2_17-.Ltmp10, $1  }
0xff: {  	_ =	sdelay $0x3  }
0x100: {  	s0 =	simm.s32 $0xC0;
	p0 =	por $0x0, $0x0  }
0x101: {  	v1 =	vld.msk @!p0 [tilespmem:s0+$0x0], $0x1;
	_ =	sdelay $0x4  }
0x102: {  	(v2sf) =	vpush @!p0 v1, $0x0;
	_ =	sdelay $0xd  }
0x103: {  	p2 =	sne.s32 s2, $0x1  }
.Ltmp11:
0x104: {  	s6 =	spop @!p0 (v2sf);
	(pc) =	sbr.rel @!p2 .LBB2_16-.Ltmp11, $4  }
0x105: {  	p1 =	seq.s32 @!p0 s5, s6  }
0x106: {  	s6 =	simm.s32 $0x0;
	p1 =	por !p1, p0  }
0x107: {  	s8 =	simm.s32 $0xFFFFFFFF;
	s6 =	simm.s32 @p1 $0xFFFFFFFF  }
0x108: {  	s7 =	simm.s32 $0x1;
	s6 =	smov.u32 @p0 s8  }
.LBB2_15:
0x109: {  	s8 =	smov.u32 s6;
	p0 =	sne.s32 s6, $0xFFFFFFFF  }
0x10a: {  	s0 =	sadd.s32 $0x1, s0;
	s6 =	smov.u32 s7;
	s7 =	sadd.s32 $0x1, s7  }
0x10b: {  	p1 =	sne.s32 s2, s7;
	v1 =	vld.msk @!p0 [tilespmem:s0+$0x0], $0x1;
	_ =	sdelay $0x4  }
0x10c: {  	(v2sf) =	vpush @!p0 v1, $0x0;
	_ =	sdelay $0xe  }
.Ltmp12:
0x10d: {  	s9 =	spop @!p0 (v2sf);
	(pc) =	sbr.rel @p1 .LBB2_15-.Ltmp12, $4  }
0x10e: {  	p2 =	seq.s32 @!p0 s5, s9  }
0x10f: {  	p2 =	por !p2, p0  }
0x110: {  	s6 =	simm.s32 @p2 $0xFFFFFFFF  }
0x111: {  	s6 =	smov.u32 @p0 s8  }
.LBB2_16:
0x112: {  	p0 =	sne.s32 s6, $0xFFFFFFFF  }
.Ltmp13:
0x113: {  	_ = 	snop;
	(pc) =	sbr.rel @!p0 .LBB2_17-.Ltmp13, $1  }
0x114: {  	_ =	sdelay $0x3  }
0x115: {  	v0 =	vld.msk [tilespmem:s4+$0xE0], $0x1;
	v1 =	vmov s6  }
.Ltmp14:
0x116: {  	_ = 	snop;
	(pc) =	sbr.rel .LBB2_19-.Ltmp14, $2  }
0x117: {  	_ =	sdelay $0x2  }
0x118: {  	[tilespmem:v1+s3+$0x0], v0 =	vst.idx.ret.add.f32.msk $0x1, v0  }
.LBB2_20:
0x119: {  	p0 =	slt.s32 s2, $0x1  }
.Ltmp15:
0x11a: {  	_ = 	snop;
	(pc) =	sbr.rel @p0 .LBB2_24-.Ltmp15, $3  }
0x11b: {  	_ =	sdelay $0x1  }
0x11c: {  	s0 =	simm.s32 $0x6  }
0x11d: {  	s3 =	simm.s32 $0x0;
	[sflag:s0] =	ssyncpa.u1 $0x1  }
0x11e: {  	s0 =	simm.s32 $0xC0  }
0x11f: {  	v0 =	vld.msk [tilespmem:s0+$0x0], $0x1;
	_ =	sdelay $0x4  }
0x120: {  	(v2sf) =	vpush v0, $0x0;
	_ =	sdelay $0xe  }
0x121: {  	s2 =	sadd.s32 $0xFFFFFFFF, s2;
	s4 =	spop (v2sf)  }
0x122: {  	p1 =	sne.s32 s2, $0x0;
	p0 =	sgt.u32 s4, $0x27FF  }
.Ltmp16:
0x123: {  	s5 =	sshrl.u32 @!p0 s4, $0x3;
	(pc) =	sbr.rel @!p1 .LBB2_23-.Ltmp16, $4  }
0x124: {  	s0 =	simm.s32 $0xE0;
	s4 =	sand.u32 @!p0 $0x7, s4;
	s5 =	sadd.s32 @!p0 s1, s5  }
0x125: {  	[hbm4b:s5+s4] =	stream.linear.scatter @!p0 [tilespmem:s0], [sflag:$0x5], $0x1, $0x38;
	[tilespmem:$0x11A60] =	vst v63  }
0x126: {  	s5 =	simm.s32 $0x0  }
0x127: {  	s4 =	simm.s32 $0xC1;
	s5 =	simm.s32 @!p0 $0x4  }
.LBB2_22:
0x128: {  	v0 =	vld.msk [tilespmem:s4+$0x0], $0x1;
	s2 =	sadd.s32 $0xFFFFFFFF, s2;
	s3 =	sadd.s32 s3, s5  }
0x129: {  	p0 =	sne.s32 s2, $0x0;
	_ =	sdelay $0x3  }
0x12a: {  	(v2sf) =	vpush v0, $0x0;
	_ =	sdelay $0xe  }
.Ltmp17:
0x12b: {  	s6 =	spop (v2sf);
	(pc) =	sbr.rel @p0 .LBB2_22-.Ltmp17, $4  }
0x12c: {  	s5 =	simm.s32 $0x0;
	p1 =	sgt.u32 s6, $0x27FF  }
0x12d: {  	s0 =	sadd.s32 $0x1, s0;
	s5 =	simm.s32 @!p1 $0x4;
	s7 =	sshrl.u32 @!p1 s6, $0x3  }
0x12e: {  	s4 =	sadd.s32 $0x1, s4;
	s6 =	sand.u32 @!p1 $0x7, s6;
	s7 =	sadd.s32 @!p1 s1, s7  }
0x12f: {  	[hbm4b:s7+s6] =	stream.linear.scatter @!p1 [tilespmem:s0], [sflag:$0x5], $0x1, $0x38;
	[tilespmem:$0x11A60] =	vst v63  }
.LBB2_23:
0x130: {  	s0 =	sadd.s32 s3, s5  }
0x131: {  	s3 =	sshrl.u32 s0, $0x2  }
.LBB2_24:
0x132: {  	s0 =	simm.s32 $0x5  }
0x133: {  	_ =	swait.ge [sflag:s0], s3  }
0x134: {  	s1 =	ssub.s32 $0x0, s3;
	[sflag:s0] =	ssyncset.done $0x0  }
0x135: {  	[sflag:s0] =	ssyncadd.s32 s1  }
0x136: {  	[sflag:s0] =	ssyncpa.u1 $0x1  }
0x137: {  	s29 =	simm.s32 $0x1;
	_ =	sfence  }
0x138: {  	s30 =	simm.s32 $0x2;
	[sflag:s29] =	ssyncpa.u1 $0x1  }
0x139: {  	[sflag:s30] =	ssyncpa.u1 $0x1  }
0x13a: {  	_ =	strace $0x9000004A  }
0x13b: {  	[bflag:$0x2] =	sbarrier.arrive $0xFFFF  }
0x13c: {  	s31 =	rddreg [dreg:$0x2]  }
0x13d: {  	s0 =	sadd.s32 $0x100000, s31  }
0x13e: {  	[sflag:s0] =	ssyncadd.tile.s32 $0x1;
	_ =	shalt  }
.Lfunc_end2:
_tile_overlayer_lowered:
.L_overlay_start_2:
0x13f: {  	(tag) =	ssettag $0x2  }
0x140: {  	s0 =	rddreg [dreg:$0x0];
	s2 =	stileid.u32  }
0x141: {  	s1 =	rddreg [dreg:$0x1];
	p0 =	sne.s32 s2, $0x0  }
0x142: {  	s3 =	rddreg [dreg:$0x2];
	[bflag:$0x3] =	sbarrier.arrive $0xFFFF;
	s2 =	simm.s32 @!p0 $0x1C01  }
0x143: {  	[timem:s3], [sflag:s2] =	dma.local @!p0 [hbm:s0], s1  }
0x144: {  	s0 =	simm.s32 @!p0 $0x1  }
0x145: {  	_ =	swait.ge @!p0 [sflag:s0], s1  }
0x146: {  	s1 =	ssub.s32 @!p0 $0x0, s1;
	[sflag:s0] =	ssyncset.done @!p0 $0x0  }
0x147: {  	[sflag:s0] =	ssyncadd.s32 @!p0 s1  }
0x148: {  	[bflag:$0x3] =	sbarrier.arrive $0xFFFF  }
0x149: {  	_ =	shalt  }

</sc_bundles>
